<compile_context>
chip_gen: v7x
topology: tpu7x:2x2x1
jax: 0.10.2.dev20260603
libtpu: 0.0.44.dev20260713+nightly
codegen_flags: <defaults>
</compile_context>

<pallas_src>
import functools

import jax
import jax.numpy as jnp
from jax import lax
from jax.experimental import pallas as pl
from jax.experimental.pallas import tpu as pltpu
from jax.experimental.pallas import tpu_sc as plsc

N = 10000
E = 160000
H = 128
CL = 16
G3 = 3 * H

NC = 2
NS = 16
NW = NC * NS
EPW = E // NW
CH = 128
NFULL = EPW // CH
TAIL = EPW - NFULL * CH
RPT = 624
REM = N - NS * RPT

_mesh = plsc.VectorSubcoreMesh(core_axis_name="c", subcore_axis_name="s")


BF = jnp.bfloat16
NCHK = E // CH
CPW = NCHK // NW


MW = 96


def _add_rows_bf(a_v, b_v, nrows):
    def body(i, _):
        for u in range(MW // 16):
            j = u * 16
            a_v[i, pl.ds(j, 16)] = a_v[i, pl.ds(j, 16)] + b_v[i, pl.ds(j, 16)]
        return 0
    lax.fori_loop(0, nrows, body, 0)


@functools.partial(
    pl.kernel,
    out_type=jax.ShapeDtypeStruct((E, H), jnp.float32),
    mesh=_mesh,
    scratch_types=[
        pltpu.VMEM(((CPW + 1) * CH,), jnp.int32),
        pltpu.VMEM(((CPW + 1) * CH,), jnp.int32),
        pltpu.VMEM((CH, H), jnp.float32),
        pltpu.VMEM((CH, H), jnp.float32),
        pltpu.VMEM((CH, H), jnp.float32),
        pltpu.VMEM((CH, H), jnp.float32),
        pltpu.SemaphoreType.DMA,
        pltpu.SemaphoreType.DMA,
        pltpu.SemaphoreType.DMA,
        pltpu.SemaphoreType.DMA,
        pltpu.SemaphoreType.DMA,
        pltpu.SemaphoreType.DMA,
    ],
)
def _edge_gather(p_hbm, q_hbm, src_hbm, dst_hbm, out_hbm,
                 s_all, d_all, a0, b0, a1, b1,
                 sa0, sb0, sa1, sb1, ss0, ss1):
    cid = lax.axis_index("c")
    wid = lax.axis_index("s") * NC + cid
    cbase = wid * CPW
    base = cbase * CH

    pltpu.sync_copy(src_hbm.at[pl.ds(base, CPW * CH)],
                    s_all.at[pl.ds(0, CPW * CH)])
    pltpu.sync_copy(dst_hbm.at[pl.ds(base, CPW * CH)],
                    d_all.at[pl.ds(0, CPW * CH)])

    @pl.when(wid < NC)
    def _():
        xoff = (NW * CPW + wid) * CH
        pltpu.sync_copy(src_hbm.at[pl.ds(xoff, CH)],
                        s_all.at[pl.ds(CPW * CH, CH)])
        pltpu.sync_copy(dst_hbm.at[pl.ds(xoff, CH)],
                        d_all.at[pl.ds(CPW * CH, CH)])

    def start_gather(c, av, bv, sema, semb):
        pltpu.async_copy(p_hbm.at[s_all.at[pl.ds(c * CH, CH)]], av, sema)
        pltpu.async_copy(q_hbm.at[d_all.at[pl.ds(c * CH, CH)]], bv, semb)

    def wait_gather(av, bv, sema, semb):
        pltpu.make_async_copy(p_hbm.at[pl.ds(0, CH)], av, sema).wait()
        pltpu.make_async_copy(q_hbm.at[pl.ds(0, CH)], bv, semb).wait()

    def start_store(c, av, sems):
        pltpu.async_copy(av, out_hbm.at[pl.ds((cbase + c) * CH, CH)], sems)

    def wait_store(av, sems):
        pltpu.make_async_copy(av, out_hbm.at[pl.ds(0, CH)], sems).wait()

    start_gather(0, a0, b0, sa0, sb0)

    def pair(k, _):
        @pl.when(k > 0)
        def _():
            wait_store(a1, ss1)
        start_gather(2 * k + 1, a1, b1, sa1, sb1)
        wait_gather(a0, b0, sa0, sb0)
        _add_rows_bf(a0, b0, CH)
        start_store(2 * k, a0, ss0)
        wait_store(a0, ss0)

        @pl.when(2 * k + 2 <= CPW - 1)
        def _():
            start_gather(2 * k + 2, a0, b0, sa0, sb0)
        wait_gather(a1, b1, sa1, sb1)
        _add_rows_bf(a1, b1, CH)
        start_store(2 * k + 1, a1, ss1)
        return 0

    lax.fori_loop(0, CPW // 2, pair, 0)

    wait_store(a1, ss1)

    @pl.when(wid < NC)
    def _():
        start_gather(CPW, a1, b1, sa1, sb1)
    wait_gather(a0, b0, sa0, sb0)
    _add_rows_bf(a0, b0, CH)
    start_store(CPW - 1, a0, ss0)

    @pl.when(wid < NC)
    def _():
        wait_gather(a1, b1, sa1, sb1)
        _add_rows_bf(a1, b1, CH)
        pltpu.sync_copy(a1, out_hbm.at[pl.ds((NW * CPW + wid) * CH, CH)])
    wait_store(a0, ss0)


EPW1 = E // NS
NFULL1 = EPW1 // CH
TAIL1 = EPW1 - NFULL1 * CH
HALF = N // 2
ACC = HALF + NS
ZRT = 312
ZB = 104
VR = 16


NCH1 = NFULL1 + 1


@functools.partial(
    pl.kernel,
    out_type=jax.ShapeDtypeStruct((N, H), jnp.float32),
    mesh=_mesh,
    scratch_types=[
        pltpu.VMEM((EPW1,), jnp.int32),
        pltpu.VMEM((NCH1, CH), jnp.int32),
        pltpu.VMEM((CH, H), jnp.float32),
        pltpu.VMEM((CH, H), jnp.float32),
        pltpu.VMEM((ZB, H), jnp.float32),
        pltpu.VMEM_SHARED((ACC, H), jnp.float32),
        pltpu.SemaphoreType.DMA,
        pltpu.SemaphoreType.DMA,
    ],
)
def _edge_scatter(m2_hbm, dst_hbm, out_hbm, d_all, dj2, m0, m1, z_v,
                  shared, sm0, sm1):
    cid = lax.axis_index("c")
    sid = lax.axis_index("s")
    base = sid * EPW1
    lo = cid * HALF
    dump = HALF + sid

    pltpu.sync_copy(dst_hbm.at[pl.ds(base, EPW1)], d_all)

    def remap(k, _):
        i = k // (CH // VR)
        j = (k % (CH // VR)) * VR
        v = d_all[pl.ds(k * VR, VR)]
        m = v - lo
        ok = (m >= 0) & (m < HALF)
        dj2[i, pl.ds(j, VR)] = jnp.where(ok, m, dump)
        return 0
    lax.fori_loop(0, EPW1 // VR, remap, 0)
    for u in range(TAIL1 // VR, CH // VR):
        dj2[NCH1 - 1, pl.ds(u * VR, VR)] = jnp.full((VR,), HALF, jnp.int32)

    def zbody(k, _):
        i = k // (H // VR)
        j = (k % (H // VR)) * VR
        z_v[i, pl.ds(j, VR)] = jnp.zeros((VR,), jnp.float32)
        return 0
    lax.fori_loop(0, ZB * (H // VR), zbody, 0)

    for r in range(ZRT // ZB):
        pltpu.sync_copy(z_v, shared.at[pl.ds(sid * ZRT + r * ZB, ZB)])

    @pl.when(sid == NS - 1)
    def _():
        pltpu.sync_copy(z_v.at[pl.ds(0, ACC - NS * ZRT)],
                        shared.at[pl.ds(NS * ZRT, ACC - NS * ZRT)])

    plsc.subcore_barrier()

    def start_load(c, mv, sem):
        pltpu.async_copy(m2_hbm.at[pl.ds(base + c * CH, CH)], mv, sem)

    def wait_load(mv, sem):
        pltpu.make_async_copy(m2_hbm.at[pl.ds(0, CH)], mv, sem).wait()

    start_load(0, m0, sm0)

    def pair(k, _):
        start_load(2 * k + 1, m1, sm1)
        wait_load(m0, sm0)
        pltpu.sync_copy(m0, shared.at[dj2.at[2 * k]], add=True)

        @pl.when(2 * k + 2 <= NFULL1 - 1)
        def _():
            start_load(2 * k + 2, m0, sm0)
        wait_load(m1, sm1)
        pltpu.sync_copy(m1, shared.at[dj2.at[2 * k + 1]], add=True)
        return 0

    lax.fori_loop(0, NFULL1 // 2, pair, 0)

    pltpu.sync_copy(m2_hbm.at[pl.ds(base + NFULL1 * CH, TAIL1)],
                    m0.at[pl.ds(0, TAIL1)])
    pltpu.sync_copy(m0, shared.at[dj2.at[NCH1 - 1]], add=True)

    plsc.subcore_barrier()
    pltpu.sync_copy(shared.at[pl.ds(sid * ZRT, ZRT)],
                    out_hbm.at[pl.ds(lo + sid * ZRT, ZRT)])

    @pl.when(sid == NS - 1)
    def _():
        pltpu.sync_copy(shared.at[pl.ds(NS * ZRT, HALF - NS * ZRT)],
                        out_hbm.at[pl.ds(lo + NS * ZRT, HALF - NS * ZRT)])


def _matmul_body(a_ref, b_ref, o_ref):
    o_ref[:] = jnp.dot(a_ref[:], b_ref[:], preferred_element_type=jnp.float32)


def _fuse_w3(apre, wm):
    return pl.pallas_call(
        _matmul_body,
        out_shape=jax.ShapeDtypeStruct((H, G3), jnp.float32),
    )(apre, wm)


BN = 1000
BE = 3200


def _pq_body(h_ref, w1s_ref, w1d_ref, b1_ref, p_ref, q_ref):
    h = h_ref[:]
    p_ref[:] = jnp.dot(h, w1s_ref[:], preferred_element_type=jnp.float32)
    q_ref[:] = (jnp.dot(h, w1d_ref[:], preferred_element_type=jnp.float32)
                + b1_ref[:])


def _compute_pq(h, w1s, w1d, b1p):
    return pl.pallas_call(
        _pq_body,
        grid=(N // BN,),
        in_specs=[
            pl.BlockSpec((BN, H), lambda i: (i, 0)),
            pl.BlockSpec((H, H), lambda i: (0, 0)),
            pl.BlockSpec((H, H), lambda i: (0, 0)),
            pl.BlockSpec((1, H), lambda i: (0, 0)),
        ],
        out_specs=[
            pl.BlockSpec((BN, H), lambda i: (i, 0)),
            pl.BlockSpec((BN, H), lambda i: (i, 0)),
        ],
        out_shape=[
            jax.ShapeDtypeStruct((N, H), jnp.float32),
            jax.ShapeDtypeStruct((N, H), jnp.float32),
        ],
    )(h, w1s, w1d, b1p)


def _mid_body(m1_ref, w2_ref, b2_ref, m2_ref):
    m1 = jnp.maximum(m1_ref[:], 0.0)
    m2 = jnp.dot(m1, w2_ref[:], preferred_element_type=jnp.float32) + b2_ref[:]
    m2_ref[:] = jnp.maximum(m2, 0.0)


def _compute_mid(m1, w2p, b2p):
    return pl.pallas_call(
        _mid_body,
        grid=(E // BE,),
        in_specs=[
            pl.BlockSpec((BE, H), lambda i: (i, 0)),
            pl.BlockSpec((H, H), lambda i: (0, 0)),
            pl.BlockSpec((1, H), lambda i: (0, 0)),
        ],
        out_specs=pl.BlockSpec((BE, H), lambda i: (i, 0)),
        out_shape=jax.ShapeDtypeStruct((E, H), jnp.float32),
    )(m1, w2p, b2p)


def _gru_body(last, seg_ref, h_ref, cl_ref, a_ref, ux_ref, wc_ref,
              bx_ref, bh_ref, wo_ref, bo_ref, w1s_ref, w1d_ref, b1_ref,
              *out_refs):
    seg = seg_ref[:]
    h = h_ref[:]
    gx = (jnp.dot(seg, a_ref[:], preferred_element_type=jnp.float32)
          + jnp.dot(cl_ref[:], wc_ref[:], preferred_element_type=jnp.float32)
          + bx_ref[:])
    gh = jnp.dot(h, ux_ref[:], preferred_element_type=jnp.float32) + bh_ref[:]
    xz, xr, xh = gx[:, 0:H], gx[:, H:2 * H], gx[:, 2 * H:G3]
    hz, hr, hn = gh[:, 0:H], gh[:, H:2 * H], gh[:, 2 * H:G3]
    z = jax.nn.sigmoid(xz + hz)
    r = jax.nn.sigmoid(xr + hr)
    hh = jnp.tanh(xh + r * hn)
    hnew = z * h + (1.0 - z) * hh
    if last:
        logits = (jnp.dot(hnew, wo_ref[:], preferred_element_type=jnp.float32)
                  + bo_ref[:])
        logits = logits - jnp.max(logits, axis=-1, keepdims=True)
        ex = jnp.exp(logits)
        out_refs[0][:] = ex / jnp.sum(ex, axis=-1, keepdims=True)
    else:
        out_refs[0][:] = hnew
        out_refs[1][:] = jnp.dot(hnew, w1s_ref[:],
                                 preferred_element_type=jnp.float32)
        out_refs[2][:] = (jnp.dot(hnew, w1d_ref[:],
                                  preferred_element_type=jnp.float32)
                          + b1_ref[:])


def _compute_gru(last, seg, h, cluesp, a, ux, wcp, bxp, bhp, wop, bop,
                 w1s, w1d, b1p):
    nout = 1 if last else 3
    out_shape = [jax.ShapeDtypeStruct((N, H), jnp.float32)] * nout
    out_specs = [pl.BlockSpec((BN, H), lambda i: (i, 0))] * nout
    return pl.pallas_call(
        functools.partial(_gru_body, last),
        grid=(N // BN,),
        in_specs=[
            pl.BlockSpec((BN, H), lambda i: (i, 0)),
            pl.BlockSpec((BN, H), lambda i: (i, 0)),
            pl.BlockSpec((BN, H), lambda i: (i, 0)),
            pl.BlockSpec((H, G3), lambda i: (0, 0)),
            pl.BlockSpec((H, G3), lambda i: (0, 0)),
            pl.BlockSpec((H, G3), lambda i: (0, 0)),
            pl.BlockSpec((1, G3), lambda i: (0, 0)),
            pl.BlockSpec((1, G3), lambda i: (0, 0)),
            pl.BlockSpec((H, H), lambda i: (0, 0)),
            pl.BlockSpec((1, H), lambda i: (0, 0)),
            pl.BlockSpec((H, H), lambda i: (0, 0)),
            pl.BlockSpec((H, H), lambda i: (0, 0)),
            pl.BlockSpec((1, H), lambda i: (0, 0)),
        ],
        out_specs=out_specs,
        out_shape=out_shape,
    )(seg, h, cluesp, a, ux, wcp, bxp, bhp, wop, bop, w1s, w1d, b1p)


def kernel(hidden_state, clues_one_hot, edge_index, W1, b1, W2, b2, W3, b3,
           Wx, Ux, bx, bh, Wo, bo):
    f32 = jnp.float32
    src = edge_index[0]
    dst = edge_index[1]

    w1s = jnp.zeros((H, H), f32).at[:, :96].set(W1[:H])
    w1d = jnp.zeros((H, H), f32).at[:, :96].set(W1[H:])
    b1p = jnp.zeros((1, H), f32).at[0, :96].set(b1)
    w2p = jnp.zeros((H, H), f32).at[:96, :96].set(W2)
    b2p = jnp.zeros((1, H), f32).at[0, :96].set(b2).at[0, 96].set(1.0)
    apre = jnp.zeros((H, H), f32).at[:96].set(W3).at[96].set(b3)
    wm = Wx[CL:]
    a = _fuse_w3(apre, wm)
    wcp = jnp.zeros((H, G3), f32).at[:CL].set(Wx[:CL])
    cluesp = jnp.zeros((N, H), f32).at[:, :CL].set(clues_one_hot)
    bxp = bx.reshape(1, G3)
    bhp = bh.reshape(1, G3)
    wop = jnp.zeros((H, H), f32).at[:, :9].set(Wo)
    bop = jnp.full((1, H), -1e30, f32).at[0, :9].set(bo)

    h = hidden_state
    p, q = _compute_pq(h, w1s, w1d, b1p)
    for step in range(2):
        m1 = _edge_gather(p, q, src, dst)
        m2 = _compute_mid(m1, w2p, b2p)
        seg = _edge_scatter(m2, dst)
        last = step == 1
        outs = _compute_gru(last, seg, h, cluesp, a, Ux, wcp,
                            bxp, bhp, wop, bop, w1s, w1d, b1p)
        if last:
            (probs,) = outs
        else:
            h, p, q = outs

    return probs[:, :9]

# --- scband reference (transcript-rebuilt; emitter-appended) ---
"""Pipeline reference for scband-recurrent-relational-network-36464272343752 (READ-ONLY COPY).

The authoritative reference and input builder live on the scoring server;
editing this copy changes nothing except your own understanding.
"""

import jax, jax.numpy as jnp
import numpy as np

N = 10000
E = 160000
H = 128
CL = 16
MSG = 128
STEPS = 2

def setup_inputs(seed: int = 0) -> dict:
    key = jax.random.key(seed)
    ks = jax.random.split(key, 20)
    inp = {}
    inp['hidden_state'] = jax.random.normal(ks[0], (N, H), dtype=jnp.float32)
    inp['clues_one_hot'] = jax.random.uniform(ks[1], (N, CL), dtype=jnp.float32)
    inp['edge_index'] = jax.random.randint(ks[2], (2, E), 0, N, dtype=jnp.int32)
    # message MLP: Dense(96, relu) -> Dense(96, relu) -> Dense(MSG)
    inp['W1'] = jax.random.normal(ks[3], (2 * H, 96), dtype=jnp.float32) * 0.05
    inp['b1'] = jnp.zeros((96,), dtype=jnp.float32)
    inp['W2'] = jax.random.normal(ks[4], (96, 96), dtype=jnp.float32) * 0.05
    inp['b2'] = jnp.zeros((96,), dtype=jnp.float32)
    inp['W3'] = jax.random.normal(ks[5], (96, MSG), dtype=jnp.float32) * 0.05
    inp['b3'] = jnp.zeros((MSG,), dtype=jnp.float32)
    # GRU cell: input dim = CL + MSG, units = H (keras GRUCell, reset_after=True)
    inp['Wx'] = jax.random.normal(ks[6], (CL + MSG, 3 * H), dtype=jnp.float32) * 0.05
    inp['Ux'] = jax.random.normal(ks[7], (H, 3 * H), dtype=jnp.float32) * 0.05
    inp['bx'] = jnp.zeros((3 * H,), dtype=jnp.float32)
    inp['bh'] = jnp.zeros((3 * H,), dtype=jnp.float32)
    # output MLP: Dense(9, softmax)
    inp['Wo'] = jax.random.normal(ks[8], (H, 9), dtype=jnp.float32) * 0.05
    inp['bo'] = jnp.zeros((9,), dtype=jnp.float32)
    return inp

def _gru_cell(x, h, Wx, Ux, bx, bh):
    gx = x @ Wx + bx
    gh = h @ Ux + bh
    xz, xr, xh = jnp.split(gx, 3, axis=-1)
    hz, hr, hn = jnp.split(gh, 3, axis=-1)
    z = jax.nn.sigmoid(xz + hz)
    r = jax.nn.sigmoid(xr + hr)
    hh = jnp.tanh(xh + r * hn)
    return z * h + (1.0 - z) * hh

def reference(hidden_state, clues_one_hot, edge_index, W1, b1, W2, b2, W3, b3, Wx, Ux, bx, bh, Wo, bo):
    src = edge_index[0]
    dst = edge_index[1]
    h = hidden_state
    result = None
    for _ in range(STEPS):
        # SimpleConv(combine_type='concat', receiver_tag=TARGET, reduce_type='sum'):
        # per-edge concat(sender hidden, receiver hidden) -> message MLP -> sum to receiver
        e_in = jnp.concatenate([jnp.take(h, src, axis=0), jnp.take(h, dst, axis=0)], axis=-1)
        m = jax.nn.relu(e_in @ W1 + b1)
        m = jax.nn.relu(m @ W2 + b2)
        m = m @ W3 + b3
        node_msgs = jax.ops.segment_sum(m, dst, num_segments=N)
        x = jnp.concatenate([clues_one_hot, node_msgs], axis=-1)
        h = _gru_cell(x, h, Wx, Ux, bx, bh)
        result = jax.nn.softmax(h @ Wo + bo, axis=-1)
    return result

if __name__ == "__main__":
    import jax
    _d = setup_inputs()
    print(jax.jit(kernel)(*tuple(_d.values())))

</pallas_src>

<mosaic_0001>
#map = affine_map<(d0, d1) -> (0, 0)>
#map1 = affine_map<(d0, d1) -> (0)>
module attributes {stable_mosaic.version = 14 : i64} {
  func.func @_edge_scatter(%arg0: i32, %arg1: i32, %arg2: memref<160000x128xf32, #tpu.memory_space<hbm>>, %arg3: memref<160000xi32, #tpu.memory_space<hbm>>, %arg4: memref<10000x128xf32, #tpu.memory_space<hbm>>, %arg5: memref<10000xi32, #tpu.memory_space<vmem>>, %arg6: memref<79x128xi32, #tpu.memory_space<vmem>>, %arg7: memref<128x128xf32, #tpu.memory_space<vmem>>, %arg8: memref<128x128xf32, #tpu.memory_space<vmem>>, %arg9: memref<104x128xf32, #tpu.memory_space<vmem>>, %arg10: memref<5016x128xf32, #tpu.memory_space<vmem_shared>>, %arg11: memref<!tpu.dma_semaphore, #tpu.memory_space<semaphore_mem>>, %arg12: memref<!tpu.dma_semaphore, #tpu.memory_space<semaphore_mem>>) attributes {dimension_semantics = [#tpu.dimension_semantics<core_parallel>, #tpu.dimension_semantics<subcore_parallel>], iteration_bounds = array<i64: 2, 16>, scalar_prefetch = 0 : i64, scratch_operands = 8 : i64, tpu.core_type = #tpu.core_type<sc_vector_subcore>, window_params = [{transform_indices = #map}, {transform_indices = #map1}, {transform_indices = #map}]} {
    %mul3A = arith.constant 10000 : i32
    %mul3A_0 = arith.muli %arg1, %mul3A : i32
    %mul3A_1 = arith.constant 5000 : i32
    %mul3A_2 = arith.muli %arg0, %mul3A_1 : i32
    %add3A = arith.constant 5000 : i32
    %add3A_3 = arith.addi %add3A, %arg1 : i32
    "tpu.region"() ({
      %run_scoped3A_110 = tpu.sem_alloc : memref<!tpu.dma_semaphore, #tpu.memory_space<semaphore_mem>>
      %dma_start3A_111 = tpu.memref_slice %arg3[%mul3A_0] : memref<160000xi32, #tpu.memory_space<hbm>> -> memref<10000xi32, #tpu.memory_space<hbm>>
      %dma_start3A_112 = tpu.memref_slice %arg3[%mul3A_0] : memref<160000xi32, #tpu.memory_space<hbm>> -> memref<10000xi32, #tpu.memory_space<hbm>>
      tpu.enqueue_dma source(%dma_start3A_112 : memref<10000xi32, #tpu.memory_space<hbm>>) target(%arg5 : memref<10000xi32, #tpu.memory_space<vmem>>) target_semaphore(%run_scoped3A_110 : memref<!tpu.dma_semaphore, #tpu.memory_space<semaphore_mem>>)
      %dma_wait3A = tpu.memref_slice %arg3[%mul3A_0] : memref<160000xi32, #tpu.memory_space<hbm>> -> memref<10000xi32, #tpu.memory_space<hbm>>
      %dma_wait3A_113 = tpu.memref_slice %arg3[%mul3A_0] : memref<160000xi32, #tpu.memory_space<hbm>> -> memref<10000xi32, #tpu.memory_space<hbm>>
      tpu.wait_dma2 semaphore(%run_scoped3A_110 : memref<!tpu.dma_semaphore, #tpu.memory_space<semaphore_mem>>) src(%dma_wait3A_113 : memref<10000xi32, #tpu.memory_space<hbm>>) dst(%arg5 : memref<10000xi32, #tpu.memory_space<vmem>>)
      tpu.yield
    }) : () -> ()
    %scan3A = arith.constant 0 : i32
    %scan3A_4 = arith.constant 0 : i32
    %scan3A_5 = arith.constant 625 : i32
    %scan3A_6 = arith.addi %scan3A_4, %scan3A_5 : i32
    %scan3A_7 = arith.constant 1 : i32
    %scan3A_8 = scf.for %scan3A_110 = %scan3A_4 to %scan3A_6 step %scan3A_7 iter_args(%scan3A_111 = %scan3A) -> (i32)  : i32 {
      %jit3A = arith.constant 8 : i32
      %div3A = arith.divsi %scan3A_110, %jit3A : i32
      %sign3A = arith.constant 0 : i32
      %sign3A_112 = arith.cmpi sgt, %scan3A_110, %sign3A : i32
      %sign3A_113 = arith.extui %sign3A_112 : i1 to i32
      %sign3A_114 = arith.constant 0 : i32
      %sign3A_115 = arith.cmpi slt, %scan3A_110, %sign3A_114 : i32
      %sign3A_116 = arith.extui %sign3A_115 : i1 to i32
      %sign3A_117 = arith.subi %sign3A_113, %sign3A_116 : i32
      %sign3A_118 = arith.constant 0 : i32
      %sign3A_119 = arith.cmpi sgt, %jit3A, %sign3A_118 : i32
      %sign3A_120 = arith.extui %sign3A_119 : i1 to i32
      %sign3A_121 = arith.constant 0 : i32
      %sign3A_122 = arith.cmpi slt, %jit3A, %sign3A_121 : i32
      %sign3A_123 = arith.extui %sign3A_122 : i1 to i32
      %sign3A_124 = arith.subi %sign3A_120, %sign3A_123 : i32
      %ne3A = arith.cmpi ne, %sign3A_117, %sign3A_124 : i32
      %rem3A = arith.remsi %scan3A_110, %jit3A : i32
      %ne3A_125 = arith.constant 0 : i32
      %ne3A_126 = arith.cmpi ne, %rem3A, %ne3A_125 : i32
      %and3A = arith.andi %ne3A, %ne3A_126 : i1
      %sub3A = arith.constant 1 : i32
      %sub3A_127 = arith.subi %div3A, %sub3A : i32
      %select_n3A = arith.select %and3A, %sub3A_127, %div3A : i32
      %jit3A_128 = arith.constant 8 : i32
      %eq3A_129 = arith.constant 0 : i32
      %eq3A_130 = arith.cmpi eq, %jit3A_128, %eq3A_129 : i32
      %jit3A_131 = arith.constant 1 : i32
      %select_n3A_132 = arith.select %eq3A_130, %jit3A_131, %jit3A_128 : i32
      %rem3A_133 = arith.remsi %scan3A_110, %select_n3A_132 : i32
      %ne3A_134 = arith.constant 0 : i32
      %ne3A_135 = arith.cmpi ne, %rem3A_133, %ne3A_134 : i32
      %lt3A = arith.constant 0 : i32
      %lt3A_136 = arith.cmpi slt, %rem3A_133, %lt3A : i32
      %lt3A_137 = arith.constant 0 : i32
      %lt3A_138 = arith.cmpi slt, %select_n3A_132, %lt3A_137 : i32
      %ne3A_139 = arith.xori %lt3A_136, %lt3A_138 : i1
      %and3A_140 = arith.andi %ne3A_139, %ne3A_135 : i1
      %add3A_141 = arith.addi %rem3A_133, %select_n3A_132 : i32
      %select_n3A_142 = arith.select %and3A_140, %add3A_141, %rem3A_133 : i32
      %mul3A_143 = arith.constant 16 : i32
      %mul3A_144 = arith.muli %select_n3A_142, %mul3A_143 : i32
      %mul3A_145 = arith.constant 16 : i32
      %mul3A_146 = arith.muli %scan3A_110, %mul3A_145 : i32
      %get3A = arith.index_cast %mul3A_146 : i32 to index
      %get3A_147 = tpu.vector_load %arg5[%get3A] {strides = array<i32>} : memref<10000xi32, #tpu.memory_space<vmem>>, vector<16xi32>,
      %get3A_148 = vector.shape_cast %get3A_147 : vector<16xi32> to vector<16xi32>
      %sub3A_149 = vector.broadcast %mul3A_2 : i32 to vector<16xi32>
      %sub3A_150 = arith.subi %get3A_148, %sub3A_149 : vector<16xi32>
      %ge3A = arith.constant 0 : i32
      %ge3A_151 = vector.broadcast %ge3A : i32 to vector<16xi32>
      %ge3A_152 = arith.cmpi sge, %sub3A_150, %ge3A_151 : vector<16xi32>
      %lt3A_153 = arith.constant 5000 : i32
      %lt3A_154 = vector.broadcast %lt3A_153 : i32 to vector<16xi32>
      %lt3A_155 = arith.cmpi slt, %sub3A_150, %lt3A_154 : vector<16xi32>
      %and3A_156 = arith.andi %ge3A_152, %lt3A_155 : vector<16xi1>
      %broadcast_in_dim3A_157 = vector.broadcast %add3A_3 : i32 to vector<16xi32>
      %select_n3A_158 = arith.select %and3A_156, %sub3A_150, %broadcast_in_dim3A_157 : vector<16xi1>, vector<16xi32>
      %swap3A_159 = arith.index_cast %select_n3A : i32 to index
      %swap3A_160 = arith.index_cast %mul3A_144 : i32 to index
      %swap3A_161 = tpu.vector_load %arg6[%swap3A_159, %swap3A_160] {strides = array<i32>} : memref<79x128xi32, #tpu.memory_space<vmem>>, vector<1x16xi32>,
      %swap3A_162 = vector.shape_cast %swap3A_161 : vector<1x16xi32> to vector<16xi32>
      %swap3A_163 = vector.shape_cast %select_n3A_158 : vector<16xi32> to vector<1x16xi32>
      tpu.vector_store %arg6[%swap3A_159, %swap3A_160], %swap3A_163 {strides = array<i32>} : memref<79x128xi32, #tpu.memory_space<vmem>>, vector<1x16xi32>,
      %scan3A_164 = arith.constant 0 : i32
      scf.yield %scan3A_164 : i32
    }
    %scan3A_9 = arith.constant 625 : i32
    %broadcast_in_dim3A = arith.constant 5000 : i32
    %broadcast_in_dim3A_10 = vector.broadcast %broadcast_in_dim3A : i32 to vector<16xi32>
    %swap3A = arith.constant 78 : i32
    %swap3A_11 = arith.index_cast %swap3A : i32 to index
    %swap3A_12 = arith.constant 16 : index
    %swap3A_13 = tpu.vector_load %arg6[%swap3A_11, %swap3A_12] {strides = array<i32>} : memref<79x128xi32, #tpu.memory_space<vmem>>, vector<1x16xi32>,
    %swap3A_14 = vector.shape_cast %swap3A_13 : vector<1x16xi32> to vector<16xi32>
    %swap3A_15 = vector.shape_cast %broadcast_in_dim3A_10 : vector<16xi32> to vector<1x16xi32>
    tpu.vector_store %arg6[%swap3A_11, %swap3A_12], %swap3A_15 {strides = array<i32>} : memref<79x128xi32, #tpu.memory_space<vmem>>, vector<1x16xi32>,
    %broadcast_in_dim3A_16 = arith.constant 5000 : i32
    %broadcast_in_dim3A_17 = vector.broadcast %broadcast_in_dim3A_16 : i32 to vector<16xi32>
    %swap3A_18 = arith.constant 78 : i32
    %swap3A_19 = arith.index_cast %swap3A_18 : i32 to index
    %swap3A_20 = arith.constant 32 : index
    %swap3A_21 = tpu.vector_load %arg6[%swap3A_19, %swap3A_20] {strides = array<i32>} : memref<79x128xi32, #tpu.memory_space<vmem>>, vector<1x16xi32>,
    %swap3A_22 = vector.shape_cast %swap3A_21 : vector<1x16xi32> to vector<16xi32>
    %swap3A_23 = vector.shape_cast %broadcast_in_dim3A_17 : vector<16xi32> to vector<1x16xi32>
    tpu.vector_store %arg6[%swap3A_19, %swap3A_20], %swap3A_23 {strides = array<i32>} : memref<79x128xi32, #tpu.memory_space<vmem>>, vector<1x16xi32>,
    %broadcast_in_dim3A_24 = arith.constant 5000 : i32
    %broadcast_in_dim3A_25 = vector.broadcast %broadcast_in_dim3A_24 : i32 to vector<16xi32>
    %swap3A_26 = arith.constant 78 : i32
    %swap3A_27 = arith.index_cast %swap3A_26 : i32 to index
    %swap3A_28 = arith.constant 48 : index
    %swap3A_29 = tpu.vector_load %arg6[%swap3A_27, %swap3A_28] {strides = array<i32>} : memref<79x128xi32, #tpu.memory_space<vmem>>, vector<1x16xi32>,
    %swap3A_30 = vector.shape_cast %swap3A_29 : vector<1x16xi32> to vector<16xi32>
    %swap3A_31 = vector.shape_cast %broadcast_in_dim3A_25 : vector<16xi32> to vector<1x16xi32>
    tpu.vector_store %arg6[%swap3A_27, %swap3A_28], %swap3A_31 {strides = array<i32>} : memref<79x128xi32, #tpu.memory_space<vmem>>, vector<1x16xi32>,
    %broadcast_in_dim3A_32 = arith.constant 5000 : i32
    %broadcast_in_dim3A_33 = vector.broadcast %broadcast_in_dim3A_32 : i32 to vector<16xi32>
    %swap3A_34 = arith.constant 78 : i32
    %swap3A_35 = arith.index_cast %swap3A_34 : i32 to index
    %swap3A_36 = arith.constant 64 : index
    %swap3A_37 = tpu.vector_load %arg6[%swap3A_35, %swap3A_36] {strides = array<i32>} : memref<79x128xi32, #tpu.memory_space<vmem>>, vector<1x16xi32>,
    %swap3A_38 = vector.shape_cast %swap3A_37 : vector<1x16xi32> to vector<16xi32>
    %swap3A_39 = vector.shape_cast %broadcast_in_dim3A_33 : vector<16xi32> to vector<1x16xi32>
    tpu.vector_store %arg6[%swap3A_35, %swap3A_36], %swap3A_39 {strides = array<i32>} : memref<79x128xi32, #tpu.memory_space<vmem>>, vector<1x16xi32>,
    %broadcast_in_dim3A_40 = arith.constant 5000 : i32
    %broadcast_in_dim3A_41 = vector.broadcast %broadcast_in_dim3A_40 : i32 to vector<16xi32>
    %swap3A_42 = arith.constant 78 : i32
    %swap3A_43 = arith.index_cast %swap3A_42 : i32 to index
    %swap3A_44 = arith.constant 80 : index
    %swap3A_45 = tpu.vector_load %arg6[%swap3A_43, %swap3A_44] {strides = array<i32>} : memref<79x128xi32, #tpu.memory_space<vmem>>, vector<1x16xi32>,
    %swap3A_46 = vector.shape_cast %swap3A_45 : vector<1x16xi32> to vector<16xi32>
    %swap3A_47 = vector.shape_cast %broadcast_in_dim3A_41 : vector<16xi32> to vector<1x16xi32>
    tpu.vector_store %arg6[%swap3A_43, %swap3A_44], %swap3A_47 {strides = array<i32>} : memref<79x128xi32, #tpu.memory_space<vmem>>, vector<1x16xi32>,
    %broadcast_in_dim3A_48 = arith.constant 5000 : i32
    %broadcast_in_dim3A_49 = vector.broadcast %broadcast_in_dim3A_48 : i32 to vector<16xi32>
    %swap3A_50 = arith.constant 78 : i32
    %swap3A_51 = arith.index_cast %swap3A_50 : i32 to index
    %swap3A_52 = arith.constant 96 : index
    %swap3A_53 = tpu.vector_load %arg6[%swap3A_51, %swap3A_52] {strides = array<i32>} : memref<79x128xi32, #tpu.memory_space<vmem>>, vector<1x16xi32>,
    %swap3A_54 = vector.shape_cast %swap3A_53 : vector<1x16xi32> to vector<16xi32>
    %swap3A_55 = vector.shape_cast %broadcast_in_dim3A_49 : vector<16xi32> to vector<1x16xi32>
    tpu.vector_store %arg6[%swap3A_51, %swap3A_52], %swap3A_55 {strides = array<i32>} : memref<79x128xi32, #tpu.memory_space<vmem>>, vector<1x16xi32>,
    %broadcast_in_dim3A_56 = arith.constant 5000 : i32
    %broadcast_in_dim3A_57 = vector.broadcast %broadcast_in_dim3A_56 : i32 to vector<16xi32>
    %swap3A_58 = arith.constant 78 : i32
    %swap3A_59 = arith.index_cast %swap3A_58 : i32 to index
    %swap3A_60 = arith.constant 112 : index
    %swap3A_61 = tpu.vector_load %arg6[%swap3A_59, %swap3A_60] {strides = array<i32>} : memref<79x128xi32, #tpu.memory_space<vmem>>, vector<1x16xi32>,
    %swap3A_62 = vector.shape_cast %swap3A_61 : vector<1x16xi32> to vector<16xi32>
    %swap3A_63 = vector.shape_cast %broadcast_in_dim3A_57 : vector<16xi32> to vector<1x16xi32>
    tpu.vector_store %arg6[%swap3A_59, %swap3A_60], %swap3A_63 {strides = array<i32>} : memref<79x128xi32, #tpu.memory_space<vmem>>, vector<1x16xi32>,
    %scan3A_64 = arith.constant 0 : i32
    %scan3A_65 = arith.constant 0 : i32
    %scan3A_66 = arith.constant 832 : i32
    %scan3A_67 = arith.addi %scan3A_65, %scan3A_66 : i32
    %scan3A_68 = arith.constant 1 : i32
    %scan3A_69 = scf.for %scan3A_110 = %scan3A_65 to %scan3A_67 step %scan3A_68 iter_args(%scan3A_111 = %scan3A_64) -> (i32)  : i32 {
      %jit3A = arith.constant 8 : i32
      %div3A = arith.divsi %scan3A_110, %jit3A : i32
      %sign3A = arith.constant 0 : i32
      %sign3A_112 = arith.cmpi sgt, %scan3A_110, %sign3A : i32
      %sign3A_113 = arith.extui %sign3A_112 : i1 to i32
      %sign3A_114 = arith.constant 0 : i32
      %sign3A_115 = arith.cmpi slt, %scan3A_110, %sign3A_114 : i32
      %sign3A_116 = arith.extui %sign3A_115 : i1 to i32
      %sign3A_117 = arith.subi %sign3A_113, %sign3A_116 : i32
      %sign3A_118 = arith.constant 0 : i32
      %sign3A_119 = arith.cmpi sgt, %jit3A, %sign3A_118 : i32
      %sign3A_120 = arith.extui %sign3A_119 : i1 to i32
      %sign3A_121 = arith.constant 0 : i32
      %sign3A_122 = arith.cmpi slt, %jit3A, %sign3A_121 : i32
      %sign3A_123 = arith.extui %sign3A_122 : i1 to i32
      %sign3A_124 = arith.subi %sign3A_120, %sign3A_123 : i32
      %ne3A = arith.cmpi ne, %sign3A_117, %sign3A_124 : i32
      %rem3A = arith.remsi %scan3A_110, %jit3A : i32
      %ne3A_125 = arith.constant 0 : i32
      %ne3A_126 = arith.cmpi ne, %rem3A, %ne3A_125 : i32
      %and3A = arith.andi %ne3A, %ne3A_126 : i1
      %sub3A = arith.constant 1 : i32
      %sub3A_127 = arith.subi %div3A, %sub3A : i32
      %select_n3A = arith.select %and3A, %sub3A_127, %div3A : i32
      %jit3A_128 = arith.constant 8 : i32
      %eq3A_129 = arith.constant 0 : i32
      %eq3A_130 = arith.cmpi eq, %jit3A_128, %eq3A_129 : i32
      %jit3A_131 = arith.constant 1 : i32
      %select_n3A_132 = arith.select %eq3A_130, %jit3A_131, %jit3A_128 : i32
      %rem3A_133 = arith.remsi %scan3A_110, %select_n3A_132 : i32
      %ne3A_134 = arith.constant 0 : i32
      %ne3A_135 = arith.cmpi ne, %rem3A_133, %ne3A_134 : i32
      %lt3A = arith.constant 0 : i32
      %lt3A_136 = arith.cmpi slt, %rem3A_133, %lt3A : i32
      %lt3A_137 = arith.constant 0 : i32
      %lt3A_138 = arith.cmpi slt, %select_n3A_132, %lt3A_137 : i32
      %ne3A_139 = arith.xori %lt3A_136, %lt3A_138 : i1
      %and3A_140 = arith.andi %ne3A_139, %ne3A_135 : i1
      %add3A_141 = arith.addi %rem3A_133, %select_n3A_132 : i32
      %select_n3A_142 = arith.select %and3A_140, %add3A_141, %rem3A_133 : i32
      %mul3A_143 = arith.constant 16 : i32
      %mul3A_144 = arith.muli %select_n3A_142, %mul3A_143 : i32
      %broadcast_in_dim3A_145 = arith.constant 0.000000e+00 : f32
      %broadcast_in_dim3A_146 = vector.broadcast %broadcast_in_dim3A_145 : f32 to vector<16xf32>
      %swap3A_147 = arith.index_cast %select_n3A : i32 to index
      %swap3A_148 = arith.index_cast %mul3A_144 : i32 to index
      %swap3A_149 = tpu.vector_load %arg9[%swap3A_147, %swap3A_148] {strides = array<i32>} : memref<104x128xf32, #tpu.memory_space<vmem>>, vector<1x16xf32>,
      %swap3A_150 = vector.shape_cast %swap3A_149 : vector<1x16xf32> to vector<16xf32>
      %swap3A_151 = vector.shape_cast %broadcast_in_dim3A_146 : vector<16xf32> to vector<1x16xf32>
      tpu.vector_store %arg9[%swap3A_147, %swap3A_148], %swap3A_151 {strides = array<i32>} : memref<104x128xf32, #tpu.memory_space<vmem>>, vector<1x16xf32>,
      %scan3A_152 = arith.constant 0 : i32
      scf.yield %scan3A_152 : i32
    }
    %scan3A_70 = arith.constant 832 : i32
    %mul3A_71 = arith.constant 312 : i32
    %mul3A_72 = arith.muli %arg1, %mul3A_71 : i32
    %add3A_73 = arith.constant 0 : i32
    %add3A_74 = arith.addi %mul3A_72, %add3A_73 : i32
    "tpu.region"() ({
      %run_scoped3A_110 = tpu.sem_alloc : memref<!tpu.dma_semaphore, #tpu.memory_space<semaphore_mem>>
      %dma_start3A_111 = arith.constant 0 : i32
      %dma_start3A_112 = tpu.memref_slice %arg10[%add3A_74, %dma_start3A_111] : memref<5016x128xf32, #tpu.memory_space<vmem_shared>> -> memref<104x128xf32, #tpu.memory_space<vmem_shared>>
      %dma_start3A_113 = arith.constant 0 : i32
      %dma_start3A_114 = tpu.memref_slice %arg10[%add3A_74, %dma_start3A_113] : memref<5016x128xf32, #tpu.memory_space<vmem_shared>> -> memref<104x128xf32, #tpu.memory_space<vmem_shared>>
      tpu.enqueue_dma source(%arg9 : memref<104x128xf32, #tpu.memory_space<vmem>>) target(%dma_start3A_114 : memref<104x128xf32, #tpu.memory_space<vmem_shared>>) target_semaphore(%run_scoped3A_110 : memref<!tpu.dma_semaphore, #tpu.memory_space<semaphore_mem>>)
      %dma_wait3A = arith.constant 0 : i32
      %dma_wait3A_115 = tpu.memref_slice %arg10[%add3A_74, %dma_wait3A] : memref<5016x128xf32, #tpu.memory_space<vmem_shared>> -> memref<104x128xf32, #tpu.memory_space<vmem_shared>>
      %dma_wait3A_116 = arith.constant 0 : i32
      %dma_wait3A_117 = tpu.memref_slice %arg10[%add3A_74, %dma_wait3A_116] : memref<5016x128xf32, #tpu.memory_space<vmem_shared>> -> memref<104x128xf32, #tpu.memory_space<vmem_shared>>
      tpu.wait_dma2 semaphore(%run_scoped3A_110 : memref<!tpu.dma_semaphore, #tpu.memory_space<semaphore_mem>>) src(%arg9 : memref<104x128xf32, #tpu.memory_space<vmem>>) dst(%dma_wait3A_117 : memref<104x128xf32, #tpu.memory_space<vmem_shared>>)
      tpu.yield
    }) : () -> ()
    %mul3A_75 = arith.constant 312 : i32
    %mul3A_76 = arith.muli %arg1, %mul3A_75 : i32
    %add3A_77 = arith.constant 104 : i32
    %add3A_78 = arith.addi %mul3A_76, %add3A_77 : i32
    "tpu.region"() ({
      %run_scoped3A_110 = tpu.sem_alloc : memref<!tpu.dma_semaphore, #tpu.memory_space<semaphore_mem>>
      %dma_start3A_111 = arith.constant 0 : i32
      %dma_start3A_112 = tpu.memref_slice %arg10[%add3A_78, %dma_start3A_111] : memref<5016x128xf32, #tpu.memory_space<vmem_shared>> -> memref<104x128xf32, #tpu.memory_space<vmem_shared>>
      %dma_start3A_113 = arith.constant 0 : i32
      %dma_start3A_114 = tpu.memref_slice %arg10[%add3A_78, %dma_start3A_113] : memref<5016x128xf32, #tpu.memory_space<vmem_shared>> -> memref<104x128xf32, #tpu.memory_space<vmem_shared>>
      tpu.enqueue_dma source(%arg9 : memref<104x128xf32, #tpu.memory_space<vmem>>) target(%dma_start3A_114 : memref<104x128xf32, #tpu.memory_space<vmem_shared>>) target_semaphore(%run_scoped3A_110 : memref<!tpu.dma_semaphore, #tpu.memory_space<semaphore_mem>>)
      %dma_wait3A = arith.constant 0 : i32
      %dma_wait3A_115 = tpu.memref_slice %arg10[%add3A_78, %dma_wait3A] : memref<5016x128xf32, #tpu.memory_space<vmem_shared>> -> memref<104x128xf32, #tpu.memory_space<vmem_shared>>
      %dma_wait3A_116 = arith.constant 0 : i32
      %dma_wait3A_117 = tpu.memref_slice %arg10[%add3A_78, %dma_wait3A_116] : memref<5016x128xf32, #tpu.memory_space<vmem_shared>> -> memref<104x128xf32, #tpu.memory_space<vmem_shared>>
      tpu.wait_dma2 semaphore(%run_scoped3A_110 : memref<!tpu.dma_semaphore, #tpu.memory_space<semaphore_mem>>) src(%arg9 : memref<104x128xf32, #tpu.memory_space<vmem>>) dst(%dma_wait3A_117 : memref<104x128xf32, #tpu.memory_space<vmem_shared>>)
      tpu.yield
    }) : () -> ()
    %mul3A_79 = arith.constant 312 : i32
    %mul3A_80 = arith.muli %arg1, %mul3A_79 : i32
    %add3A_81 = arith.constant 208 : i32
    %add3A_82 = arith.addi %mul3A_80, %add3A_81 : i32
    "tpu.region"() ({
      %run_scoped3A_110 = tpu.sem_alloc : memref<!tpu.dma_semaphore, #tpu.memory_space<semaphore_mem>>
      %dma_start3A_111 = arith.constant 0 : i32
      %dma_start3A_112 = tpu.memref_slice %arg10[%add3A_82, %dma_start3A_111] : memref<5016x128xf32, #tpu.memory_space<vmem_shared>> -> memref<104x128xf32, #tpu.memory_space<vmem_shared>>
      %dma_start3A_113 = arith.constant 0 : i32
      %dma_start3A_114 = tpu.memref_slice %arg10[%add3A_82, %dma_start3A_113] : memref<5016x128xf32, #tpu.memory_space<vmem_shared>> -> memref<104x128xf32, #tpu.memory_space<vmem_shared>>
      tpu.enqueue_dma source(%arg9 : memref<104x128xf32, #tpu.memory_space<vmem>>) target(%dma_start3A_114 : memref<104x128xf32, #tpu.memory_space<vmem_shared>>) target_semaphore(%run_scoped3A_110 : memref<!tpu.dma_semaphore, #tpu.memory_space<semaphore_mem>>)
      %dma_wait3A = arith.constant 0 : i32
      %dma_wait3A_115 = tpu.memref_slice %arg10[%add3A_82, %dma_wait3A] : memref<5016x128xf32, #tpu.memory_space<vmem_shared>> -> memref<104x128xf32, #tpu.memory_space<vmem_shared>>
      %dma_wait3A_116 = arith.constant 0 : i32
      %dma_wait3A_117 = tpu.memref_slice %arg10[%add3A_82, %dma_wait3A_116] : memref<5016x128xf32, #tpu.memory_space<vmem_shared>> -> memref<104x128xf32, #tpu.memory_space<vmem_shared>>
      tpu.wait_dma2 semaphore(%run_scoped3A_110 : memref<!tpu.dma_semaphore, #tpu.memory_space<semaphore_mem>>) src(%arg9 : memref<104x128xf32, #tpu.memory_space<vmem>>) dst(%dma_wait3A_117 : memref<104x128xf32, #tpu.memory_space<vmem_shared>>)
      tpu.yield
    }) : () -> ()
    %eq3A = arith.constant 15 : i32
    %eq3A_83 = arith.cmpi eq, %arg1, %eq3A : i32
    %convert_element_type3A = arith.extui %eq3A_83 : i1 to i32
    %cond3A = arith.constant 0 : i32
    %cond3A_84 = arith.cmpi ne, %convert_element_type3A, %cond3A : i32
    scf.if %cond3A_84 {
      "tpu.region"() ({
        %run_scoped3A_110 = tpu.sem_alloc : memref<!tpu.dma_semaphore, #tpu.memory_space<semaphore_mem>>
        %dma_start3A_111 = arith.constant 0 : i32
        %dma_start3A_112 = arith.constant 0 : i32
        %dma_start3A_113 = tpu.memref_slice %arg9[%dma_start3A_111, %dma_start3A_112] : memref<104x128xf32, #tpu.memory_space<vmem>> -> memref<24x128xf32, #tpu.memory_space<vmem>>
        %dma_start3A_114 = arith.constant 4992 : i32
        %dma_start3A_115 = arith.constant 0 : i32
        %dma_start3A_116 = tpu.memref_slice %arg10[%dma_start3A_114, %dma_start3A_115] : memref<5016x128xf32, #tpu.memory_space<vmem_shared>> -> memref<24x128xf32, #tpu.memory_space<vmem_shared>>
        %dma_start3A_117 = arith.constant 4992 : i32
        %dma_start3A_118 = arith.constant 0 : i32
        %dma_start3A_119 = tpu.memref_slice %arg10[%dma_start3A_117, %dma_start3A_118] : memref<5016x128xf32, #tpu.memory_space<vmem_shared>> -> memref<24x128xf32, #tpu.memory_space<vmem_shared>>
        %dma_start3A_120 = arith.constant 0 : i32
        %dma_start3A_121 = arith.constant 0 : i32
        %dma_start3A_122 = tpu.memref_slice %arg9[%dma_start3A_120, %dma_start3A_121] : memref<104x128xf32, #tpu.memory_space<vmem>> -> memref<24x128xf32, #tpu.memory_space<vmem>>
        tpu.enqueue_dma source(%dma_start3A_122 : memref<24x128xf32, #tpu.memory_space<vmem>>) target(%dma_start3A_119 : memref<24x128xf32, #tpu.memory_space<vmem_shared>>) target_semaphore(%run_scoped3A_110 : memref<!tpu.dma_semaphore, #tpu.memory_space<semaphore_mem>>)
        %dma_wait3A = arith.constant 0 : i32
        %dma_wait3A_123 = arith.constant 0 : i32
        %dma_wait3A_124 = tpu.memref_slice %arg9[%dma_wait3A, %dma_wait3A_123] : memref<104x128xf32, #tpu.memory_space<vmem>> -> memref<24x128xf32, #tpu.memory_space<vmem>>
        %dma_wait3A_125 = arith.constant 4992 : i32
        %dma_wait3A_126 = arith.constant 0 : i32
        %dma_wait3A_127 = tpu.memref_slice %arg10[%dma_wait3A_125, %dma_wait3A_126] : memref<5016x128xf32, #tpu.memory_space<vmem_shared>> -> memref<24x128xf32, #tpu.memory_space<vmem_shared>>
        %dma_wait3A_128 = arith.constant 4992 : i32
        %dma_wait3A_129 = arith.constant 0 : i32
        %dma_wait3A_130 = tpu.memref_slice %arg10[%dma_wait3A_128, %dma_wait3A_129] : memref<5016x128xf32, #tpu.memory_space<vmem_shared>> -> memref<24x128xf32, #tpu.memory_space<vmem_shared>>
        %dma_wait3A_131 = arith.constant 0 : i32
        %dma_wait3A_132 = arith.constant 0 : i32
        %dma_wait3A_133 = tpu.memref_slice %arg9[%dma_wait3A_131, %dma_wait3A_132] : memref<104x128xf32, #tpu.memory_space<vmem>> -> memref<24x128xf32, #tpu.memory_space<vmem>>
        tpu.wait_dma2 semaphore(%run_scoped3A_110 : memref<!tpu.dma_semaphore, #tpu.memory_space<semaphore_mem>>) src(%dma_wait3A_133 : memref<24x128xf32, #tpu.memory_space<vmem>>) dst(%dma_wait3A_130 : memref<24x128xf32, #tpu.memory_space<vmem_shared>>)
        tpu.yield
      }) : () -> ()
    } else {
    }
    %barrier3A = arith.constant 0 : index
    tpu.barrier barrier_id(%barrier3A)
    %add3A_85 = arith.constant 0 : i32
    %add3A_86 = arith.addi %mul3A_0, %add3A_85 : i32
    %dma_start3A = arith.constant 0 : i32
    %dma_start3A_87 = tpu.memref_slice %arg2[%add3A_86, %dma_start3A] : memref<160000x128xf32, #tpu.memory_space<hbm>> -> memref<128x128xf32, #tpu.memory_space<hbm>>
    %dma_start3A_88 = arith.constant 0 : i32
    %dma_start3A_89 = tpu.memref_slice %arg2[%add3A_86, %dma_start3A_88] : memref<160000x128xf32, #tpu.memory_space<hbm>> -> memref<128x128xf32, #tpu.memory_space<hbm>>
    tpu.enqueue_dma source(%dma_start3A_89 : memref<128x128xf32, #tpu.memory_space<hbm>>) target(%arg7 : memref<128x128xf32, #tpu.memory_space<vmem>>) target_semaphore(%arg11 : memref<!tpu.dma_semaphore, #tpu.memory_space<semaphore_mem>>)
    %scan3A_90 = arith.constant 0 : i32
    %scan3A_91 = arith.constant 0 : i32
    %scan3A_92 = arith.constant 39 : i32
    %scan3A_93 = arith.addi %scan3A_91, %scan3A_92 : i32
    %scan3A_94 = arith.constant 1 : i32
    %scan3A_95 = scf.for %scan3A_110 = %scan3A_91 to %scan3A_93 step %scan3A_94 iter_args(%scan3A_111 = %scan3A_90) -> (i32)  : i32 {
      %mul3A_112 = arith.constant 2 : i32
      %mul3A_113 = arith.muli %mul3A_112, %scan3A_110 : i32
      %add3A_114 = arith.constant 1 : i32
      %add3A_115 = arith.addi %mul3A_113, %add3A_114 : i32
      %mul3A_116 = arith.constant 128 : i32
      %mul3A_117 = arith.muli %add3A_115, %mul3A_116 : i32
      %add3A_118 = arith.addi %mul3A_0, %mul3A_117 : i32
      %dma_start3A_119 = arith.constant 0 : i32
      %dma_start3A_120 = tpu.memref_slice %arg2[%add3A_118, %dma_start3A_119] : memref<160000x128xf32, #tpu.memory_space<hbm>> -> memref<128x128xf32, #tpu.memory_space<hbm>>
      %dma_start3A_121 = arith.constant 0 : i32
      %dma_start3A_122 = tpu.memref_slice %arg2[%add3A_118, %dma_start3A_121] : memref<160000x128xf32, #tpu.memory_space<hbm>> -> memref<128x128xf32, #tpu.memory_space<hbm>>
      tpu.enqueue_dma source(%dma_start3A_122 : memref<128x128xf32, #tpu.memory_space<hbm>>) target(%arg8 : memref<128x128xf32, #tpu.memory_space<vmem>>) target_semaphore(%arg12 : memref<!tpu.dma_semaphore, #tpu.memory_space<semaphore_mem>>)
      %dma_wait3A = arith.constant 0 : i32
      %dma_wait3A_123 = arith.constant 0 : i32
      %dma_wait3A_124 = tpu.memref_slice %arg2[%dma_wait3A, %dma_wait3A_123] : memref<160000x128xf32, #tpu.memory_space<hbm>> -> memref<128x128xf32, #tpu.memory_space<hbm>>
      %dma_wait3A_125 = arith.constant 0 : i32
      %dma_wait3A_126 = arith.constant 0 : i32
      %dma_wait3A_127 = tpu.memref_slice %arg2[%dma_wait3A_125, %dma_wait3A_126] : memref<160000x128xf32, #tpu.memory_space<hbm>> -> memref<128x128xf32, #tpu.memory_space<hbm>>
      tpu.wait_dma2 semaphore(%arg11 : memref<!tpu.dma_semaphore, #tpu.memory_space<semaphore_mem>>) src(%dma_wait3A_127 : memref<128x128xf32, #tpu.memory_space<hbm>>) dst(%arg7 : memref<128x128xf32, #tpu.memory_space<vmem>>)
      %mul3A_128 = arith.constant 2 : i32
      %mul3A_129 = arith.muli %mul3A_128, %scan3A_110 : i32
      "tpu.region"() ({
        %run_scoped3A_149 = tpu.sem_alloc : memref<!tpu.dma_semaphore, #tpu.memory_space<semaphore_mem>>
        %dma_start3A_150 = arith.constant 0 : i32
        %dma_start3A_151 = tpu.memref_slice %arg6[%mul3A_129, %dma_start3A_150] : memref<79x128xi32, #tpu.memory_space<vmem>> -> memref<1x128xi32, #tpu.memory_space<vmem>>
        %dma_start3A_152 = tpu.memref_squeeze %dma_start3A_151 : memref<1x128xi32, #tpu.memory_space<vmem>> -> memref<128xi32, #tpu.memory_space<vmem>>
        %dma_start3A_153 = arith.constant 0 : i32
        %dma_start3A_154 = arith.constant 0 : i32
        %dma_start3A_155 = tpu.memref_slice %arg10[%dma_start3A_153, %dma_start3A_154] : memref<5016x128xf32, #tpu.memory_space<vmem_shared>> -> memref<5016x128xf32, #tpu.memory_space<vmem_shared>>
        tpu.enqueue_indirect_dma source(%arg7 : memref<128x128xf32, #tpu.memory_space<vmem>>) target(%dma_start3A_155 : memref<5016x128xf32, #tpu.memory_space<vmem_shared>>) offsets(%dma_start3A_152 : memref<128xi32, #tpu.memory_space<vmem>>) semaphore(%run_scoped3A_149 : memref<!tpu.dma_semaphore, #tpu.memory_space<semaphore_mem>>) {add = true}
        %dma_wait3A_156 = arith.constant 0 : i32
        %dma_wait3A_157 = tpu.memref_slice %arg6[%mul3A_129, %dma_wait3A_156] : memref<79x128xi32, #tpu.memory_space<vmem>> -> memref<1x128xi32, #tpu.memory_space<vmem>>
        %dma_wait3A_158 = tpu.memref_squeeze %dma_wait3A_157 : memref<1x128xi32, #tpu.memory_space<vmem>> -> memref<128xi32, #tpu.memory_space<vmem>>
        %dma_wait3A_159 = arith.constant 0 : i32
        %dma_wait3A_160 = arith.constant 0 : i32
        %dma_wait3A_161 = tpu.memref_slice %arg10[%dma_wait3A_159, %dma_wait3A_160] : memref<5016x128xf32, #tpu.memory_space<vmem_shared>> -> memref<5016x128xf32, #tpu.memory_space<vmem_shared>>
        tpu.wait_indirect_dma semaphore(%run_scoped3A_149 : memref<!tpu.dma_semaphore, #tpu.memory_space<semaphore_mem>>) src(%arg7 : memref<128x128xf32, #tpu.memory_space<vmem>>) dst(%dma_wait3A_161 : memref<5016x128xf32, #tpu.memory_space<vmem_shared>>)
        tpu.yield
      }) : () -> ()
      %mul3A_130 = arith.constant 2 : i32
      %mul3A_131 = arith.muli %mul3A_130, %scan3A_110 : i32
      %add3A_132 = arith.constant 2 : i32
      %add3A_133 = arith.addi %mul3A_131, %add3A_132 : i32
      %le3A = arith.constant 77 : i32
      %le3A_134 = arith.cmpi sle, %add3A_133, %le3A : i32
      %convert_element_type3A_135 = arith.extui %le3A_134 : i1 to i32
      %cond3A_136 = arith.constant 0 : i32
      %cond3A_137 = arith.cmpi ne, %convert_element_type3A_135, %cond3A_136 : i32
      scf.if %cond3A_137 {
        %mul3A_149 = arith.constant 2 : i32
        %mul3A_150 = arith.muli %mul3A_149, %scan3A_110 : i32
        %add3A_151 = arith.constant 2 : i32
        %add3A_152 = arith.addi %mul3A_150, %add3A_151 : i32
        %mul3A_153 = arith.constant 128 : i32
        %mul3A_154 = arith.muli %add3A_152, %mul3A_153 : i32
        %add3A_155 = arith.addi %mul3A_0, %mul3A_154 : i32
        %dma_start3A_156 = arith.constant 0 : i32
        %dma_start3A_157 = tpu.memref_slice %arg2[%add3A_155, %dma_start3A_156] : memref<160000x128xf32, #tpu.memory_space<hbm>> -> memref<128x128xf32, #tpu.memory_space<hbm>>
        %dma_start3A_158 = arith.constant 0 : i32
        %dma_start3A_159 = tpu.memref_slice %arg2[%add3A_155, %dma_start3A_158] : memref<160000x128xf32, #tpu.memory_space<hbm>> -> memref<128x128xf32, #tpu.memory_space<hbm>>
        tpu.enqueue_dma source(%dma_start3A_159 : memref<128x128xf32, #tpu.memory_space<hbm>>) target(%arg7 : memref<128x128xf32, #tpu.memory_space<vmem>>) target_semaphore(%arg11 : memref<!tpu.dma_semaphore, #tpu.memory_space<semaphore_mem>>)
      } else {
      }
      %dma_wait3A_138 = arith.constant 0 : i32
      %dma_wait3A_139 = arith.constant 0 : i32
      %dma_wait3A_140 = tpu.memref_slice %arg2[%dma_wait3A_138, %dma_wait3A_139] : memref<160000x128xf32, #tpu.memory_space<hbm>> -> memref<128x128xf32, #tpu.memory_space<hbm>>
      %dma_wait3A_141 = arith.constant 0 : i32
      %dma_wait3A_142 = arith.constant 0 : i32
      %dma_wait3A_143 = tpu.memref_slice %arg2[%dma_wait3A_141, %dma_wait3A_142] : memref<160000x128xf32, #tpu.memory_space<hbm>> -> memref<128x128xf32, #tpu.memory_space<hbm>>
      tpu.wait_dma2 semaphore(%arg12 : memref<!tpu.dma_semaphore, #tpu.memory_space<semaphore_mem>>) src(%dma_wait3A_143 : memref<128x128xf32, #tpu.memory_space<hbm>>) dst(%arg8 : memref<128x128xf32, #tpu.memory_space<vmem>>)
      %mul3A_144 = arith.constant 2 : i32
      %mul3A_145 = arith.muli %mul3A_144, %scan3A_110 : i32
      %add3A_146 = arith.constant 1 : i32
      %add3A_147 = arith.addi %mul3A_145, %add3A_146 : i32
      "tpu.region"() ({
        %run_scoped3A_149 = tpu.sem_alloc : memref<!tpu.dma_semaphore, #tpu.memory_space<semaphore_mem>>
        %dma_start3A_150 = arith.constant 0 : i32
        %dma_start3A_151 = tpu.memref_slice %arg6[%add3A_147, %dma_start3A_150] : memref<79x128xi32, #tpu.memory_space<vmem>> -> memref<1x128xi32, #tpu.memory_space<vmem>>
        %dma_start3A_152 = tpu.memref_squeeze %dma_start3A_151 : memref<1x128xi32, #tpu.memory_space<vmem>> -> memref<128xi32, #tpu.memory_space<vmem>>
        %dma_start3A_153 = arith.constant 0 : i32
        %dma_start3A_154 = arith.constant 0 : i32
        %dma_start3A_155 = tpu.memref_slice %arg10[%dma_start3A_153, %dma_start3A_154] : memref<5016x128xf32, #tpu.memory_space<vmem_shared>> -> memref<5016x128xf32, #tpu.memory_space<vmem_shared>>
        tpu.enqueue_indirect_dma source(%arg8 : memref<128x128xf32, #tpu.memory_space<vmem>>) target(%dma_start3A_155 : memref<5016x128xf32, #tpu.memory_space<vmem_shared>>) offsets(%dma_start3A_152 : memref<128xi32, #tpu.memory_space<vmem>>) semaphore(%run_scoped3A_149 : memref<!tpu.dma_semaphore, #tpu.memory_space<semaphore_mem>>) {add = true}
        %dma_wait3A_156 = arith.constant 0 : i32
        %dma_wait3A_157 = tpu.memref_slice %arg6[%add3A_147, %dma_wait3A_156] : memref<79x128xi32, #tpu.memory_space<vmem>> -> memref<1x128xi32, #tpu.memory_space<vmem>>
        %dma_wait3A_158 = tpu.memref_squeeze %dma_wait3A_157 : memref<1x128xi32, #tpu.memory_space<vmem>> -> memref<128xi32, #tpu.memory_space<vmem>>
        %dma_wait3A_159 = arith.constant 0 : i32
        %dma_wait3A_160 = arith.constant 0 : i32
        %dma_wait3A_161 = tpu.memref_slice %arg10[%dma_wait3A_159, %dma_wait3A_160] : memref<5016x128xf32, #tpu.memory_space<vmem_shared>> -> memref<5016x128xf32, #tpu.memory_space<vmem_shared>>
        tpu.wait_indirect_dma semaphore(%run_scoped3A_149 : memref<!tpu.dma_semaphore, #tpu.memory_space<semaphore_mem>>) src(%arg8 : memref<128x128xf32, #tpu.memory_space<vmem>>) dst(%dma_wait3A_161 : memref<5016x128xf32, #tpu.memory_space<vmem_shared>>)
        tpu.yield
      }) : () -> ()
      %scan3A_148 = arith.constant 0 : i32
      scf.yield %scan3A_148 : i32
    }
    %scan3A_96 = arith.constant 39 : i32
    %add3A_97 = arith.constant 9984 : i32
    %add3A_98 = arith.addi %mul3A_0, %add3A_97 : i32
    "tpu.region"() ({
      %run_scoped3A_110 = tpu.sem_alloc : memref<!tpu.dma_semaphore, #tpu.memory_space<semaphore_mem>>
      %dma_start3A_111 = arith.constant 0 : i32
      %dma_start3A_112 = arith.constant 0 : i32
      %dma_start3A_113 = tpu.memref_slice %arg7[%dma_start3A_111, %dma_start3A_112] : memref<128x128xf32, #tpu.memory_space<vmem>> -> memref<16x128xf32, #tpu.memory_space<vmem>>
      %dma_start3A_114 = arith.constant 0 : i32
      %dma_start3A_115 = tpu.memref_slice %arg2[%add3A_98, %dma_start3A_114] : memref<160000x128xf32, #tpu.memory_space<hbm>> -> memref<16x128xf32, #tpu.memory_space<hbm>>
      %dma_start3A_116 = arith.constant 0 : i32
      %dma_start3A_117 = arith.constant 0 : i32
      %dma_start3A_118 = tpu.memref_slice %arg7[%dma_start3A_116, %dma_start3A_117] : memref<128x128xf32, #tpu.memory_space<vmem>> -> memref<16x128xf32, #tpu.memory_space<vmem>>
      %dma_start3A_119 = arith.constant 0 : i32
      %dma_start3A_120 = tpu.memref_slice %arg2[%add3A_98, %dma_start3A_119] : memref<160000x128xf32, #tpu.memory_space<hbm>> -> memref<16x128xf32, #tpu.memory_space<hbm>>
      tpu.enqueue_dma source(%dma_start3A_120 : memref<16x128xf32, #tpu.memory_space<hbm>>) target(%dma_start3A_118 : memref<16x128xf32, #tpu.memory_space<vmem>>) target_semaphore(%run_scoped3A_110 : memref<!tpu.dma_semaphore, #tpu.memory_space<semaphore_mem>>)
      %dma_wait3A = arith.constant 0 : i32
      %dma_wait3A_121 = arith.constant 0 : i32
      %dma_wait3A_122 = tpu.memref_slice %arg7[%dma_wait3A, %dma_wait3A_121] : memref<128x128xf32, #tpu.memory_space<vmem>> -> memref<16x128xf32, #tpu.memory_space<vmem>>
      %dma_wait3A_123 = arith.constant 0 : i32
      %dma_wait3A_124 = tpu.memref_slice %arg2[%add3A_98, %dma_wait3A_123] : memref<160000x128xf32, #tpu.memory_space<hbm>> -> memref<16x128xf32, #tpu.memory_space<hbm>>
      %dma_wait3A_125 = arith.constant 0 : i32
      %dma_wait3A_126 = arith.constant 0 : i32
      %dma_wait3A_127 = tpu.memref_slice %arg7[%dma_wait3A_125, %dma_wait3A_126] : memref<128x128xf32, #tpu.memory_space<vmem>> -> memref<16x128xf32, #tpu.memory_space<vmem>>
      %dma_wait3A_128 = arith.constant 0 : i32
      %dma_wait3A_129 = tpu.memref_slice %arg2[%add3A_98, %dma_wait3A_128] : memref<160000x128xf32, #tpu.memory_space<hbm>> -> memref<16x128xf32, #tpu.memory_space<hbm>>
      tpu.wait_dma2 semaphore(%run_scoped3A_110 : memref<!tpu.dma_semaphore, #tpu.memory_space<semaphore_mem>>) src(%dma_wait3A_129 : memref<16x128xf32, #tpu.memory_space<hbm>>) dst(%dma_wait3A_127 : memref<16x128xf32, #tpu.memory_space<vmem>>)
      tpu.yield
    }) : () -> ()
    %run_scoped3A = arith.constant 78 : i32
    "tpu.region"() ({
      %run_scoped3A_110 = tpu.sem_alloc : memref<!tpu.dma_semaphore, #tpu.memory_space<semaphore_mem>>
      %dma_start3A_111 = arith.constant 0 : i32
      %dma_start3A_112 = tpu.memref_slice %arg6[%run_scoped3A, %dma_start3A_111] : memref<79x128xi32, #tpu.memory_space<vmem>> -> memref<1x128xi32, #tpu.memory_space<vmem>>
      %dma_start3A_113 = tpu.memref_squeeze %dma_start3A_112 : memref<1x128xi32, #tpu.memory_space<vmem>> -> memref<128xi32, #tpu.memory_space<vmem>>
      %dma_start3A_114 = arith.constant 0 : i32
      %dma_start3A_115 = arith.constant 0 : i32
      %dma_start3A_116 = tpu.memref_slice %arg10[%dma_start3A_114, %dma_start3A_115] : memref<5016x128xf32, #tpu.memory_space<vmem_shared>> -> memref<5016x128xf32, #tpu.memory_space<vmem_shared>>
      tpu.enqueue_indirect_dma source(%arg7 : memref<128x128xf32, #tpu.memory_space<vmem>>) target(%dma_start3A_116 : memref<5016x128xf32, #tpu.memory_space<vmem_shared>>) offsets(%dma_start3A_113 : memref<128xi32, #tpu.memory_space<vmem>>) semaphore(%run_scoped3A_110 : memref<!tpu.dma_semaphore, #tpu.memory_space<semaphore_mem>>) {add = true}
      %dma_wait3A = arith.constant 0 : i32
      %dma_wait3A_117 = tpu.memref_slice %arg6[%run_scoped3A, %dma_wait3A] : memref<79x128xi32, #tpu.memory_space<vmem>> -> memref<1x128xi32, #tpu.memory_space<vmem>>
      %dma_wait3A_118 = tpu.memref_squeeze %dma_wait3A_117 : memref<1x128xi32, #tpu.memory_space<vmem>> -> memref<128xi32, #tpu.memory_space<vmem>>
      %dma_wait3A_119 = arith.constant 0 : i32
      %dma_wait3A_120 = arith.constant 0 : i32
      %dma_wait3A_121 = tpu.memref_slice %arg10[%dma_wait3A_119, %dma_wait3A_120] : memref<5016x128xf32, #tpu.memory_space<vmem_shared>> -> memref<5016x128xf32, #tpu.memory_space<vmem_shared>>
      tpu.wait_indirect_dma semaphore(%run_scoped3A_110 : memref<!tpu.dma_semaphore, #tpu.memory_space<semaphore_mem>>) src(%arg7 : memref<128x128xf32, #tpu.memory_space<vmem>>) dst(%dma_wait3A_121 : memref<5016x128xf32, #tpu.memory_space<vmem_shared>>)
      tpu.yield
    }) : () -> ()
    %barrier3A_99 = arith.constant 0 : index
    tpu.barrier barrier_id(%barrier3A_99)
    %mul3A_100 = arith.constant 312 : i32
    %mul3A_101 = arith.muli %arg1, %mul3A_100 : i32
    %mul3A_102 = arith.constant 312 : i32
    %mul3A_103 = arith.muli %arg1, %mul3A_102 : i32
    %add3A_104 = arith.addi %mul3A_2, %mul3A_103 : i32
    "tpu.region"() ({
      %run_scoped3A_110 = tpu.sem_alloc : memref<!tpu.dma_semaphore, #tpu.memory_space<semaphore_mem>>
      %dma_start3A_111 = arith.constant 0 : i32
      %dma_start3A_112 = tpu.memref_slice %arg4[%add3A_104, %dma_start3A_111] : memref<10000x128xf32, #tpu.memory_space<hbm>> -> memref<312x128xf32, #tpu.memory_space<hbm>>
      %dma_start3A_113 = arith.constant 0 : i32
      %dma_start3A_114 = tpu.memref_slice %arg10[%mul3A_101, %dma_start3A_113] : memref<5016x128xf32, #tpu.memory_space<vmem_shared>> -> memref<312x128xf32, #tpu.memory_space<vmem_shared>>
      tpu.enqueue_dma source(%dma_start3A_114 : memref<312x128xf32, #tpu.memory_space<vmem_shared>>) target(%dma_start3A_112 : memref<312x128xf32, #tpu.memory_space<hbm>>) target_semaphore(%run_scoped3A_110 : memref<!tpu.dma_semaphore, #tpu.memory_space<semaphore_mem>>)
      %dma_wait3A = arith.constant 0 : i32
      %dma_wait3A_115 = tpu.memref_slice %arg4[%add3A_104, %dma_wait3A] : memref<10000x128xf32, #tpu.memory_space<hbm>> -> memref<312x128xf32, #tpu.memory_space<hbm>>
      %dma_wait3A_116 = arith.constant 0 : i32
      %dma_wait3A_117 = tpu.memref_slice %arg10[%mul3A_101, %dma_wait3A_116] : memref<5016x128xf32, #tpu.memory_space<vmem_shared>> -> memref<312x128xf32, #tpu.memory_space<vmem_shared>>
      tpu.wait_dma2 semaphore(%run_scoped3A_110 : memref<!tpu.dma_semaphore, #tpu.memory_space<semaphore_mem>>) src(%dma_wait3A_117 : memref<312x128xf32, #tpu.memory_space<vmem_shared>>) dst(%dma_wait3A_115 : memref<312x128xf32, #tpu.memory_space<hbm>>)
      tpu.yield
    }) : () -> ()
    %eq3A_105 = arith.constant 15 : i32
    %eq3A_106 = arith.cmpi eq, %arg1, %eq3A_105 : i32
    %convert_element_type3A_107 = arith.extui %eq3A_106 : i1 to i32
    %cond3A_108 = arith.constant 0 : i32
    %cond3A_109 = arith.cmpi ne, %convert_element_type3A_107, %cond3A_108 : i32
    scf.if %cond3A_109 {
      %add3A_110 = arith.constant 4992 : i32
      %add3A_111 = arith.addi %mul3A_2, %add3A_110 : i32
      "tpu.region"() ({
        %run_scoped3A_112 = tpu.sem_alloc : memref<!tpu.dma_semaphore, #tpu.memory_space<semaphore_mem>>
        %dma_start3A_113 = arith.constant 0 : i32
        %dma_start3A_114 = tpu.memref_slice %arg4[%add3A_111, %dma_start3A_113] : memref<10000x128xf32, #tpu.memory_space<hbm>> -> memref<8x128xf32, #tpu.memory_space<hbm>>
        %dma_start3A_115 = arith.constant 4992 : i32
        %dma_start3A_116 = arith.constant 0 : i32
        %dma_start3A_117 = tpu.memref_slice %arg10[%dma_start3A_115, %dma_start3A_116] : memref<5016x128xf32, #tpu.memory_space<vmem_shared>> -> memref<8x128xf32, #tpu.memory_space<vmem_shared>>
        tpu.enqueue_dma source(%dma_start3A_117 : memref<8x128xf32, #tpu.memory_space<vmem_shared>>) target(%dma_start3A_114 : memref<8x128xf32, #tpu.memory_space<hbm>>) target_semaphore(%run_scoped3A_112 : memref<!tpu.dma_semaphore, #tpu.memory_space<semaphore_mem>>)
        %dma_wait3A = arith.constant 0 : i32
        %dma_wait3A_118 = tpu.memref_slice %arg4[%add3A_111, %dma_wait3A] : memref<10000x128xf32, #tpu.memory_space<hbm>> -> memref<8x128xf32, #tpu.memory_space<hbm>>
        %dma_wait3A_119 = arith.constant 4992 : i32
        %dma_wait3A_120 = arith.constant 0 : i32
        %dma_wait3A_121 = tpu.memref_slice %arg10[%dma_wait3A_119, %dma_wait3A_120] : memref<5016x128xf32, #tpu.memory_space<vmem_shared>> -> memref<8x128xf32, #tpu.memory_space<vmem_shared>>
        tpu.wait_dma2 semaphore(%run_scoped3A_112 : memref<!tpu.dma_semaphore, #tpu.memory_space<semaphore_mem>>) src(%dma_wait3A_121 : memref<8x128xf32, #tpu.memory_space<vmem_shared>>) dst(%dma_wait3A_118 : memref<8x128xf32, #tpu.memory_space<hbm>>)
        tpu.yield
      }) : () -> ()
    } else {
    }
    return
  }
}

#map = affine_map<(d0, d1) -> (0, 0)>
#map1 = affine_map<(d0, d1) -> (0)>
module attributes {stable_mosaic.version = 14 : i64} {
  func.func @_edge_gather(%arg0: i32, %arg1: i32, %arg2: memref<10000x128xf32, #tpu.memory_space<hbm>>, %arg3: memref<10000x128xf32, #tpu.memory_space<hbm>>, %arg4: memref<160000xi32, #tpu.memory_space<hbm>>, %arg5: memref<160000xi32, #tpu.memory_space<hbm>>, %arg6: memref<160000x128xf32, #tpu.memory_space<hbm>>, %arg7: memref<5120xi32, #tpu.memory_space<vmem>>, %arg8: memref<5120xi32, #tpu.memory_space<vmem>>, %arg9: memref<128x128xf32, #tpu.memory_space<vmem>>, %arg10: memref<128x128xf32, #tpu.memory_space<vmem>>, %arg11: memref<128x128xf32, #tpu.memory_space<vmem>>, %arg12: memref<128x128xf32, #tpu.memory_space<vmem>>, %arg13: memref<!tpu.dma_semaphore, #tpu.memory_space<semaphore_mem>>, %arg14: memref<!tpu.dma_semaphore, #tpu.memory_space<semaphore_mem>>, %arg15: memref<!tpu.dma_semaphore, #tpu.memory_space<semaphore_mem>>, %arg16: memref<!tpu.dma_semaphore, #tpu.memory_space<semaphore_mem>>, %arg17: memref<!tpu.dma_semaphore, #tpu.memory_space<semaphore_mem>>, %arg18: memref<!tpu.dma_semaphore, #tpu.memory_space<semaphore_mem>>) attributes {dimension_semantics = [#tpu.dimension_semantics<core_parallel>, #tpu.dimension_semantics<subcore_parallel>], iteration_bounds = array<i64: 2, 16>, scalar_prefetch = 0 : i64, scratch_operands = 12 : i64, tpu.core_type = #tpu.core_type<sc_vector_subcore>, window_params = [{transform_indices = #map}, {transform_indices = #map}, {transform_indices = #map1}, {transform_indices = #map1}, {transform_indices = #map}]} {
    %mul3A = arith.constant 2 : i32
    %mul3A_0 = arith.muli %arg1, %mul3A : i32
    %add3A = arith.addi %mul3A_0, %arg0 : i32
    %mul3A_1 = arith.constant 39 : i32
    %mul3A_2 = arith.muli %add3A, %mul3A_1 : i32
    %mul3A_3 = arith.constant 128 : i32
    %mul3A_4 = arith.muli %mul3A_2, %mul3A_3 : i32
    "tpu.region"() ({
      %run_scoped3A = tpu.sem_alloc : memref<!tpu.dma_semaphore, #tpu.memory_space<semaphore_mem>>
      %dma_start3A_70 = arith.constant 0 : i32
      %dma_start3A_71 = tpu.memref_slice %arg7[%dma_start3A_70] : memref<5120xi32, #tpu.memory_space<vmem>> -> memref<4992xi32, #tpu.memory_space<vmem>>
      %dma_start3A_72 = tpu.memref_slice %arg4[%mul3A_4] : memref<160000xi32, #tpu.memory_space<hbm>> -> memref<4992xi32, #tpu.memory_space<hbm>>
      %dma_start3A_73 = arith.constant 0 : i32
      %dma_start3A_74 = tpu.memref_slice %arg7[%dma_start3A_73] : memref<5120xi32, #tpu.memory_space<vmem>> -> memref<4992xi32, #tpu.memory_space<vmem>>
      %dma_start3A_75 = tpu.memref_slice %arg4[%mul3A_4] : memref<160000xi32, #tpu.memory_space<hbm>> -> memref<4992xi32, #tpu.memory_space<hbm>>
      tpu.enqueue_dma source(%dma_start3A_75 : memref<4992xi32, #tpu.memory_space<hbm>>) target(%dma_start3A_74 : memref<4992xi32, #tpu.memory_space<vmem>>) target_semaphore(%run_scoped3A : memref<!tpu.dma_semaphore, #tpu.memory_space<semaphore_mem>>)
      %dma_wait3A_76 = arith.constant 0 : i32
      %dma_wait3A_77 = tpu.memref_slice %arg7[%dma_wait3A_76] : memref<5120xi32, #tpu.memory_space<vmem>> -> memref<4992xi32, #tpu.memory_space<vmem>>
      %dma_wait3A_78 = tpu.memref_slice %arg4[%mul3A_4] : memref<160000xi32, #tpu.memory_space<hbm>> -> memref<4992xi32, #tpu.memory_space<hbm>>
      %dma_wait3A_79 = arith.constant 0 : i32
      %dma_wait3A_80 = tpu.memref_slice %arg7[%dma_wait3A_79] : memref<5120xi32, #tpu.memory_space<vmem>> -> memref<4992xi32, #tpu.memory_space<vmem>>
      %dma_wait3A_81 = tpu.memref_slice %arg4[%mul3A_4] : memref<160000xi32, #tpu.memory_space<hbm>> -> memref<4992xi32, #tpu.memory_space<hbm>>
      tpu.wait_dma2 semaphore(%run_scoped3A : memref<!tpu.dma_semaphore, #tpu.memory_space<semaphore_mem>>) src(%dma_wait3A_81 : memref<4992xi32, #tpu.memory_space<hbm>>) dst(%dma_wait3A_80 : memref<4992xi32, #tpu.memory_space<vmem>>)
      tpu.yield
    }) : () -> ()
    "tpu.region"() ({
      %run_scoped3A = tpu.sem_alloc : memref<!tpu.dma_semaphore, #tpu.memory_space<semaphore_mem>>
      %dma_start3A_70 = arith.constant 0 : i32
      %dma_start3A_71 = tpu.memref_slice %arg8[%dma_start3A_70] : memref<5120xi32, #tpu.memory_space<vmem>> -> memref<4992xi32, #tpu.memory_space<vmem>>
      %dma_start3A_72 = tpu.memref_slice %arg5[%mul3A_4] : memref<160000xi32, #tpu.memory_space<hbm>> -> memref<4992xi32, #tpu.memory_space<hbm>>
      %dma_start3A_73 = arith.constant 0 : i32
      %dma_start3A_74 = tpu.memref_slice %arg8[%dma_start3A_73] : memref<5120xi32, #tpu.memory_space<vmem>> -> memref<4992xi32, #tpu.memory_space<vmem>>
      %dma_start3A_75 = tpu.memref_slice %arg5[%mul3A_4] : memref<160000xi32, #tpu.memory_space<hbm>> -> memref<4992xi32, #tpu.memory_space<hbm>>
      tpu.enqueue_dma source(%dma_start3A_75 : memref<4992xi32, #tpu.memory_space<hbm>>) target(%dma_start3A_74 : memref<4992xi32, #tpu.memory_space<vmem>>) target_semaphore(%run_scoped3A : memref<!tpu.dma_semaphore, #tpu.memory_space<semaphore_mem>>)
      %dma_wait3A_76 = arith.constant 0 : i32
      %dma_wait3A_77 = tpu.memref_slice %arg8[%dma_wait3A_76] : memref<5120xi32, #tpu.memory_space<vmem>> -> memref<4992xi32, #tpu.memory_space<vmem>>
      %dma_wait3A_78 = tpu.memref_slice %arg5[%mul3A_4] : memref<160000xi32, #tpu.memory_space<hbm>> -> memref<4992xi32, #tpu.memory_space<hbm>>
      %dma_wait3A_79 = arith.constant 0 : i32
      %dma_wait3A_80 = tpu.memref_slice %arg8[%dma_wait3A_79] : memref<5120xi32, #tpu.memory_space<vmem>> -> memref<4992xi32, #tpu.memory_space<vmem>>
      %dma_wait3A_81 = tpu.memref_slice %arg5[%mul3A_4] : memref<160000xi32, #tpu.memory_space<hbm>> -> memref<4992xi32, #tpu.memory_space<hbm>>
      tpu.wait_dma2 semaphore(%run_scoped3A : memref<!tpu.dma_semaphore, #tpu.memory_space<semaphore_mem>>) src(%dma_wait3A_81 : memref<4992xi32, #tpu.memory_space<hbm>>) dst(%dma_wait3A_80 : memref<4992xi32, #tpu.memory_space<vmem>>)
      tpu.yield
    }) : () -> ()
    %lt3A = arith.constant 2 : i32
    %lt3A_5 = arith.cmpi slt, %add3A, %lt3A : i32
    %convert_element_type3A = arith.extui %lt3A_5 : i1 to i32
    %cond3A = arith.constant 0 : i32
    %cond3A_6 = arith.cmpi ne, %convert_element_type3A, %cond3A : i32
    scf.if %cond3A_6 {
      %add3A_70 = arith.constant 1248 : i32
      %add3A_71 = arith.addi %add3A_70, %add3A : i32
      %mul3A_72 = arith.constant 128 : i32
      %mul3A_73 = arith.muli %add3A_71, %mul3A_72 : i32
      "tpu.region"() ({
        %run_scoped3A = tpu.sem_alloc : memref<!tpu.dma_semaphore, #tpu.memory_space<semaphore_mem>>
        %dma_start3A_74 = arith.constant 4992 : i32
        %dma_start3A_75 = tpu.memref_slice %arg7[%dma_start3A_74] : memref<5120xi32, #tpu.memory_space<vmem>> -> memref<128xi32, #tpu.memory_space<vmem>>
        %dma_start3A_76 = tpu.memref_slice %arg4[%mul3A_73] : memref<160000xi32, #tpu.memory_space<hbm>> -> memref<128xi32, #tpu.memory_space<hbm>>
        %dma_start3A_77 = arith.constant 4992 : i32
        %dma_start3A_78 = tpu.memref_slice %arg7[%dma_start3A_77] : memref<5120xi32, #tpu.memory_space<vmem>> -> memref<128xi32, #tpu.memory_space<vmem>>
        %dma_start3A_79 = tpu.memref_slice %arg4[%mul3A_73] : memref<160000xi32, #tpu.memory_space<hbm>> -> memref<128xi32, #tpu.memory_space<hbm>>
        tpu.enqueue_dma source(%dma_start3A_79 : memref<128xi32, #tpu.memory_space<hbm>>) target(%dma_start3A_78 : memref<128xi32, #tpu.memory_space<vmem>>) target_semaphore(%run_scoped3A : memref<!tpu.dma_semaphore, #tpu.memory_space<semaphore_mem>>)
        %dma_wait3A_80 = arith.constant 4992 : i32
        %dma_wait3A_81 = tpu.memref_slice %arg7[%dma_wait3A_80] : memref<5120xi32, #tpu.memory_space<vmem>> -> memref<128xi32, #tpu.memory_space<vmem>>
        %dma_wait3A_82 = tpu.memref_slice %arg4[%mul3A_73] : memref<160000xi32, #tpu.memory_space<hbm>> -> memref<128xi32, #tpu.memory_space<hbm>>
        %dma_wait3A_83 = arith.constant 4992 : i32
        %dma_wait3A_84 = tpu.memref_slice %arg7[%dma_wait3A_83] : memref<5120xi32, #tpu.memory_space<vmem>> -> memref<128xi32, #tpu.memory_space<vmem>>
        %dma_wait3A_85 = tpu.memref_slice %arg4[%mul3A_73] : memref<160000xi32, #tpu.memory_space<hbm>> -> memref<128xi32, #tpu.memory_space<hbm>>
        tpu.wait_dma2 semaphore(%run_scoped3A : memref<!tpu.dma_semaphore, #tpu.memory_space<semaphore_mem>>) src(%dma_wait3A_85 : memref<128xi32, #tpu.memory_space<hbm>>) dst(%dma_wait3A_84 : memref<128xi32, #tpu.memory_space<vmem>>)
        tpu.yield
      }) : () -> ()
      "tpu.region"() ({
        %run_scoped3A = tpu.sem_alloc : memref<!tpu.dma_semaphore, #tpu.memory_space<semaphore_mem>>
        %dma_start3A_74 = arith.constant 4992 : i32
        %dma_start3A_75 = tpu.memref_slice %arg8[%dma_start3A_74] : memref<5120xi32, #tpu.memory_space<vmem>> -> memref<128xi32, #tpu.memory_space<vmem>>
        %dma_start3A_76 = tpu.memref_slice %arg5[%mul3A_73] : memref<160000xi32, #tpu.memory_space<hbm>> -> memref<128xi32, #tpu.memory_space<hbm>>
        %dma_start3A_77 = arith.constant 4992 : i32
        %dma_start3A_78 = tpu.memref_slice %arg8[%dma_start3A_77] : memref<5120xi32, #tpu.memory_space<vmem>> -> memref<128xi32, #tpu.memory_space<vmem>>
        %dma_start3A_79 = tpu.memref_slice %arg5[%mul3A_73] : memref<160000xi32, #tpu.memory_space<hbm>> -> memref<128xi32, #tpu.memory_space<hbm>>
        tpu.enqueue_dma source(%dma_start3A_79 : memref<128xi32, #tpu.memory_space<hbm>>) target(%dma_start3A_78 : memref<128xi32, #tpu.memory_space<vmem>>) target_semaphore(%run_scoped3A : memref<!tpu.dma_semaphore, #tpu.memory_space<semaphore_mem>>)
        %dma_wait3A_80 = arith.constant 4992 : i32
        %dma_wait3A_81 = tpu.memref_slice %arg8[%dma_wait3A_80] : memref<5120xi32, #tpu.memory_space<vmem>> -> memref<128xi32, #tpu.memory_space<vmem>>
        %dma_wait3A_82 = tpu.memref_slice %arg5[%mul3A_73] : memref<160000xi32, #tpu.memory_space<hbm>> -> memref<128xi32, #tpu.memory_space<hbm>>
        %dma_wait3A_83 = arith.constant 4992 : i32
        %dma_wait3A_84 = tpu.memref_slice %arg8[%dma_wait3A_83] : memref<5120xi32, #tpu.memory_space<vmem>> -> memref<128xi32, #tpu.memory_space<vmem>>
        %dma_wait3A_85 = tpu.memref_slice %arg5[%mul3A_73] : memref<160000xi32, #tpu.memory_space<hbm>> -> memref<128xi32, #tpu.memory_space<hbm>>
        tpu.wait_dma2 semaphore(%run_scoped3A : memref<!tpu.dma_semaphore, #tpu.memory_space<semaphore_mem>>) src(%dma_wait3A_85 : memref<128xi32, #tpu.memory_space<hbm>>) dst(%dma_wait3A_84 : memref<128xi32, #tpu.memory_space<vmem>>)
        tpu.yield
      }) : () -> ()
    } else {
    }
    %dma_start3A = arith.constant 0 : i32
    %dma_start3A_7 = tpu.memref_slice %arg7[%dma_start3A] : memref<5120xi32, #tpu.memory_space<vmem>> -> memref<128xi32, #tpu.memory_space<vmem>>
    %dma_start3A_8 = arith.constant 0 : i32
    %dma_start3A_9 = arith.constant 0 : i32
    %dma_start3A_10 = tpu.memref_slice %arg2[%dma_start3A_8, %dma_start3A_9] : memref<10000x128xf32, #tpu.memory_space<hbm>> -> memref<10000x128xf32, #tpu.memory_space<hbm>>
    tpu.enqueue_indirect_dma source(%dma_start3A_10 : memref<10000x128xf32, #tpu.memory_space<hbm>>) target(%arg9 : memref<128x128xf32, #tpu.memory_space<vmem>>) offsets(%dma_start3A_7 : memref<128xi32, #tpu.memory_space<vmem>>) semaphore(%arg13 : memref<!tpu.dma_semaphore, #tpu.memory_space<semaphore_mem>>)
    %dma_start3A_11 = arith.constant 0 : i32
    %dma_start3A_12 = tpu.memref_slice %arg8[%dma_start3A_11] : memref<5120xi32, #tpu.memory_space<vmem>> -> memref<128xi32, #tpu.memory_space<vmem>>
    %dma_start3A_13 = arith.constant 0 : i32
    %dma_start3A_14 = arith.constant 0 : i32
    %dma_start3A_15 = tpu.memref_slice %arg3[%dma_start3A_13, %dma_start3A_14] : memref<10000x128xf32, #tpu.memory_space<hbm>> -> memref<10000x128xf32, #tpu.memory_space<hbm>>
    tpu.enqueue_indirect_dma source(%dma_start3A_15 : memref<10000x128xf32, #tpu.memory_space<hbm>>) target(%arg10 : memref<128x128xf32, #tpu.memory_space<vmem>>) offsets(%dma_start3A_12 : memref<128xi32, #tpu.memory_space<vmem>>) semaphore(%arg14 : memref<!tpu.dma_semaphore, #tpu.memory_space<semaphore_mem>>)
    %scan3A = arith.constant 0 : i32
    %scan3A_16 = arith.constant 0 : i32
    %scan3A_17 = arith.constant 19 : i32
    %scan3A_18 = arith.addi %scan3A_16, %scan3A_17 : i32
    %scan3A_19 = arith.constant 1 : i32
    %scan3A_20 = scf.for %scan3A_70 = %scan3A_16 to %scan3A_18 step %scan3A_19 iter_args(%scan3A_71 = %scan3A) -> (i32)  : i32 {
      %gt3A = arith.constant 0 : i32
      %gt3A_72 = arith.cmpi sgt, %scan3A_70, %gt3A : i32
      %convert_element_type3A_73 = arith.extui %gt3A_72 : i1 to i32
      %cond3A_74 = arith.constant 0 : i32
      %cond3A_75 = arith.cmpi ne, %convert_element_type3A_73, %cond3A_74 : i32
      scf.if %cond3A_75 {
        %dma_wait3A_165 = arith.constant 0 : i32
        %dma_wait3A_166 = arith.constant 0 : i32
        %dma_wait3A_167 = tpu.memref_slice %arg6[%dma_wait3A_165, %dma_wait3A_166] : memref<160000x128xf32, #tpu.memory_space<hbm>> -> memref<128x128xf32, #tpu.memory_space<hbm>>
        %dma_wait3A_168 = arith.constant 0 : i32
        %dma_wait3A_169 = arith.constant 0 : i32
        %dma_wait3A_170 = tpu.memref_slice %arg6[%dma_wait3A_168, %dma_wait3A_169] : memref<160000x128xf32, #tpu.memory_space<hbm>> -> memref<128x128xf32, #tpu.memory_space<hbm>>
        tpu.wait_dma2 semaphore(%arg18 : memref<!tpu.dma_semaphore, #tpu.memory_space<semaphore_mem>>) src(%arg11 : memref<128x128xf32, #tpu.memory_space<vmem>>) dst(%dma_wait3A_170 : memref<128x128xf32, #tpu.memory_space<hbm>>)
      } else {
      }
      %mul3A_76 = arith.constant 2 : i32
      %mul3A_77 = arith.muli %mul3A_76, %scan3A_70 : i32
      %add3A_78 = arith.constant 1 : i32
      %add3A_79 = arith.addi %mul3A_77, %add3A_78 : i32
      %mul3A_80 = arith.constant 128 : i32
      %mul3A_81 = arith.muli %add3A_79, %mul3A_80 : i32
      %dma_start3A_82 = tpu.memref_slice %arg7[%mul3A_81] : memref<5120xi32, #tpu.memory_space<vmem>> -> memref<128xi32, #tpu.memory_space<vmem>>
      %dma_start3A_83 = arith.constant 0 : i32
      %dma_start3A_84 = arith.constant 0 : i32
      %dma_start3A_85 = tpu.memref_slice %arg2[%dma_start3A_83, %dma_start3A_84] : memref<10000x128xf32, #tpu.memory_space<hbm>> -> memref<10000x128xf32, #tpu.memory_space<hbm>>
      tpu.enqueue_indirect_dma source(%dma_start3A_85 : memref<10000x128xf32, #tpu.memory_space<hbm>>) target(%arg11 : memref<128x128xf32, #tpu.memory_space<vmem>>) offsets(%dma_start3A_82 : memref<128xi32, #tpu.memory_space<vmem>>) semaphore(%arg15 : memref<!tpu.dma_semaphore, #tpu.memory_space<semaphore_mem>>)
      %mul3A_86 = arith.constant 128 : i32
      %mul3A_87 = arith.muli %add3A_79, %mul3A_86 : i32
      %dma_start3A_88 = tpu.memref_slice %arg8[%mul3A_87] : memref<5120xi32, #tpu.memory_space<vmem>> -> memref<128xi32, #tpu.memory_space<vmem>>
      %dma_start3A_89 = arith.constant 0 : i32
      %dma_start3A_90 = arith.constant 0 : i32
      %dma_start3A_91 = tpu.memref_slice %arg3[%dma_start3A_89, %dma_start3A_90] : memref<10000x128xf32, #tpu.memory_space<hbm>> -> memref<10000x128xf32, #tpu.memory_space<hbm>>
      tpu.enqueue_indirect_dma source(%dma_start3A_91 : memref<10000x128xf32, #tpu.memory_space<hbm>>) target(%arg12 : memref<128x128xf32, #tpu.memory_space<vmem>>) offsets(%dma_start3A_88 : memref<128xi32, #tpu.memory_space<vmem>>) semaphore(%arg16 : memref<!tpu.dma_semaphore, #tpu.memory_space<semaphore_mem>>)
      %dma_wait3A_92 = arith.constant 0 : i32
      %dma_wait3A_93 = arith.constant 0 : i32
      %dma_wait3A_94 = tpu.memref_slice %arg2[%dma_wait3A_92, %dma_wait3A_93] : memref<10000x128xf32, #tpu.memory_space<hbm>> -> memref<128x128xf32, #tpu.memory_space<hbm>>
      %dma_wait3A_95 = arith.constant 0 : i32
      %dma_wait3A_96 = arith.constant 0 : i32
      %dma_wait3A_97 = tpu.memref_slice %arg2[%dma_wait3A_95, %dma_wait3A_96] : memref<10000x128xf32, #tpu.memory_space<hbm>> -> memref<128x128xf32, #tpu.memory_space<hbm>>
      tpu.wait_dma2 semaphore(%arg13 : memref<!tpu.dma_semaphore, #tpu.memory_space<semaphore_mem>>) src(%dma_wait3A_97 : memref<128x128xf32, #tpu.memory_space<hbm>>) dst(%arg9 : memref<128x128xf32, #tpu.memory_space<vmem>>)
      %dma_wait3A_98 = arith.constant 0 : i32
      %dma_wait3A_99 = arith.constant 0 : i32
      %dma_wait3A_100 = tpu.memref_slice %arg3[%dma_wait3A_98, %dma_wait3A_99] : memref<10000x128xf32, #tpu.memory_space<hbm>> -> memref<128x128xf32, #tpu.memory_space<hbm>>
      %dma_wait3A_101 = arith.constant 0 : i32
      %dma_wait3A_102 = arith.constant 0 : i32
      %dma_wait3A_103 = tpu.memref_slice %arg3[%dma_wait3A_101, %dma_wait3A_102] : memref<10000x128xf32, #tpu.memory_space<hbm>> -> memref<128x128xf32, #tpu.memory_space<hbm>>
      tpu.wait_dma2 semaphore(%arg14 : memref<!tpu.dma_semaphore, #tpu.memory_space<semaphore_mem>>) src(%dma_wait3A_103 : memref<128x128xf32, #tpu.memory_space<hbm>>) dst(%arg10 : memref<128x128xf32, #tpu.memory_space<vmem>>)
      %scan3A_104 = arith.constant 0 : i32
      %scan3A_105 = arith.constant 0 : i32
      %scan3A_106 = arith.constant 128 : i32
      %scan3A_107 = arith.addi %scan3A_105, %scan3A_106 : i32
      %scan3A_108 = arith.constant 1 : i32
      %scan3A_109 = scf.for %scan3A_165 = %scan3A_105 to %scan3A_107 step %scan3A_108 iter_args(%scan3A_166 = %scan3A_104) -> (i32)  : i32 {
        %get3A = arith.index_cast %scan3A_165 : i32 to index
        %get3A_167 = arith.constant 0 : index
        %get3A_168 = tpu.vector_load %arg9[%get3A, %get3A_167] {strides = array<i32>} : memref<128x128xf32, #tpu.memory_space<vmem>>, vector<1x16xf32>,
        %get3A_169 = vector.shape_cast %get3A_168 : vector<1x16xf32> to vector<16xf32>
        %get3A_170 = arith.index_cast %scan3A_165 : i32 to index
        %get3A_171 = arith.constant 0 : index
        %get3A_172 = tpu.vector_load %arg10[%get3A_170, %get3A_171] {strides = array<i32>} : memref<128x128xf32, #tpu.memory_space<vmem>>, vector<1x16xf32>,
        %get3A_173 = vector.shape_cast %get3A_172 : vector<1x16xf32> to vector<16xf32>
        %add3A_174 = arith.addf %get3A_169, %get3A_173 : vector<16xf32>
        %swap3A = arith.index_cast %scan3A_165 : i32 to index
        %swap3A_175 = arith.constant 0 : index
        %swap3A_176 = tpu.vector_load %arg9[%swap3A, %swap3A_175] {strides = array<i32>} : memref<128x128xf32, #tpu.memory_space<vmem>>, vector<1x16xf32>,
        %swap3A_177 = vector.shape_cast %swap3A_176 : vector<1x16xf32> to vector<16xf32>
        %swap3A_178 = vector.shape_cast %add3A_174 : vector<16xf32> to vector<1x16xf32>
        tpu.vector_store %arg9[%swap3A, %swap3A_175], %swap3A_178 {strides = array<i32>} : memref<128x128xf32, #tpu.memory_space<vmem>>, vector<1x16xf32>,
        %get3A_179 = arith.index_cast %scan3A_165 : i32 to index
        %get3A_180 = arith.constant 16 : index
        %get3A_181 = tpu.vector_load %arg9[%get3A_179, %get3A_180] {strides = array<i32>} : memref<128x128xf32, #tpu.memory_space<vmem>>, vector<1x16xf32>,
        %get3A_182 = vector.shape_cast %get3A_181 : vector<1x16xf32> to vector<16xf32>
        %get3A_183 = arith.index_cast %scan3A_165 : i32 to index
        %get3A_184 = arith.constant 16 : index
        %get3A_185 = tpu.vector_load %arg10[%get3A_183, %get3A_184] {strides = array<i32>} : memref<128x128xf32, #tpu.memory_space<vmem>>, vector<1x16xf32>,
        %get3A_186 = vector.shape_cast %get3A_185 : vector<1x16xf32> to vector<16xf32>
        %add3A_187 = arith.addf %get3A_182, %get3A_186 : vector<16xf32>
        %swap3A_188 = arith.index_cast %scan3A_165 : i32 to index
        %swap3A_189 = arith.constant 16 : index
        %swap3A_190 = tpu.vector_load %arg9[%swap3A_188, %swap3A_189] {strides = array<i32>} : memref<128x128xf32, #tpu.memory_space<vmem>>, vector<1x16xf32>,
        %swap3A_191 = vector.shape_cast %swap3A_190 : vector<1x16xf32> to vector<16xf32>
        %swap3A_192 = vector.shape_cast %add3A_187 : vector<16xf32> to vector<1x16xf32>
        tpu.vector_store %arg9[%swap3A_188, %swap3A_189], %swap3A_192 {strides = array<i32>} : memref<128x128xf32, #tpu.memory_space<vmem>>, vector<1x16xf32>,
        %get3A_193 = arith.index_cast %scan3A_165 : i32 to index
        %get3A_194 = arith.constant 32 : index
        %get3A_195 = tpu.vector_load %arg9[%get3A_193, %get3A_194] {strides = array<i32>} : memref<128x128xf32, #tpu.memory_space<vmem>>, vector<1x16xf32>,
        %get3A_196 = vector.shape_cast %get3A_195 : vector<1x16xf32> to vector<16xf32>
        %get3A_197 = arith.index_cast %scan3A_165 : i32 to index
        %get3A_198 = arith.constant 32 : index
        %get3A_199 = tpu.vector_load %arg10[%get3A_197, %get3A_198] {strides = array<i32>} : memref<128x128xf32, #tpu.memory_space<vmem>>, vector<1x16xf32>,
        %get3A_200 = vector.shape_cast %get3A_199 : vector<1x16xf32> to vector<16xf32>
        %add3A_201 = arith.addf %get3A_196, %get3A_200 : vector<16xf32>
        %swap3A_202 = arith.index_cast %scan3A_165 : i32 to index
        %swap3A_203 = arith.constant 32 : index
        %swap3A_204 = tpu.vector_load %arg9[%swap3A_202, %swap3A_203] {strides = array<i32>} : memref<128x128xf32, #tpu.memory_space<vmem>>, vector<1x16xf32>,
        %swap3A_205 = vector.shape_cast %swap3A_204 : vector<1x16xf32> to vector<16xf32>
        %swap3A_206 = vector.shape_cast %add3A_201 : vector<16xf32> to vector<1x16xf32>
        tpu.vector_store %arg9[%swap3A_202, %swap3A_203], %swap3A_206 {strides = array<i32>} : memref<128x128xf32, #tpu.memory_space<vmem>>, vector<1x16xf32>,
        %get3A_207 = arith.index_cast %scan3A_165 : i32 to index
        %get3A_208 = arith.constant 48 : index
        %get3A_209 = tpu.vector_load %arg9[%get3A_207, %get3A_208] {strides = array<i32>} : memref<128x128xf32, #tpu.memory_space<vmem>>, vector<1x16xf32>,
        %get3A_210 = vector.shape_cast %get3A_209 : vector<1x16xf32> to vector<16xf32>
        %get3A_211 = arith.index_cast %scan3A_165 : i32 to index
        %get3A_212 = arith.constant 48 : index
        %get3A_213 = tpu.vector_load %arg10[%get3A_211, %get3A_212] {strides = array<i32>} : memref<128x128xf32, #tpu.memory_space<vmem>>, vector<1x16xf32>,
        %get3A_214 = vector.shape_cast %get3A_213 : vector<1x16xf32> to vector<16xf32>
        %add3A_215 = arith.addf %get3A_210, %get3A_214 : vector<16xf32>
        %swap3A_216 = arith.index_cast %scan3A_165 : i32 to index
        %swap3A_217 = arith.constant 48 : index
        %swap3A_218 = tpu.vector_load %arg9[%swap3A_216, %swap3A_217] {strides = array<i32>} : memref<128x128xf32, #tpu.memory_space<vmem>>, vector<1x16xf32>,
        %swap3A_219 = vector.shape_cast %swap3A_218 : vector<1x16xf32> to vector<16xf32>
        %swap3A_220 = vector.shape_cast %add3A_215 : vector<16xf32> to vector<1x16xf32>
        tpu.vector_store %arg9[%swap3A_216, %swap3A_217], %swap3A_220 {strides = array<i32>} : memref<128x128xf32, #tpu.memory_space<vmem>>, vector<1x16xf32>,
        %get3A_221 = arith.index_cast %scan3A_165 : i32 to index
        %get3A_222 = arith.constant 64 : index
        %get3A_223 = tpu.vector_load %arg9[%get3A_221, %get3A_222] {strides = array<i32>} : memref<128x128xf32, #tpu.memory_space<vmem>>, vector<1x16xf32>,
        %get3A_224 = vector.shape_cast %get3A_223 : vector<1x16xf32> to vector<16xf32>
        %get3A_225 = arith.index_cast %scan3A_165 : i32 to index
        %get3A_226 = arith.constant 64 : index
        %get3A_227 = tpu.vector_load %arg10[%get3A_225, %get3A_226] {strides = array<i32>} : memref<128x128xf32, #tpu.memory_space<vmem>>, vector<1x16xf32>,
        %get3A_228 = vector.shape_cast %get3A_227 : vector<1x16xf32> to vector<16xf32>
        %add3A_229 = arith.addf %get3A_224, %get3A_228 : vector<16xf32>
        %swap3A_230 = arith.index_cast %scan3A_165 : i32 to index
        %swap3A_231 = arith.constant 64 : index
        %swap3A_232 = tpu.vector_load %arg9[%swap3A_230, %swap3A_231] {strides = array<i32>} : memref<128x128xf32, #tpu.memory_space<vmem>>, vector<1x16xf32>,
        %swap3A_233 = vector.shape_cast %swap3A_232 : vector<1x16xf32> to vector<16xf32>
        %swap3A_234 = vector.shape_cast %add3A_229 : vector<16xf32> to vector<1x16xf32>
        tpu.vector_store %arg9[%swap3A_230, %swap3A_231], %swap3A_234 {strides = array<i32>} : memref<128x128xf32, #tpu.memory_space<vmem>>, vector<1x16xf32>,
        %get3A_235 = arith.index_cast %scan3A_165 : i32 to index
        %get3A_236 = arith.constant 80 : index
        %get3A_237 = tpu.vector_load %arg9[%get3A_235, %get3A_236] {strides = array<i32>} : memref<128x128xf32, #tpu.memory_space<vmem>>, vector<1x16xf32>,
        %get3A_238 = vector.shape_cast %get3A_237 : vector<1x16xf32> to vector<16xf32>
        %get3A_239 = arith.index_cast %scan3A_165 : i32 to index
        %get3A_240 = arith.constant 80 : index
        %get3A_241 = tpu.vector_load %arg10[%get3A_239, %get3A_240] {strides = array<i32>} : memref<128x128xf32, #tpu.memory_space<vmem>>, vector<1x16xf32>,
        %get3A_242 = vector.shape_cast %get3A_241 : vector<1x16xf32> to vector<16xf32>
        %add3A_243 = arith.addf %get3A_238, %get3A_242 : vector<16xf32>
        %swap3A_244 = arith.index_cast %scan3A_165 : i32 to index
        %swap3A_245 = arith.constant 80 : index
        %swap3A_246 = tpu.vector_load %arg9[%swap3A_244, %swap3A_245] {strides = array<i32>} : memref<128x128xf32, #tpu.memory_space<vmem>>, vector<1x16xf32>,
        %swap3A_247 = vector.shape_cast %swap3A_246 : vector<1x16xf32> to vector<16xf32>
        %swap3A_248 = vector.shape_cast %add3A_243 : vector<16xf32> to vector<1x16xf32>
        tpu.vector_store %arg9[%swap3A_244, %swap3A_245], %swap3A_248 {strides = array<i32>} : memref<128x128xf32, #tpu.memory_space<vmem>>, vector<1x16xf32>,
        %scan3A_249 = arith.constant 0 : i32
        scf.yield %scan3A_249 : i32
      }
      %scan3A_110 = arith.constant 128 : i32
      %mul3A_111 = arith.constant 2 : i32
      %mul3A_112 = arith.muli %mul3A_111, %scan3A_70 : i32
      %add3A_113 = arith.addi %mul3A_2, %mul3A_112 : i32
      %mul3A_114 = arith.constant 128 : i32
      %mul3A_115 = arith.muli %add3A_113, %mul3A_114 : i32
      %dma_start3A_116 = arith.constant 0 : i32
      %dma_start3A_117 = tpu.memref_slice %arg6[%mul3A_115, %dma_start3A_116] : memref<160000x128xf32, #tpu.memory_space<hbm>> -> memref<128x128xf32, #tpu.memory_space<hbm>>
      %dma_start3A_118 = arith.constant 0 : i32
      %dma_start3A_119 = tpu.memref_slice %arg6[%mul3A_115, %dma_start3A_118] : memref<160000x128xf32, #tpu.memory_space<hbm>> -> memref<128x128xf32, #tpu.memory_space<hbm>>
      tpu.enqueue_dma source(%arg9 : memref<128x128xf32, #tpu.memory_space<vmem>>) target(%dma_start3A_119 : memref<128x128xf32, #tpu.memory_space<hbm>>) target_semaphore(%arg17 : memref<!tpu.dma_semaphore, #tpu.memory_space<semaphore_mem>>)
      %dma_wait3A_120 = arith.constant 0 : i32
      %dma_wait3A_121 = arith.constant 0 : i32
      %dma_wait3A_122 = tpu.memref_slice %arg6[%dma_wait3A_120, %dma_wait3A_121] : memref<160000x128xf32, #tpu.memory_space<hbm>> -> memref<128x128xf32, #tpu.memory_space<hbm>>
      %dma_wait3A_123 = arith.constant 0 : i32
      %dma_wait3A_124 = arith.constant 0 : i32
      %dma_wait3A_125 = tpu.memref_slice %arg6[%dma_wait3A_123, %dma_wait3A_124] : memref<160000x128xf32, #tpu.memory_space<hbm>> -> memref<128x128xf32, #tpu.memory_space<hbm>>
      tpu.wait_dma2 semaphore(%arg17 : memref<!tpu.dma_semaphore, #tpu.memory_space<semaphore_mem>>) src(%arg9 : memref<128x128xf32, #tpu.memory_space<vmem>>) dst(%dma_wait3A_125 : memref<128x128xf32, #tpu.memory_space<hbm>>)
      %mul3A_126 = arith.constant 2 : i32
      %mul3A_127 = arith.muli %mul3A_126, %scan3A_70 : i32
      %add3A_128 = arith.constant 2 : i32
      %add3A_129 = arith.addi %mul3A_127, %add3A_128 : i32
      %le3A = arith.constant 38 : i32
      %le3A_130 = arith.cmpi sle, %add3A_129, %le3A : i32
      %convert_element_type3A_131 = arith.extui %le3A_130 : i1 to i32
      %cond3A_132 = arith.constant 0 : i32
      %cond3A_133 = arith.cmpi ne, %convert_element_type3A_131, %cond3A_132 : i32
      scf.if %cond3A_133 {
        %mul3A_165 = arith.constant 2 : i32
        %mul3A_166 = arith.muli %mul3A_165, %scan3A_70 : i32
        %add3A_167 = arith.constant 2 : i32
        %add3A_168 = arith.addi %mul3A_166, %add3A_167 : i32
        %mul3A_169 = arith.constant 128 : i32
        %mul3A_170 = arith.muli %add3A_168, %mul3A_169 : i32
        %dma_start3A_171 = tpu.memref_slice %arg7[%mul3A_170] : memref<5120xi32, #tpu.memory_space<vmem>> -> memref<128xi32, #tpu.memory_space<vmem>>
        %dma_start3A_172 = arith.constant 0 : i32
        %dma_start3A_173 = arith.constant 0 : i32
        %dma_start3A_174 = tpu.memref_slice %arg2[%dma_start3A_172, %dma_start3A_173] : memref<10000x128xf32, #tpu.memory_space<hbm>> -> memref<10000x128xf32, #tpu.memory_space<hbm>>
        tpu.enqueue_indirect_dma source(%dma_start3A_174 : memref<10000x128xf32, #tpu.memory_space<hbm>>) target(%arg9 : memref<128x128xf32, #tpu.memory_space<vmem>>) offsets(%dma_start3A_171 : memref<128xi32, #tpu.memory_space<vmem>>) semaphore(%arg13 : memref<!tpu.dma_semaphore, #tpu.memory_space<semaphore_mem>>)
        %mul3A_175 = arith.constant 128 : i32
        %mul3A_176 = arith.muli %add3A_168, %mul3A_175 : i32
        %dma_start3A_177 = tpu.memref_slice %arg8[%mul3A_176] : memref<5120xi32, #tpu.memory_space<vmem>> -> memref<128xi32, #tpu.memory_space<vmem>>
        %dma_start3A_178 = arith.constant 0 : i32
        %dma_start3A_179 = arith.constant 0 : i32
        %dma_start3A_180 = tpu.memref_slice %arg3[%dma_start3A_178, %dma_start3A_179] : memref<10000x128xf32, #tpu.memory_space<hbm>> -> memref<10000x128xf32, #tpu.memory_space<hbm>>
        tpu.enqueue_indirect_dma source(%dma_start3A_180 : memref<10000x128xf32, #tpu.memory_space<hbm>>) target(%arg10 : memref<128x128xf32, #tpu.memory_space<vmem>>) offsets(%dma_start3A_177 : memref<128xi32, #tpu.memory_space<vmem>>) semaphore(%arg14 : memref<!tpu.dma_semaphore, #tpu.memory_space<semaphore_mem>>)
      } else {
      }
      %dma_wait3A_134 = arith.constant 0 : i32
      %dma_wait3A_135 = arith.constant 0 : i32
      %dma_wait3A_136 = tpu.memref_slice %arg2[%dma_wait3A_134, %dma_wait3A_135] : memref<10000x128xf32, #tpu.memory_space<hbm>> -> memref<128x128xf32, #tpu.memory_space<hbm>>
      %dma_wait3A_137 = arith.constant 0 : i32
      %dma_wait3A_138 = arith.constant 0 : i32
      %dma_wait3A_139 = tpu.memref_slice %arg2[%dma_wait3A_137, %dma_wait3A_138] : memref<10000x128xf32, #tpu.memory_space<hbm>> -> memref<128x128xf32, #tpu.memory_space<hbm>>
      tpu.wait_dma2 semaphore(%arg15 : memref<!tpu.dma_semaphore, #tpu.memory_space<semaphore_mem>>) src(%dma_wait3A_139 : memref<128x128xf32, #tpu.memory_space<hbm>>) dst(%arg11 : memref<128x128xf32, #tpu.memory_space<vmem>>)
      %dma_wait3A_140 = arith.constant 0 : i32
      %dma_wait3A_141 = arith.constant 0 : i32
      %dma_wait3A_142 = tpu.memref_slice %arg3[%dma_wait3A_140, %dma_wait3A_141] : memref<10000x128xf32, #tpu.memory_space<hbm>> -> memref<128x128xf32, #tpu.memory_space<hbm>>
      %dma_wait3A_143 = arith.constant 0 : i32
      %dma_wait3A_144 = arith.constant 0 : i32
      %dma_wait3A_145 = tpu.memref_slice %arg3[%dma_wait3A_143, %dma_wait3A_144] : memref<10000x128xf32, #tpu.memory_space<hbm>> -> memref<128x128xf32, #tpu.memory_space<hbm>>
      tpu.wait_dma2 semaphore(%arg16 : memref<!tpu.dma_semaphore, #tpu.memory_space<semaphore_mem>>) src(%dma_wait3A_145 : memref<128x128xf32, #tpu.memory_space<hbm>>) dst(%arg12 : memref<128x128xf32, #tpu.memory_space<vmem>>)
      %scan3A_146 = arith.constant 0 : i32
      %scan3A_147 = arith.constant 0 : i32
      %scan3A_148 = arith.constant 128 : i32
      %scan3A_149 = arith.addi %scan3A_147, %scan3A_148 : i32
      %scan3A_150 = arith.constant 1 : i32
      %scan3A_151 = scf.for %scan3A_165 = %scan3A_147 to %scan3A_149 step %scan3A_150 iter_args(%scan3A_166 = %scan3A_146) -> (i32)  : i32 {
        %get3A = arith.index_cast %scan3A_165 : i32 to index
        %get3A_167 = arith.constant 0 : index
        %get3A_168 = tpu.vector_load %arg11[%get3A, %get3A_167] {strides = array<i32>} : memref<128x128xf32, #tpu.memory_space<vmem>>, vector<1x16xf32>,
        %get3A_169 = vector.shape_cast %get3A_168 : vector<1x16xf32> to vector<16xf32>
        %get3A_170 = arith.index_cast %scan3A_165 : i32 to index
        %get3A_171 = arith.constant 0 : index
        %get3A_172 = tpu.vector_load %arg12[%get3A_170, %get3A_171] {strides = array<i32>} : memref<128x128xf32, #tpu.memory_space<vmem>>, vector<1x16xf32>,
        %get3A_173 = vector.shape_cast %get3A_172 : vector<1x16xf32> to vector<16xf32>
        %add3A_174 = arith.addf %get3A_169, %get3A_173 : vector<16xf32>
        %swap3A = arith.index_cast %scan3A_165 : i32 to index
        %swap3A_175 = arith.constant 0 : index
        %swap3A_176 = tpu.vector_load %arg11[%swap3A, %swap3A_175] {strides = array<i32>} : memref<128x128xf32, #tpu.memory_space<vmem>>, vector<1x16xf32>,
        %swap3A_177 = vector.shape_cast %swap3A_176 : vector<1x16xf32> to vector<16xf32>
        %swap3A_178 = vector.shape_cast %add3A_174 : vector<16xf32> to vector<1x16xf32>
        tpu.vector_store %arg11[%swap3A, %swap3A_175], %swap3A_178 {strides = array<i32>} : memref<128x128xf32, #tpu.memory_space<vmem>>, vector<1x16xf32>,
        %get3A_179 = arith.index_cast %scan3A_165 : i32 to index
        %get3A_180 = arith.constant 16 : index
        %get3A_181 = tpu.vector_load %arg11[%get3A_179, %get3A_180] {strides = array<i32>} : memref<128x128xf32, #tpu.memory_space<vmem>>, vector<1x16xf32>,
        %get3A_182 = vector.shape_cast %get3A_181 : vector<1x16xf32> to vector<16xf32>
        %get3A_183 = arith.index_cast %scan3A_165 : i32 to index
        %get3A_184 = arith.constant 16 : index
        %get3A_185 = tpu.vector_load %arg12[%get3A_183, %get3A_184] {strides = array<i32>} : memref<128x128xf32, #tpu.memory_space<vmem>>, vector<1x16xf32>,
        %get3A_186 = vector.shape_cast %get3A_185 : vector<1x16xf32> to vector<16xf32>
        %add3A_187 = arith.addf %get3A_182, %get3A_186 : vector<16xf32>
        %swap3A_188 = arith.index_cast %scan3A_165 : i32 to index
        %swap3A_189 = arith.constant 16 : index
        %swap3A_190 = tpu.vector_load %arg11[%swap3A_188, %swap3A_189] {strides = array<i32>} : memref<128x128xf32, #tpu.memory_space<vmem>>, vector<1x16xf32>,
        %swap3A_191 = vector.shape_cast %swap3A_190 : vector<1x16xf32> to vector<16xf32>
        %swap3A_192 = vector.shape_cast %add3A_187 : vector<16xf32> to vector<1x16xf32>
        tpu.vector_store %arg11[%swap3A_188, %swap3A_189], %swap3A_192 {strides = array<i32>} : memref<128x128xf32, #tpu.memory_space<vmem>>, vector<1x16xf32>,
        %get3A_193 = arith.index_cast %scan3A_165 : i32 to index
        %get3A_194 = arith.constant 32 : index
        %get3A_195 = tpu.vector_load %arg11[%get3A_193, %get3A_194] {strides = array<i32>} : memref<128x128xf32, #tpu.memory_space<vmem>>, vector<1x16xf32>,
        %get3A_196 = vector.shape_cast %get3A_195 : vector<1x16xf32> to vector<16xf32>
        %get3A_197 = arith.index_cast %scan3A_165 : i32 to index
        %get3A_198 = arith.constant 32 : index
        %get3A_199 = tpu.vector_load %arg12[%get3A_197, %get3A_198] {strides = array<i32>} : memref<128x128xf32, #tpu.memory_space<vmem>>, vector<1x16xf32>,
        %get3A_200 = vector.shape_cast %get3A_199 : vector<1x16xf32> to vector<16xf32>
        %add3A_201 = arith.addf %get3A_196, %get3A_200 : vector<16xf32>
        %swap3A_202 = arith.index_cast %scan3A_165 : i32 to index
        %swap3A_203 = arith.constant 32 : index
        %swap3A_204 = tpu.vector_load %arg11[%swap3A_202, %swap3A_203] {strides = array<i32>} : memref<128x128xf32, #tpu.memory_space<vmem>>, vector<1x16xf32>,
        %swap3A_205 = vector.shape_cast %swap3A_204 : vector<1x16xf32> to vector<16xf32>
        %swap3A_206 = vector.shape_cast %add3A_201 : vector<16xf32> to vector<1x16xf32>
        tpu.vector_store %arg11[%swap3A_202, %swap3A_203], %swap3A_206 {strides = array<i32>} : memref<128x128xf32, #tpu.memory_space<vmem>>, vector<1x16xf32>,
        %get3A_207 = arith.index_cast %scan3A_165 : i32 to index
        %get3A_208 = arith.constant 48 : index
        %get3A_209 = tpu.vector_load %arg11[%get3A_207, %get3A_208] {strides = array<i32>} : memref<128x128xf32, #tpu.memory_space<vmem>>, vector<1x16xf32>,
        %get3A_210 = vector.shape_cast %get3A_209 : vector<1x16xf32> to vector<16xf32>
        %get3A_211 = arith.index_cast %scan3A_165 : i32 to index
        %get3A_212 = arith.constant 48 : index
        %get3A_213 = tpu.vector_load %arg12[%get3A_211, %get3A_212] {strides = array<i32>} : memref<128x128xf32, #tpu.memory_space<vmem>>, vector<1x16xf32>,
        %get3A_214 = vector.shape_cast %get3A_213 : vector<1x16xf32> to vector<16xf32>
        %add3A_215 = arith.addf %get3A_210, %get3A_214 : vector<16xf32>
        %swap3A_216 = arith.index_cast %scan3A_165 : i32 to index
        %swap3A_217 = arith.constant 48 : index
        %swap3A_218 = tpu.vector_load %arg11[%swap3A_216, %swap3A_217] {strides = array<i32>} : memref<128x128xf32, #tpu.memory_space<vmem>>, vector<1x16xf32>,
        %swap3A_219 = vector.shape_cast %swap3A_218 : vector<1x16xf32> to vector<16xf32>
        %swap3A_220 = vector.shape_cast %add3A_215 : vector<16xf32> to vector<1x16xf32>
        tpu.vector_store %arg11[%swap3A_216, %swap3A_217], %swap3A_220 {strides = array<i32>} : memref<128x128xf32, #tpu.memory_space<vmem>>, vector<1x16xf32>,
        %get3A_221 = arith.index_cast %scan3A_165 : i32 to index
        %get3A_222 = arith.constant 64 : index
        %get3A_223 = tpu.vector_load %arg11[%get3A_221, %get3A_222] {strides = array<i32>} : memref<128x128xf32, #tpu.memory_space<vmem>>, vector<1x16xf32>,
        %get3A_224 = vector.shape_cast %get3A_223 : vector<1x16xf32> to vector<16xf32>
        %get3A_225 = arith.index_cast %scan3A_165 : i32 to index
        %get3A_226 = arith.constant 64 : index
        %get3A_227 = tpu.vector_load %arg12[%get3A_225, %get3A_226] {strides = array<i32>} : memref<128x128xf32, #tpu.memory_space<vmem>>, vector<1x16xf32>,
        %get3A_228 = vector.shape_cast %get3A_227 : vector<1x16xf32> to vector<16xf32>
        %add3A_229 = arith.addf %get3A_224, %get3A_228 : vector<16xf32>
        %swap3A_230 = arith.index_cast %scan3A_165 : i32 to index
        %swap3A_231 = arith.constant 64 : index
        %swap3A_232 = tpu.vector_load %arg11[%swap3A_230, %swap3A_231] {strides = array<i32>} : memref<128x128xf32, #tpu.memory_space<vmem>>, vector<1x16xf32>,
        %swap3A_233 = vector.shape_cast %swap3A_232 : vector<1x16xf32> to vector<16xf32>
        %swap3A_234 = vector.shape_cast %add3A_229 : vector<16xf32> to vector<1x16xf32>
        tpu.vector_store %arg11[%swap3A_230, %swap3A_231], %swap3A_234 {strides = array<i32>} : memref<128x128xf32, #tpu.memory_space<vmem>>, vector<1x16xf32>,
        %get3A_235 = arith.index_cast %scan3A_165 : i32 to index
        %get3A_236 = arith.constant 80 : index
        %get3A_237 = tpu.vector_load %arg11[%get3A_235, %get3A_236] {strides = array<i32>} : memref<128x128xf32, #tpu.memory_space<vmem>>, vector<1x16xf32>,
        %get3A_238 = vector.shape_cast %get3A_237 : vector<1x16xf32> to vector<16xf32>
        %get3A_239 = arith.index_cast %scan3A_165 : i32 to index
        %get3A_240 = arith.constant 80 : index
        %get3A_241 = tpu.vector_load %arg12[%get3A_239, %get3A_240] {strides = array<i32>} : memref<128x128xf32, #tpu.memory_space<vmem>>, vector<1x16xf32>,
        %get3A_242 = vector.shape_cast %get3A_241 : vector<1x16xf32> to vector<16xf32>
        %add3A_243 = arith.addf %get3A_238, %get3A_242 : vector<16xf32>
        %swap3A_244 = arith.index_cast %scan3A_165 : i32 to index
        %swap3A_245 = arith.constant 80 : index
        %swap3A_246 = tpu.vector_load %arg11[%swap3A_244, %swap3A_245] {strides = array<i32>} : memref<128x128xf32, #tpu.memory_space<vmem>>, vector<1x16xf32>,
        %swap3A_247 = vector.shape_cast %swap3A_246 : vector<1x16xf32> to vector<16xf32>
        %swap3A_248 = vector.shape_cast %add3A_243 : vector<16xf32> to vector<1x16xf32>
        tpu.vector_store %arg11[%swap3A_244, %swap3A_245], %swap3A_248 {strides = array<i32>} : memref<128x128xf32, #tpu.memory_space<vmem>>, vector<1x16xf32>,
        %scan3A_249 = arith.constant 0 : i32
        scf.yield %scan3A_249 : i32
      }
      %scan3A_152 = arith.constant 128 : i32
      %mul3A_153 = arith.constant 2 : i32
      %mul3A_154 = arith.muli %mul3A_153, %scan3A_70 : i32
      %add3A_155 = arith.constant 1 : i32
      %add3A_156 = arith.addi %mul3A_154, %add3A_155 : i32
      %add3A_157 = arith.addi %mul3A_2, %add3A_156 : i32
      %mul3A_158 = arith.constant 128 : i32
      %mul3A_159 = arith.muli %add3A_157, %mul3A_158 : i32
      %dma_start3A_160 = arith.constant 0 : i32
      %dma_start3A_161 = tpu.memref_slice %arg6[%mul3A_159, %dma_start3A_160] : memref<160000x128xf32, #tpu.memory_space<hbm>> -> memref<128x128xf32, #tpu.memory_space<hbm>>
      %dma_start3A_162 = arith.constant 0 : i32
      %dma_start3A_163 = tpu.memref_slice %arg6[%mul3A_159, %dma_start3A_162] : memref<160000x128xf32, #tpu.memory_space<hbm>> -> memref<128x128xf32, #tpu.memory_space<hbm>>
      tpu.enqueue_dma source(%arg11 : memref<128x128xf32, #tpu.memory_space<vmem>>) target(%dma_start3A_163 : memref<128x128xf32, #tpu.memory_space<hbm>>) target_semaphore(%arg18 : memref<!tpu.dma_semaphore, #tpu.memory_space<semaphore_mem>>)
      %scan3A_164 = arith.constant 0 : i32
      scf.yield %scan3A_164 : i32
    }
    %scan3A_21 = arith.constant 19 : i32
    %dma_wait3A = arith.constant 0 : i32
    %dma_wait3A_22 = arith.constant 0 : i32
    %dma_wait3A_23 = tpu.memref_slice %arg6[%dma_wait3A, %dma_wait3A_22] : memref<160000x128xf32, #tpu.memory_space<hbm>> -> memref<128x128xf32, #tpu.memory_space<hbm>>
    %dma_wait3A_24 = arith.constant 0 : i32
    %dma_wait3A_25 = arith.constant 0 : i32
    %dma_wait3A_26 = tpu.memref_slice %arg6[%dma_wait3A_24, %dma_wait3A_25] : memref<160000x128xf32, #tpu.memory_space<hbm>> -> memref<128x128xf32, #tpu.memory_space<hbm>>
    tpu.wait_dma2 semaphore(%arg18 : memref<!tpu.dma_semaphore, #tpu.memory_space<semaphore_mem>>) src(%arg11 : memref<128x128xf32, #tpu.memory_space<vmem>>) dst(%dma_wait3A_26 : memref<128x128xf32, #tpu.memory_space<hbm>>)
    %lt3A_27 = arith.constant 2 : i32
    %lt3A_28 = arith.cmpi slt, %add3A, %lt3A_27 : i32
    %convert_element_type3A_29 = arith.extui %lt3A_28 : i1 to i32
    %cond3A_30 = arith.constant 0 : i32
    %cond3A_31 = arith.cmpi ne, %convert_element_type3A_29, %cond3A_30 : i32
    scf.if %cond3A_31 {
      %dma_start3A_70 = arith.constant 4992 : i32
      %dma_start3A_71 = tpu.memref_slice %arg7[%dma_start3A_70] : memref<5120xi32, #tpu.memory_space<vmem>> -> memref<128xi32, #tpu.memory_space<vmem>>
      %dma_start3A_72 = arith.constant 0 : i32
      %dma_start3A_73 = arith.constant 0 : i32
      %dma_start3A_74 = tpu.memref_slice %arg2[%dma_start3A_72, %dma_start3A_73] : memref<10000x128xf32, #tpu.memory_space<hbm>> -> memref<10000x128xf32, #tpu.memory_space<hbm>>
      tpu.enqueue_indirect_dma source(%dma_start3A_74 : memref<10000x128xf32, #tpu.memory_space<hbm>>) target(%arg11 : memref<128x128xf32, #tpu.memory_space<vmem>>) offsets(%dma_start3A_71 : memref<128xi32, #tpu.memory_space<vmem>>) semaphore(%arg15 : memref<!tpu.dma_semaphore, #tpu.memory_space<semaphore_mem>>)
      %dma_start3A_75 = arith.constant 4992 : i32
      %dma_start3A_76 = tpu.memref_slice %arg8[%dma_start3A_75] : memref<5120xi32, #tpu.memory_space<vmem>> -> memref<128xi32, #tpu.memory_space<vmem>>
      %dma_start3A_77 = arith.constant 0 : i32
      %dma_start3A_78 = arith.constant 0 : i32
      %dma_start3A_79 = tpu.memref_slice %arg3[%dma_start3A_77, %dma_start3A_78] : memref<10000x128xf32, #tpu.memory_space<hbm>> -> memref<10000x128xf32, #tpu.memory_space<hbm>>
      tpu.enqueue_indirect_dma source(%dma_start3A_79 : memref<10000x128xf32, #tpu.memory_space<hbm>>) target(%arg12 : memref<128x128xf32, #tpu.memory_space<vmem>>) offsets(%dma_start3A_76 : memref<128xi32, #tpu.memory_space<vmem>>) semaphore(%arg16 : memref<!tpu.dma_semaphore, #tpu.memory_space<semaphore_mem>>)
    } else {
    }
    %dma_wait3A_32 = arith.constant 0 : i32
    %dma_wait3A_33 = arith.constant 0 : i32
    %dma_wait3A_34 = tpu.memref_slice %arg2[%dma_wait3A_32, %dma_wait3A_33] : memref<10000x128xf32, #tpu.memory_space<hbm>> -> memref<128x128xf32, #tpu.memory_space<hbm>>
    %dma_wait3A_35 = arith.constant 0 : i32
    %dma_wait3A_36 = arith.constant 0 : i32
    %dma_wait3A_37 = tpu.memref_slice %arg2[%dma_wait3A_35, %dma_wait3A_36] : memref<10000x128xf32, #tpu.memory_space<hbm>> -> memref<128x128xf32, #tpu.memory_space<hbm>>
    tpu.wait_dma2 semaphore(%arg13 : memref<!tpu.dma_semaphore, #tpu.memory_space<semaphore_mem>>) src(%dma_wait3A_37 : memref<128x128xf32, #tpu.memory_space<hbm>>) dst(%arg9 : memref<128x128xf32, #tpu.memory_space<vmem>>)
    %dma_wait3A_38 = arith.constant 0 : i32
    %dma_wait3A_39 = arith.constant 0 : i32
    %dma_wait3A_40 = tpu.memref_slice %arg3[%dma_wait3A_38, %dma_wait3A_39] : memref<10000x128xf32, #tpu.memory_space<hbm>> -> memref<128x128xf32, #tpu.memory_space<hbm>>
    %dma_wait3A_41 = arith.constant 0 : i32
    %dma_wait3A_42 = arith.constant 0 : i32
    %dma_wait3A_43 = tpu.memref_slice %arg3[%dma_wait3A_41, %dma_wait3A_42] : memref<10000x128xf32, #tpu.memory_space<hbm>> -> memref<128x128xf32, #tpu.memory_space<hbm>>
    tpu.wait_dma2 semaphore(%arg14 : memref<!tpu.dma_semaphore, #tpu.memory_space<semaphore_mem>>) src(%dma_wait3A_43 : memref<128x128xf32, #tpu.memory_space<hbm>>) dst(%arg10 : memref<128x128xf32, #tpu.memory_space<vmem>>)
    %scan3A_44 = arith.constant 0 : i32
    %scan3A_45 = arith.constant 0 : i32
    %scan3A_46 = arith.constant 128 : i32
    %scan3A_47 = arith.addi %scan3A_45, %scan3A_46 : i32
    %scan3A_48 = arith.constant 1 : i32
    %scan3A_49 = scf.for %scan3A_70 = %scan3A_45 to %scan3A_47 step %scan3A_48 iter_args(%scan3A_71 = %scan3A_44) -> (i32)  : i32 {
      %get3A = arith.index_cast %scan3A_70 : i32 to index
      %get3A_72 = arith.constant 0 : index
      %get3A_73 = tpu.vector_load %arg9[%get3A, %get3A_72] {strides = array<i32>} : memref<128x128xf32, #tpu.memory_space<vmem>>, vector<1x16xf32>,
      %get3A_74 = vector.shape_cast %get3A_73 : vector<1x16xf32> to vector<16xf32>
      %get3A_75 = arith.index_cast %scan3A_70 : i32 to index
      %get3A_76 = arith.constant 0 : index
      %get3A_77 = tpu.vector_load %arg10[%get3A_75, %get3A_76] {strides = array<i32>} : memref<128x128xf32, #tpu.memory_space<vmem>>, vector<1x16xf32>,
      %get3A_78 = vector.shape_cast %get3A_77 : vector<1x16xf32> to vector<16xf32>
      %add3A_79 = arith.addf %get3A_74, %get3A_78 : vector<16xf32>
      %swap3A = arith.index_cast %scan3A_70 : i32 to index
      %swap3A_80 = arith.constant 0 : index
      %swap3A_81 = tpu.vector_load %arg9[%swap3A, %swap3A_80] {strides = array<i32>} : memref<128x128xf32, #tpu.memory_space<vmem>>, vector<1x16xf32>,
      %swap3A_82 = vector.shape_cast %swap3A_81 : vector<1x16xf32> to vector<16xf32>
      %swap3A_83 = vector.shape_cast %add3A_79 : vector<16xf32> to vector<1x16xf32>
      tpu.vector_store %arg9[%swap3A, %swap3A_80], %swap3A_83 {strides = array<i32>} : memref<128x128xf32, #tpu.memory_space<vmem>>, vector<1x16xf32>,
      %get3A_84 = arith.index_cast %scan3A_70 : i32 to index
      %get3A_85 = arith.constant 16 : index
      %get3A_86 = tpu.vector_load %arg9[%get3A_84, %get3A_85] {strides = array<i32>} : memref<128x128xf32, #tpu.memory_space<vmem>>, vector<1x16xf32>,
      %get3A_87 = vector.shape_cast %get3A_86 : vector<1x16xf32> to vector<16xf32>
      %get3A_88 = arith.index_cast %scan3A_70 : i32 to index
      %get3A_89 = arith.constant 16 : index
      %get3A_90 = tpu.vector_load %arg10[%get3A_88, %get3A_89] {strides = array<i32>} : memref<128x128xf32, #tpu.memory_space<vmem>>, vector<1x16xf32>,
      %get3A_91 = vector.shape_cast %get3A_90 : vector<1x16xf32> to vector<16xf32>
      %add3A_92 = arith.addf %get3A_87, %get3A_91 : vector<16xf32>
      %swap3A_93 = arith.index_cast %scan3A_70 : i32 to index
      %swap3A_94 = arith.constant 16 : index
      %swap3A_95 = tpu.vector_load %arg9[%swap3A_93, %swap3A_94] {strides = array<i32>} : memref<128x128xf32, #tpu.memory_space<vmem>>, vector<1x16xf32>,
      %swap3A_96 = vector.shape_cast %swap3A_95 : vector<1x16xf32> to vector<16xf32>
      %swap3A_97 = vector.shape_cast %add3A_92 : vector<16xf32> to vector<1x16xf32>
      tpu.vector_store %arg9[%swap3A_93, %swap3A_94], %swap3A_97 {strides = array<i32>} : memref<128x128xf32, #tpu.memory_space<vmem>>, vector<1x16xf32>,
      %get3A_98 = arith.index_cast %scan3A_70 : i32 to index
      %get3A_99 = arith.constant 32 : index
      %get3A_100 = tpu.vector_load %arg9[%get3A_98, %get3A_99] {strides = array<i32>} : memref<128x128xf32, #tpu.memory_space<vmem>>, vector<1x16xf32>,
      %get3A_101 = vector.shape_cast %get3A_100 : vector<1x16xf32> to vector<16xf32>
      %get3A_102 = arith.index_cast %scan3A_70 : i32 to index
      %get3A_103 = arith.constant 32 : index
      %get3A_104 = tpu.vector_load %arg10[%get3A_102, %get3A_103] {strides = array<i32>} : memref<128x128xf32, #tpu.memory_space<vmem>>, vector<1x16xf32>,
      %get3A_105 = vector.shape_cast %get3A_104 : vector<1x16xf32> to vector<16xf32>
      %add3A_106 = arith.addf %get3A_101, %get3A_105 : vector<16xf32>
      %swap3A_107 = arith.index_cast %scan3A_70 : i32 to index
      %swap3A_108 = arith.constant 32 : index
      %swap3A_109 = tpu.vector_load %arg9[%swap3A_107, %swap3A_108] {strides = array<i32>} : memref<128x128xf32, #tpu.memory_space<vmem>>, vector<1x16xf32>,
      %swap3A_110 = vector.shape_cast %swap3A_109 : vector<1x16xf32> to vector<16xf32>
      %swap3A_111 = vector.shape_cast %add3A_106 : vector<16xf32> to vector<1x16xf32>
      tpu.vector_store %arg9[%swap3A_107, %swap3A_108], %swap3A_111 {strides = array<i32>} : memref<128x128xf32, #tpu.memory_space<vmem>>, vector<1x16xf32>,
      %get3A_112 = arith.index_cast %scan3A_70 : i32 to index
      %get3A_113 = arith.constant 48 : index
      %get3A_114 = tpu.vector_load %arg9[%get3A_112, %get3A_113] {strides = array<i32>} : memref<128x128xf32, #tpu.memory_space<vmem>>, vector<1x16xf32>,
      %get3A_115 = vector.shape_cast %get3A_114 : vector<1x16xf32> to vector<16xf32>
      %get3A_116 = arith.index_cast %scan3A_70 : i32 to index
      %get3A_117 = arith.constant 48 : index
      %get3A_118 = tpu.vector_load %arg10[%get3A_116, %get3A_117] {strides = array<i32>} : memref<128x128xf32, #tpu.memory_space<vmem>>, vector<1x16xf32>,
      %get3A_119 = vector.shape_cast %get3A_118 : vector<1x16xf32> to vector<16xf32>
      %add3A_120 = arith.addf %get3A_115, %get3A_119 : vector<16xf32>
      %swap3A_121 = arith.index_cast %scan3A_70 : i32 to index
      %swap3A_122 = arith.constant 48 : index
      %swap3A_123 = tpu.vector_load %arg9[%swap3A_121, %swap3A_122] {strides = array<i32>} : memref<128x128xf32, #tpu.memory_space<vmem>>, vector<1x16xf32>,
      %swap3A_124 = vector.shape_cast %swap3A_123 : vector<1x16xf32> to vector<16xf32>
      %swap3A_125 = vector.shape_cast %add3A_120 : vector<16xf32> to vector<1x16xf32>
      tpu.vector_store %arg9[%swap3A_121, %swap3A_122], %swap3A_125 {strides = array<i32>} : memref<128x128xf32, #tpu.memory_space<vmem>>, vector<1x16xf32>,
      %get3A_126 = arith.index_cast %scan3A_70 : i32 to index
      %get3A_127 = arith.constant 64 : index
      %get3A_128 = tpu.vector_load %arg9[%get3A_126, %get3A_127] {strides = array<i32>} : memref<128x128xf32, #tpu.memory_space<vmem>>, vector<1x16xf32>,
      %get3A_129 = vector.shape_cast %get3A_128 : vector<1x16xf32> to vector<16xf32>
      %get3A_130 = arith.index_cast %scan3A_70 : i32 to index
      %get3A_131 = arith.constant 64 : index
      %get3A_132 = tpu.vector_load %arg10[%get3A_130, %get3A_131] {strides = array<i32>} : memref<128x128xf32, #tpu.memory_space<vmem>>, vector<1x16xf32>,
      %get3A_133 = vector.shape_cast %get3A_132 : vector<1x16xf32> to vector<16xf32>
      %add3A_134 = arith.addf %get3A_129, %get3A_133 : vector<16xf32>
      %swap3A_135 = arith.index_cast %scan3A_70 : i32 to index
      %swap3A_136 = arith.constant 64 : index
      %swap3A_137 = tpu.vector_load %arg9[%swap3A_135, %swap3A_136] {strides = array<i32>} : memref<128x128xf32, #tpu.memory_space<vmem>>, vector<1x16xf32>,
      %swap3A_138 = vector.shape_cast %swap3A_137 : vector<1x16xf32> to vector<16xf32>
      %swap3A_139 = vector.shape_cast %add3A_134 : vector<16xf32> to vector<1x16xf32>
      tpu.vector_store %arg9[%swap3A_135, %swap3A_136], %swap3A_139 {strides = array<i32>} : memref<128x128xf32, #tpu.memory_space<vmem>>, vector<1x16xf32>,
      %get3A_140 = arith.index_cast %scan3A_70 : i32 to index
      %get3A_141 = arith.constant 80 : index
      %get3A_142 = tpu.vector_load %arg9[%get3A_140, %get3A_141] {strides = array<i32>} : memref<128x128xf32, #tpu.memory_space<vmem>>, vector<1x16xf32>,
      %get3A_143 = vector.shape_cast %get3A_142 : vector<1x16xf32> to vector<16xf32>
      %get3A_144 = arith.index_cast %scan3A_70 : i32 to index
      %get3A_145 = arith.constant 80 : index
      %get3A_146 = tpu.vector_load %arg10[%get3A_144, %get3A_145] {strides = array<i32>} : memref<128x128xf32, #tpu.memory_space<vmem>>, vector<1x16xf32>,
      %get3A_147 = vector.shape_cast %get3A_146 : vector<1x16xf32> to vector<16xf32>
      %add3A_148 = arith.addf %get3A_143, %get3A_147 : vector<16xf32>
      %swap3A_149 = arith.index_cast %scan3A_70 : i32 to index
      %swap3A_150 = arith.constant 80 : index
      %swap3A_151 = tpu.vector_load %arg9[%swap3A_149, %swap3A_150] {strides = array<i32>} : memref<128x128xf32, #tpu.memory_space<vmem>>, vector<1x16xf32>,
      %swap3A_152 = vector.shape_cast %swap3A_151 : vector<1x16xf32> to vector<16xf32>
      %swap3A_153 = vector.shape_cast %add3A_148 : vector<16xf32> to vector<1x16xf32>
      tpu.vector_store %arg9[%swap3A_149, %swap3A_150], %swap3A_153 {strides = array<i32>} : memref<128x128xf32, #tpu.memory_space<vmem>>, vector<1x16xf32>,
      %scan3A_154 = arith.constant 0 : i32
      scf.yield %scan3A_154 : i32
    }
    %scan3A_50 = arith.constant 128 : i32
    %add3A_51 = arith.constant 38 : i32
    %add3A_52 = arith.addi %mul3A_2, %add3A_51 : i32
    %mul3A_53 = arith.constant 128 : i32
    %mul3A_54 = arith.muli %add3A_52, %mul3A_53 : i32
    %dma_start3A_55 = arith.constant 0 : i32
    %dma_start3A_56 = tpu.memref_slice %arg6[%mul3A_54, %dma_start3A_55] : memref<160000x128xf32, #tpu.memory_space<hbm>> -> memref<128x128xf32, #tpu.memory_space<hbm>>
    %dma_start3A_57 = arith.constant 0 : i32
    %dma_start3A_58 = tpu.memref_slice %arg6[%mul3A_54, %dma_start3A_57] : memref<160000x128xf32, #tpu.memory_space<hbm>> -> memref<128x128xf32, #tpu.memory_space<hbm>>
    tpu.enqueue_dma source(%arg9 : memref<128x128xf32, #tpu.memory_space<vmem>>) target(%dma_start3A_58 : memref<128x128xf32, #tpu.memory_space<hbm>>) target_semaphore(%arg17 : memref<!tpu.dma_semaphore, #tpu.memory_space<semaphore_mem>>)
    %lt3A_59 = arith.constant 2 : i32
    %lt3A_60 = arith.cmpi slt, %add3A, %lt3A_59 : i32
    %convert_element_type3A_61 = arith.extui %lt3A_60 : i1 to i32
    %cond3A_62 = arith.constant 0 : i32
    %cond3A_63 = arith.cmpi ne, %convert_element_type3A_61, %cond3A_62 : i32
    scf.if %cond3A_63 {
      %dma_wait3A_70 = arith.constant 0 : i32
      %dma_wait3A_71 = arith.constant 0 : i32
      %dma_wait3A_72 = tpu.memref_slice %arg2[%dma_wait3A_70, %dma_wait3A_71] : memref<10000x128xf32, #tpu.memory_space<hbm>> -> memref<128x128xf32, #tpu.memory_space<hbm>>
      %dma_wait3A_73 = arith.constant 0 : i32
      %dma_wait3A_74 = arith.constant 0 : i32
      %dma_wait3A_75 = tpu.memref_slice %arg2[%dma_wait3A_73, %dma_wait3A_74] : memref<10000x128xf32, #tpu.memory_space<hbm>> -> memref<128x128xf32, #tpu.memory_space<hbm>>
      tpu.wait_dma2 semaphore(%arg15 : memref<!tpu.dma_semaphore, #tpu.memory_space<semaphore_mem>>) src(%dma_wait3A_75 : memref<128x128xf32, #tpu.memory_space<hbm>>) dst(%arg11 : memref<128x128xf32, #tpu.memory_space<vmem>>)
      %dma_wait3A_76 = arith.constant 0 : i32
      %dma_wait3A_77 = arith.constant 0 : i32
      %dma_wait3A_78 = tpu.memref_slice %arg3[%dma_wait3A_76, %dma_wait3A_77] : memref<10000x128xf32, #tpu.memory_space<hbm>> -> memref<128x128xf32, #tpu.memory_space<hbm>>
      %dma_wait3A_79 = arith.constant 0 : i32
      %dma_wait3A_80 = arith.constant 0 : i32
      %dma_wait3A_81 = tpu.memref_slice %arg3[%dma_wait3A_79, %dma_wait3A_80] : memref<10000x128xf32, #tpu.memory_space<hbm>> -> memref<128x128xf32, #tpu.memory_space<hbm>>
      tpu.wait_dma2 semaphore(%arg16 : memref<!tpu.dma_semaphore, #tpu.memory_space<semaphore_mem>>) src(%dma_wait3A_81 : memref<128x128xf32, #tpu.memory_space<hbm>>) dst(%arg12 : memref<128x128xf32, #tpu.memory_space<vmem>>)
      %scan3A_82 = arith.constant 0 : i32
      %scan3A_83 = arith.constant 0 : i32
      %scan3A_84 = arith.constant 128 : i32
      %scan3A_85 = arith.addi %scan3A_83, %scan3A_84 : i32
      %scan3A_86 = arith.constant 1 : i32
      %scan3A_87 = scf.for %scan3A_93 = %scan3A_83 to %scan3A_85 step %scan3A_86 iter_args(%scan3A_94 = %scan3A_82) -> (i32)  : i32 {
        %get3A = arith.index_cast %scan3A_93 : i32 to index
        %get3A_95 = arith.constant 0 : index
        %get3A_96 = tpu.vector_load %arg11[%get3A, %get3A_95] {strides = array<i32>} : memref<128x128xf32, #tpu.memory_space<vmem>>, vector<1x16xf32>,
        %get3A_97 = vector.shape_cast %get3A_96 : vector<1x16xf32> to vector<16xf32>
        %get3A_98 = arith.index_cast %scan3A_93 : i32 to index
        %get3A_99 = arith.constant 0 : index
        %get3A_100 = tpu.vector_load %arg12[%get3A_98, %get3A_99] {strides = array<i32>} : memref<128x128xf32, #tpu.memory_space<vmem>>, vector<1x16xf32>,
        %get3A_101 = vector.shape_cast %get3A_100 : vector<1x16xf32> to vector<16xf32>
        %add3A_102 = arith.addf %get3A_97, %get3A_101 : vector<16xf32>
        %swap3A = arith.index_cast %scan3A_93 : i32 to index
        %swap3A_103 = arith.constant 0 : index
        %swap3A_104 = tpu.vector_load %arg11[%swap3A, %swap3A_103] {strides = array<i32>} : memref<128x128xf32, #tpu.memory_space<vmem>>, vector<1x16xf32>,
        %swap3A_105 = vector.shape_cast %swap3A_104 : vector<1x16xf32> to vector<16xf32>
        %swap3A_106 = vector.shape_cast %add3A_102 : vector<16xf32> to vector<1x16xf32>
        tpu.vector_store %arg11[%swap3A, %swap3A_103], %swap3A_106 {strides = array<i32>} : memref<128x128xf32, #tpu.memory_space<vmem>>, vector<1x16xf32>,
        %get3A_107 = arith.index_cast %scan3A_93 : i32 to index
        %get3A_108 = arith.constant 16 : index
        %get3A_109 = tpu.vector_load %arg11[%get3A_107, %get3A_108] {strides = array<i32>} : memref<128x128xf32, #tpu.memory_space<vmem>>, vector<1x16xf32>,
        %get3A_110 = vector.shape_cast %get3A_109 : vector<1x16xf32> to vector<16xf32>
        %get3A_111 = arith.index_cast %scan3A_93 : i32 to index
        %get3A_112 = arith.constant 16 : index
        %get3A_113 = tpu.vector_load %arg12[%get3A_111, %get3A_112] {strides = array<i32>} : memref<128x128xf32, #tpu.memory_space<vmem>>, vector<1x16xf32>,
        %get3A_114 = vector.shape_cast %get3A_113 : vector<1x16xf32> to vector<16xf32>
        %add3A_115 = arith.addf %get3A_110, %get3A_114 : vector<16xf32>
        %swap3A_116 = arith.index_cast %scan3A_93 : i32 to index
        %swap3A_117 = arith.constant 16 : index
        %swap3A_118 = tpu.vector_load %arg11[%swap3A_116, %swap3A_117] {strides = array<i32>} : memref<128x128xf32, #tpu.memory_space<vmem>>, vector<1x16xf32>,
        %swap3A_119 = vector.shape_cast %swap3A_118 : vector<1x16xf32> to vector<16xf32>
        %swap3A_120 = vector.shape_cast %add3A_115 : vector<16xf32> to vector<1x16xf32>
        tpu.vector_store %arg11[%swap3A_116, %swap3A_117], %swap3A_120 {strides = array<i32>} : memref<128x128xf32, #tpu.memory_space<vmem>>, vector<1x16xf32>,
        %get3A_121 = arith.index_cast %scan3A_93 : i32 to index
        %get3A_122 = arith.constant 32 : index
        %get3A_123 = tpu.vector_load %arg11[%get3A_121, %get3A_122] {strides = array<i32>} : memref<128x128xf32, #tpu.memory_space<vmem>>, vector<1x16xf32>,
        %get3A_124 = vector.shape_cast %get3A_123 : vector<1x16xf32> to vector<16xf32>
        %get3A_125 = arith.index_cast %scan3A_93 : i32 to index
        %get3A_126 = arith.constant 32 : index
        %get3A_127 = tpu.vector_load %arg12[%get3A_125, %get3A_126] {strides = array<i32>} : memref<128x128xf32, #tpu.memory_space<vmem>>, vector<1x16xf32>,
        %get3A_128 = vector.shape_cast %get3A_127 : vector<1x16xf32> to vector<16xf32>
        %add3A_129 = arith.addf %get3A_124, %get3A_128 : vector<16xf32>
        %swap3A_130 = arith.index_cast %scan3A_93 : i32 to index
        %swap3A_131 = arith.constant 32 : index
        %swap3A_132 = tpu.vector_load %arg11[%swap3A_130, %swap3A_131] {strides = array<i32>} : memref<128x128xf32, #tpu.memory_space<vmem>>, vector<1x16xf32>,
        %swap3A_133 = vector.shape_cast %swap3A_132 : vector<1x16xf32> to vector<16xf32>
        %swap3A_134 = vector.shape_cast %add3A_129 : vector<16xf32> to vector<1x16xf32>
        tpu.vector_store %arg11[%swap3A_130, %swap3A_131], %swap3A_134 {strides = array<i32>} : memref<128x128xf32, #tpu.memory_space<vmem>>, vector<1x16xf32>,
        %get3A_135 = arith.index_cast %scan3A_93 : i32 to index
        %get3A_136 = arith.constant 48 : index
        %get3A_137 = tpu.vector_load %arg11[%get3A_135, %get3A_136] {strides = array<i32>} : memref<128x128xf32, #tpu.memory_space<vmem>>, vector<1x16xf32>,
        %get3A_138 = vector.shape_cast %get3A_137 : vector<1x16xf32> to vector<16xf32>
        %get3A_139 = arith.index_cast %scan3A_93 : i32 to index
        %get3A_140 = arith.constant 48 : index
        %get3A_141 = tpu.vector_load %arg12[%get3A_139, %get3A_140] {strides = array<i32>} : memref<128x128xf32, #tpu.memory_space<vmem>>, vector<1x16xf32>,
        %get3A_142 = vector.shape_cast %get3A_141 : vector<1x16xf32> to vector<16xf32>
        %add3A_143 = arith.addf %get3A_138, %get3A_142 : vector<16xf32>
        %swap3A_144 = arith.index_cast %scan3A_93 : i32 to index
        %swap3A_145 = arith.constant 48 : index
        %swap3A_146 = tpu.vector_load %arg11[%swap3A_144, %swap3A_145] {strides = array<i32>} : memref<128x128xf32, #tpu.memory_space<vmem>>, vector<1x16xf32>,
        %swap3A_147 = vector.shape_cast %swap3A_146 : vector<1x16xf32> to vector<16xf32>
        %swap3A_148 = vector.shape_cast %add3A_143 : vector<16xf32> to vector<1x16xf32>
        tpu.vector_store %arg11[%swap3A_144, %swap3A_145], %swap3A_148 {strides = array<i32>} : memref<128x128xf32, #tpu.memory_space<vmem>>, vector<1x16xf32>,
        %get3A_149 = arith.index_cast %scan3A_93 : i32 to index
        %get3A_150 = arith.constant 64 : index
        %get3A_151 = tpu.vector_load %arg11[%get3A_149, %get3A_150] {strides = array<i32>} : memref<128x128xf32, #tpu.memory_space<vmem>>, vector<1x16xf32>,
        %get3A_152 = vector.shape_cast %get3A_151 : vector<1x16xf32> to vector<16xf32>
        %get3A_153 = arith.index_cast %scan3A_93 : i32 to index
        %get3A_154 = arith.constant 64 : index
        %get3A_155 = tpu.vector_load %arg12[%get3A_153, %get3A_154] {strides = array<i32>} : memref<128x128xf32, #tpu.memory_space<vmem>>, vector<1x16xf32>,
        %get3A_156 = vector.shape_cast %get3A_155 : vector<1x16xf32> to vector<16xf32>
        %add3A_157 = arith.addf %get3A_152, %get3A_156 : vector<16xf32>
        %swap3A_158 = arith.index_cast %scan3A_93 : i32 to index
        %swap3A_159 = arith.constant 64 : index
        %swap3A_160 = tpu.vector_load %arg11[%swap3A_158, %swap3A_159] {strides = array<i32>} : memref<128x128xf32, #tpu.memory_space<vmem>>, vector<1x16xf32>,
        %swap3A_161 = vector.shape_cast %swap3A_160 : vector<1x16xf32> to vector<16xf32>
        %swap3A_162 = vector.shape_cast %add3A_157 : vector<16xf32> to vector<1x16xf32>
        tpu.vector_store %arg11[%swap3A_158, %swap3A_159], %swap3A_162 {strides = array<i32>} : memref<128x128xf32, #tpu.memory_space<vmem>>, vector<1x16xf32>,
        %get3A_163 = arith.index_cast %scan3A_93 : i32 to index
        %get3A_164 = arith.constant 80 : index
        %get3A_165 = tpu.vector_load %arg11[%get3A_163, %get3A_164] {strides = array<i32>} : memref<128x128xf32, #tpu.memory_space<vmem>>, vector<1x16xf32>,
        %get3A_166 = vector.shape_cast %get3A_165 : vector<1x16xf32> to vector<16xf32>
        %get3A_167 = arith.index_cast %scan3A_93 : i32 to index
        %get3A_168 = arith.constant 80 : index
        %get3A_169 = tpu.vector_load %arg12[%get3A_167, %get3A_168] {strides = array<i32>} : memref<128x128xf32, #tpu.memory_space<vmem>>, vector<1x16xf32>,
        %get3A_170 = vector.shape_cast %get3A_169 : vector<1x16xf32> to vector<16xf32>
        %add3A_171 = arith.addf %get3A_166, %get3A_170 : vector<16xf32>
        %swap3A_172 = arith.index_cast %scan3A_93 : i32 to index
        %swap3A_173 = arith.constant 80 : index
        %swap3A_174 = tpu.vector_load %arg11[%swap3A_172, %swap3A_173] {strides = array<i32>} : memref<128x128xf32, #tpu.memory_space<vmem>>, vector<1x16xf32>,
        %swap3A_175 = vector.shape_cast %swap3A_174 : vector<1x16xf32> to vector<16xf32>
        %swap3A_176 = vector.shape_cast %add3A_171 : vector<16xf32> to vector<1x16xf32>
        tpu.vector_store %arg11[%swap3A_172, %swap3A_173], %swap3A_176 {strides = array<i32>} : memref<128x128xf32, #tpu.memory_space<vmem>>, vector<1x16xf32>,
        %scan3A_177 = arith.constant 0 : i32
        scf.yield %scan3A_177 : i32
      }
      %scan3A_88 = arith.constant 128 : i32
      %add3A_89 = arith.constant 1248 : i32
      %add3A_90 = arith.addi %add3A_89, %add3A : i32
      %mul3A_91 = arith.constant 128 : i32
      %mul3A_92 = arith.muli %add3A_90, %mul3A_91 : i32
      "tpu.region"() ({
        %run_scoped3A = tpu.sem_alloc : memref<!tpu.dma_semaphore, #tpu.memory_space<semaphore_mem>>
        %dma_start3A_93 = arith.constant 0 : i32
        %dma_start3A_94 = tpu.memref_slice %arg6[%mul3A_92, %dma_start3A_93] : memref<160000x128xf32, #tpu.memory_space<hbm>> -> memref<128x128xf32, #tpu.memory_space<hbm>>
        %dma_start3A_95 = arith.constant 0 : i32
        %dma_start3A_96 = tpu.memref_slice %arg6[%mul3A_92, %dma_start3A_95] : memref<160000x128xf32, #tpu.memory_space<hbm>> -> memref<128x128xf32, #tpu.memory_space<hbm>>
        tpu.enqueue_dma source(%arg11 : memref<128x128xf32, #tpu.memory_space<vmem>>) target(%dma_start3A_96 : memref<128x128xf32, #tpu.memory_space<hbm>>) target_semaphore(%run_scoped3A : memref<!tpu.dma_semaphore, #tpu.memory_space<semaphore_mem>>)
        %dma_wait3A_97 = arith.constant 0 : i32
        %dma_wait3A_98 = tpu.memref_slice %arg6[%mul3A_92, %dma_wait3A_97] : memref<160000x128xf32, #tpu.memory_space<hbm>> -> memref<128x128xf32, #tpu.memory_space<hbm>>
        %dma_wait3A_99 = arith.constant 0 : i32
        %dma_wait3A_100 = tpu.memref_slice %arg6[%mul3A_92, %dma_wait3A_99] : memref<160000x128xf32, #tpu.memory_space<hbm>> -> memref<128x128xf32, #tpu.memory_space<hbm>>
        tpu.wait_dma2 semaphore(%run_scoped3A : memref<!tpu.dma_semaphore, #tpu.memory_space<semaphore_mem>>) src(%arg11 : memref<128x128xf32, #tpu.memory_space<vmem>>) dst(%dma_wait3A_100 : memref<128x128xf32, #tpu.memory_space<hbm>>)
        tpu.yield
      }) : () -> ()
    } else {
    }
    %dma_wait3A_64 = arith.constant 0 : i32
    %dma_wait3A_65 = arith.constant 0 : i32
    %dma_wait3A_66 = tpu.memref_slice %arg6[%dma_wait3A_64, %dma_wait3A_65] : memref<160000x128xf32, #tpu.memory_space<hbm>> -> memref<128x128xf32, #tpu.memory_space<hbm>>
    %dma_wait3A_67 = arith.constant 0 : i32
    %dma_wait3A_68 = arith.constant 0 : i32
    %dma_wait3A_69 = tpu.memref_slice %arg6[%dma_wait3A_67, %dma_wait3A_68] : memref<160000x128xf32, #tpu.memory_space<hbm>> -> memref<128x128xf32, #tpu.memory_space<hbm>>
    tpu.wait_dma2 semaphore(%arg17 : memref<!tpu.dma_semaphore, #tpu.memory_space<semaphore_mem>>) src(%arg9 : memref<128x128xf32, #tpu.memory_space<vmem>>) dst(%dma_wait3A_69 : memref<128x128xf32, #tpu.memory_space<hbm>>)
    return
  }
}

#map = affine_map<(d0, d1) -> (0, 0)>
#map1 = affine_map<(d0, d1) -> (0)>
module attributes {stable_mosaic.version = 14 : i64} {
  func.func @_edge_scatter(%arg0: i32, %arg1: i32, %arg2: memref<160000x128xf32, #tpu.memory_space<hbm>>, %arg3: memref<160000xi32, #tpu.memory_space<hbm>>, %arg4: memref<10000x128xf32, #tpu.memory_space<hbm>>, %arg5: memref<10000xi32, #tpu.memory_space<vmem>>, %arg6: memref<79x128xi32, #tpu.memory_space<vmem>>, %arg7: memref<128x128xf32, #tpu.memory_space<vmem>>, %arg8: memref<128x128xf32, #tpu.memory_space<vmem>>, %arg9: memref<104x128xf32, #tpu.memory_space<vmem>>, %arg10: memref<5016x128xf32, #tpu.memory_space<vmem_shared>>, %arg11: memref<!tpu.dma_semaphore, #tpu.memory_space<semaphore_mem>>, %arg12: memref<!tpu.dma_semaphore, #tpu.memory_space<semaphore_mem>>) attributes {dimension_semantics = [#tpu.dimension_semantics<core_parallel>, #tpu.dimension_semantics<subcore_parallel>], iteration_bounds = array<i64: 2, 16>, scalar_prefetch = 0 : i64, scratch_operands = 8 : i64, tpu.core_type = #tpu.core_type<sc_vector_subcore>, window_params = [{transform_indices = #map}, {transform_indices = #map1}, {transform_indices = #map}]} {
    %mul3A = arith.constant 10000 : i32
    %mul3A_0 = arith.muli %arg1, %mul3A : i32
    %mul3A_1 = arith.constant 5000 : i32
    %mul3A_2 = arith.muli %arg0, %mul3A_1 : i32
    %add3A = arith.constant 5000 : i32
    %add3A_3 = arith.addi %add3A, %arg1 : i32
    "tpu.region"() ({
      %run_scoped3A_110 = tpu.sem_alloc : memref<!tpu.dma_semaphore, #tpu.memory_space<semaphore_mem>>
      %dma_start3A_111 = tpu.memref_slice %arg3[%mul3A_0] : memref<160000xi32, #tpu.memory_space<hbm>> -> memref<10000xi32, #tpu.memory_space<hbm>>
      %dma_start3A_112 = tpu.memref_slice %arg3[%mul3A_0] : memref<160000xi32, #tpu.memory_space<hbm>> -> memref<10000xi32, #tpu.memory_space<hbm>>
      tpu.enqueue_dma source(%dma_start3A_112 : memref<10000xi32, #tpu.memory_space<hbm>>) target(%arg5 : memref<10000xi32, #tpu.memory_space<vmem>>) target_semaphore(%run_scoped3A_110 : memref<!tpu.dma_semaphore, #tpu.memory_space<semaphore_mem>>)
      %dma_wait3A = tpu.memref_slice %arg3[%mul3A_0] : memref<160000xi32, #tpu.memory_space<hbm>> -> memref<10000xi32, #tpu.memory_space<hbm>>
      %dma_wait3A_113 = tpu.memref_slice %arg3[%mul3A_0] : memref<160000xi32, #tpu.memory_space<hbm>> -> memref<10000xi32, #tpu.memory_space<hbm>>
      tpu.wait_dma2 semaphore(%run_scoped3A_110 : memref<!tpu.dma_semaphore, #tpu.memory_space<semaphore_mem>>) src(%dma_wait3A_113 : memref<10000xi32, #tpu.memory_space<hbm>>) dst(%arg5 : memref<10000xi32, #tpu.memory_space<vmem>>)
      tpu.yield
    }) : () -> ()
    %scan3A = arith.constant 0 : i32
    %scan3A_4 = arith.constant 0 : i32
    %scan3A_5 = arith.constant 625 : i32
    %scan3A_6 = arith.addi %scan3A_4, %scan3A_5 : i32
    %scan3A_7 = arith.constant 1 : i32
    %scan3A_8 = scf.for %scan3A_110 = %scan3A_4 to %scan3A_6 step %scan3A_7 iter_args(%scan3A_111 = %scan3A) -> (i32)  : i32 {
      %jit3A = arith.constant 8 : i32
      %div3A = arith.divsi %scan3A_110, %jit3A : i32
      %sign3A = arith.constant 0 : i32
      %sign3A_112 = arith.cmpi sgt, %scan3A_110, %sign3A : i32
      %sign3A_113 = arith.extui %sign3A_112 : i1 to i32
      %sign3A_114 = arith.constant 0 : i32
      %sign3A_115 = arith.cmpi slt, %scan3A_110, %sign3A_114 : i32
      %sign3A_116 = arith.extui %sign3A_115 : i1 to i32
      %sign3A_117 = arith.subi %sign3A_113, %sign3A_116 : i32
      %sign3A_118 = arith.constant 0 : i32
      %sign3A_119 = arith.cmpi sgt, %jit3A, %sign3A_118 : i32
      %sign3A_120 = arith.extui %sign3A_119 : i1 to i32
      %sign3A_121 = arith.constant 0 : i32
      %sign3A_122 = arith.cmpi slt, %jit3A, %sign3A_121 : i32
      %sign3A_123 = arith.extui %sign3A_122 : i1 to i32
      %sign3A_124 = arith.subi %sign3A_120, %sign3A_123 : i32
      %ne3A = arith.cmpi ne, %sign3A_117, %sign3A_124 : i32
      %rem3A = arith.remsi %scan3A_110, %jit3A : i32
      %ne3A_125 = arith.constant 0 : i32
      %ne3A_126 = arith.cmpi ne, %rem3A, %ne3A_125 : i32
      %and3A = arith.andi %ne3A, %ne3A_126 : i1
      %sub3A = arith.constant 1 : i32
      %sub3A_127 = arith.subi %div3A, %sub3A : i32
      %select_n3A = arith.select %and3A, %sub3A_127, %div3A : i32
      %jit3A_128 = arith.constant 8 : i32
      %eq3A_129 = arith.constant 0 : i32
      %eq3A_130 = arith.cmpi eq, %jit3A_128, %eq3A_129 : i32
      %jit3A_131 = arith.constant 1 : i32
      %select_n3A_132 = arith.select %eq3A_130, %jit3A_131, %jit3A_128 : i32
      %rem3A_133 = arith.remsi %scan3A_110, %select_n3A_132 : i32
      %ne3A_134 = arith.constant 0 : i32
      %ne3A_135 = arith.cmpi ne, %rem3A_133, %ne3A_134 : i32
      %lt3A = arith.constant 0 : i32
      %lt3A_136 = arith.cmpi slt, %rem3A_133, %lt3A : i32
      %lt3A_137 = arith.constant 0 : i32
      %lt3A_138 = arith.cmpi slt, %select_n3A_132, %lt3A_137 : i32
      %ne3A_139 = arith.xori %lt3A_136, %lt3A_138 : i1
      %and3A_140 = arith.andi %ne3A_139, %ne3A_135 : i1
      %add3A_141 = arith.addi %rem3A_133, %select_n3A_132 : i32
      %select_n3A_142 = arith.select %and3A_140, %add3A_141, %rem3A_133 : i32
      %mul3A_143 = arith.constant 16 : i32
      %mul3A_144 = arith.muli %select_n3A_142, %mul3A_143 : i32
      %mul3A_145 = arith.constant 16 : i32
      %mul3A_146 = arith.muli %scan3A_110, %mul3A_145 : i32
      %get3A = arith.index_cast %mul3A_146 : i32 to index
      %get3A_147 = tpu.vector_load %arg5[%get3A] {strides = array<i32>} : memref<10000xi32, #tpu.memory_space<vmem>>, vector<16xi32>,
      %get3A_148 = vector.shape_cast %get3A_147 : vector<16xi32> to vector<16xi32>
      %sub3A_149 = vector.broadcast %mul3A_2 : i32 to vector<16xi32>
      %sub3A_150 = arith.subi %get3A_148, %sub3A_149 : vector<16xi32>
      %ge3A = arith.constant 0 : i32
      %ge3A_151 = vector.broadcast %ge3A : i32 to vector<16xi32>
      %ge3A_152 = arith.cmpi sge, %sub3A_150, %ge3A_151 : vector<16xi32>
      %lt3A_153 = arith.constant 5000 : i32
      %lt3A_154 = vector.broadcast %lt3A_153 : i32 to vector<16xi32>
      %lt3A_155 = arith.cmpi slt, %sub3A_150, %lt3A_154 : vector<16xi32>
      %and3A_156 = arith.andi %ge3A_152, %lt3A_155 : vector<16xi1>
      %broadcast_in_dim3A_157 = vector.broadcast %add3A_3 : i32 to vector<16xi32>
      %select_n3A_158 = arith.select %and3A_156, %sub3A_150, %broadcast_in_dim3A_157 : vector<16xi1>, vector<16xi32>
      %swap3A_159 = arith.index_cast %select_n3A : i32 to index
      %swap3A_160 = arith.index_cast %mul3A_144 : i32 to index
      %swap3A_161 = tpu.vector_load %arg6[%swap3A_159, %swap3A_160] {strides = array<i32>} : memref<79x128xi32, #tpu.memory_space<vmem>>, vector<1x16xi32>,
      %swap3A_162 = vector.shape_cast %swap3A_161 : vector<1x16xi32> to vector<16xi32>
      %swap3A_163 = vector.shape_cast %select_n3A_158 : vector<16xi32> to vector<1x16xi32>
      tpu.vector_store %arg6[%swap3A_159, %swap3A_160], %swap3A_163 {strides = array<i32>} : memref<79x128xi32, #tpu.memory_space<vmem>>, vector<1x16xi32>,
      %scan3A_164 = arith.constant 0 : i32
      scf.yield %scan3A_164 : i32
    }
    %scan3A_9 = arith.constant 625 : i32
    %broadcast_in_dim3A = arith.constant 5000 : i32
    %broadcast_in_dim3A_10 = vector.broadcast %broadcast_in_dim3A : i32 to vector<16xi32>
    %swap3A = arith.constant 78 : i32
    %swap3A_11 = arith.index_cast %swap3A : i32 to index
    %swap3A_12 = arith.constant 16 : index
    %swap3A_13 = tpu.vector_load %arg6[%swap3A_11, %swap3A_12] {strides = array<i32>} : memref<79x128xi32, #tpu.memory_space<vmem>>, vector<1x16xi32>,
    %swap3A_14 = vector.shape_cast %swap3A_13 : vector<1x16xi32> to vector<16xi32>
    %swap3A_15 = vector.shape_cast %broadcast_in_dim3A_10 : vector<16xi32> to vector<1x16xi32>
    tpu.vector_store %arg6[%swap3A_11, %swap3A_12], %swap3A_15 {strides = array<i32>} : memref<79x128xi32, #tpu.memory_space<vmem>>, vector<1x16xi32>,
    %broadcast_in_dim3A_16 = arith.constant 5000 : i32
    %broadcast_in_dim3A_17 = vector.broadcast %broadcast_in_dim3A_16 : i32 to vector<16xi32>
    %swap3A_18 = arith.constant 78 : i32
    %swap3A_19 = arith.index_cast %swap3A_18 : i32 to index
    %swap3A_20 = arith.constant 32 : index
    %swap3A_21 = tpu.vector_load %arg6[%swap3A_19, %swap3A_20] {strides = array<i32>} : memref<79x128xi32, #tpu.memory_space<vmem>>, vector<1x16xi32>,
    %swap3A_22 = vector.shape_cast %swap3A_21 : vector<1x16xi32> to vector<16xi32>
    %swap3A_23 = vector.shape_cast %broadcast_in_dim3A_17 : vector<16xi32> to vector<1x16xi32>
    tpu.vector_store %arg6[%swap3A_19, %swap3A_20], %swap3A_23 {strides = array<i32>} : memref<79x128xi32, #tpu.memory_space<vmem>>, vector<1x16xi32>,
    %broadcast_in_dim3A_24 = arith.constant 5000 : i32
    %broadcast_in_dim3A_25 = vector.broadcast %broadcast_in_dim3A_24 : i32 to vector<16xi32>
    %swap3A_26 = arith.constant 78 : i32
    %swap3A_27 = arith.index_cast %swap3A_26 : i32 to index
    %swap3A_28 = arith.constant 48 : index
    %swap3A_29 = tpu.vector_load %arg6[%swap3A_27, %swap3A_28] {strides = array<i32>} : memref<79x128xi32, #tpu.memory_space<vmem>>, vector<1x16xi32>,
    %swap3A_30 = vector.shape_cast %swap3A_29 : vector<1x16xi32> to vector<16xi32>
    %swap3A_31 = vector.shape_cast %broadcast_in_dim3A_25 : vector<16xi32> to vector<1x16xi32>
    tpu.vector_store %arg6[%swap3A_27, %swap3A_28], %swap3A_31 {strides = array<i32>} : memref<79x128xi32, #tpu.memory_space<vmem>>, vector<1x16xi32>,
    %broadcast_in_dim3A_32 = arith.constant 5000 : i32
    %broadcast_in_dim3A_33 = vector.broadcast %broadcast_in_dim3A_32 : i32 to vector<16xi32>
    %swap3A_34 = arith.constant 78 : i32
    %swap3A_35 = arith.index_cast %swap3A_34 : i32 to index
    %swap3A_36 = arith.constant 64 : index
    %swap3A_37 = tpu.vector_load %arg6[%swap3A_35, %swap3A_36] {strides = array<i32>} : memref<79x128xi32, #tpu.memory_space<vmem>>, vector<1x16xi32>,
    %swap3A_38 = vector.shape_cast %swap3A_37 : vector<1x16xi32> to vector<16xi32>
    %swap3A_39 = vector.shape_cast %broadcast_in_dim3A_33 : vector<16xi32> to vector<1x16xi32>
    tpu.vector_store %arg6[%swap3A_35, %swap3A_36], %swap3A_39 {strides = array<i32>} : memref<79x128xi32, #tpu.memory_space<vmem>>, vector<1x16xi32>,
    %broadcast_in_dim3A_40 = arith.constant 5000 : i32
    %broadcast_in_dim3A_41 = vector.broadcast %broadcast_in_dim3A_40 : i32 to vector<16xi32>
    %swap3A_42 = arith.constant 78 : i32
    %swap3A_43 = arith.index_cast %swap3A_42 : i32 to index
    %swap3A_44 = arith.constant 80 : index
    %swap3A_45 = tpu.vector_load %arg6[%swap3A_43, %swap3A_44] {strides = array<i32>} : memref<79x128xi32, #tpu.memory_space<vmem>>, vector<1x16xi32>,
    %swap3A_46 = vector.shape_cast %swap3A_45 : vector<1x16xi32> to vector<16xi32>
    %swap3A_47 = vector.shape_cast %broadcast_in_dim3A_41 : vector<16xi32> to vector<1x16xi32>
    tpu.vector_store %arg6[%swap3A_43, %swap3A_44], %swap3A_47 {strides = array<i32>} : memref<79x128xi32, #tpu.memory_space<vmem>>, vector<1x16xi32>,
    %broadcast_in_dim3A_48 = arith.constant 5000 : i32
    %broadcast_in_dim3A_49 = vector.broadcast %broadcast_in_dim3A_48 : i32 to vector<16xi32>
    %swap3A_50 = arith.constant 78 : i32
    %swap3A_51 = arith.index_cast %swap3A_50 : i32 to index
    %swap3A_52 = arith.constant 96 : index
    %swap3A_53 = tpu.vector_load %arg6[%swap3A_51, %swap3A_52] {strides = array<i32>} : memref<79x128xi32, #tpu.memory_space<vmem>>, vector<1x16xi32>,
    %swap3A_54 = vector.shape_cast %swap3A_53 : vector<1x16xi32> to vector<16xi32>
    %swap3A_55 = vector.shape_cast %broadcast_in_dim3A_49 : vector<16xi32> to vector<1x16xi32>
    tpu.vector_store %arg6[%swap3A_51, %swap3A_52], %swap3A_55 {strides = array<i32>} : memref<79x128xi32, #tpu.memory_space<vmem>>, vector<1x16xi32>,
    %broadcast_in_dim3A_56 = arith.constant 5000 : i32
    %broadcast_in_dim3A_57 = vector.broadcast %broadcast_in_dim3A_56 : i32 to vector<16xi32>
    %swap3A_58 = arith.constant 78 : i32
    %swap3A_59 = arith.index_cast %swap3A_58 : i32 to index
    %swap3A_60 = arith.constant 112 : index
    %swap3A_61 = tpu.vector_load %arg6[%swap3A_59, %swap3A_60] {strides = array<i32>} : memref<79x128xi32, #tpu.memory_space<vmem>>, vector<1x16xi32>,
    %swap3A_62 = vector.shape_cast %swap3A_61 : vector<1x16xi32> to vector<16xi32>
    %swap3A_63 = vector.shape_cast %broadcast_in_dim3A_57 : vector<16xi32> to vector<1x16xi32>
    tpu.vector_store %arg6[%swap3A_59, %swap3A_60], %swap3A_63 {strides = array<i32>} : memref<79x128xi32, #tpu.memory_space<vmem>>, vector<1x16xi32>,
    %scan3A_64 = arith.constant 0 : i32
    %scan3A_65 = arith.constant 0 : i32
    %scan3A_66 = arith.constant 832 : i32
    %scan3A_67 = arith.addi %scan3A_65, %scan3A_66 : i32
    %scan3A_68 = arith.constant 1 : i32
    %scan3A_69 = scf.for %scan3A_110 = %scan3A_65 to %scan3A_67 step %scan3A_68 iter_args(%scan3A_111 = %scan3A_64) -> (i32)  : i32 {
      %jit3A = arith.constant 8 : i32
      %div3A = arith.divsi %scan3A_110, %jit3A : i32
      %sign3A = arith.constant 0 : i32
      %sign3A_112 = arith.cmpi sgt, %scan3A_110, %sign3A : i32
      %sign3A_113 = arith.extui %sign3A_112 : i1 to i32
      %sign3A_114 = arith.constant 0 : i32
      %sign3A_115 = arith.cmpi slt, %scan3A_110, %sign3A_114 : i32
      %sign3A_116 = arith.extui %sign3A_115 : i1 to i32
      %sign3A_117 = arith.subi %sign3A_113, %sign3A_116 : i32
      %sign3A_118 = arith.constant 0 : i32
      %sign3A_119 = arith.cmpi sgt, %jit3A, %sign3A_118 : i32
      %sign3A_120 = arith.extui %sign3A_119 : i1 to i32
      %sign3A_121 = arith.constant 0 : i32
      %sign3A_122 = arith.cmpi slt, %jit3A, %sign3A_121 : i32
      %sign3A_123 = arith.extui %sign3A_122 : i1 to i32
      %sign3A_124 = arith.subi %sign3A_120, %sign3A_123 : i32
      %ne3A = arith.cmpi ne, %sign3A_117, %sign3A_124 : i32
      %rem3A = arith.remsi %scan3A_110, %jit3A : i32
      %ne3A_125 = arith.constant 0 : i32
      %ne3A_126 = arith.cmpi ne, %rem3A, %ne3A_125 : i32
      %and3A = arith.andi %ne3A, %ne3A_126 : i1
      %sub3A = arith.constant 1 : i32
      %sub3A_127 = arith.subi %div3A, %sub3A : i32
      %select_n3A = arith.select %and3A, %sub3A_127, %div3A : i32
      %jit3A_128 = arith.constant 8 : i32
      %eq3A_129 = arith.constant 0 : i32
      %eq3A_130 = arith.cmpi eq, %jit3A_128, %eq3A_129 : i32
      %jit3A_131 = arith.constant 1 : i32
      %select_n3A_132 = arith.select %eq3A_130, %jit3A_131, %jit3A_128 : i32
      %rem3A_133 = arith.remsi %scan3A_110, %select_n3A_132 : i32
      %ne3A_134 = arith.constant 0 : i32
      %ne3A_135 = arith.cmpi ne, %rem3A_133, %ne3A_134 : i32
      %lt3A = arith.constant 0 : i32
      %lt3A_136 = arith.cmpi slt, %rem3A_133, %lt3A : i32
      %lt3A_137 = arith.constant 0 : i32
      %lt3A_138 = arith.cmpi slt, %select_n3A_132, %lt3A_137 : i32
      %ne3A_139 = arith.xori %lt3A_136, %lt3A_138 : i1
      %and3A_140 = arith.andi %ne3A_139, %ne3A_135 : i1
      %add3A_141 = arith.addi %rem3A_133, %select_n3A_132 : i32
      %select_n3A_142 = arith.select %and3A_140, %add3A_141, %rem3A_133 : i32
      %mul3A_143 = arith.constant 16 : i32
      %mul3A_144 = arith.muli %select_n3A_142, %mul3A_143 : i32
      %broadcast_in_dim3A_145 = arith.constant 0.000000e+00 : f32
      %broadcast_in_dim3A_146 = vector.broadcast %broadcast_in_dim3A_145 : f32 to vector<16xf32>
      %swap3A_147 = arith.index_cast %select_n3A : i32 to index
      %swap3A_148 = arith.index_cast %mul3A_144 : i32 to index
      %swap3A_149 = tpu.vector_load %arg9[%swap3A_147, %swap3A_148] {strides = array<i32>} : memref<104x128xf32, #tpu.memory_space<vmem>>, vector<1x16xf32>,
      %swap3A_150 = vector.shape_cast %swap3A_149 : vector<1x16xf32> to vector<16xf32>
      %swap3A_151 = vector.shape_cast %broadcast_in_dim3A_146 : vector<16xf32> to vector<1x16xf32>
      tpu.vector_store %arg9[%swap3A_147, %swap3A_148], %swap3A_151 {strides = array<i32>} : memref<104x128xf32, #tpu.memory_space<vmem>>, vector<1x16xf32>,
      %scan3A_152 = arith.constant 0 : i32
      scf.yield %scan3A_152 : i32
    }
    %scan3A_70 = arith.constant 832 : i32
    %mul3A_71 = arith.constant 312 : i32
    %mul3A_72 = arith.muli %arg1, %mul3A_71 : i32
    %add3A_73 = arith.constant 0 : i32
    %add3A_74 = arith.addi %mul3A_72, %add3A_73 : i32
    "tpu.region"() ({
      %run_scoped3A_110 = tpu.sem_alloc : memref<!tpu.dma_semaphore, #tpu.memory_space<semaphore_mem>>
      %dma_start3A_111 = arith.constant 0 : i32
      %dma_start3A_112 = tpu.memref_slice %arg10[%add3A_74, %dma_start3A_111] : memref<5016x128xf32, #tpu.memory_space<vmem_shared>> -> memref<104x128xf32, #tpu.memory_space<vmem_shared>>
      %dma_start3A_113 = arith.constant 0 : i32
      %dma_start3A_114 = tpu.memref_slice %arg10[%add3A_74, %dma_start3A_113] : memref<5016x128xf32, #tpu.memory_space<vmem_shared>> -> memref<104x128xf32, #tpu.memory_space<vmem_shared>>
      tpu.enqueue_dma source(%arg9 : memref<104x128xf32, #tpu.memory_space<vmem>>) target(%dma_start3A_114 : memref<104x128xf32, #tpu.memory_space<vmem_shared>>) target_semaphore(%run_scoped3A_110 : memref<!tpu.dma_semaphore, #tpu.memory_space<semaphore_mem>>)
      %dma_wait3A = arith.constant 0 : i32
      %dma_wait3A_115 = tpu.memref_slice %arg10[%add3A_74, %dma_wait3A] : memref<5016x128xf32, #tpu.memory_space<vmem_shared>> -> memref<104x128xf32, #tpu.memory_space<vmem_shared>>
      %dma_wait3A_116 = arith.constant 0 : i32
      %dma_wait3A_117 = tpu.memref_slice %arg10[%add3A_74, %dma_wait3A_116] : memref<5016x128xf32, #tpu.memory_space<vmem_shared>> -> memref<104x128xf32, #tpu.memory_space<vmem_shared>>
      tpu.wait_dma2 semaphore(%run_scoped3A_110 : memref<!tpu.dma_semaphore, #tpu.memory_space<semaphore_mem>>) src(%arg9 : memref<104x128xf32, #tpu.memory_space<vmem>>) dst(%dma_wait3A_117 : memref<104x128xf32, #tpu.memory_space<vmem_shared>>)
      tpu.yield
    }) : () -> ()
    %mul3A_75 = arith.constant 312 : i32
    %mul3A_76 = arith.muli %arg1, %mul3A_75 : i32
    %add3A_77 = arith.constant 104 : i32
    %add3A_78 = arith.addi %mul3A_76, %add3A_77 : i32
    "tpu.region"() ({
      %run_scoped3A_110 = tpu.sem_alloc : memref<!tpu.dma_semaphore, #tpu.memory_space<semaphore_mem>>
      %dma_start3A_111 = arith.constant 0 : i32
      %dma_start3A_112 = tpu.memref_slice %arg10[%add3A_78, %dma_start3A_111] : memref<5016x128xf32, #tpu.memory_space<vmem_shared>> -> memref<104x128xf32, #tpu.memory_space<vmem_shared>>
      %dma_start3A_113 = arith.constant 0 : i32
      %dma_start3A_114 = tpu.memref_slice %arg10[%add3A_78, %dma_start3A_113] : memref<5016x128xf32, #tpu.memory_space<vmem_shared>> -> memref<104x128xf32, #tpu.memory_space<vmem_shared>>
      tpu.enqueue_dma source(%arg9 : memref<104x128xf32, #tpu.memory_space<vmem>>) target(%dma_start3A_114 : memref<104x128xf32, #tpu.memory_space<vmem_shared>>) target_semaphore(%run_scoped3A_110 : memref<!tpu.dma_semaphore, #tpu.memory_space<semaphore_mem>>)
      %dma_wait3A = arith.constant 0 : i32
      %dma_wait3A_115 = tpu.memref_slice %arg10[%add3A_78, %dma_wait3A] : memref<5016x128xf32, #tpu.memory_space<vmem_shared>> -> memref<104x128xf32, #tpu.memory_space<vmem_shared>>
      %dma_wait3A_116 = arith.constant 0 : i32
      %dma_wait3A_117 = tpu.memref_slice %arg10[%add3A_78, %dma_wait3A_116] : memref<5016x128xf32, #tpu.memory_space<vmem_shared>> -> memref<104x128xf32, #tpu.memory_space<vmem_shared>>
      tpu.wait_dma2 semaphore(%run_scoped3A_110 : memref<!tpu.dma_semaphore, #tpu.memory_space<semaphore_mem>>) src(%arg9 : memref<104x128xf32, #tpu.memory_space<vmem>>) dst(%dma_wait3A_117 : memref<104x128xf32, #tpu.memory_space<vmem_shared>>)
      tpu.yield
    }) : () -> ()
    %mul3A_79 = arith.constant 312 : i32
    %mul3A_80 = arith.muli %arg1, %mul3A_79 : i32
    %add3A_81 = arith.constant 208 : i32
    %add3A_82 = arith.addi %mul3A_80, %add3A_81 : i32
    "tpu.region"() ({
      %run_scoped3A_110 = tpu.sem_alloc : memref<!tpu.dma_semaphore, #tpu.memory_space<semaphore_mem>>
      %dma_start3A_111 = arith.constant 0 : i32
      %dma_start3A_112 = tpu.memref_slice %arg10[%add3A_82, %dma_start3A_111] : memref<5016x128xf32, #tpu.memory_space<vmem_shared>> -> memref<104x128xf32, #tpu.memory_space<vmem_shared>>
      %dma_start3A_113 = arith.constant 0 : i32
      %dma_start3A_114 = tpu.memref_slice %arg10[%add3A_82, %dma_start3A_113] : memref<5016x128xf32, #tpu.memory_space<vmem_shared>> -> memref<104x128xf32, #tpu.memory_space<vmem_shared>>
      tpu.enqueue_dma source(%arg9 : memref<104x128xf32, #tpu.memory_space<vmem>>) target(%dma_start3A_114 : memref<104x128xf32, #tpu.memory_space<vmem_shared>>) target_semaphore(%run_scoped3A_110 : memref<!tpu.dma_semaphore, #tpu.memory_space<semaphore_mem>>)
      %dma_wait3A = arith.constant 0 : i32
      %dma_wait3A_115 = tpu.memref_slice %arg10[%add3A_82, %dma_wait3A] : memref<5016x128xf32, #tpu.memory_space<vmem_shared>> -> memref<104x128xf32, #tpu.memory_space<vmem_shared>>
      %dma_wait3A_116 = arith.constant 0 : i32
      %dma_wait3A_117 = tpu.memref_slice %arg10[%add3A_82, %dma_wait3A_116] : memref<5016x128xf32, #tpu.memory_space<vmem_shared>> -> memref<104x128xf32, #tpu.memory_space<vmem_shared>>
      tpu.wait_dma2 semaphore(%run_scoped3A_110 : memref<!tpu.dma_semaphore, #tpu.memory_space<semaphore_mem>>) src(%arg9 : memref<104x128xf32, #tpu.memory_space<vmem>>) dst(%dma_wait3A_117 : memref<104x128xf32, #tpu.memory_space<vmem_shared>>)
      tpu.yield
    }) : () -> ()
    %eq3A = arith.constant 15 : i32
    %eq3A_83 = arith.cmpi eq, %arg1, %eq3A : i32
    %convert_element_type3A = arith.extui %eq3A_83 : i1 to i32
    %cond3A = arith.constant 0 : i32
    %cond3A_84 = arith.cmpi ne, %convert_element_type3A, %cond3A : i32
    scf.if %cond3A_84 {
      "tpu.region"() ({
        %run_scoped3A_110 = tpu.sem_alloc : memref<!tpu.dma_semaphore, #tpu.memory_space<semaphore_mem>>
        %dma_start3A_111 = arith.constant 0 : i32
        %dma_start3A_112 = arith.constant 0 : i32
        %dma_start3A_113 = tpu.memref_slice %arg9[%dma_start3A_111, %dma_start3A_112] : memref<104x128xf32, #tpu.memory_space<vmem>> -> memref<24x128xf32, #tpu.memory_space<vmem>>
        %dma_start3A_114 = arith.constant 4992 : i32
        %dma_start3A_115 = arith.constant 0 : i32
        %dma_start3A_116 = tpu.memref_slice %arg10[%dma_start3A_114, %dma_start3A_115] : memref<5016x128xf32, #tpu.memory_space<vmem_shared>> -> memref<24x128xf32, #tpu.memory_space<vmem_shared>>
        %dma_start3A_117 = arith.constant 4992 : i32
        %dma_start3A_118 = arith.constant 0 : i32
        %dma_start3A_119 = tpu.memref_slice %arg10[%dma_start3A_117, %dma_start3A_118] : memref<5016x128xf32, #tpu.memory_space<vmem_shared>> -> memref<24x128xf32, #tpu.memory_space<vmem_shared>>
        %dma_start3A_120 = arith.constant 0 : i32
        %dma_start3A_121 = arith.constant 0 : i32
        %dma_start3A_122 = tpu.memref_slice %arg9[%dma_start3A_120, %dma_start3A_121] : memref<104x128xf32, #tpu.memory_space<vmem>> -> memref<24x128xf32, #tpu.memory_space<vmem>>
        tpu.enqueue_dma source(%dma_start3A_122 : memref<24x128xf32, #tpu.memory_space<vmem>>) target(%dma_start3A_119 : memref<24x128xf32, #tpu.memory_space<vmem_shared>>) target_semaphore(%run_scoped3A_110 : memref<!tpu.dma_semaphore, #tpu.memory_space<semaphore_mem>>)
        %dma_wait3A = arith.constant 0 : i32
        %dma_wait3A_123 = arith.constant 0 : i32
        %dma_wait3A_124 = tpu.memref_slice %arg9[%dma_wait3A, %dma_wait3A_123] : memref<104x128xf32, #tpu.memory_space<vmem>> -> memref<24x128xf32, #tpu.memory_space<vmem>>
        %dma_wait3A_125 = arith.constant 4992 : i32
        %dma_wait3A_126 = arith.constant 0 : i32
        %dma_wait3A_127 = tpu.memref_slice %arg10[%dma_wait3A_125, %dma_wait3A_126] : memref<5016x128xf32, #tpu.memory_space<vmem_shared>> -> memref<24x128xf32, #tpu.memory_space<vmem_shared>>
        %dma_wait3A_128 = arith.constant 4992 : i32
        %dma_wait3A_129 = arith.constant 0 : i32
        %dma_wait3A_130 = tpu.memref_slice %arg10[%dma_wait3A_128, %dma_wait3A_129] : memref<5016x128xf32, #tpu.memory_space<vmem_shared>> -> memref<24x128xf32, #tpu.memory_space<vmem_shared>>
        %dma_wait3A_131 = arith.constant 0 : i32
        %dma_wait3A_132 = arith.constant 0 : i32
        %dma_wait3A_133 = tpu.memref_slice %arg9[%dma_wait3A_131, %dma_wait3A_132] : memref<104x128xf32, #tpu.memory_space<vmem>> -> memref<24x128xf32, #tpu.memory_space<vmem>>
        tpu.wait_dma2 semaphore(%run_scoped3A_110 : memref<!tpu.dma_semaphore, #tpu.memory_space<semaphore_mem>>) src(%dma_wait3A_133 : memref<24x128xf32, #tpu.memory_space<vmem>>) dst(%dma_wait3A_130 : memref<24x128xf32, #tpu.memory_space<vmem_shared>>)
        tpu.yield
      }) : () -> ()
    } else {
    }
    %barrier3A = arith.constant 0 : index
    tpu.barrier barrier_id(%barrier3A)
    %add3A_85 = arith.constant 0 : i32
    %add3A_86 = arith.addi %mul3A_0, %add3A_85 : i32
    %dma_start3A = arith.constant 0 : i32
    %dma_start3A_87 = tpu.memref_slice %arg2[%add3A_86, %dma_start3A] : memref<160000x128xf32, #tpu.memory_space<hbm>> -> memref<128x128xf32, #tpu.memory_space<hbm>>
    %dma_start3A_88 = arith.constant 0 : i32
    %dma_start3A_89 = tpu.memref_slice %arg2[%add3A_86, %dma_start3A_88] : memref<160000x128xf32, #tpu.memory_space<hbm>> -> memref<128x128xf32, #tpu.memory_space<hbm>>
    tpu.enqueue_dma source(%dma_start3A_89 : memref<128x128xf32, #tpu.memory_space<hbm>>) target(%arg7 : memref<128x128xf32, #tpu.memory_space<vmem>>) target_semaphore(%arg11 : memref<!tpu.dma_semaphore, #tpu.memory_space<semaphore_mem>>)
    %scan3A_90 = arith.constant 0 : i32
    %scan3A_91 = arith.constant 0 : i32
    %scan3A_92 = arith.constant 39 : i32
    %scan3A_93 = arith.addi %scan3A_91, %scan3A_92 : i32
    %scan3A_94 = arith.constant 1 : i32
    %scan3A_95 = scf.for %scan3A_110 = %scan3A_91 to %scan3A_93 step %scan3A_94 iter_args(%scan3A_111 = %scan3A_90) -> (i32)  : i32 {
      %mul3A_112 = arith.constant 2 : i32
      %mul3A_113 = arith.muli %mul3A_112, %scan3A_110 : i32
      %add3A_114 = arith.constant 1 : i32
      %add3A_115 = arith.addi %mul3A_113, %add3A_114 : i32
      %mul3A_116 = arith.constant 128 : i32
      %mul3A_117 = arith.muli %add3A_115, %mul3A_116 : i32
      %add3A_118 = arith.addi %mul3A_0, %mul3A_117 : i32
      %dma_start3A_119 = arith.constant 0 : i32
      %dma_start3A_120 = tpu.memref_slice %arg2[%add3A_118, %dma_start3A_119] : memref<160000x128xf32, #tpu.memory_space<hbm>> -> memref<128x128xf32, #tpu.memory_space<hbm>>
      %dma_start3A_121 = arith.constant 0 : i32
      %dma_start3A_122 = tpu.memref_slice %arg2[%add3A_118, %dma_start3A_121] : memref<160000x128xf32, #tpu.memory_space<hbm>> -> memref<128x128xf32, #tpu.memory_space<hbm>>
      tpu.enqueue_dma source(%dma_start3A_122 : memref<128x128xf32, #tpu.memory_space<hbm>>) target(%arg8 : memref<128x128xf32, #tpu.memory_space<vmem>>) target_semaphore(%arg12 : memref<!tpu.dma_semaphore, #tpu.memory_space<semaphore_mem>>)
      %dma_wait3A = arith.constant 0 : i32
      %dma_wait3A_123 = arith.constant 0 : i32
      %dma_wait3A_124 = tpu.memref_slice %arg2[%dma_wait3A, %dma_wait3A_123] : memref<160000x128xf32, #tpu.memory_space<hbm>> -> memref<128x128xf32, #tpu.memory_space<hbm>>
      %dma_wait3A_125 = arith.constant 0 : i32
      %dma_wait3A_126 = arith.constant 0 : i32
      %dma_wait3A_127 = tpu.memref_slice %arg2[%dma_wait3A_125, %dma_wait3A_126] : memref<160000x128xf32, #tpu.memory_space<hbm>> -> memref<128x128xf32, #tpu.memory_space<hbm>>
      tpu.wait_dma2 semaphore(%arg11 : memref<!tpu.dma_semaphore, #tpu.memory_space<semaphore_mem>>) src(%dma_wait3A_127 : memref<128x128xf32, #tpu.memory_space<hbm>>) dst(%arg7 : memref<128x128xf32, #tpu.memory_space<vmem>>)
      %mul3A_128 = arith.constant 2 : i32
      %mul3A_129 = arith.muli %mul3A_128, %scan3A_110 : i32
      "tpu.region"() ({
        %run_scoped3A_149 = tpu.sem_alloc : memref<!tpu.dma_semaphore, #tpu.memory_space<semaphore_mem>>
        %dma_start3A_150 = arith.constant 0 : i32
        %dma_start3A_151 = tpu.memref_slice %arg6[%mul3A_129, %dma_start3A_150] : memref<79x128xi32, #tpu.memory_space<vmem>> -> memref<1x128xi32, #tpu.memory_space<vmem>>
        %dma_start3A_152 = tpu.memref_squeeze %dma_start3A_151 : memref<1x128xi32, #tpu.memory_space<vmem>> -> memref<128xi32, #tpu.memory_space<vmem>>
        %dma_start3A_153 = arith.constant 0 : i32
        %dma_start3A_154 = arith.constant 0 : i32
        %dma_start3A_155 = tpu.memref_slice %arg10[%dma_start3A_153, %dma_start3A_154] : memref<5016x128xf32, #tpu.memory_space<vmem_shared>> -> memref<5016x128xf32, #tpu.memory_space<vmem_shared>>
        tpu.enqueue_indirect_dma source(%arg7 : memref<128x128xf32, #tpu.memory_space<vmem>>) target(%dma_start3A_155 : memref<5016x128xf32, #tpu.memory_space<vmem_shared>>) offsets(%dma_start3A_152 : memref<128xi32, #tpu.memory_space<vmem>>) semaphore(%run_scoped3A_149 : memref<!tpu.dma_semaphore, #tpu.memory_space<semaphore_mem>>) {add = true}
        %dma_wait3A_156 = arith.constant 0 : i32
        %dma_wait3A_157 = tpu.memref_slice %arg6[%mul3A_129, %dma_wait3A_156] : memref<79x128xi32, #tpu.memory_space<vmem>> -> memref<1x128xi32, #tpu.memory_space<vmem>>
        %dma_wait3A_158 = tpu.memref_squeeze %dma_wait3A_157 : memref<1x128xi32, #tpu.memory_space<vmem>> -> memref<128xi32, #tpu.memory_space<vmem>>
        %dma_wait3A_159 = arith.constant 0 : i32
        %dma_wait3A_160 = arith.constant 0 : i32
        %dma_wait3A_161 = tpu.memref_slice %arg10[%dma_wait3A_159, %dma_wait3A_160] : memref<5016x128xf32, #tpu.memory_space<vmem_shared>> -> memref<5016x128xf32, #tpu.memory_space<vmem_shared>>
        tpu.wait_indirect_dma semaphore(%run_scoped3A_149 : memref<!tpu.dma_semaphore, #tpu.memory_space<semaphore_mem>>) src(%arg7 : memref<128x128xf32, #tpu.memory_space<vmem>>) dst(%dma_wait3A_161 : memref<5016x128xf32, #tpu.memory_space<vmem_shared>>)
        tpu.yield
      }) : () -> ()
      %mul3A_130 = arith.constant 2 : i32
      %mul3A_131 = arith.muli %mul3A_130, %scan3A_110 : i32
      %add3A_132 = arith.constant 2 : i32
      %add3A_133 = arith.addi %mul3A_131, %add3A_132 : i32
      %le3A = arith.constant 77 : i32
      %le3A_134 = arith.cmpi sle, %add3A_133, %le3A : i32
      %convert_element_type3A_135 = arith.extui %le3A_134 : i1 to i32
      %cond3A_136 = arith.constant 0 : i32
      %cond3A_137 = arith.cmpi ne, %convert_element_type3A_135, %cond3A_136 : i32
      scf.if %cond3A_137 {
        %mul3A_149 = arith.constant 2 : i32
        %mul3A_150 = arith.muli %mul3A_149, %scan3A_110 : i32
        %add3A_151 = arith.constant 2 : i32
        %add3A_152 = arith.addi %mul3A_150, %add3A_151 : i32
        %mul3A_153 = arith.constant 128 : i32
        %mul3A_154 = arith.muli %add3A_152, %mul3A_153 : i32
        %add3A_155 = arith.addi %mul3A_0, %mul3A_154 : i32
        %dma_start3A_156 = arith.constant 0 : i32
        %dma_start3A_157 = tpu.memref_slice %arg2[%add3A_155, %dma_start3A_156] : memref<160000x128xf32, #tpu.memory_space<hbm>> -> memref<128x128xf32, #tpu.memory_space<hbm>>
        %dma_start3A_158 = arith.constant 0 : i32
        %dma_start3A_159 = tpu.memref_slice %arg2[%add3A_155, %dma_start3A_158] : memref<160000x128xf32, #tpu.memory_space<hbm>> -> memref<128x128xf32, #tpu.memory_space<hbm>>
        tpu.enqueue_dma source(%dma_start3A_159 : memref<128x128xf32, #tpu.memory_space<hbm>>) target(%arg7 : memref<128x128xf32, #tpu.memory_space<vmem>>) target_semaphore(%arg11 : memref<!tpu.dma_semaphore, #tpu.memory_space<semaphore_mem>>)
      } else {
      }
      %dma_wait3A_138 = arith.constant 0 : i32
      %dma_wait3A_139 = arith.constant 0 : i32
      %dma_wait3A_140 = tpu.memref_slice %arg2[%dma_wait3A_138, %dma_wait3A_139] : memref<160000x128xf32, #tpu.memory_space<hbm>> -> memref<128x128xf32, #tpu.memory_space<hbm>>
      %dma_wait3A_141 = arith.constant 0 : i32
      %dma_wait3A_142 = arith.constant 0 : i32
      %dma_wait3A_143 = tpu.memref_slice %arg2[%dma_wait3A_141, %dma_wait3A_142] : memref<160000x128xf32, #tpu.memory_space<hbm>> -> memref<128x128xf32, #tpu.memory_space<hbm>>
      tpu.wait_dma2 semaphore(%arg12 : memref<!tpu.dma_semaphore, #tpu.memory_space<semaphore_mem>>) src(%dma_wait3A_143 : memref<128x128xf32, #tpu.memory_space<hbm>>) dst(%arg8 : memref<128x128xf32, #tpu.memory_space<vmem>>)
      %mul3A_144 = arith.constant 2 : i32
      %mul3A_145 = arith.muli %mul3A_144, %scan3A_110 : i32
      %add3A_146 = arith.constant 1 : i32
      %add3A_147 = arith.addi %mul3A_145, %add3A_146 : i32
      "tpu.region"() ({
        %run_scoped3A_149 = tpu.sem_alloc : memref<!tpu.dma_semaphore, #tpu.memory_space<semaphore_mem>>
        %dma_start3A_150 = arith.constant 0 : i32
        %dma_start3A_151 = tpu.memref_slice %arg6[%add3A_147, %dma_start3A_150] : memref<79x128xi32, #tpu.memory_space<vmem>> -> memref<1x128xi32, #tpu.memory_space<vmem>>
        %dma_start3A_152 = tpu.memref_squeeze %dma_start3A_151 : memref<1x128xi32, #tpu.memory_space<vmem>> -> memref<128xi32, #tpu.memory_space<vmem>>
        %dma_start3A_153 = arith.constant 0 : i32
        %dma_start3A_154 = arith.constant 0 : i32
        %dma_start3A_155 = tpu.memref_slice %arg10[%dma_start3A_153, %dma_start3A_154] : memref<5016x128xf32, #tpu.memory_space<vmem_shared>> -> memref<5016x128xf32, #tpu.memory_space<vmem_shared>>
        tpu.enqueue_indirect_dma source(%arg8 : memref<128x128xf32, #tpu.memory_space<vmem>>) target(%dma_start3A_155 : memref<5016x128xf32, #tpu.memory_space<vmem_shared>>) offsets(%dma_start3A_152 : memref<128xi32, #tpu.memory_space<vmem>>) semaphore(%run_scoped3A_149 : memref<!tpu.dma_semaphore, #tpu.memory_space<semaphore_mem>>) {add = true}
        %dma_wait3A_156 = arith.constant 0 : i32
        %dma_wait3A_157 = tpu.memref_slice %arg6[%add3A_147, %dma_wait3A_156] : memref<79x128xi32, #tpu.memory_space<vmem>> -> memref<1x128xi32, #tpu.memory_space<vmem>>
        %dma_wait3A_158 = tpu.memref_squeeze %dma_wait3A_157 : memref<1x128xi32, #tpu.memory_space<vmem>> -> memref<128xi32, #tpu.memory_space<vmem>>
        %dma_wait3A_159 = arith.constant 0 : i32
        %dma_wait3A_160 = arith.constant 0 : i32
        %dma_wait3A_161 = tpu.memref_slice %arg10[%dma_wait3A_159, %dma_wait3A_160] : memref<5016x128xf32, #tpu.memory_space<vmem_shared>> -> memref<5016x128xf32, #tpu.memory_space<vmem_shared>>
        tpu.wait_indirect_dma semaphore(%run_scoped3A_149 : memref<!tpu.dma_semaphore, #tpu.memory_space<semaphore_mem>>) src(%arg8 : memref<128x128xf32, #tpu.memory_space<vmem>>) dst(%dma_wait3A_161 : memref<5016x128xf32, #tpu.memory_space<vmem_shared>>)
        tpu.yield
      }) : () -> ()
      %scan3A_148 = arith.constant 0 : i32
      scf.yield %scan3A_148 : i32
    }
    %scan3A_96 = arith.constant 39 : i32
    %add3A_97 = arith.constant 9984 : i32
    %add3A_98 = arith.addi %mul3A_0, %add3A_97 : i32
    "tpu.region"() ({
      %run_scoped3A_110 = tpu.sem_alloc : memref<!tpu.dma_semaphore, #tpu.memory_space<semaphore_mem>>
      %dma_start3A_111 = arith.constant 0 : i32
      %dma_start3A_112 = arith.constant 0 : i32
      %dma_start3A_113 = tpu.memref_slice %arg7[%dma_start3A_111, %dma_start3A_112] : memref<128x128xf32, #tpu.memory_space<vmem>> -> memref<16x128xf32, #tpu.memory_space<vmem>>
      %dma_start3A_114 = arith.constant 0 : i32
      %dma_start3A_115 = tpu.memref_slice %arg2[%add3A_98, %dma_start3A_114] : memref<160000x128xf32, #tpu.memory_space<hbm>> -> memref<16x128xf32, #tpu.memory_space<hbm>>
      %dma_start3A_116 = arith.constant 0 : i32
      %dma_start3A_117 = arith.constant 0 : i32
      %dma_start3A_118 = tpu.memref_slice %arg7[%dma_start3A_116, %dma_start3A_117] : memref<128x128xf32, #tpu.memory_space<vmem>> -> memref<16x128xf32, #tpu.memory_space<vmem>>
      %dma_start3A_119 = arith.constant 0 : i32
      %dma_start3A_120 = tpu.memref_slice %arg2[%add3A_98, %dma_start3A_119] : memref<160000x128xf32, #tpu.memory_space<hbm>> -> memref<16x128xf32, #tpu.memory_space<hbm>>
      tpu.enqueue_dma source(%dma_start3A_120 : memref<16x128xf32, #tpu.memory_space<hbm>>) target(%dma_start3A_118 : memref<16x128xf32, #tpu.memory_space<vmem>>) target_semaphore(%run_scoped3A_110 : memref<!tpu.dma_semaphore, #tpu.memory_space<semaphore_mem>>)
      %dma_wait3A = arith.constant 0 : i32
      %dma_wait3A_121 = arith.constant 0 : i32
      %dma_wait3A_122 = tpu.memref_slice %arg7[%dma_wait3A, %dma_wait3A_121] : memref<128x128xf32, #tpu.memory_space<vmem>> -> memref<16x128xf32, #tpu.memory_space<vmem>>
      %dma_wait3A_123 = arith.constant 0 : i32
      %dma_wait3A_124 = tpu.memref_slice %arg2[%add3A_98, %dma_wait3A_123] : memref<160000x128xf32, #tpu.memory_space<hbm>> -> memref<16x128xf32, #tpu.memory_space<hbm>>
      %dma_wait3A_125 = arith.constant 0 : i32
      %dma_wait3A_126 = arith.constant 0 : i32
      %dma_wait3A_127 = tpu.memref_slice %arg7[%dma_wait3A_125, %dma_wait3A_126] : memref<128x128xf32, #tpu.memory_space<vmem>> -> memref<16x128xf32, #tpu.memory_space<vmem>>
      %dma_wait3A_128 = arith.constant 0 : i32
      %dma_wait3A_129 = tpu.memref_slice %arg2[%add3A_98, %dma_wait3A_128] : memref<160000x128xf32, #tpu.memory_space<hbm>> -> memref<16x128xf32, #tpu.memory_space<hbm>>
      tpu.wait_dma2 semaphore(%run_scoped3A_110 : memref<!tpu.dma_semaphore, #tpu.memory_space<semaphore_mem>>) src(%dma_wait3A_129 : memref<16x128xf32, #tpu.memory_space<hbm>>) dst(%dma_wait3A_127 : memref<16x128xf32, #tpu.memory_space<vmem>>)
      tpu.yield
    }) : () -> ()
    %run_scoped3A = arith.constant 78 : i32
    "tpu.region"() ({
      %run_scoped3A_110 = tpu.sem_alloc : memref<!tpu.dma_semaphore, #tpu.memory_space<semaphore_mem>>
      %dma_start3A_111 = arith.constant 0 : i32
      %dma_start3A_112 = tpu.memref_slice %arg6[%run_scoped3A, %dma_start3A_111] : memref<79x128xi32, #tpu.memory_space<vmem>> -> memref<1x128xi32, #tpu.memory_space<vmem>>
      %dma_start3A_113 = tpu.memref_squeeze %dma_start3A_112 : memref<1x128xi32, #tpu.memory_space<vmem>> -> memref<128xi32, #tpu.memory_space<vmem>>
      %dma_start3A_114 = arith.constant 0 : i32
      %dma_start3A_115 = arith.constant 0 : i32
      %dma_start3A_116 = tpu.memref_slice %arg10[%dma_start3A_114, %dma_start3A_115] : memref<5016x128xf32, #tpu.memory_space<vmem_shared>> -> memref<5016x128xf32, #tpu.memory_space<vmem_shared>>
      tpu.enqueue_indirect_dma source(%arg7 : memref<128x128xf32, #tpu.memory_space<vmem>>) target(%dma_start3A_116 : memref<5016x128xf32, #tpu.memory_space<vmem_shared>>) offsets(%dma_start3A_113 : memref<128xi32, #tpu.memory_space<vmem>>) semaphore(%run_scoped3A_110 : memref<!tpu.dma_semaphore, #tpu.memory_space<semaphore_mem>>) {add = true}
      %dma_wait3A = arith.constant 0 : i32
      %dma_wait3A_117 = tpu.memref_slice %arg6[%run_scoped3A, %dma_wait3A] : memref<79x128xi32, #tpu.memory_space<vmem>> -> memref<1x128xi32, #tpu.memory_space<vmem>>
      %dma_wait3A_118 = tpu.memref_squeeze %dma_wait3A_117 : memref<1x128xi32, #tpu.memory_space<vmem>> -> memref<128xi32, #tpu.memory_space<vmem>>
      %dma_wait3A_119 = arith.constant 0 : i32
      %dma_wait3A_120 = arith.constant 0 : i32
      %dma_wait3A_121 = tpu.memref_slice %arg10[%dma_wait3A_119, %dma_wait3A_120] : memref<5016x128xf32, #tpu.memory_space<vmem_shared>> -> memref<5016x128xf32, #tpu.memory_space<vmem_shared>>
      tpu.wait_indirect_dma semaphore(%run_scoped3A_110 : memref<!tpu.dma_semaphore, #tpu.memory_space<semaphore_mem>>) src(%arg7 : memref<128x128xf32, #tpu.memory_space<vmem>>) dst(%dma_wait3A_121 : memref<5016x128xf32, #tpu.memory_space<vmem_shared>>)
      tpu.yield
    }) : () -> ()
    %barrier3A_99 = arith.constant 0 : index
    tpu.barrier barrier_id(%barrier3A_99)
    %mul3A_100 = arith.constant 312 : i32
    %mul3A_101 = arith.muli %arg1, %mul3A_100 : i32
    %mul3A_102 = arith.constant 312 : i32
    %mul3A_103 = arith.muli %arg1, %mul3A_102 : i32
    %add3A_104 = arith.addi %mul3A_2, %mul3A_103 : i32
    "tpu.region"() ({
      %run_scoped3A_110 = tpu.sem_alloc : memref<!tpu.dma_semaphore, #tpu.memory_space<semaphore_mem>>
      %dma_start3A_111 = arith.constant 0 : i32
      %dma_start3A_112 = tpu.memref_slice %arg4[%add3A_104, %dma_start3A_111] : memref<10000x128xf32, #tpu.memory_space<hbm>> -> memref<312x128xf32, #tpu.memory_space<hbm>>
      %dma_start3A_113 = arith.constant 0 : i32
      %dma_start3A_114 = tpu.memref_slice %arg10[%mul3A_101, %dma_start3A_113] : memref<5016x128xf32, #tpu.memory_space<vmem_shared>> -> memref<312x128xf32, #tpu.memory_space<vmem_shared>>
      tpu.enqueue_dma source(%dma_start3A_114 : memref<312x128xf32, #tpu.memory_space<vmem_shared>>) target(%dma_start3A_112 : memref<312x128xf32, #tpu.memory_space<hbm>>) target_semaphore(%run_scoped3A_110 : memref<!tpu.dma_semaphore, #tpu.memory_space<semaphore_mem>>)
      %dma_wait3A = arith.constant 0 : i32
      %dma_wait3A_115 = tpu.memref_slice %arg4[%add3A_104, %dma_wait3A] : memref<10000x128xf32, #tpu.memory_space<hbm>> -> memref<312x128xf32, #tpu.memory_space<hbm>>
      %dma_wait3A_116 = arith.constant 0 : i32
      %dma_wait3A_117 = tpu.memref_slice %arg10[%mul3A_101, %dma_wait3A_116] : memref<5016x128xf32, #tpu.memory_space<vmem_shared>> -> memref<312x128xf32, #tpu.memory_space<vmem_shared>>
      tpu.wait_dma2 semaphore(%run_scoped3A_110 : memref<!tpu.dma_semaphore, #tpu.memory_space<semaphore_mem>>) src(%dma_wait3A_117 : memref<312x128xf32, #tpu.memory_space<vmem_shared>>) dst(%dma_wait3A_115 : memref<312x128xf32, #tpu.memory_space<hbm>>)
      tpu.yield
    }) : () -> ()
    %eq3A_105 = arith.constant 15 : i32
    %eq3A_106 = arith.cmpi eq, %arg1, %eq3A_105 : i32
    %convert_element_type3A_107 = arith.extui %eq3A_106 : i1 to i32
    %cond3A_108 = arith.constant 0 : i32
    %cond3A_109 = arith.cmpi ne, %convert_element_type3A_107, %cond3A_108 : i32
    scf.if %cond3A_109 {
      %add3A_110 = arith.constant 4992 : i32
      %add3A_111 = arith.addi %mul3A_2, %add3A_110 : i32
      "tpu.region"() ({
        %run_scoped3A_112 = tpu.sem_alloc : memref<!tpu.dma_semaphore, #tpu.memory_space<semaphore_mem>>
        %dma_start3A_113 = arith.constant 0 : i32
        %dma_start3A_114 = tpu.memref_slice %arg4[%add3A_111, %dma_start3A_113] : memref<10000x128xf32, #tpu.memory_space<hbm>> -> memref<8x128xf32, #tpu.memory_space<hbm>>
        %dma_start3A_115 = arith.constant 4992 : i32
        %dma_start3A_116 = arith.constant 0 : i32
        %dma_start3A_117 = tpu.memref_slice %arg10[%dma_start3A_115, %dma_start3A_116] : memref<5016x128xf32, #tpu.memory_space<vmem_shared>> -> memref<8x128xf32, #tpu.memory_space<vmem_shared>>
        tpu.enqueue_dma source(%dma_start3A_117 : memref<8x128xf32, #tpu.memory_space<vmem_shared>>) target(%dma_start3A_114 : memref<8x128xf32, #tpu.memory_space<hbm>>) target_semaphore(%run_scoped3A_112 : memref<!tpu.dma_semaphore, #tpu.memory_space<semaphore_mem>>)
        %dma_wait3A = arith.constant 0 : i32
        %dma_wait3A_118 = tpu.memref_slice %arg4[%add3A_111, %dma_wait3A] : memref<10000x128xf32, #tpu.memory_space<hbm>> -> memref<8x128xf32, #tpu.memory_space<hbm>>
        %dma_wait3A_119 = arith.constant 4992 : i32
        %dma_wait3A_120 = arith.constant 0 : i32
        %dma_wait3A_121 = tpu.memref_slice %arg10[%dma_wait3A_119, %dma_wait3A_120] : memref<5016x128xf32, #tpu.memory_space<vmem_shared>> -> memref<8x128xf32, #tpu.memory_space<vmem_shared>>
        tpu.wait_dma2 semaphore(%run_scoped3A_112 : memref<!tpu.dma_semaphore, #tpu.memory_space<semaphore_mem>>) src(%dma_wait3A_121 : memref<8x128xf32, #tpu.memory_space<vmem_shared>>) dst(%dma_wait3A_118 : memref<8x128xf32, #tpu.memory_space<hbm>>)
        tpu.yield
      }) : () -> ()
    } else {
    }
    return
  }
}

#map = affine_map<(d0, d1) -> (0, 0)>
#map1 = affine_map<(d0, d1) -> (0)>
module attributes {stable_mosaic.version = 14 : i64} {
  func.func @_edge_gather(%arg0: i32, %arg1: i32, %arg2: memref<10000x128xf32, #tpu.memory_space<hbm>>, %arg3: memref<10000x128xf32, #tpu.memory_space<hbm>>, %arg4: memref<160000xi32, #tpu.memory_space<hbm>>, %arg5: memref<160000xi32, #tpu.memory_space<hbm>>, %arg6: memref<160000x128xf32, #tpu.memory_space<hbm>>, %arg7: memref<5120xi32, #tpu.memory_space<vmem>>, %arg8: memref<5120xi32, #tpu.memory_space<vmem>>, %arg9: memref<128x128xf32, #tpu.memory_space<vmem>>, %arg10: memref<128x128xf32, #tpu.memory_space<vmem>>, %arg11: memref<128x128xf32, #tpu.memory_space<vmem>>, %arg12: memref<128x128xf32, #tpu.memory_space<vmem>>, %arg13: memref<!tpu.dma_semaphore, #tpu.memory_space<semaphore_mem>>, %arg14: memref<!tpu.dma_semaphore, #tpu.memory_space<semaphore_mem>>, %arg15: memref<!tpu.dma_semaphore, #tpu.memory_space<semaphore_mem>>, %arg16: memref<!tpu.dma_semaphore, #tpu.memory_space<semaphore_mem>>, %arg17: memref<!tpu.dma_semaphore, #tpu.memory_space<semaphore_mem>>, %arg18: memref<!tpu.dma_semaphore, #tpu.memory_space<semaphore_mem>>) attributes {dimension_semantics = [#tpu.dimension_semantics<core_parallel>, #tpu.dimension_semantics<subcore_parallel>], iteration_bounds = array<i64: 2, 16>, scalar_prefetch = 0 : i64, scratch_operands = 12 : i64, tpu.core_type = #tpu.core_type<sc_vector_subcore>, window_params = [{transform_indices = #map}, {transform_indices = #map}, {transform_indices = #map1}, {transform_indices = #map1}, {transform_indices = #map}]} {
    %mul3A = arith.constant 2 : i32
    %mul3A_0 = arith.muli %arg1, %mul3A : i32
    %add3A = arith.addi %mul3A_0, %arg0 : i32
    %mul3A_1 = arith.constant 39 : i32
    %mul3A_2 = arith.muli %add3A, %mul3A_1 : i32
    %mul3A_3 = arith.constant 128 : i32
    %mul3A_4 = arith.muli %mul3A_2, %mul3A_3 : i32
    "tpu.region"() ({
      %run_scoped3A = tpu.sem_alloc : memref<!tpu.dma_semaphore, #tpu.memory_space<semaphore_mem>>
      %dma_start3A_70 = arith.constant 0 : i32
      %dma_start3A_71 = tpu.memref_slice %arg7[%dma_start3A_70] : memref<5120xi32, #tpu.memory_space<vmem>> -> memref<4992xi32, #tpu.memory_space<vmem>>
      %dma_start3A_72 = tpu.memref_slice %arg4[%mul3A_4] : memref<160000xi32, #tpu.memory_space<hbm>> -> memref<4992xi32, #tpu.memory_space<hbm>>
      %dma_start3A_73 = arith.constant 0 : i32
      %dma_start3A_74 = tpu.memref_slice %arg7[%dma_start3A_73] : memref<5120xi32, #tpu.memory_space<vmem>> -> memref<4992xi32, #tpu.memory_space<vmem>>
      %dma_start3A_75 = tpu.memref_slice %arg4[%mul3A_4] : memref<160000xi32, #tpu.memory_space<hbm>> -> memref<4992xi32, #tpu.memory_space<hbm>>
      tpu.enqueue_dma source(%dma_start3A_75 : memref<4992xi32, #tpu.memory_space<hbm>>) target(%dma_start3A_74 : memref<4992xi32, #tpu.memory_space<vmem>>) target_semaphore(%run_scoped3A : memref<!tpu.dma_semaphore, #tpu.memory_space<semaphore_mem>>)
      %dma_wait3A_76 = arith.constant 0 : i32
      %dma_wait3A_77 = tpu.memref_slice %arg7[%dma_wait3A_76] : memref<5120xi32, #tpu.memory_space<vmem>> -> memref<4992xi32, #tpu.memory_space<vmem>>
      %dma_wait3A_78 = tpu.memref_slice %arg4[%mul3A_4] : memref<160000xi32, #tpu.memory_space<hbm>> -> memref<4992xi32, #tpu.memory_space<hbm>>
      %dma_wait3A_79 = arith.constant 0 : i32
      %dma_wait3A_80 = tpu.memref_slice %arg7[%dma_wait3A_79] : memref<5120xi32, #tpu.memory_space<vmem>> -> memref<4992xi32, #tpu.memory_space<vmem>>
      %dma_wait3A_81 = tpu.memref_slice %arg4[%mul3A_4] : memref<160000xi32, #tpu.memory_space<hbm>> -> memref<4992xi32, #tpu.memory_space<hbm>>
      tpu.wait_dma2 semaphore(%run_scoped3A : memref<!tpu.dma_semaphore, #tpu.memory_space<semaphore_mem>>) src(%dma_wait3A_81 : memref<4992xi32, #tpu.memory_space<hbm>>) dst(%dma_wait3A_80 : memref<4992xi32, #tpu.memory_space<vmem>>)
      tpu.yield
    }) : () -> ()
    "tpu.region"() ({
      %run_scoped3A = tpu.sem_alloc : memref<!tpu.dma_semaphore, #tpu.memory_space<semaphore_mem>>
      %dma_start3A_70 = arith.constant 0 : i32
      %dma_start3A_71 = tpu.memref_slice %arg8[%dma_start3A_70] : memref<5120xi32, #tpu.memory_space<vmem>> -> memref<4992xi32, #tpu.memory_space<vmem>>
      %dma_start3A_72 = tpu.memref_slice %arg5[%mul3A_4] : memref<160000xi32, #tpu.memory_space<hbm>> -> memref<4992xi32, #tpu.memory_space<hbm>>
      %dma_start3A_73 = arith.constant 0 : i32
      %dma_start3A_74 = tpu.memref_slice %arg8[%dma_start3A_73] : memref<5120xi32, #tpu.memory_space<vmem>> -> memref<4992xi32, #tpu.memory_space<vmem>>
      %dma_start3A_75 = tpu.memref_slice %arg5[%mul3A_4] : memref<160000xi32, #tpu.memory_space<hbm>> -> memref<4992xi32, #tpu.memory_space<hbm>>
      tpu.enqueue_dma source(%dma_start3A_75 : memref<4992xi32, #tpu.memory_space<hbm>>) target(%dma_start3A_74 : memref<4992xi32, #tpu.memory_space<vmem>>) target_semaphore(%run_scoped3A : memref<!tpu.dma_semaphore, #tpu.memory_space<semaphore_mem>>)
      %dma_wait3A_76 = arith.constant 0 : i32
      %dma_wait3A_77 = tpu.memref_slice %arg8[%dma_wait3A_76] : memref<5120xi32, #tpu.memory_space<vmem>> -> memref<4992xi32, #tpu.memory_space<vmem>>
      %dma_wait3A_78 = tpu.memref_slice %arg5[%mul3A_4] : memref<160000xi32, #tpu.memory_space<hbm>> -> memref<4992xi32, #tpu.memory_space<hbm>>
      %dma_wait3A_79 = arith.constant 0 : i32
      %dma_wait3A_80 = tpu.memref_slice %arg8[%dma_wait3A_79] : memref<5120xi32, #tpu.memory_space<vmem>> -> memref<4992xi32, #tpu.memory_space<vmem>>
      %dma_wait3A_81 = tpu.memref_slice %arg5[%mul3A_4] : memref<160000xi32, #tpu.memory_space<hbm>> -> memref<4992xi32, #tpu.memory_space<hbm>>
      tpu.wait_dma2 semaphore(%run_scoped3A : memref<!tpu.dma_semaphore, #tpu.memory_space<semaphore_mem>>) src(%dma_wait3A_81 : memref<4992xi32, #tpu.memory_space<hbm>>) dst(%dma_wait3A_80 : memref<4992xi32, #tpu.memory_space<vmem>>)
      tpu.yield
    }) : () -> ()
    %lt3A = arith.constant 2 : i32
    %lt3A_5 = arith.cmpi slt, %add3A, %lt3A : i32
    %convert_element_type3A = arith.extui %lt3A_5 : i1 to i32
    %cond3A = arith.constant 0 : i32
    %cond3A_6 = arith.cmpi ne, %convert_element_type3A, %cond3A : i32
    scf.if %cond3A_6 {
      %add3A_70 = arith.constant 1248 : i32
      %add3A_71 = arith.addi %add3A_70, %add3A : i32
      %mul3A_72 = arith.constant 128 : i32
      %mul3A_73 = arith.muli %add3A_71, %mul3A_72 : i32
      "tpu.region"() ({
        %run_scoped3A = tpu.sem_alloc : memref<!tpu.dma_semaphore, #tpu.memory_space<semaphore_mem>>
        %dma_start3A_74 = arith.constant 4992 : i32
        %dma_start3A_75 = tpu.memref_slice %arg7[%dma_start3A_74] : memref<5120xi32, #tpu.memory_space<vmem>> -> memref<128xi32, #tpu.memory_space<vmem>>
        %dma_start3A_76 = tpu.memref_slice %arg4[%mul3A_73] : memref<160000xi32, #tpu.memory_space<hbm>> -> memref<128xi32, #tpu.memory_space<hbm>>
        %dma_start3A_77 = arith.constant 4992 : i32
        %dma_start3A_78 = tpu.memref_slice %arg7[%dma_start3A_77] : memref<5120xi32, #tpu.memory_space<vmem>> -> memref<128xi32, #tpu.memory_space<vmem>>
        %dma_start3A_79 = tpu.memref_slice %arg4[%mul3A_73] : memref<160000xi32, #tpu.memory_space<hbm>> -> memref<128xi32, #tpu.memory_space<hbm>>
        tpu.enqueue_dma source(%dma_start3A_79 : memref<128xi32, #tpu.memory_space<hbm>>) target(%dma_start3A_78 : memref<128xi32, #tpu.memory_space<vmem>>) target_semaphore(%run_scoped3A : memref<!tpu.dma_semaphore, #tpu.memory_space<semaphore_mem>>)
        %dma_wait3A_80 = arith.constant 4992 : i32
        %dma_wait3A_81 = tpu.memref_slice %arg7[%dma_wait3A_80] : memref<5120xi32, #tpu.memory_space<vmem>> -> memref<128xi32, #tpu.memory_space<vmem>>
        %dma_wait3A_82 = tpu.memref_slice %arg4[%mul3A_73] : memref<160000xi32, #tpu.memory_space<hbm>> -> memref<128xi32, #tpu.memory_space<hbm>>
        %dma_wait3A_83 = arith.constant 4992 : i32
        %dma_wait3A_84 = tpu.memref_slice %arg7[%dma_wait3A_83] : memref<5120xi32, #tpu.memory_space<vmem>> -> memref<128xi32, #tpu.memory_space<vmem>>
        %dma_wait3A_85 = tpu.memref_slice %arg4[%mul3A_73] : memref<160000xi32, #tpu.memory_space<hbm>> -> memref<128xi32, #tpu.memory_space<hbm>>
        tpu.wait_dma2 semaphore(%run_scoped3A : memref<!tpu.dma_semaphore, #tpu.memory_space<semaphore_mem>>) src(%dma_wait3A_85 : memref<128xi32, #tpu.memory_space<hbm>>) dst(%dma_wait3A_84 : memref<128xi32, #tpu.memory_space<vmem>>)
        tpu.yield
      }) : () -> ()
      "tpu.region"() ({
        %run_scoped3A = tpu.sem_alloc : memref<!tpu.dma_semaphore, #tpu.memory_space<semaphore_mem>>
        %dma_start3A_74 = arith.constant 4992 : i32
        %dma_start3A_75 = tpu.memref_slice %arg8[%dma_start3A_74] : memref<5120xi32, #tpu.memory_space<vmem>> -> memref<128xi32, #tpu.memory_space<vmem>>
        %dma_start3A_76 = tpu.memref_slice %arg5[%mul3A_73] : memref<160000xi32, #tpu.memory_space<hbm>> -> memref<128xi32, #tpu.memory_space<hbm>>
        %dma_start3A_77 = arith.constant 4992 : i32
        %dma_start3A_78 = tpu.memref_slice %arg8[%dma_start3A_77] : memref<5120xi32, #tpu.memory_space<vmem>> -> memref<128xi32, #tpu.memory_space<vmem>>
        %dma_start3A_79 = tpu.memref_slice %arg5[%mul3A_73] : memref<160000xi32, #tpu.memory_space<hbm>> -> memref<128xi32, #tpu.memory_space<hbm>>
        tpu.enqueue_dma source(%dma_start3A_79 : memref<128xi32, #tpu.memory_space<hbm>>) target(%dma_start3A_78 : memref<128xi32, #tpu.memory_space<vmem>>) target_semaphore(%run_scoped3A : memref<!tpu.dma_semaphore, #tpu.memory_space<semaphore_mem>>)
        %dma_wait3A_80 = arith.constant 4992 : i32
        %dma_wait3A_81 = tpu.memref_slice %arg8[%dma_wait3A_80] : memref<5120xi32, #tpu.memory_space<vmem>> -> memref<128xi32, #tpu.memory_space<vmem>>
        %dma_wait3A_82 = tpu.memref_slice %arg5[%mul3A_73] : memref<160000xi32, #tpu.memory_space<hbm>> -> memref<128xi32, #tpu.memory_space<hbm>>
        %dma_wait3A_83 = arith.constant 4992 : i32
        %dma_wait3A_84 = tpu.memref_slice %arg8[%dma_wait3A_83] : memref<5120xi32, #tpu.memory_space<vmem>> -> memref<128xi32, #tpu.memory_space<vmem>>
        %dma_wait3A_85 = tpu.memref_slice %arg5[%mul3A_73] : memref<160000xi32, #tpu.memory_space<hbm>> -> memref<128xi32, #tpu.memory_space<hbm>>
        tpu.wait_dma2 semaphore(%run_scoped3A : memref<!tpu.dma_semaphore, #tpu.memory_space<semaphore_mem>>) src(%dma_wait3A_85 : memref<128xi32, #tpu.memory_space<hbm>>) dst(%dma_wait3A_84 : memref<128xi32, #tpu.memory_space<vmem>>)
        tpu.yield
      }) : () -> ()
    } else {
    }
    %dma_start3A = arith.constant 0 : i32
    %dma_start3A_7 = tpu.memref_slice %arg7[%dma_start3A] : memref<5120xi32, #tpu.memory_space<vmem>> -> memref<128xi32, #tpu.memory_space<vmem>>
    %dma_start3A_8 = arith.constant 0 : i32
    %dma_start3A_9 = arith.constant 0 : i32
    %dma_start3A_10 = tpu.memref_slice %arg2[%dma_start3A_8, %dma_start3A_9] : memref<10000x128xf32, #tpu.memory_space<hbm>> -> memref<10000x128xf32, #tpu.memory_space<hbm>>
    tpu.enqueue_indirect_dma source(%dma_start3A_10 : memref<10000x128xf32, #tpu.memory_space<hbm>>) target(%arg9 : memref<128x128xf32, #tpu.memory_space<vmem>>) offsets(%dma_start3A_7 : memref<128xi32, #tpu.memory_space<vmem>>) semaphore(%arg13 : memref<!tpu.dma_semaphore, #tpu.memory_space<semaphore_mem>>)
    %dma_start3A_11 = arith.constant 0 : i32
    %dma_start3A_12 = tpu.memref_slice %arg8[%dma_start3A_11] : memref<5120xi32, #tpu.memory_space<vmem>> -> memref<128xi32, #tpu.memory_space<vmem>>
    %dma_start3A_13 = arith.constant 0 : i32
    %dma_start3A_14 = arith.constant 0 : i32
    %dma_start3A_15 = tpu.memref_slice %arg3[%dma_start3A_13, %dma_start3A_14] : memref<10000x128xf32, #tpu.memory_space<hbm>> -> memref<10000x128xf32, #tpu.memory_space<hbm>>
    tpu.enqueue_indirect_dma source(%dma_start3A_15 : memref<10000x128xf32, #tpu.memory_space<hbm>>) target(%arg10 : memref<128x128xf32, #tpu.memory_space<vmem>>) offsets(%dma_start3A_12 : memref<128xi32, #tpu.memory_space<vmem>>) semaphore(%arg14 : memref<!tpu.dma_semaphore, #tpu.memory_space<semaphore_mem>>)
    %scan3A = arith.constant 0 : i32
    %scan3A_16 = arith.constant 0 : i32
    %scan3A_17 = arith.constant 19 : i32
    %scan3A_18 = arith.addi %scan3A_16, %scan3A_17 : i32
    %scan3A_19 = arith.constant 1 : i32
    %scan3A_20 = scf.for %scan3A_70 = %scan3A_16 to %scan3A_18 step %scan3A_19 iter_args(%scan3A_71 = %scan3A) -> (i32)  : i32 {
      %gt3A = arith.constant 0 : i32
      %gt3A_72 = arith.cmpi sgt, %scan3A_70, %gt3A : i32
      %convert_element_type3A_73 = arith.extui %gt3A_72 : i1 to i32
      %cond3A_74 = arith.constant 0 : i32
      %cond3A_75 = arith.cmpi ne, %convert_element_type3A_73, %cond3A_74 : i32
      scf.if %cond3A_75 {
        %dma_wait3A_165 = arith.constant 0 : i32
        %dma_wait3A_166 = arith.constant 0 : i32
        %dma_wait3A_167 = tpu.memref_slice %arg6[%dma_wait3A_165, %dma_wait3A_166] : memref<160000x128xf32, #tpu.memory_space<hbm>> -> memref<128x128xf32, #tpu.memory_space<hbm>>
        %dma_wait3A_168 = arith.constant 0 : i32
        %dma_wait3A_169 = arith.constant 0 : i32
        %dma_wait3A_170 = tpu.memref_slice %arg6[%dma_wait3A_168, %dma_wait3A_169] : memref<160000x128xf32, #tpu.memory_space<hbm>> -> memref<128x128xf32, #tpu.memory_space<hbm>>
        tpu.wait_dma2 semaphore(%arg18 : memref<!tpu.dma_semaphore, #tpu.memory_space<semaphore_mem>>) src(%arg11 : memref<128x128xf32, #tpu.memory_space<vmem>>) dst(%dma_wait3A_170 : memref<128x128xf32, #tpu.memory_space<hbm>>)
      } else {
      }
      %mul3A_76 = arith.constant 2 : i32
      %mul3A_77 = arith.muli %mul3A_76, %scan3A_70 : i32
      %add3A_78 = arith.constant 1 : i32
      %add3A_79 = arith.addi %mul3A_77, %add3A_78 : i32
      %mul3A_80 = arith.constant 128 : i32
      %mul3A_81 = arith.muli %add3A_79, %mul3A_80 : i32
      %dma_start3A_82 = tpu.memref_slice %arg7[%mul3A_81] : memref<5120xi32, #tpu.memory_space<vmem>> -> memref<128xi32, #tpu.memory_space<vmem>>
      %dma_start3A_83 = arith.constant 0 : i32
      %dma_start3A_84 = arith.constant 0 : i32
      %dma_start3A_85 = tpu.memref_slice %arg2[%dma_start3A_83, %dma_start3A_84] : memref<10000x128xf32, #tpu.memory_space<hbm>> -> memref<10000x128xf32, #tpu.memory_space<hbm>>
      tpu.enqueue_indirect_dma source(%dma_start3A_85 : memref<10000x128xf32, #tpu.memory_space<hbm>>) target(%arg11 : memref<128x128xf32, #tpu.memory_space<vmem>>) offsets(%dma_start3A_82 : memref<128xi32, #tpu.memory_space<vmem>>) semaphore(%arg15 : memref<!tpu.dma_semaphore, #tpu.memory_space<semaphore_mem>>)
      %mul3A_86 = arith.constant 128 : i32
      %mul3A_87 = arith.muli %add3A_79, %mul3A_86 : i32
      %dma_start3A_88 = tpu.memref_slice %arg8[%mul3A_87] : memref<5120xi32, #tpu.memory_space<vmem>> -> memref<128xi32, #tpu.memory_space<vmem>>
      %dma_start3A_89 = arith.constant 0 : i32
      %dma_start3A_90 = arith.constant 0 : i32
      %dma_start3A_91 = tpu.memref_slice %arg3[%dma_start3A_89, %dma_start3A_90] : memref<10000x128xf32, #tpu.memory_space<hbm>> -> memref<10000x128xf32, #tpu.memory_space<hbm>>
      tpu.enqueue_indirect_dma source(%dma_start3A_91 : memref<10000x128xf32, #tpu.memory_space<hbm>>) target(%arg12 : memref<128x128xf32, #tpu.memory_space<vmem>>) offsets(%dma_start3A_88 : memref<128xi32, #tpu.memory_space<vmem>>) semaphore(%arg16 : memref<!tpu.dma_semaphore, #tpu.memory_space<semaphore_mem>>)
      %dma_wait3A_92 = arith.constant 0 : i32
      %dma_wait3A_93 = arith.constant 0 : i32
      %dma_wait3A_94 = tpu.memref_slice %arg2[%dma_wait3A_92, %dma_wait3A_93] : memref<10000x128xf32, #tpu.memory_space<hbm>> -> memref<128x128xf32, #tpu.memory_space<hbm>>
      %dma_wait3A_95 = arith.constant 0 : i32
      %dma_wait3A_96 = arith.constant 0 : i32
      %dma_wait3A_97 = tpu.memref_slice %arg2[%dma_wait3A_95, %dma_wait3A_96] : memref<10000x128xf32, #tpu.memory_space<hbm>> -> memref<128x128xf32, #tpu.memory_space<hbm>>
      tpu.wait_dma2 semaphore(%arg13 : memref<!tpu.dma_semaphore, #tpu.memory_space<semaphore_mem>>) src(%dma_wait3A_97 : memref<128x128xf32, #tpu.memory_space<hbm>>) dst(%arg9 : memref<128x128xf32, #tpu.memory_space<vmem>>)
      %dma_wait3A_98 = arith.constant 0 : i32
      %dma_wait3A_99 = arith.constant 0 : i32
      %dma_wait3A_100 = tpu.memref_slice %arg3[%dma_wait3A_98, %dma_wait3A_99] : memref<10000x128xf32, #tpu.memory_space<hbm>> -> memref<128x128xf32, #tpu.memory_space<hbm>>
      %dma_wait3A_101 = arith.constant 0 : i32
      %dma_wait3A_102 = arith.constant 0 : i32
      %dma_wait3A_103 = tpu.memref_slice %arg3[%dma_wait3A_101, %dma_wait3A_102] : memref<10000x128xf32, #tpu.memory_space<hbm>> -> memref<128x128xf32, #tpu.memory_space<hbm>>
      tpu.wait_dma2 semaphore(%arg14 : memref<!tpu.dma_semaphore, #tpu.memory_space<semaphore_mem>>) src(%dma_wait3A_103 : memref<128x128xf32, #tpu.memory_space<hbm>>) dst(%arg10 : memref<128x128xf32, #tpu.memory_space<vmem>>)
      %scan3A_104 = arith.constant 0 : i32
      %scan3A_105 = arith.constant 0 : i32
      %scan3A_106 = arith.constant 128 : i32
      %scan3A_107 = arith.addi %scan3A_105, %scan3A_106 : i32
      %scan3A_108 = arith.constant 1 : i32
      %scan3A_109 = scf.for %scan3A_165 = %scan3A_105 to %scan3A_107 step %scan3A_108 iter_args(%scan3A_166 = %scan3A_104) -> (i32)  : i32 {
        %get3A = arith.index_cast %scan3A_165 : i32 to index
        %get3A_167 = arith.constant 0 : index
        %get3A_168 = tpu.vector_load %arg9[%get3A, %get3A_167] {strides = array<i32>} : memref<128x128xf32, #tpu.memory_space<vmem>>, vector<1x16xf32>,
        %get3A_169 = vector.shape_cast %get3A_168 : vector<1x16xf32> to vector<16xf32>
        %get3A_170 = arith.index_cast %scan3A_165 : i32 to index
        %get3A_171 = arith.constant 0 : index
        %get3A_172 = tpu.vector_load %arg10[%get3A_170, %get3A_171] {strides = array<i32>} : memref<128x128xf32, #tpu.memory_space<vmem>>, vector<1x16xf32>,
        %get3A_173 = vector.shape_cast %get3A_172 : vector<1x16xf32> to vector<16xf32>
        %add3A_174 = arith.addf %get3A_169, %get3A_173 : vector<16xf32>
        %swap3A = arith.index_cast %scan3A_165 : i32 to index
        %swap3A_175 = arith.constant 0 : index
        %swap3A_176 = tpu.vector_load %arg9[%swap3A, %swap3A_175] {strides = array<i32>} : memref<128x128xf32, #tpu.memory_space<vmem>>, vector<1x16xf32>,
        %swap3A_177 = vector.shape_cast %swap3A_176 : vector<1x16xf32> to vector<16xf32>
        %swap3A_178 = vector.shape_cast %add3A_174 : vector<16xf32> to vector<1x16xf32>
        tpu.vector_store %arg9[%swap3A, %swap3A_175], %swap3A_178 {strides = array<i32>} : memref<128x128xf32, #tpu.memory_space<vmem>>, vector<1x16xf32>,
        %get3A_179 = arith.index_cast %scan3A_165 : i32 to index
        %get3A_180 = arith.constant 16 : index
        %get3A_181 = tpu.vector_load %arg9[%get3A_179, %get3A_180] {strides = array<i32>} : memref<128x128xf32, #tpu.memory_space<vmem>>, vector<1x16xf32>,
        %get3A_182 = vector.shape_cast %get3A_181 : vector<1x16xf32> to vector<16xf32>
        %get3A_183 = arith.index_cast %scan3A_165 : i32 to index
        %get3A_184 = arith.constant 16 : index
        %get3A_185 = tpu.vector_load %arg10[%get3A_183, %get3A_184] {strides = array<i32>} : memref<128x128xf32, #tpu.memory_space<vmem>>, vector<1x16xf32>,
        %get3A_186 = vector.shape_cast %get3A_185 : vector<1x16xf32> to vector<16xf32>
        %add3A_187 = arith.addf %get3A_182, %get3A_186 : vector<16xf32>
        %swap3A_188 = arith.index_cast %scan3A_165 : i32 to index
        %swap3A_189 = arith.constant 16 : index
        %swap3A_190 = tpu.vector_load %arg9[%swap3A_188, %swap3A_189] {strides = array<i32>} : memref<128x128xf32, #tpu.memory_space<vmem>>, vector<1x16xf32>,
        %swap3A_191 = vector.shape_cast %swap3A_190 : vector<1x16xf32> to vector<16xf32>
        %swap3A_192 = vector.shape_cast %add3A_187 : vector<16xf32> to vector<1x16xf32>
        tpu.vector_store %arg9[%swap3A_188, %swap3A_189], %swap3A_192 {strides = array<i32>} : memref<128x128xf32, #tpu.memory_space<vmem>>, vector<1x16xf32>,
        %get3A_193 = arith.index_cast %scan3A_165 : i32 to index
        %get3A_194 = arith.constant 32 : index
        %get3A_195 = tpu.vector_load %arg9[%get3A_193, %get3A_194] {strides = array<i32>} : memref<128x128xf32, #tpu.memory_space<vmem>>, vector<1x16xf32>,
        %get3A_196 = vector.shape_cast %get3A_195 : vector<1x16xf32> to vector<16xf32>
        %get3A_197 = arith.index_cast %scan3A_165 : i32 to index
        %get3A_198 = arith.constant 32 : index
        %get3A_199 = tpu.vector_load %arg10[%get3A_197, %get3A_198] {strides = array<i32>} : memref<128x128xf32, #tpu.memory_space<vmem>>, vector<1x16xf32>,
        %get3A_200 = vector.shape_cast %get3A_199 : vector<1x16xf32> to vector<16xf32>
        %add3A_201 = arith.addf %get3A_196, %get3A_200 : vector<16xf32>
        %swap3A_202 = arith.index_cast %scan3A_165 : i32 to index
        %swap3A_203 = arith.constant 32 : index
        %swap3A_204 = tpu.vector_load %arg9[%swap3A_202, %swap3A_203] {strides = array<i32>} : memref<128x128xf32, #tpu.memory_space<vmem>>, vector<1x16xf32>,
        %swap3A_205 = vector.shape_cast %swap3A_204 : vector<1x16xf32> to vector<16xf32>
        %swap3A_206 = vector.shape_cast %add3A_201 : vector<16xf32> to vector<1x16xf32>
        tpu.vector_store %arg9[%swap3A_202, %swap3A_203], %swap3A_206 {strides = array<i32>} : memref<128x128xf32, #tpu.memory_space<vmem>>, vector<1x16xf32>,
        %get3A_207 = arith.index_cast %scan3A_165 : i32 to index
        %get3A_208 = arith.constant 48 : index
        %get3A_209 = tpu.vector_load %arg9[%get3A_207, %get3A_208] {strides = array<i32>} : memref<128x128xf32, #tpu.memory_space<vmem>>, vector<1x16xf32>,
        %get3A_210 = vector.shape_cast %get3A_209 : vector<1x16xf32> to vector<16xf32>
        %get3A_211 = arith.index_cast %scan3A_165 : i32 to index
        %get3A_212 = arith.constant 48 : index
        %get3A_213 = tpu.vector_load %arg10[%get3A_211, %get3A_212] {strides = array<i32>} : memref<128x128xf32, #tpu.memory_space<vmem>>, vector<1x16xf32>,
        %get3A_214 = vector.shape_cast %get3A_213 : vector<1x16xf32> to vector<16xf32>
        %add3A_215 = arith.addf %get3A_210, %get3A_214 : vector<16xf32>
        %swap3A_216 = arith.index_cast %scan3A_165 : i32 to index
        %swap3A_217 = arith.constant 48 : index
        %swap3A_218 = tpu.vector_load %arg9[%swap3A_216, %swap3A_217] {strides = array<i32>} : memref<128x128xf32, #tpu.memory_space<vmem>>, vector<1x16xf32>,
        %swap3A_219 = vector.shape_cast %swap3A_218 : vector<1x16xf32> to vector<16xf32>
        %swap3A_220 = vector.shape_cast %add3A_215 : vector<16xf32> to vector<1x16xf32>
        tpu.vector_store %arg9[%swap3A_216, %swap3A_217], %swap3A_220 {strides = array<i32>} : memref<128x128xf32, #tpu.memory_space<vmem>>, vector<1x16xf32>,
        %get3A_221 = arith.index_cast %scan3A_165 : i32 to index
        %get3A_222 = arith.constant 64 : index
        %get3A_223 = tpu.vector_load %arg9[%get3A_221, %get3A_222] {strides = array<i32>} : memref<128x128xf32, #tpu.memory_space<vmem>>, vector<1x16xf32>,
        %get3A_224 = vector.shape_cast %get3A_223 : vector<1x16xf32> to vector<16xf32>
        %get3A_225 = arith.index_cast %scan3A_165 : i32 to index
        %get3A_226 = arith.constant 64 : index
        %get3A_227 = tpu.vector_load %arg10[%get3A_225, %get3A_226] {strides = array<i32>} : memref<128x128xf32, #tpu.memory_space<vmem>>, vector<1x16xf32>,
        %get3A_228 = vector.shape_cast %get3A_227 : vector<1x16xf32> to vector<16xf32>
        %add3A_229 = arith.addf %get3A_224, %get3A_228 : vector<16xf32>
        %swap3A_230 = arith.index_cast %scan3A_165 : i32 to index
        %swap3A_231 = arith.constant 64 : index
        %swap3A_232 = tpu.vector_load %arg9[%swap3A_230, %swap3A_231] {strides = array<i32>} : memref<128x128xf32, #tpu.memory_space<vmem>>, vector<1x16xf32>,
        %swap3A_233 = vector.shape_cast %swap3A_232 : vector<1x16xf32> to vector<16xf32>
        %swap3A_234 = vector.shape_cast %add3A_229 : vector<16xf32> to vector<1x16xf32>
        tpu.vector_store %arg9[%swap3A_230, %swap3A_231], %swap3A_234 {strides = array<i32>} : memref<128x128xf32, #tpu.memory_space<vmem>>, vector<1x16xf32>,
        %get3A_235 = arith.index_cast %scan3A_165 : i32 to index
        %get3A_236 = arith.constant 80 : index
        %get3A_237 = tpu.vector_load %arg9[%get3A_235, %get3A_236] {strides = array<i32>} : memref<128x128xf32, #tpu.memory_space<vmem>>, vector<1x16xf32>,
        %get3A_238 = vector.shape_cast %get3A_237 : vector<1x16xf32> to vector<16xf32>
        %get3A_239 = arith.index_cast %scan3A_165 : i32 to index
        %get3A_240 = arith.constant 80 : index
        %get3A_241 = tpu.vector_load %arg10[%get3A_239, %get3A_240] {strides = array<i32>} : memref<128x128xf32, #tpu.memory_space<vmem>>, vector<1x16xf32>,
        %get3A_242 = vector.shape_cast %get3A_241 : vector<1x16xf32> to vector<16xf32>
        %add3A_243 = arith.addf %get3A_238, %get3A_242 : vector<16xf32>
        %swap3A_244 = arith.index_cast %scan3A_165 : i32 to index
        %swap3A_245 = arith.constant 80 : index
        %swap3A_246 = tpu.vector_load %arg9[%swap3A_244, %swap3A_245] {strides = array<i32>} : memref<128x128xf32, #tpu.memory_space<vmem>>, vector<1x16xf32>,
        %swap3A_247 = vector.shape_cast %swap3A_246 : vector<1x16xf32> to vector<16xf32>
        %swap3A_248 = vector.shape_cast %add3A_243 : vector<16xf32> to vector<1x16xf32>
        tpu.vector_store %arg9[%swap3A_244, %swap3A_245], %swap3A_248 {strides = array<i32>} : memref<128x128xf32, #tpu.memory_space<vmem>>, vector<1x16xf32>,
        %scan3A_249 = arith.constant 0 : i32
        scf.yield %scan3A_249 : i32
      }
      %scan3A_110 = arith.constant 128 : i32
      %mul3A_111 = arith.constant 2 : i32
      %mul3A_112 = arith.muli %mul3A_111, %scan3A_70 : i32
      %add3A_113 = arith.addi %mul3A_2, %mul3A_112 : i32
      %mul3A_114 = arith.constant 128 : i32
      %mul3A_115 = arith.muli %add3A_113, %mul3A_114 : i32
      %dma_start3A_116 = arith.constant 0 : i32
      %dma_start3A_117 = tpu.memref_slice %arg6[%mul3A_115, %dma_start3A_116] : memref<160000x128xf32, #tpu.memory_space<hbm>> -> memref<128x128xf32, #tpu.memory_space<hbm>>
      %dma_start3A_118 = arith.constant 0 : i32
      %dma_start3A_119 = tpu.memref_slice %arg6[%mul3A_115, %dma_start3A_118] : memref<160000x128xf32, #tpu.memory_space<hbm>> -> memref<128x128xf32, #tpu.memory_space<hbm>>
      tpu.enqueue_dma source(%arg9 : memref<128x128xf32, #tpu.memory_space<vmem>>) target(%dma_start3A_119 : memref<128x128xf32, #tpu.memory_space<hbm>>) target_semaphore(%arg17 : memref<!tpu.dma_semaphore, #tpu.memory_space<semaphore_mem>>)
      %dma_wait3A_120 = arith.constant 0 : i32
      %dma_wait3A_121 = arith.constant 0 : i32
      %dma_wait3A_122 = tpu.memref_slice %arg6[%dma_wait3A_120, %dma_wait3A_121] : memref<160000x128xf32, #tpu.memory_space<hbm>> -> memref<128x128xf32, #tpu.memory_space<hbm>>
      %dma_wait3A_123 = arith.constant 0 : i32
      %dma_wait3A_124 = arith.constant 0 : i32
      %dma_wait3A_125 = tpu.memref_slice %arg6[%dma_wait3A_123, %dma_wait3A_124] : memref<160000x128xf32, #tpu.memory_space<hbm>> -> memref<128x128xf32, #tpu.memory_space<hbm>>
      tpu.wait_dma2 semaphore(%arg17 : memref<!tpu.dma_semaphore, #tpu.memory_space<semaphore_mem>>) src(%arg9 : memref<128x128xf32, #tpu.memory_space<vmem>>) dst(%dma_wait3A_125 : memref<128x128xf32, #tpu.memory_space<hbm>>)
      %mul3A_126 = arith.constant 2 : i32
      %mul3A_127 = arith.muli %mul3A_126, %scan3A_70 : i32
      %add3A_128 = arith.constant 2 : i32
      %add3A_129 = arith.addi %mul3A_127, %add3A_128 : i32
      %le3A = arith.constant 38 : i32
      %le3A_130 = arith.cmpi sle, %add3A_129, %le3A : i32
      %convert_element_type3A_131 = arith.extui %le3A_130 : i1 to i32
      %cond3A_132 = arith.constant 0 : i32
      %cond3A_133 = arith.cmpi ne, %convert_element_type3A_131, %cond3A_132 : i32
      scf.if %cond3A_133 {
        %mul3A_165 = arith.constant 2 : i32
        %mul3A_166 = arith.muli %mul3A_165, %scan3A_70 : i32
        %add3A_167 = arith.constant 2 : i32
        %add3A_168 = arith.addi %mul3A_166, %add3A_167 : i32
        %mul3A_169 = arith.constant 128 : i32
        %mul3A_170 = arith.muli %add3A_168, %mul3A_169 : i32
        %dma_start3A_171 = tpu.memref_slice %arg7[%mul3A_170] : memref<5120xi32, #tpu.memory_space<vmem>> -> memref<128xi32, #tpu.memory_space<vmem>>
        %dma_start3A_172 = arith.constant 0 : i32
        %dma_start3A_173 = arith.constant 0 : i32
        %dma_start3A_174 = tpu.memref_slice %arg2[%dma_start3A_172, %dma_start3A_173] : memref<10000x128xf32, #tpu.memory_space<hbm>> -> memref<10000x128xf32, #tpu.memory_space<hbm>>
        tpu.enqueue_indirect_dma source(%dma_start3A_174 : memref<10000x128xf32, #tpu.memory_space<hbm>>) target(%arg9 : memref<128x128xf32, #tpu.memory_space<vmem>>) offsets(%dma_start3A_171 : memref<128xi32, #tpu.memory_space<vmem>>) semaphore(%arg13 : memref<!tpu.dma_semaphore, #tpu.memory_space<semaphore_mem>>)
        %mul3A_175 = arith.constant 128 : i32
        %mul3A_176 = arith.muli %add3A_168, %mul3A_175 : i32
        %dma_start3A_177 = tpu.memref_slice %arg8[%mul3A_176] : memref<5120xi32, #tpu.memory_space<vmem>> -> memref<128xi32, #tpu.memory_space<vmem>>
        %dma_start3A_178 = arith.constant 0 : i32
        %dma_start3A_179 = arith.constant 0 : i32
        %dma_start3A_180 = tpu.memref_slice %arg3[%dma_start3A_178, %dma_start3A_179] : memref<10000x128xf32, #tpu.memory_space<hbm>> -> memref<10000x128xf32, #tpu.memory_space<hbm>>
        tpu.enqueue_indirect_dma source(%dma_start3A_180 : memref<10000x128xf32, #tpu.memory_space<hbm>>) target(%arg10 : memref<128x128xf32, #tpu.memory_space<vmem>>) offsets(%dma_start3A_177 : memref<128xi32, #tpu.memory_space<vmem>>) semaphore(%arg14 : memref<!tpu.dma_semaphore, #tpu.memory_space<semaphore_mem>>)
      } else {
      }
      %dma_wait3A_134 = arith.constant 0 : i32
      %dma_wait3A_135 = arith.constant 0 : i32
      %dma_wait3A_136 = tpu.memref_slice %arg2[%dma_wait3A_134, %dma_wait3A_135] : memref<10000x128xf32, #tpu.memory_space<hbm>> -> memref<128x128xf32, #tpu.memory_space<hbm>>
      %dma_wait3A_137 = arith.constant 0 : i32
      %dma_wait3A_138 = arith.constant 0 : i32
      %dma_wait3A_139 = tpu.memref_slice %arg2[%dma_wait3A_137, %dma_wait3A_138] : memref<10000x128xf32, #tpu.memory_space<hbm>> -> memref<128x128xf32, #tpu.memory_space<hbm>>
      tpu.wait_dma2 semaphore(%arg15 : memref<!tpu.dma_semaphore, #tpu.memory_space<semaphore_mem>>) src(%dma_wait3A_139 : memref<128x128xf32, #tpu.memory_space<hbm>>) dst(%arg11 : memref<128x128xf32, #tpu.memory_space<vmem>>)
      %dma_wait3A_140 = arith.constant 0 : i32
      %dma_wait3A_141 = arith.constant 0 : i32
      %dma_wait3A_142 = tpu.memref_slice %arg3[%dma_wait3A_140, %dma_wait3A_141] : memref<10000x128xf32, #tpu.memory_space<hbm>> -> memref<128x128xf32, #tpu.memory_space<hbm>>
      %dma_wait3A_143 = arith.constant 0 : i32
      %dma_wait3A_144 = arith.constant 0 : i32
      %dma_wait3A_145 = tpu.memref_slice %arg3[%dma_wait3A_143, %dma_wait3A_144] : memref<10000x128xf32, #tpu.memory_space<hbm>> -> memref<128x128xf32, #tpu.memory_space<hbm>>
      tpu.wait_dma2 semaphore(%arg16 : memref<!tpu.dma_semaphore, #tpu.memory_space<semaphore_mem>>) src(%dma_wait3A_145 : memref<128x128xf32, #tpu.memory_space<hbm>>) dst(%arg12 : memref<128x128xf32, #tpu.memory_space<vmem>>)
      %scan3A_146 = arith.constant 0 : i32
      %scan3A_147 = arith.constant 0 : i32
      %scan3A_148 = arith.constant 128 : i32
      %scan3A_149 = arith.addi %scan3A_147, %scan3A_148 : i32
      %scan3A_150 = arith.constant 1 : i32
      %scan3A_151 = scf.for %scan3A_165 = %scan3A_147 to %scan3A_149 step %scan3A_150 iter_args(%scan3A_166 = %scan3A_146) -> (i32)  : i32 {
        %get3A = arith.index_cast %scan3A_165 : i32 to index
        %get3A_167 = arith.constant 0 : index
        %get3A_168 = tpu.vector_load %arg11[%get3A, %get3A_167] {strides = array<i32>} : memref<128x128xf32, #tpu.memory_space<vmem>>, vector<1x16xf32>,
        %get3A_169 = vector.shape_cast %get3A_168 : vector<1x16xf32> to vector<16xf32>
        %get3A_170 = arith.index_cast %scan3A_165 : i32 to index
        %get3A_171 = arith.constant 0 : index
        %get3A_172 = tpu.vector_load %arg12[%get3A_170, %get3A_171] {strides = array<i32>} : memref<128x128xf32, #tpu.memory_space<vmem>>, vector<1x16xf32>,
        %get3A_173 = vector.shape_cast %get3A_172 : vector<1x16xf32> to vector<16xf32>
        %add3A_174 = arith.addf %get3A_169, %get3A_173 : vector<16xf32>
        %swap3A = arith.index_cast %scan3A_165 : i32 to index
        %swap3A_175 = arith.constant 0 : index
        %swap3A_176 = tpu.vector_load %arg11[%swap3A, %swap3A_175] {strides = array<i32>} : memref<128x128xf32, #tpu.memory_space<vmem>>, vector<1x16xf32>,
        %swap3A_177 = vector.shape_cast %swap3A_176 : vector<1x16xf32> to vector<16xf32>
        %swap3A_178 = vector.shape_cast %add3A_174 : vector<16xf32> to vector<1x16xf32>
        tpu.vector_store %arg11[%swap3A, %swap3A_175], %swap3A_178 {strides = array<i32>} : memref<128x128xf32, #tpu.memory_space<vmem>>, vector<1x16xf32>,
        %get3A_179 = arith.index_cast %scan3A_165 : i32 to index
        %get3A_180 = arith.constant 16 : index
        %get3A_181 = tpu.vector_load %arg11[%get3A_179, %get3A_180] {strides = array<i32>} : memref<128x128xf32, #tpu.memory_space<vmem>>, vector<1x16xf32>,
        %get3A_182 = vector.shape_cast %get3A_181 : vector<1x16xf32> to vector<16xf32>
        %get3A_183 = arith.index_cast %scan3A_165 : i32 to index
        %get3A_184 = arith.constant 16 : index
        %get3A_185 = tpu.vector_load %arg12[%get3A_183, %get3A_184] {strides = array<i32>} : memref<128x128xf32, #tpu.memory_space<vmem>>, vector<1x16xf32>,
        %get3A_186 = vector.shape_cast %get3A_185 : vector<1x16xf32> to vector<16xf32>
        %add3A_187 = arith.addf %get3A_182, %get3A_186 : vector<16xf32>
        %swap3A_188 = arith.index_cast %scan3A_165 : i32 to index
        %swap3A_189 = arith.constant 16 : index
        %swap3A_190 = tpu.vector_load %arg11[%swap3A_188, %swap3A_189] {strides = array<i32>} : memref<128x128xf32, #tpu.memory_space<vmem>>, vector<1x16xf32>,
        %swap3A_191 = vector.shape_cast %swap3A_190 : vector<1x16xf32> to vector<16xf32>
        %swap3A_192 = vector.shape_cast %add3A_187 : vector<16xf32> to vector<1x16xf32>
        tpu.vector_store %arg11[%swap3A_188, %swap3A_189], %swap3A_192 {strides = array<i32>} : memref<128x128xf32, #tpu.memory_space<vmem>>, vector<1x16xf32>,
        %get3A_193 = arith.index_cast %scan3A_165 : i32 to index
        %get3A_194 = arith.constant 32 : index
        %get3A_195 = tpu.vector_load %arg11[%get3A_193, %get3A_194] {strides = array<i32>} : memref<128x128xf32, #tpu.memory_space<vmem>>, vector<1x16xf32>,
        %get3A_196 = vector.shape_cast %get3A_195 : vector<1x16xf32> to vector<16xf32>
        %get3A_197 = arith.index_cast %scan3A_165 : i32 to index
        %get3A_198 = arith.constant 32 : index
        %get3A_199 = tpu.vector_load %arg12[%get3A_197, %get3A_198] {strides = array<i32>} : memref<128x128xf32, #tpu.memory_space<vmem>>, vector<1x16xf32>,
        %get3A_200 = vector.shape_cast %get3A_199 : vector<1x16xf32> to vector<16xf32>
        %add3A_201 = arith.addf %get3A_196, %get3A_200 : vector<16xf32>
        %swap3A_202 = arith.index_cast %scan3A_165 : i32 to index
        %swap3A_203 = arith.constant 32 : index
        %swap3A_204 = tpu.vector_load %arg11[%swap3A_202, %swap3A_203] {strides = array<i32>} : memref<128x128xf32, #tpu.memory_space<vmem>>, vector<1x16xf32>,
        %swap3A_205 = vector.shape_cast %swap3A_204 : vector<1x16xf32> to vector<16xf32>
        %swap3A_206 = vector.shape_cast %add3A_201 : vector<16xf32> to vector<1x16xf32>
        tpu.vector_store %arg11[%swap3A_202, %swap3A_203], %swap3A_206 {strides = array<i32>} : memref<128x128xf32, #tpu.memory_space<vmem>>, vector<1x16xf32>,
        %get3A_207 = arith.index_cast %scan3A_165 : i32 to index
        %get3A_208 = arith.constant 48 : index
        %get3A_209 = tpu.vector_load %arg11[%get3A_207, %get3A_208] {strides = array<i32>} : memref<128x128xf32, #tpu.memory_space<vmem>>, vector<1x16xf32>,
        %get3A_210 = vector.shape_cast %get3A_209 : vector<1x16xf32> to vector<16xf32>
        %get3A_211 = arith.index_cast %scan3A_165 : i32 to index
        %get3A_212 = arith.constant 48 : index
        %get3A_213 = tpu.vector_load %arg12[%get3A_211, %get3A_212] {strides = array<i32>} : memref<128x128xf32, #tpu.memory_space<vmem>>, vector<1x16xf32>,
        %get3A_214 = vector.shape_cast %get3A_213 : vector<1x16xf32> to vector<16xf32>
        %add3A_215 = arith.addf %get3A_210, %get3A_214 : vector<16xf32>
        %swap3A_216 = arith.index_cast %scan3A_165 : i32 to index
        %swap3A_217 = arith.constant 48 : index
        %swap3A_218 = tpu.vector_load %arg11[%swap3A_216, %swap3A_217] {strides = array<i32>} : memref<128x128xf32, #tpu.memory_space<vmem>>, vector<1x16xf32>,
        %swap3A_219 = vector.shape_cast %swap3A_218 : vector<1x16xf32> to vector<16xf32>
        %swap3A_220 = vector.shape_cast %add3A_215 : vector<16xf32> to vector<1x16xf32>
        tpu.vector_store %arg11[%swap3A_216, %swap3A_217], %swap3A_220 {strides = array<i32>} : memref<128x128xf32, #tpu.memory_space<vmem>>, vector<1x16xf32>,
        %get3A_221 = arith.index_cast %scan3A_165 : i32 to index
        %get3A_222 = arith.constant 64 : index
        %get3A_223 = tpu.vector_load %arg11[%get3A_221, %get3A_222] {strides = array<i32>} : memref<128x128xf32, #tpu.memory_space<vmem>>, vector<1x16xf32>,
        %get3A_224 = vector.shape_cast %get3A_223 : vector<1x16xf32> to vector<16xf32>
        %get3A_225 = arith.index_cast %scan3A_165 : i32 to index
        %get3A_226 = arith.constant 64 : index
        %get3A_227 = tpu.vector_load %arg12[%get3A_225, %get3A_226] {strides = array<i32>} : memref<128x128xf32, #tpu.memory_space<vmem>>, vector<1x16xf32>,
        %get3A_228 = vector.shape_cast %get3A_227 : vector<1x16xf32> to vector<16xf32>
        %add3A_229 = arith.addf %get3A_224, %get3A_228 : vector<16xf32>
        %swap3A_230 = arith.index_cast %scan3A_165 : i32 to index
        %swap3A_231 = arith.constant 64 : index
        %swap3A_232 = tpu.vector_load %arg11[%swap3A_230, %swap3A_231] {strides = array<i32>} : memref<128x128xf32, #tpu.memory_space<vmem>>, vector<1x16xf32>,
        %swap3A_233 = vector.shape_cast %swap3A_232 : vector<1x16xf32> to vector<16xf32>
        %swap3A_234 = vector.shape_cast %add3A_229 : vector<16xf32> to vector<1x16xf32>
        tpu.vector_store %arg11[%swap3A_230, %swap3A_231], %swap3A_234 {strides = array<i32>} : memref<128x128xf32, #tpu.memory_space<vmem>>, vector<1x16xf32>,
        %get3A_235 = arith.index_cast %scan3A_165 : i32 to index
        %get3A_236 = arith.constant 80 : index
        %get3A_237 = tpu.vector_load %arg11[%get3A_235, %get3A_236] {strides = array<i32>} : memref<128x128xf32, #tpu.memory_space<vmem>>, vector<1x16xf32>,
        %get3A_238 = vector.shape_cast %get3A_237 : vector<1x16xf32> to vector<16xf32>
        %get3A_239 = arith.index_cast %scan3A_165 : i32 to index
        %get3A_240 = arith.constant 80 : index
        %get3A_241 = tpu.vector_load %arg12[%get3A_239, %get3A_240] {strides = array<i32>} : memref<128x128xf32, #tpu.memory_space<vmem>>, vector<1x16xf32>,
        %get3A_242 = vector.shape_cast %get3A_241 : vector<1x16xf32> to vector<16xf32>
        %add3A_243 = arith.addf %get3A_238, %get3A_242 : vector<16xf32>
        %swap3A_244 = arith.index_cast %scan3A_165 : i32 to index
        %swap3A_245 = arith.constant 80 : index
        %swap3A_246 = tpu.vector_load %arg11[%swap3A_244, %swap3A_245] {strides = array<i32>} : memref<128x128xf32, #tpu.memory_space<vmem>>, vector<1x16xf32>,
        %swap3A_247 = vector.shape_cast %swap3A_246 : vector<1x16xf32> to vector<16xf32>
        %swap3A_248 = vector.shape_cast %add3A_243 : vector<16xf32> to vector<1x16xf32>
        tpu.vector_store %arg11[%swap3A_244, %swap3A_245], %swap3A_248 {strides = array<i32>} : memref<128x128xf32, #tpu.memory_space<vmem>>, vector<1x16xf32>,
        %scan3A_249 = arith.constant 0 : i32
        scf.yield %scan3A_249 : i32
      }
      %scan3A_152 = arith.constant 128 : i32
      %mul3A_153 = arith.constant 2 : i32
      %mul3A_154 = arith.muli %mul3A_153, %scan3A_70 : i32
      %add3A_155 = arith.constant 1 : i32
      %add3A_156 = arith.addi %mul3A_154, %add3A_155 : i32
      %add3A_157 = arith.addi %mul3A_2, %add3A_156 : i32
      %mul3A_158 = arith.constant 128 : i32
      %mul3A_159 = arith.muli %add3A_157, %mul3A_158 : i32
      %dma_start3A_160 = arith.constant 0 : i32
      %dma_start3A_161 = tpu.memref_slice %arg6[%mul3A_159, %dma_start3A_160] : memref<160000x128xf32, #tpu.memory_space<hbm>> -> memref<128x128xf32, #tpu.memory_space<hbm>>
      %dma_start3A_162 = arith.constant 0 : i32
      %dma_start3A_163 = tpu.memref_slice %arg6[%mul3A_159, %dma_start3A_162] : memref<160000x128xf32, #tpu.memory_space<hbm>> -> memref<128x128xf32, #tpu.memory_space<hbm>>
      tpu.enqueue_dma source(%arg11 : memref<128x128xf32, #tpu.memory_space<vmem>>) target(%dma_start3A_163 : memref<128x128xf32, #tpu.memory_space<hbm>>) target_semaphore(%arg18 : memref<!tpu.dma_semaphore, #tpu.memory_space<semaphore_mem>>)
      %scan3A_164 = arith.constant 0 : i32
      scf.yield %scan3A_164 : i32
    }
    %scan3A_21 = arith.constant 19 : i32
    %dma_wait3A = arith.constant 0 : i32
    %dma_wait3A_22 = arith.constant 0 : i32
    %dma_wait3A_23 = tpu.memref_slice %arg6[%dma_wait3A, %dma_wait3A_22] : memref<160000x128xf32, #tpu.memory_space<hbm>> -> memref<128x128xf32, #tpu.memory_space<hbm>>
    %dma_wait3A_24 = arith.constant 0 : i32
    %dma_wait3A_25 = arith.constant 0 : i32
    %dma_wait3A_26 = tpu.memref_slice %arg6[%dma_wait3A_24, %dma_wait3A_25] : memref<160000x128xf32, #tpu.memory_space<hbm>> -> memref<128x128xf32, #tpu.memory_space<hbm>>
    tpu.wait_dma2 semaphore(%arg18 : memref<!tpu.dma_semaphore, #tpu.memory_space<semaphore_mem>>) src(%arg11 : memref<128x128xf32, #tpu.memory_space<vmem>>) dst(%dma_wait3A_26 : memref<128x128xf32, #tpu.memory_space<hbm>>)
    %lt3A_27 = arith.constant 2 : i32
    %lt3A_28 = arith.cmpi slt, %add3A, %lt3A_27 : i32
    %convert_element_type3A_29 = arith.extui %lt3A_28 : i1 to i32
    %cond3A_30 = arith.constant 0 : i32
    %cond3A_31 = arith.cmpi ne, %convert_element_type3A_29, %cond3A_30 : i32
    scf.if %cond3A_31 {
      %dma_start3A_70 = arith.constant 4992 : i32
      %dma_start3A_71 = tpu.memref_slice %arg7[%dma_start3A_70] : memref<5120xi32, #tpu.memory_space<vmem>> -> memref<128xi32, #tpu.memory_space<vmem>>
      %dma_start3A_72 = arith.constant 0 : i32
      %dma_start3A_73 = arith.constant 0 : i32
      %dma_start3A_74 = tpu.memref_slice %arg2[%dma_start3A_72, %dma_start3A_73] : memref<10000x128xf32, #tpu.memory_space<hbm>> -> memref<10000x128xf32, #tpu.memory_space<hbm>>
      tpu.enqueue_indirect_dma source(%dma_start3A_74 : memref<10000x128xf32, #tpu.memory_space<hbm>>) target(%arg11 : memref<128x128xf32, #tpu.memory_space<vmem>>) offsets(%dma_start3A_71 : memref<128xi32, #tpu.memory_space<vmem>>) semaphore(%arg15 : memref<!tpu.dma_semaphore, #tpu.memory_space<semaphore_mem>>)
      %dma_start3A_75 = arith.constant 4992 : i32
      %dma_start3A_76 = tpu.memref_slice %arg8[%dma_start3A_75] : memref<5120xi32, #tpu.memory_space<vmem>> -> memref<128xi32, #tpu.memory_space<vmem>>
      %dma_start3A_77 = arith.constant 0 : i32
      %dma_start3A_78 = arith.constant 0 : i32
      %dma_start3A_79 = tpu.memref_slice %arg3[%dma_start3A_77, %dma_start3A_78] : memref<10000x128xf32, #tpu.memory_space<hbm>> -> memref<10000x128xf32, #tpu.memory_space<hbm>>
      tpu.enqueue_indirect_dma source(%dma_start3A_79 : memref<10000x128xf32, #tpu.memory_space<hbm>>) target(%arg12 : memref<128x128xf32, #tpu.memory_space<vmem>>) offsets(%dma_start3A_76 : memref<128xi32, #tpu.memory_space<vmem>>) semaphore(%arg16 : memref<!tpu.dma_semaphore, #tpu.memory_space<semaphore_mem>>)
    } else {
    }
    %dma_wait3A_32 = arith.constant 0 : i32
    %dma_wait3A_33 = arith.constant 0 : i32
    %dma_wait3A_34 = tpu.memref_slice %arg2[%dma_wait3A_32, %dma_wait3A_33] : memref<10000x128xf32, #tpu.memory_space<hbm>> -> memref<128x128xf32, #tpu.memory_space<hbm>>
    %dma_wait3A_35 = arith.constant 0 : i32
    %dma_wait3A_36 = arith.constant 0 : i32
    %dma_wait3A_37 = tpu.memref_slice %arg2[%dma_wait3A_35, %dma_wait3A_36] : memref<10000x128xf32, #tpu.memory_space<hbm>> -> memref<128x128xf32, #tpu.memory_space<hbm>>
    tpu.wait_dma2 semaphore(%arg13 : memref<!tpu.dma_semaphore, #tpu.memory_space<semaphore_mem>>) src(%dma_wait3A_37 : memref<128x128xf32, #tpu.memory_space<hbm>>) dst(%arg9 : memref<128x128xf32, #tpu.memory_space<vmem>>)
    %dma_wait3A_38 = arith.constant 0 : i32
    %dma_wait3A_39 = arith.constant 0 : i32
    %dma_wait3A_40 = tpu.memref_slice %arg3[%dma_wait3A_38, %dma_wait3A_39] : memref<10000x128xf32, #tpu.memory_space<hbm>> -> memref<128x128xf32, #tpu.memory_space<hbm>>
    %dma_wait3A_41 = arith.constant 0 : i32
    %dma_wait3A_42 = arith.constant 0 : i32
    %dma_wait3A_43 = tpu.memref_slice %arg3[%dma_wait3A_41, %dma_wait3A_42] : memref<10000x128xf32, #tpu.memory_space<hbm>> -> memref<128x128xf32, #tpu.memory_space<hbm>>
    tpu.wait_dma2 semaphore(%arg14 : memref<!tpu.dma_semaphore, #tpu.memory_space<semaphore_mem>>) src(%dma_wait3A_43 : memref<128x128xf32, #tpu.memory_space<hbm>>) dst(%arg10 : memref<128x128xf32, #tpu.memory_space<vmem>>)
    %scan3A_44 = arith.constant 0 : i32
    %scan3A_45 = arith.constant 0 : i32
    %scan3A_46 = arith.constant 128 : i32
    %scan3A_47 = arith.addi %scan3A_45, %scan3A_46 : i32
    %scan3A_48 = arith.constant 1 : i32
    %scan3A_49 = scf.for %scan3A_70 = %scan3A_45 to %scan3A_47 step %scan3A_48 iter_args(%scan3A_71 = %scan3A_44) -> (i32)  : i32 {
      %get3A = arith.index_cast %scan3A_70 : i32 to index
      %get3A_72 = arith.constant 0 : index
      %get3A_73 = tpu.vector_load %arg9[%get3A, %get3A_72] {strides = array<i32>} : memref<128x128xf32, #tpu.memory_space<vmem>>, vector<1x16xf32>,
      %get3A_74 = vector.shape_cast %get3A_73 : vector<1x16xf32> to vector<16xf32>
      %get3A_75 = arith.index_cast %scan3A_70 : i32 to index
      %get3A_76 = arith.constant 0 : index
      %get3A_77 = tpu.vector_load %arg10[%get3A_75, %get3A_76] {strides = array<i32>} : memref<128x128xf32, #tpu.memory_space<vmem>>, vector<1x16xf32>,
      %get3A_78 = vector.shape_cast %get3A_77 : vector<1x16xf32> to vector<16xf32>
      %add3A_79 = arith.addf %get3A_74, %get3A_78 : vector<16xf32>
      %swap3A = arith.index_cast %scan3A_70 : i32 to index
      %swap3A_80 = arith.constant 0 : index
      %swap3A_81 = tpu.vector_load %arg9[%swap3A, %swap3A_80] {strides = array<i32>} : memref<128x128xf32, #tpu.memory_space<vmem>>, vector<1x16xf32>,
      %swap3A_82 = vector.shape_cast %swap3A_81 : vector<1x16xf32> to vector<16xf32>
      %swap3A_83 = vector.shape_cast %add3A_79 : vector<16xf32> to vector<1x16xf32>
      tpu.vector_store %arg9[%swap3A, %swap3A_80], %swap3A_83 {strides = array<i32>} : memref<128x128xf32, #tpu.memory_space<vmem>>, vector<1x16xf32>,
      %get3A_84 = arith.index_cast %scan3A_70 : i32 to index
      %get3A_85 = arith.constant 16 : index
      %get3A_86 = tpu.vector_load %arg9[%get3A_84, %get3A_85] {strides = array<i32>} : memref<128x128xf32, #tpu.memory_space<vmem>>, vector<1x16xf32>,
      %get3A_87 = vector.shape_cast %get3A_86 : vector<1x16xf32> to vector<16xf32>
      %get3A_88 = arith.index_cast %scan3A_70 : i32 to index
      %get3A_89 = arith.constant 16 : index
      %get3A_90 = tpu.vector_load %arg10[%get3A_88, %get3A_89] {strides = array<i32>} : memref<128x128xf32, #tpu.memory_space<vmem>>, vector<1x16xf32>,
      %get3A_91 = vector.shape_cast %get3A_90 : vector<1x16xf32> to vector<16xf32>
      %add3A_92 = arith.addf %get3A_87, %get3A_91 : vector<16xf32>
      %swap3A_93 = arith.index_cast %scan3A_70 : i32 to index
      %swap3A_94 = arith.constant 16 : index
      %swap3A_95 = tpu.vector_load %arg9[%swap3A_93, %swap3A_94] {strides = array<i32>} : memref<128x128xf32, #tpu.memory_space<vmem>>, vector<1x16xf32>,
      %swap3A_96 = vector.shape_cast %swap3A_95 : vector<1x16xf32> to vector<16xf32>
      %swap3A_97 = vector.shape_cast %add3A_92 : vector<16xf32> to vector<1x16xf32>
      tpu.vector_store %arg9[%swap3A_93, %swap3A_94], %swap3A_97 {strides = array<i32>} : memref<128x128xf32, #tpu.memory_space<vmem>>, vector<1x16xf32>,
      %get3A_98 = arith.index_cast %scan3A_70 : i32 to index
      %get3A_99 = arith.constant 32 : index
      %get3A_100 = tpu.vector_load %arg9[%get3A_98, %get3A_99] {strides = array<i32>} : memref<128x128xf32, #tpu.memory_space<vmem>>, vector<1x16xf32>,
      %get3A_101 = vector.shape_cast %get3A_100 : vector<1x16xf32> to vector<16xf32>
      %get3A_102 = arith.index_cast %scan3A_70 : i32 to index
      %get3A_103 = arith.constant 32 : index
      %get3A_104 = tpu.vector_load %arg10[%get3A_102, %get3A_103] {strides = array<i32>} : memref<128x128xf32, #tpu.memory_space<vmem>>, vector<1x16xf32>,
      %get3A_105 = vector.shape_cast %get3A_104 : vector<1x16xf32> to vector<16xf32>
      %add3A_106 = arith.addf %get3A_101, %get3A_105 : vector<16xf32>
      %swap3A_107 = arith.index_cast %scan3A_70 : i32 to index
      %swap3A_108 = arith.constant 32 : index
      %swap3A_109 = tpu.vector_load %arg9[%swap3A_107, %swap3A_108] {strides = array<i32>} : memref<128x128xf32, #tpu.memory_space<vmem>>, vector<1x16xf32>,
      %swap3A_110 = vector.shape_cast %swap3A_109 : vector<1x16xf32> to vector<16xf32>
      %swap3A_111 = vector.shape_cast %add3A_106 : vector<16xf32> to vector<1x16xf32>
      tpu.vector_store %arg9[%swap3A_107, %swap3A_108], %swap3A_111 {strides = array<i32>} : memref<128x128xf32, #tpu.memory_space<vmem>>, vector<1x16xf32>,
      %get3A_112 = arith.index_cast %scan3A_70 : i32 to index
      %get3A_113 = arith.constant 48 : index
      %get3A_114 = tpu.vector_load %arg9[%get3A_112, %get3A_113] {strides = array<i32>} : memref<128x128xf32, #tpu.memory_space<vmem>>, vector<1x16xf32>,
      %get3A_115 = vector.shape_cast %get3A_114 : vector<1x16xf32> to vector<16xf32>
      %get3A_116 = arith.index_cast %scan3A_70 : i32 to index
      %get3A_117 = arith.constant 48 : index
      %get3A_118 = tpu.vector_load %arg10[%get3A_116, %get3A_117] {strides = array<i32>} : memref<128x128xf32, #tpu.memory_space<vmem>>, vector<1x16xf32>,
      %get3A_119 = vector.shape_cast %get3A_118 : vector<1x16xf32> to vector<16xf32>
      %add3A_120 = arith.addf %get3A_115, %get3A_119 : vector<16xf32>
      %swap3A_121 = arith.index_cast %scan3A_70 : i32 to index
      %swap3A_122 = arith.constant 48 : index
      %swap3A_123 = tpu.vector_load %arg9[%swap3A_121, %swap3A_122] {strides = array<i32>} : memref<128x128xf32, #tpu.memory_space<vmem>>, vector<1x16xf32>,
      %swap3A_124 = vector.shape_cast %swap3A_123 : vector<1x16xf32> to vector<16xf32>
      %swap3A_125 = vector.shape_cast %add3A_120 : vector<16xf32> to vector<1x16xf32>
      tpu.vector_store %arg9[%swap3A_121, %swap3A_122], %swap3A_125 {strides = array<i32>} : memref<128x128xf32, #tpu.memory_space<vmem>>, vector<1x16xf32>,
      %get3A_126 = arith.index_cast %scan3A_70 : i32 to index
      %get3A_127 = arith.constant 64 : index
      %get3A_128 = tpu.vector_load %arg9[%get3A_126, %get3A_127] {strides = array<i32>} : memref<128x128xf32, #tpu.memory_space<vmem>>, vector<1x16xf32>,
      %get3A_129 = vector.shape_cast %get3A_128 : vector<1x16xf32> to vector<16xf32>
      %get3A_130 = arith.index_cast %scan3A_70 : i32 to index
      %get3A_131 = arith.constant 64 : index
      %get3A_132 = tpu.vector_load %arg10[%get3A_130, %get3A_131] {strides = array<i32>} : memref<128x128xf32, #tpu.memory_space<vmem>>, vector<1x16xf32>,
      %get3A_133 = vector.shape_cast %get3A_132 : vector<1x16xf32> to vector<16xf32>
      %add3A_134 = arith.addf %get3A_129, %get3A_133 : vector<16xf32>
      %swap3A_135 = arith.index_cast %scan3A_70 : i32 to index
      %swap3A_136 = arith.constant 64 : index
      %swap3A_137 = tpu.vector_load %arg9[%swap3A_135, %swap3A_136] {strides = array<i32>} : memref<128x128xf32, #tpu.memory_space<vmem>>, vector<1x16xf32>,
      %swap3A_138 = vector.shape_cast %swap3A_137 : vector<1x16xf32> to vector<16xf32>
      %swap3A_139 = vector.shape_cast %add3A_134 : vector<16xf32> to vector<1x16xf32>
      tpu.vector_store %arg9[%swap3A_135, %swap3A_136], %swap3A_139 {strides = array<i32>} : memref<128x128xf32, #tpu.memory_space<vmem>>, vector<1x16xf32>,
      %get3A_140 = arith.index_cast %scan3A_70 : i32 to index
      %get3A_141 = arith.constant 80 : index
      %get3A_142 = tpu.vector_load %arg9[%get3A_140, %get3A_141] {strides = array<i32>} : memref<128x128xf32, #tpu.memory_space<vmem>>, vector<1x16xf32>,
      %get3A_143 = vector.shape_cast %get3A_142 : vector<1x16xf32> to vector<16xf32>
      %get3A_144 = arith.index_cast %scan3A_70 : i32 to index
      %get3A_145 = arith.constant 80 : index
      %get3A_146 = tpu.vector_load %arg10[%get3A_144, %get3A_145] {strides = array<i32>} : memref<128x128xf32, #tpu.memory_space<vmem>>, vector<1x16xf32>,
      %get3A_147 = vector.shape_cast %get3A_146 : vector<1x16xf32> to vector<16xf32>
      %add3A_148 = arith.addf %get3A_143, %get3A_147 : vector<16xf32>
      %swap3A_149 = arith.index_cast %scan3A_70 : i32 to index
      %swap3A_150 = arith.constant 80 : index
      %swap3A_151 = tpu.vector_load %arg9[%swap3A_149, %swap3A_150] {strides = array<i32>} : memref<128x128xf32, #tpu.memory_space<vmem>>, vector<1x16xf32>,
      %swap3A_152 = vector.shape_cast %swap3A_151 : vector<1x16xf32> to vector<16xf32>
      %swap3A_153 = vector.shape_cast %add3A_148 : vector<16xf32> to vector<1x16xf32>
      tpu.vector_store %arg9[%swap3A_149, %swap3A_150], %swap3A_153 {strides = array<i32>} : memref<128x128xf32, #tpu.memory_space<vmem>>, vector<1x16xf32>,
      %scan3A_154 = arith.constant 0 : i32
      scf.yield %scan3A_154 : i32
    }
    %scan3A_50 = arith.constant 128 : i32
    %add3A_51 = arith.constant 38 : i32
    %add3A_52 = arith.addi %mul3A_2, %add3A_51 : i32
    %mul3A_53 = arith.constant 128 : i32
    %mul3A_54 = arith.muli %add3A_52, %mul3A_53 : i32
    %dma_start3A_55 = arith.constant 0 : i32
    %dma_start3A_56 = tpu.memref_slice %arg6[%mul3A_54, %dma_start3A_55] : memref<160000x128xf32, #tpu.memory_space<hbm>> -> memref<128x128xf32, #tpu.memory_space<hbm>>
    %dma_start3A_57 = arith.constant 0 : i32
    %dma_start3A_58 = tpu.memref_slice %arg6[%mul3A_54, %dma_start3A_57] : memref<160000x128xf32, #tpu.memory_space<hbm>> -> memref<128x128xf32, #tpu.memory_space<hbm>>
    tpu.enqueue_dma source(%arg9 : memref<128x128xf32, #tpu.memory_space<vmem>>) target(%dma_start3A_58 : memref<128x128xf32, #tpu.memory_space<hbm>>) target_semaphore(%arg17 : memref<!tpu.dma_semaphore, #tpu.memory_space<semaphore_mem>>)
    %lt3A_59 = arith.constant 2 : i32
    %lt3A_60 = arith.cmpi slt, %add3A, %lt3A_59 : i32
    %convert_element_type3A_61 = arith.extui %lt3A_60 : i1 to i32
    %cond3A_62 = arith.constant 0 : i32
    %cond3A_63 = arith.cmpi ne, %convert_element_type3A_61, %cond3A_62 : i32
    scf.if %cond3A_63 {
      %dma_wait3A_70 = arith.constant 0 : i32
      %dma_wait3A_71 = arith.constant 0 : i32
      %dma_wait3A_72 = tpu.memref_slice %arg2[%dma_wait3A_70, %dma_wait3A_71] : memref<10000x128xf32, #tpu.memory_space<hbm>> -> memref<128x128xf32, #tpu.memory_space<hbm>>
      %dma_wait3A_73 = arith.constant 0 : i32
      %dma_wait3A_74 = arith.constant 0 : i32
      %dma_wait3A_75 = tpu.memref_slice %arg2[%dma_wait3A_73, %dma_wait3A_74] : memref<10000x128xf32, #tpu.memory_space<hbm>> -> memref<128x128xf32, #tpu.memory_space<hbm>>
      tpu.wait_dma2 semaphore(%arg15 : memref<!tpu.dma_semaphore, #tpu.memory_space<semaphore_mem>>) src(%dma_wait3A_75 : memref<128x128xf32, #tpu.memory_space<hbm>>) dst(%arg11 : memref<128x128xf32, #tpu.memory_space<vmem>>)
      %dma_wait3A_76 = arith.constant 0 : i32
      %dma_wait3A_77 = arith.constant 0 : i32
      %dma_wait3A_78 = tpu.memref_slice %arg3[%dma_wait3A_76, %dma_wait3A_77] : memref<10000x128xf32, #tpu.memory_space<hbm>> -> memref<128x128xf32, #tpu.memory_space<hbm>>
      %dma_wait3A_79 = arith.constant 0 : i32
      %dma_wait3A_80 = arith.constant 0 : i32
      %dma_wait3A_81 = tpu.memref_slice %arg3[%dma_wait3A_79, %dma_wait3A_80] : memref<10000x128xf32, #tpu.memory_space<hbm>> -> memref<128x128xf32, #tpu.memory_space<hbm>>
      tpu.wait_dma2 semaphore(%arg16 : memref<!tpu.dma_semaphore, #tpu.memory_space<semaphore_mem>>) src(%dma_wait3A_81 : memref<128x128xf32, #tpu.memory_space<hbm>>) dst(%arg12 : memref<128x128xf32, #tpu.memory_space<vmem>>)
      %scan3A_82 = arith.constant 0 : i32
      %scan3A_83 = arith.constant 0 : i32
      %scan3A_84 = arith.constant 128 : i32
      %scan3A_85 = arith.addi %scan3A_83, %scan3A_84 : i32
      %scan3A_86 = arith.constant 1 : i32
      %scan3A_87 = scf.for %scan3A_93 = %scan3A_83 to %scan3A_85 step %scan3A_86 iter_args(%scan3A_94 = %scan3A_82) -> (i32)  : i32 {
        %get3A = arith.index_cast %scan3A_93 : i32 to index
        %get3A_95 = arith.constant 0 : index
        %get3A_96 = tpu.vector_load %arg11[%get3A, %get3A_95] {strides = array<i32>} : memref<128x128xf32, #tpu.memory_space<vmem>>, vector<1x16xf32>,
        %get3A_97 = vector.shape_cast %get3A_96 : vector<1x16xf32> to vector<16xf32>
        %get3A_98 = arith.index_cast %scan3A_93 : i32 to index
        %get3A_99 = arith.constant 0 : index
        %get3A_100 = tpu.vector_load %arg12[%get3A_98, %get3A_99] {strides = array<i32>} : memref<128x128xf32, #tpu.memory_space<vmem>>, vector<1x16xf32>,
        %get3A_101 = vector.shape_cast %get3A_100 : vector<1x16xf32> to vector<16xf32>
        %add3A_102 = arith.addf %get3A_97, %get3A_101 : vector<16xf32>
        %swap3A = arith.index_cast %scan3A_93 : i32 to index
        %swap3A_103 = arith.constant 0 : index
        %swap3A_104 = tpu.vector_load %arg11[%swap3A, %swap3A_103] {strides = array<i32>} : memref<128x128xf32, #tpu.memory_space<vmem>>, vector<1x16xf32>,
        %swap3A_105 = vector.shape_cast %swap3A_104 : vector<1x16xf32> to vector<16xf32>
        %swap3A_106 = vector.shape_cast %add3A_102 : vector<16xf32> to vector<1x16xf32>
        tpu.vector_store %arg11[%swap3A, %swap3A_103], %swap3A_106 {strides = array<i32>} : memref<128x128xf32, #tpu.memory_space<vmem>>, vector<1x16xf32>,
        %get3A_107 = arith.index_cast %scan3A_93 : i32 to index
        %get3A_108 = arith.constant 16 : index
        %get3A_109 = tpu.vector_load %arg11[%get3A_107, %get3A_108] {strides = array<i32>} : memref<128x128xf32, #tpu.memory_space<vmem>>, vector<1x16xf32>,
        %get3A_110 = vector.shape_cast %get3A_109 : vector<1x16xf32> to vector<16xf32>
        %get3A_111 = arith.index_cast %scan3A_93 : i32 to index
        %get3A_112 = arith.constant 16 : index
        %get3A_113 = tpu.vector_load %arg12[%get3A_111, %get3A_112] {strides = array<i32>} : memref<128x128xf32, #tpu.memory_space<vmem>>, vector<1x16xf32>,
        %get3A_114 = vector.shape_cast %get3A_113 : vector<1x16xf32> to vector<16xf32>
        %add3A_115 = arith.addf %get3A_110, %get3A_114 : vector<16xf32>
        %swap3A_116 = arith.index_cast %scan3A_93 : i32 to index
        %swap3A_117 = arith.constant 16 : index
        %swap3A_118 = tpu.vector_load %arg11[%swap3A_116, %swap3A_117] {strides = array<i32>} : memref<128x128xf32, #tpu.memory_space<vmem>>, vector<1x16xf32>,
        %swap3A_119 = vector.shape_cast %swap3A_118 : vector<1x16xf32> to vector<16xf32>
        %swap3A_120 = vector.shape_cast %add3A_115 : vector<16xf32> to vector<1x16xf32>
        tpu.vector_store %arg11[%swap3A_116, %swap3A_117], %swap3A_120 {strides = array<i32>} : memref<128x128xf32, #tpu.memory_space<vmem>>, vector<1x16xf32>,
        %get3A_121 = arith.index_cast %scan3A_93 : i32 to index
        %get3A_122 = arith.constant 32 : index
        %get3A_123 = tpu.vector_load %arg11[%get3A_121, %get3A_122] {strides = array<i32>} : memref<128x128xf32, #tpu.memory_space<vmem>>, vector<1x16xf32>,
        %get3A_124 = vector.shape_cast %get3A_123 : vector<1x16xf32> to vector<16xf32>
        %get3A_125 = arith.index_cast %scan3A_93 : i32 to index
        %get3A_126 = arith.constant 32 : index
        %get3A_127 = tpu.vector_load %arg12[%get3A_125, %get3A_126] {strides = array<i32>} : memref<128x128xf32, #tpu.memory_space<vmem>>, vector<1x16xf32>,
        %get3A_128 = vector.shape_cast %get3A_127 : vector<1x16xf32> to vector<16xf32>
        %add3A_129 = arith.addf %get3A_124, %get3A_128 : vector<16xf32>
        %swap3A_130 = arith.index_cast %scan3A_93 : i32 to index
        %swap3A_131 = arith.constant 32 : index
        %swap3A_132 = tpu.vector_load %arg11[%swap3A_130, %swap3A_131] {strides = array<i32>} : memref<128x128xf32, #tpu.memory_space<vmem>>, vector<1x16xf32>,
        %swap3A_133 = vector.shape_cast %swap3A_132 : vector<1x16xf32> to vector<16xf32>
        %swap3A_134 = vector.shape_cast %add3A_129 : vector<16xf32> to vector<1x16xf32>
        tpu.vector_store %arg11[%swap3A_130, %swap3A_131], %swap3A_134 {strides = array<i32>} : memref<128x128xf32, #tpu.memory_space<vmem>>, vector<1x16xf32>,
        %get3A_135 = arith.index_cast %scan3A_93 : i32 to index
        %get3A_136 = arith.constant 48 : index
        %get3A_137 = tpu.vector_load %arg11[%get3A_135, %get3A_136] {strides = array<i32>} : memref<128x128xf32, #tpu.memory_space<vmem>>, vector<1x16xf32>,
        %get3A_138 = vector.shape_cast %get3A_137 : vector<1x16xf32> to vector<16xf32>
        %get3A_139 = arith.index_cast %scan3A_93 : i32 to index
        %get3A_140 = arith.constant 48 : index
        %get3A_141 = tpu.vector_load %arg12[%get3A_139, %get3A_140] {strides = array<i32>} : memref<128x128xf32, #tpu.memory_space<vmem>>, vector<1x16xf32>,
        %get3A_142 = vector.shape_cast %get3A_141 : vector<1x16xf32> to vector<16xf32>
        %add3A_143 = arith.addf %get3A_138, %get3A_142 : vector<16xf32>
        %swap3A_144 = arith.index_cast %scan3A_93 : i32 to index
        %swap3A_145 = arith.constant 48 : index
        %swap3A_146 = tpu.vector_load %arg11[%swap3A_144, %swap3A_145] {strides = array<i32>} : memref<128x128xf32, #tpu.memory_space<vmem>>, vector<1x16xf32>,
        %swap3A_147 = vector.shape_cast %swap3A_146 : vector<1x16xf32> to vector<16xf32>
        %swap3A_148 = vector.shape_cast %add3A_143 : vector<16xf32> to vector<1x16xf32>
        tpu.vector_store %arg11[%swap3A_144, %swap3A_145], %swap3A_148 {strides = array<i32>} : memref<128x128xf32, #tpu.memory_space<vmem>>, vector<1x16xf32>,
        %get3A_149 = arith.index_cast %scan3A_93 : i32 to index
        %get3A_150 = arith.constant 64 : index
        %get3A_151 = tpu.vector_load %arg11[%get3A_149, %get3A_150] {strides = array<i32>} : memref<128x128xf32, #tpu.memory_space<vmem>>, vector<1x16xf32>,
        %get3A_152 = vector.shape_cast %get3A_151 : vector<1x16xf32> to vector<16xf32>
        %get3A_153 = arith.index_cast %scan3A_93 : i32 to index
        %get3A_154 = arith.constant 64 : index
        %get3A_155 = tpu.vector_load %arg12[%get3A_153, %get3A_154] {strides = array<i32>} : memref<128x128xf32, #tpu.memory_space<vmem>>, vector<1x16xf32>,
        %get3A_156 = vector.shape_cast %get3A_155 : vector<1x16xf32> to vector<16xf32>
        %add3A_157 = arith.addf %get3A_152, %get3A_156 : vector<16xf32>
        %swap3A_158 = arith.index_cast %scan3A_93 : i32 to index
        %swap3A_159 = arith.constant 64 : index
        %swap3A_160 = tpu.vector_load %arg11[%swap3A_158, %swap3A_159] {strides = array<i32>} : memref<128x128xf32, #tpu.memory_space<vmem>>, vector<1x16xf32>,
        %swap3A_161 = vector.shape_cast %swap3A_160 : vector<1x16xf32> to vector<16xf32>
        %swap3A_162 = vector.shape_cast %add3A_157 : vector<16xf32> to vector<1x16xf32>
        tpu.vector_store %arg11[%swap3A_158, %swap3A_159], %swap3A_162 {strides = array<i32>} : memref<128x128xf32, #tpu.memory_space<vmem>>, vector<1x16xf32>,
        %get3A_163 = arith.index_cast %scan3A_93 : i32 to index
        %get3A_164 = arith.constant 80 : index
        %get3A_165 = tpu.vector_load %arg11[%get3A_163, %get3A_164] {strides = array<i32>} : memref<128x128xf32, #tpu.memory_space<vmem>>, vector<1x16xf32>,
        %get3A_166 = vector.shape_cast %get3A_165 : vector<1x16xf32> to vector<16xf32>
        %get3A_167 = arith.index_cast %scan3A_93 : i32 to index
        %get3A_168 = arith.constant 80 : index
        %get3A_169 = tpu.vector_load %arg12[%get3A_167, %get3A_168] {strides = array<i32>} : memref<128x128xf32, #tpu.memory_space<vmem>>, vector<1x16xf32>,
        %get3A_170 = vector.shape_cast %get3A_169 : vector<1x16xf32> to vector<16xf32>
        %add3A_171 = arith.addf %get3A_166, %get3A_170 : vector<16xf32>
        %swap3A_172 = arith.index_cast %scan3A_93 : i32 to index
        %swap3A_173 = arith.constant 80 : index
        %swap3A_174 = tpu.vector_load %arg11[%swap3A_172, %swap3A_173] {strides = array<i32>} : memref<128x128xf32, #tpu.memory_space<vmem>>, vector<1x16xf32>,
        %swap3A_175 = vector.shape_cast %swap3A_174 : vector<1x16xf32> to vector<16xf32>
        %swap3A_176 = vector.shape_cast %add3A_171 : vector<16xf32> to vector<1x16xf32>
        tpu.vector_store %arg11[%swap3A_172, %swap3A_173], %swap3A_176 {strides = array<i32>} : memref<128x128xf32, #tpu.memory_space<vmem>>, vector<1x16xf32>,
        %scan3A_177 = arith.constant 0 : i32
        scf.yield %scan3A_177 : i32
      }
      %scan3A_88 = arith.constant 128 : i32
      %add3A_89 = arith.constant 1248 : i32
      %add3A_90 = arith.addi %add3A_89, %add3A : i32
      %mul3A_91 = arith.constant 128 : i32
      %mul3A_92 = arith.muli %add3A_90, %mul3A_91 : i32
      "tpu.region"() ({
        %run_scoped3A = tpu.sem_alloc : memref<!tpu.dma_semaphore, #tpu.memory_space<semaphore_mem>>
        %dma_start3A_93 = arith.constant 0 : i32
        %dma_start3A_94 = tpu.memref_slice %arg6[%mul3A_92, %dma_start3A_93] : memref<160000x128xf32, #tpu.memory_space<hbm>> -> memref<128x128xf32, #tpu.memory_space<hbm>>
        %dma_start3A_95 = arith.constant 0 : i32
        %dma_start3A_96 = tpu.memref_slice %arg6[%mul3A_92, %dma_start3A_95] : memref<160000x128xf32, #tpu.memory_space<hbm>> -> memref<128x128xf32, #tpu.memory_space<hbm>>
        tpu.enqueue_dma source(%arg11 : memref<128x128xf32, #tpu.memory_space<vmem>>) target(%dma_start3A_96 : memref<128x128xf32, #tpu.memory_space<hbm>>) target_semaphore(%run_scoped3A : memref<!tpu.dma_semaphore, #tpu.memory_space<semaphore_mem>>)
        %dma_wait3A_97 = arith.constant 0 : i32
        %dma_wait3A_98 = tpu.memref_slice %arg6[%mul3A_92, %dma_wait3A_97] : memref<160000x128xf32, #tpu.memory_space<hbm>> -> memref<128x128xf32, #tpu.memory_space<hbm>>
        %dma_wait3A_99 = arith.constant 0 : i32
        %dma_wait3A_100 = tpu.memref_slice %arg6[%mul3A_92, %dma_wait3A_99] : memref<160000x128xf32, #tpu.memory_space<hbm>> -> memref<128x128xf32, #tpu.memory_space<hbm>>
        tpu.wait_dma2 semaphore(%run_scoped3A : memref<!tpu.dma_semaphore, #tpu.memory_space<semaphore_mem>>) src(%arg11 : memref<128x128xf32, #tpu.memory_space<vmem>>) dst(%dma_wait3A_100 : memref<128x128xf32, #tpu.memory_space<hbm>>)
        tpu.yield
      }) : () -> ()
    } else {
    }
    %dma_wait3A_64 = arith.constant 0 : i32
    %dma_wait3A_65 = arith.constant 0 : i32
    %dma_wait3A_66 = tpu.memref_slice %arg6[%dma_wait3A_64, %dma_wait3A_65] : memref<160000x128xf32, #tpu.memory_space<hbm>> -> memref<128x128xf32, #tpu.memory_space<hbm>>
    %dma_wait3A_67 = arith.constant 0 : i32
    %dma_wait3A_68 = arith.constant 0 : i32
    %dma_wait3A_69 = tpu.memref_slice %arg6[%dma_wait3A_67, %dma_wait3A_68] : memref<160000x128xf32, #tpu.memory_space<hbm>> -> memref<128x128xf32, #tpu.memory_space<hbm>>
    tpu.wait_dma2 semaphore(%arg17 : memref<!tpu.dma_semaphore, #tpu.memory_space<semaphore_mem>>) src(%arg9 : memref<128x128xf32, #tpu.memory_space<vmem>>) dst(%dma_wait3A_69 : memref<128x128xf32, #tpu.memory_space<hbm>>)
    return
  }
}

module attributes {stable_mosaic.version = 14 : i64} {
  func.func @_pq_body(%arg0: i32, %arg1: memref<1000x128xf32, #tpu.memory_space<vmem>>, %arg2: memref<128x128xf32, #tpu.memory_space<vmem>>, %arg3: memref<128x128xf32, #tpu.memory_space<vmem>>, %arg4: memref<1x128xf32, #tpu.memory_space<vmem>>, %arg5: memref<1000x128xf32, #tpu.memory_space<vmem>>, %arg6: memref<1000x128xf32, #tpu.memory_space<vmem>>) attributes {dimension_semantics = [#tpu.dimension_semantics<arbitrary>], iteration_bounds = array<i64: 10>, scalar_prefetch = 0 : i64, scratch_operands = 0 : i64, tpu.core_type = #tpu.core_type<tc>, window_params = [{transform_indices = @transform_0, window_bounds = array<i64: 1000, 128>}, {pipeline_mode = #tpu.pipeline_mode<synchronous>, transform_indices = @transform_1, window_bounds = array<i64: 128, 128>}, {pipeline_mode = #tpu.pipeline_mode<synchronous>, transform_indices = @transform_2, window_bounds = array<i64: 128, 128>}, {pipeline_mode = #tpu.pipeline_mode<synchronous>, transform_indices = @transform_3, window_bounds = array<i64: 1, 128>}, {transform_indices = @transform_4, window_bounds = array<i64: 1000, 128>}, {transform_indices = @transform_5, window_bounds = array<i64: 1000, 128>}]} {
    %get3A = arith.constant 0 : index
    %get3A_0 = arith.constant 0 : index
    %get3A_1 = vector.load %arg1[%get3A, %get3A_0] : memref<1000x128xf32, #tpu.memory_space<vmem>>, vector<1000x128xf32>
    %get3A_2 = arith.constant 0 : index
    %get3A_3 = arith.constant 0 : index
    %get3A_4 = vector.load %arg2[%get3A_2, %get3A_3] : memref<128x128xf32, #tpu.memory_space<vmem>>, vector<128x128xf32>
    %dot_general3A = arith.constant dense<0.000000e+00> : vector<1000x128xf32>
    %dot_general3A_5 = tpu.matmul %get3A_1, %get3A_4, %dot_general3A {dimension_numbers = #tpu.dot_dimension_numbers<[1], [0], [0], [1], [0, 0, 1, 1], [], []>, transpose_lhs_hint = false} : vector<1000x128xf32>, vector<128x128xf32>, vector<1000x128xf32> -> vector<1000x128xf32>
    %swap3A = arith.constant 0 : index
    %swap3A_6 = arith.constant 0 : index
    %swap3A_7 = vector.load %arg5[%swap3A, %swap3A_6] : memref<1000x128xf32, #tpu.memory_space<vmem>>, vector<1000x128xf32>
    tpu.vector_store %arg5[%swap3A, %swap3A_6], %dot_general3A_5 {strides = array<i32>} : memref<1000x128xf32, #tpu.memory_space<vmem>>, vector<1000x128xf32>,
    %get3A_8 = arith.constant 0 : index
    %get3A_9 = arith.constant 0 : index
    %get3A_10 = vector.load %arg3[%get3A_8, %get3A_9] : memref<128x128xf32, #tpu.memory_space<vmem>>, vector<128x128xf32>
    %dot_general3A_11 = arith.constant dense<0.000000e+00> : vector<1000x128xf32>
    %dot_general3A_12 = tpu.matmul %get3A_1, %get3A_10, %dot_general3A_11 {dimension_numbers = #tpu.dot_dimension_numbers<[1], [0], [0], [1], [0, 0, 1, 1], [], []>, transpose_lhs_hint = false} : vector<1000x128xf32>, vector<128x128xf32>, vector<1000x128xf32> -> vector<1000x128xf32>
    %get3A_13 = arith.constant 0 : index
    %get3A_14 = arith.constant 0 : index
    %get3A_15 = vector.load %arg4[%get3A_13, %get3A_14] : memref<1x128xf32, #tpu.memory_space<vmem>>, vector<1x128xf32>
    %add3A = vector.broadcast %get3A_15 : vector<1x128xf32> to vector<1000x128xf32>
    %add3A_16 = arith.addf %dot_general3A_12, %add3A : vector<1000x128xf32>
    %swap3A_17 = arith.constant 0 : index
    %swap3A_18 = arith.constant 0 : index
    %swap3A_19 = vector.load %arg6[%swap3A_17, %swap3A_18] : memref<1000x128xf32, #tpu.memory_space<vmem>>, vector<1000x128xf32>
    tpu.vector_store %arg6[%swap3A_17, %swap3A_18], %add3A_16 {strides = array<i32>} : memref<1000x128xf32, #tpu.memory_space<vmem>>, vector<1000x128xf32>,
    return
  }
  func.func @transform_0(%arg0: i32) -> (i32, i32) {
    %c0_i32 = arith.constant 0 : i32
    %c0_i32_0 = arith.constant 0 : i32
    return %arg0, %c0_i32 : i32, i32
  }
  func.func @transform_1(%arg0: i32) -> (i32, i32) {
    %c0_i32 = arith.constant 0 : i32
    %c0_i32_0 = arith.constant 0 : i32
    %c0_i32_1 = arith.constant 0 : i32
    return %c0_i32, %c0_i32_0 : i32, i32
  }
  func.func @transform_2(%arg0: i32) -> (i32, i32) {
    %c0_i32 = arith.constant 0 : i32
    %c0_i32_0 = arith.constant 0 : i32
    %c0_i32_1 = arith.constant 0 : i32
    return %c0_i32, %c0_i32_0 : i32, i32
  }
  func.func @transform_3(%arg0: i32) -> (i32, i32) {
    %c0_i32 = arith.constant 0 : i32
    %c0_i32_0 = arith.constant 0 : i32
    %c0_i32_1 = arith.constant 0 : i32
    return %c0_i32, %c0_i32_0 : i32, i32
  }
  func.func @transform_4(%arg0: i32) -> (i32, i32) {
    %c0_i32 = arith.constant 0 : i32
    %c0_i32_0 = arith.constant 0 : i32
    return %arg0, %c0_i32 : i32, i32
  }
  func.func @transform_5(%arg0: i32) -> (i32, i32) {
    %c0_i32 = arith.constant 0 : i32
    %c0_i32_0 = arith.constant 0 : i32
    return %arg0, %c0_i32 : i32, i32
  }
}

module attributes {stable_mosaic.version = 14 : i64} {
  func.func @_mid_body(%arg0: i32, %arg1: memref<3200x128xf32, #tpu.memory_space<vmem>>, %arg2: memref<128x128xf32, #tpu.memory_space<vmem>>, %arg3: memref<1x128xf32, #tpu.memory_space<vmem>>, %arg4: memref<3200x128xf32, #tpu.memory_space<vmem>>) attributes {dimension_semantics = [#tpu.dimension_semantics<arbitrary>], iteration_bounds = array<i64: 50>, scalar_prefetch = 0 : i64, scratch_operands = 0 : i64, tpu.core_type = #tpu.core_type<tc>, window_params = [{transform_indices = @transform_0, window_bounds = array<i64: 3200, 128>}, {pipeline_mode = #tpu.pipeline_mode<synchronous>, transform_indices = @transform_1, window_bounds = array<i64: 128, 128>}, {pipeline_mode = #tpu.pipeline_mode<synchronous>, transform_indices = @transform_2, window_bounds = array<i64: 1, 128>}, {transform_indices = @transform_3, window_bounds = array<i64: 3200, 128>}]} {
    %get3A = arith.constant 0 : index
    %get3A_0 = arith.constant 0 : index
    %get3A_1 = vector.load %arg1[%get3A, %get3A_0] : memref<3200x128xf32, #tpu.memory_space<vmem>>, vector<3200x128xf32>
    %max3A = arith.constant 0.000000e+00 : f32
    %max3A_2 = vector.broadcast %max3A : f32 to vector<3200x128xf32>
    %max3A_3 = arith.maximumf %get3A_1, %max3A_2 : vector<3200x128xf32>
    %get3A_4 = arith.constant 0 : index
    %get3A_5 = arith.constant 0 : index
    %get3A_6 = vector.load %arg2[%get3A_4, %get3A_5] : memref<128x128xf32, #tpu.memory_space<vmem>>, vector<128x128xf32>
    %dot_general3A = arith.constant dense<0.000000e+00> : vector<3200x128xf32>
    %dot_general3A_7 = tpu.matmul %max3A_3, %get3A_6, %dot_general3A {dimension_numbers = #tpu.dot_dimension_numbers<[1], [0], [0], [1], [0, 0, 1, 1], [], []>, transpose_lhs_hint = false} : vector<3200x128xf32>, vector<128x128xf32>, vector<3200x128xf32> -> vector<3200x128xf32>
    %get3A_8 = arith.constant 0 : index
    %get3A_9 = arith.constant 0 : index
    %get3A_10 = vector.load %arg3[%get3A_8, %get3A_9] : memref<1x128xf32, #tpu.memory_space<vmem>>, vector<1x128xf32>
    %add3A = vector.broadcast %get3A_10 : vector<1x128xf32> to vector<3200x128xf32>
    %add3A_11 = arith.addf %dot_general3A_7, %add3A : vector<3200x128xf32>
    %max3A_12 = arith.constant 0.000000e+00 : f32
    %max3A_13 = vector.broadcast %max3A_12 : f32 to vector<3200x128xf32>
    %max3A_14 = arith.maximumf %add3A_11, %max3A_13 : vector<3200x128xf32>
    %swap3A = arith.constant 0 : index
    %swap3A_15 = arith.constant 0 : index
    %swap3A_16 = vector.load %arg4[%swap3A, %swap3A_15] : memref<3200x128xf32, #tpu.memory_space<vmem>>, vector<3200x128xf32>
    tpu.vector_store %arg4[%swap3A, %swap3A_15], %max3A_14 {strides = array<i32>} : memref<3200x128xf32, #tpu.memory_space<vmem>>, vector<3200x128xf32>,
    return
  }
  func.func @transform_0(%arg0: i32) -> (i32, i32) {
    %c0_i32 = arith.constant 0 : i32
    %c0_i32_0 = arith.constant 0 : i32
    return %arg0, %c0_i32 : i32, i32
  }
  func.func @transform_1(%arg0: i32) -> (i32, i32) {
    %c0_i32 = arith.constant 0 : i32
    %c0_i32_0 = arith.constant 0 : i32
    %c0_i32_1 = arith.constant 0 : i32
    return %c0_i32, %c0_i32_0 : i32, i32
  }
  func.func @transform_2(%arg0: i32) -> (i32, i32) {
    %c0_i32 = arith.constant 0 : i32
    %c0_i32_0 = arith.constant 0 : i32
    %c0_i32_1 = arith.constant 0 : i32
    return %c0_i32, %c0_i32_0 : i32, i32
  }
  func.func @transform_3(%arg0: i32) -> (i32, i32) {
    %c0_i32 = arith.constant 0 : i32
    %c0_i32_0 = arith.constant 0 : i32
    return %arg0, %c0_i32 : i32, i32
  }
}

module attributes {stable_mosaic.version = 14 : i64} {
  func.func @_matmul_body(%arg0: memref<128x128xf32, #tpu.memory_space<vmem>>, %arg1: memref<128x384xf32, #tpu.memory_space<vmem>>, %arg2: memref<128x384xf32, #tpu.memory_space<vmem>>) attributes {dimension_semantics = [], scalar_prefetch = 0 : i64, scratch_operands = 0 : i64, tpu.core_type = #tpu.core_type<tc>} {
    %get3A = arith.constant 0 : index
    %get3A_0 = arith.constant 0 : index
    %get3A_1 = vector.load %arg0[%get3A, %get3A_0] : memref<128x128xf32, #tpu.memory_space<vmem>>, vector<128x128xf32>
    %get3A_2 = arith.constant 0 : index
    %get3A_3 = arith.constant 0 : index
    %get3A_4 = vector.load %arg1[%get3A_2, %get3A_3] : memref<128x384xf32, #tpu.memory_space<vmem>>, vector<128x384xf32>
    %dot_general3A = arith.constant dense<0.000000e+00> : vector<128x384xf32>
    %dot_general3A_5 = tpu.matmul %get3A_1, %get3A_4, %dot_general3A {dimension_numbers = #tpu.dot_dimension_numbers<[1], [0], [0], [1], [0, 0, 1, 1], [], []>, transpose_lhs_hint = false} : vector<128x128xf32>, vector<128x384xf32>, vector<128x384xf32> -> vector<128x384xf32>
    %swap3A = arith.constant 0 : index
    %swap3A_6 = arith.constant 0 : index
    %swap3A_7 = vector.load %arg2[%swap3A, %swap3A_6] : memref<128x384xf32, #tpu.memory_space<vmem>>, vector<128x384xf32>
    tpu.vector_store %arg2[%swap3A, %swap3A_6], %dot_general3A_5 {strides = array<i32>} : memref<128x384xf32, #tpu.memory_space<vmem>>, vector<128x384xf32>,
    return
  }
}

module attributes {stable_mosaic.version = 14 : i64} {
  func.func @_gru_body(%arg0: i32, %arg1: memref<1000x128xf32, #tpu.memory_space<vmem>>, %arg2: memref<1000x128xf32, #tpu.memory_space<vmem>>, %arg3: memref<1000x128xf32, #tpu.memory_space<vmem>>, %arg4: memref<128x384xf32, #tpu.memory_space<vmem>>, %arg5: memref<128x384xf32, #tpu.memory_space<vmem>>, %arg6: memref<128x384xf32, #tpu.memory_space<vmem>>, %arg7: memref<1x384xf32, #tpu.memory_space<vmem>>, %arg8: memref<1x384xf32, #tpu.memory_space<vmem>>, %arg9: memref<128x128xf32, #tpu.memory_space<vmem>>, %arg10: memref<1x128xf32, #tpu.memory_space<vmem>>, %arg11: memref<128x128xf32, #tpu.memory_space<vmem>>, %arg12: memref<128x128xf32, #tpu.memory_space<vmem>>, %arg13: memref<1x128xf32, #tpu.memory_space<vmem>>, %arg14: memref<1000x128xf32, #tpu.memory_space<vmem>>, %arg15: memref<1000x128xf32, #tpu.memory_space<vmem>>, %arg16: memref<1000x128xf32, #tpu.memory_space<vmem>>) attributes {dimension_semantics = [#tpu.dimension_semantics<arbitrary>], iteration_bounds = array<i64: 10>, scalar_prefetch = 0 : i64, scratch_operands = 0 : i64, tpu.core_type = #tpu.core_type<tc>, window_params = [{transform_indices = @transform_0, window_bounds = array<i64: 1000, 128>}, {transform_indices = @transform_1, window_bounds = array<i64: 1000, 128>}, {transform_indices = @transform_2, window_bounds = array<i64: 1000, 128>}, {pipeline_mode = #tpu.pipeline_mode<synchronous>, transform_indices = @transform_3, window_bounds = array<i64: 128, 384>}, {pipeline_mode = #tpu.pipeline_mode<synchronous>, transform_indices = @transform_4, window_bounds = array<i64: 128, 384>}, {pipeline_mode = #tpu.pipeline_mode<synchronous>, transform_indices = @transform_5, window_bounds = array<i64: 128, 384>}, {pipeline_mode = #tpu.pipeline_mode<synchronous>, transform_indices = @transform_6, window_bounds = array<i64: 1, 384>}, {pipeline_mode = #tpu.pipeline_mode<synchronous>, transform_indices = @transform_7, window_bounds = array<i64: 1, 384>}, {pipeline_mode = #tpu.pipeline_mode<synchronous>, transform_indices = @transform_8, window_bounds = array<i64: 128, 128>}, {pipeline_mode = #tpu.pipeline_mode<synchronous>, transform_indices = @transform_9, window_bounds = array<i64: 1, 128>}, {pipeline_mode = #tpu.pipeline_mode<synchronous>, transform_indices = @transform_10, window_bounds = array<i64: 128, 128>}, {pipeline_mode = #tpu.pipeline_mode<synchronous>, transform_indices = @transform_11, window_bounds = array<i64: 128, 128>}, {pipeline_mode = #tpu.pipeline_mode<synchronous>, transform_indices = @transform_12, window_bounds = array<i64: 1, 128>}, {transform_indices = @transform_13, window_bounds = array<i64: 1000, 128>}, {transform_indices = @transform_14, window_bounds = array<i64: 1000, 128>}, {transform_indices = @transform_15, window_bounds = array<i64: 1000, 128>}]} {
    %get3A = arith.constant 0 : index
    %get3A_0 = arith.constant 0 : index
    %get3A_1 = vector.load %arg1[%get3A, %get3A_0] : memref<1000x128xf32, #tpu.memory_space<vmem>>, vector<1000x128xf32>
    %get3A_2 = arith.constant 0 : index
    %get3A_3 = arith.constant 0 : index
    %get3A_4 = vector.load %arg2[%get3A_2, %get3A_3] : memref<1000x128xf32, #tpu.memory_space<vmem>>, vector<1000x128xf32>
    %get3A_5 = arith.constant 0 : index
    %get3A_6 = arith.constant 0 : index
    %get3A_7 = vector.load %arg4[%get3A_5, %get3A_6] : memref<128x384xf32, #tpu.memory_space<vmem>>, vector<128x384xf32>
    %dot_general3A = arith.constant dense<0.000000e+00> : vector<1000x384xf32>
    %dot_general3A_8 = tpu.matmul %get3A_1, %get3A_7, %dot_general3A {dimension_numbers = #tpu.dot_dimension_numbers<[1], [0], [0], [1], [0, 0, 1, 1], [], []>, transpose_lhs_hint = false} : vector<1000x128xf32>, vector<128x384xf32>, vector<1000x384xf32> -> vector<1000x384xf32>
    %get3A_9 = arith.constant 0 : index
    %get3A_10 = arith.constant 0 : index
    %get3A_11 = vector.load %arg3[%get3A_9, %get3A_10] : memref<1000x128xf32, #tpu.memory_space<vmem>>, vector<1000x128xf32>
    %get3A_12 = arith.constant 0 : index
    %get3A_13 = arith.constant 0 : index
    %get3A_14 = vector.load %arg6[%get3A_12, %get3A_13] : memref<128x384xf32, #tpu.memory_space<vmem>>, vector<128x384xf32>
    %dot_general3A_15 = arith.constant dense<0.000000e+00> : vector<1000x384xf32>
    %dot_general3A_16 = tpu.matmul %get3A_11, %get3A_14, %dot_general3A_15 {dimension_numbers = #tpu.dot_dimension_numbers<[1], [0], [0], [1], [0, 0, 1, 1], [], []>, transpose_lhs_hint = false} : vector<1000x128xf32>, vector<128x384xf32>, vector<1000x384xf32> -> vector<1000x384xf32>
    %add3A = arith.addf %dot_general3A_8, %dot_general3A_16 : vector<1000x384xf32>
    %get3A_17 = arith.constant 0 : index
    %get3A_18 = arith.constant 0 : index
    %get3A_19 = vector.load %arg7[%get3A_17, %get3A_18] : memref<1x384xf32, #tpu.memory_space<vmem>>, vector<1x384xf32>
    %add3A_20 = vector.broadcast %get3A_19 : vector<1x384xf32> to vector<1000x384xf32>
    %add3A_21 = arith.addf %add3A, %add3A_20 : vector<1000x384xf32>
    %get3A_22 = arith.constant 0 : index
    %get3A_23 = arith.constant 0 : index
    %get3A_24 = vector.load %arg5[%get3A_22, %get3A_23] : memref<128x384xf32, #tpu.memory_space<vmem>>, vector<128x384xf32>
    %dot_general3A_25 = arith.constant dense<0.000000e+00> : vector<1000x384xf32>
    %dot_general3A_26 = tpu.matmul %get3A_4, %get3A_24, %dot_general3A_25 {dimension_numbers = #tpu.dot_dimension_numbers<[1], [0], [0], [1], [0, 0, 1, 1], [], []>, transpose_lhs_hint = false} : vector<1000x128xf32>, vector<128x384xf32>, vector<1000x384xf32> -> vector<1000x384xf32>
    %get3A_27 = arith.constant 0 : index
    %get3A_28 = arith.constant 0 : index
    %get3A_29 = vector.load %arg8[%get3A_27, %get3A_28] : memref<1x384xf32, #tpu.memory_space<vmem>>, vector<1x384xf32>
    %add3A_30 = vector.broadcast %get3A_29 : vector<1x384xf32> to vector<1000x384xf32>
    %add3A_31 = arith.addf %dot_general3A_26, %add3A_30 : vector<1000x384xf32>
    %slice3A = vector.extract_strided_slice %add3A_21 {offsets = [0, 0], sizes = [1000, 128], strides = [1, 1]} : vector<1000x384xf32> to vector<1000x128xf32>
    %slice3A_32 = vector.extract_strided_slice %add3A_21 {offsets = [0, 128], sizes = [1000, 128], strides = [1, 1]} : vector<1000x384xf32> to vector<1000x128xf32>
    %slice3A_33 = vector.extract_strided_slice %add3A_21 {offsets = [0, 256], sizes = [1000, 128], strides = [1, 1]} : vector<1000x384xf32> to vector<1000x128xf32>
    %slice3A_34 = vector.extract_strided_slice %add3A_31 {offsets = [0, 0], sizes = [1000, 128], strides = [1, 1]} : vector<1000x384xf32> to vector<1000x128xf32>
    %slice3A_35 = vector.extract_strided_slice %add3A_31 {offsets = [0, 128], sizes = [1000, 128], strides = [1, 1]} : vector<1000x384xf32> to vector<1000x128xf32>
    %slice3A_36 = vector.extract_strided_slice %add3A_31 {offsets = [0, 256], sizes = [1000, 128], strides = [1, 1]} : vector<1000x384xf32> to vector<1000x128xf32>
    %add3A_37 = arith.addf %slice3A, %slice3A_34 : vector<1000x128xf32>
    %logistic3A = arith.negf %add3A_37 : vector<1000x128xf32>
    %logistic3A_38 = math.exp %logistic3A : vector<1000x128xf32>
    %logistic3A_39 = arith.constant 1.000000e+00 : f32
    %logistic3A_40 = vector.broadcast %logistic3A_39 : f32 to vector<1000x128xf32>
    %logistic3A_41 = arith.addf %logistic3A_40, %logistic3A_38 : vector<1000x128xf32>
    %logistic3A_42 = arith.divf %logistic3A_40, %logistic3A_41 : vector<1000x128xf32>
    %add3A_43 = arith.addf %slice3A_32, %slice3A_35 : vector<1000x128xf32>
    %logistic3A_44 = arith.negf %add3A_43 : vector<1000x128xf32>
    %logistic3A_45 = math.exp %logistic3A_44 : vector<1000x128xf32>
    %logistic3A_46 = arith.constant 1.000000e+00 : f32
    %logistic3A_47 = vector.broadcast %logistic3A_46 : f32 to vector<1000x128xf32>
    %logistic3A_48 = arith.addf %logistic3A_47, %logistic3A_45 : vector<1000x128xf32>
    %logistic3A_49 = arith.divf %logistic3A_47, %logistic3A_48 : vector<1000x128xf32>
    %mul3A = arith.mulf %logistic3A_49, %slice3A_36 : vector<1000x128xf32>
    %add3A_50 = arith.addf %slice3A_33, %mul3A : vector<1000x128xf32>
    %tanh3A = math.tanh %add3A_50 : vector<1000x128xf32>
    %mul3A_51 = arith.mulf %logistic3A_42, %get3A_4 : vector<1000x128xf32>
    %sub3A = arith.constant 1.000000e+00 : f32
    %sub3A_52 = vector.broadcast %sub3A : f32 to vector<1000x128xf32>
    %sub3A_53 = arith.subf %sub3A_52, %logistic3A_42 : vector<1000x128xf32>
    %mul3A_54 = arith.mulf %sub3A_53, %tanh3A : vector<1000x128xf32>
    %add3A_55 = arith.addf %mul3A_51, %mul3A_54 : vector<1000x128xf32>
    %swap3A = arith.constant 0 : index
    %swap3A_56 = arith.constant 0 : index
    %swap3A_57 = vector.load %arg14[%swap3A, %swap3A_56] : memref<1000x128xf32, #tpu.memory_space<vmem>>, vector<1000x128xf32>
    tpu.vector_store %arg14[%swap3A, %swap3A_56], %add3A_55 {strides = array<i32>} : memref<1000x128xf32, #tpu.memory_space<vmem>>, vector<1000x128xf32>,
    %get3A_58 = arith.constant 0 : index
    %get3A_59 = arith.constant 0 : index
    %get3A_60 = vector.load %arg11[%get3A_58, %get3A_59] : memref<128x128xf32, #tpu.memory_space<vmem>>, vector<128x128xf32>
    %dot_general3A_61 = arith.constant dense<0.000000e+00> : vector<1000x128xf32>
    %dot_general3A_62 = tpu.matmul %add3A_55, %get3A_60, %dot_general3A_61 {dimension_numbers = #tpu.dot_dimension_numbers<[1], [0], [0], [1], [0, 0, 1, 1], [], []>, transpose_lhs_hint = false} : vector<1000x128xf32>, vector<128x128xf32>, vector<1000x128xf32> -> vector<1000x128xf32>
    %swap3A_63 = arith.constant 0 : index
    %swap3A_64 = arith.constant 0 : index
    %swap3A_65 = vector.load %arg15[%swap3A_63, %swap3A_64] : memref<1000x128xf32, #tpu.memory_space<vmem>>, vector<1000x128xf32>
    tpu.vector_store %arg15[%swap3A_63, %swap3A_64], %dot_general3A_62 {strides = array<i32>} : memref<1000x128xf32, #tpu.memory_space<vmem>>, vector<1000x128xf32>,
    %get3A_66 = arith.constant 0 : index
    %get3A_67 = arith.constant 0 : index
    %get3A_68 = vector.load %arg12[%get3A_66, %get3A_67] : memref<128x128xf32, #tpu.memory_space<vmem>>, vector<128x128xf32>
    %dot_general3A_69 = arith.constant dense<0.000000e+00> : vector<1000x128xf32>
    %dot_general3A_70 = tpu.matmul %add3A_55, %get3A_68, %dot_general3A_69 {dimension_numbers = #tpu.dot_dimension_numbers<[1], [0], [0], [1], [0, 0, 1, 1], [], []>, transpose_lhs_hint = false} : vector<1000x128xf32>, vector<128x128xf32>, vector<1000x128xf32> -> vector<1000x128xf32>
    %get3A_71 = arith.constant 0 : index
    %get3A_72 = arith.constant 0 : index
    %get3A_73 = vector.load %arg13[%get3A_71, %get3A_72] : memref<1x128xf32, #tpu.memory_space<vmem>>, vector<1x128xf32>
    %add3A_74 = vector.broadcast %get3A_73 : vector<1x128xf32> to vector<1000x128xf32>
    %add3A_75 = arith.addf %dot_general3A_70, %add3A_74 : vector<1000x128xf32>
    %swap3A_76 = arith.constant 0 : index
    %swap3A_77 = arith.constant 0 : index
    %swap3A_78 = vector.load %arg16[%swap3A_76, %swap3A_77] : memref<1000x128xf32, #tpu.memory_space<vmem>>, vector<1000x128xf32>
    tpu.vector_store %arg16[%swap3A_76, %swap3A_77], %add3A_75 {strides = array<i32>} : memref<1000x128xf32, #tpu.memory_space<vmem>>, vector<1000x128xf32>,
    return
  }
  func.func @transform_0(%arg0: i32) -> (i32, i32) {
    %c0_i32 = arith.constant 0 : i32
    %c0_i32_0 = arith.constant 0 : i32
    return %arg0, %c0_i32 : i32, i32
  }
  func.func @transform_1(%arg0: i32) -> (i32, i32) {
    %c0_i32 = arith.constant 0 : i32
    %c0_i32_0 = arith.constant 0 : i32
    return %arg0, %c0_i32 : i32, i32
  }
  func.func @transform_2(%arg0: i32) -> (i32, i32) {
    %c0_i32 = arith.constant 0 : i32
    %c0_i32_0 = arith.constant 0 : i32
    return %arg0, %c0_i32 : i32, i32
  }
  func.func @transform_3(%arg0: i32) -> (i32, i32) {
    %c0_i32 = arith.constant 0 : i32
    %c0_i32_0 = arith.constant 0 : i32
    %c0_i32_1 = arith.constant 0 : i32
    return %c0_i32, %c0_i32_0 : i32, i32
  }
  func.func @transform_4(%arg0: i32) -> (i32, i32) {
    %c0_i32 = arith.constant 0 : i32
    %c0_i32_0 = arith.constant 0 : i32
    %c0_i32_1 = arith.constant 0 : i32
    return %c0_i32, %c0_i32_0 : i32, i32
  }
  func.func @transform_5(%arg0: i32) -> (i32, i32) {
    %c0_i32 = arith.constant 0 : i32
    %c0_i32_0 = arith.constant 0 : i32
    %c0_i32_1 = arith.constant 0 : i32
    return %c0_i32, %c0_i32_0 : i32, i32
  }
  func.func @transform_6(%arg0: i32) -> (i32, i32) {
    %c0_i32 = arith.constant 0 : i32
    %c0_i32_0 = arith.constant 0 : i32
    %c0_i32_1 = arith.constant 0 : i32
    return %c0_i32, %c0_i32_0 : i32, i32
  }
  func.func @transform_7(%arg0: i32) -> (i32, i32) {
    %c0_i32 = arith.constant 0 : i32
    %c0_i32_0 = arith.constant 0 : i32
    %c0_i32_1 = arith.constant 0 : i32
    return %c0_i32, %c0_i32_0 : i32, i32
  }
  func.func @transform_8(%arg0: i32) -> (i32, i32) {
    %c0_i32 = arith.constant 0 : i32
    %c0_i32_0 = arith.constant 0 : i32
    %c0_i32_1 = arith.constant 0 : i32
    return %c0_i32, %c0_i32_0 : i32, i32
  }
  func.func @transform_9(%arg0: i32) -> (i32, i32) {
    %c0_i32 = arith.constant 0 : i32
    %c0_i32_0 = arith.constant 0 : i32
    %c0_i32_1 = arith.constant 0 : i32
    return %c0_i32, %c0_i32_0 : i32, i32
  }
  func.func @transform_10(%arg0: i32) -> (i32, i32) {
    %c0_i32 = arith.constant 0 : i32
    %c0_i32_0 = arith.constant 0 : i32
    %c0_i32_1 = arith.constant 0 : i32
    return %c0_i32, %c0_i32_0 : i32, i32
  }
  func.func @transform_11(%arg0: i32) -> (i32, i32) {
    %c0_i32 = arith.constant 0 : i32
    %c0_i32_0 = arith.constant 0 : i32
    %c0_i32_1 = arith.constant 0 : i32
    return %c0_i32, %c0_i32_0 : i32, i32
  }
  func.func @transform_12(%arg0: i32) -> (i32, i32) {
    %c0_i32 = arith.constant 0 : i32
    %c0_i32_0 = arith.constant 0 : i32
    %c0_i32_1 = arith.constant 0 : i32
    return %c0_i32, %c0_i32_0 : i32, i32
  }
  func.func @transform_13(%arg0: i32) -> (i32, i32) {
    %c0_i32 = arith.constant 0 : i32
    %c0_i32_0 = arith.constant 0 : i32
    return %arg0, %c0_i32 : i32, i32
  }
  func.func @transform_14(%arg0: i32) -> (i32, i32) {
    %c0_i32 = arith.constant 0 : i32
    %c0_i32_0 = arith.constant 0 : i32
    return %arg0, %c0_i32 : i32, i32
  }
  func.func @transform_15(%arg0: i32) -> (i32, i32) {
    %c0_i32 = arith.constant 0 : i32
    %c0_i32_0 = arith.constant 0 : i32
    return %arg0, %c0_i32 : i32, i32
  }
}

module attributes {stable_mosaic.version = 14 : i64} {
  func.func @_gru_body(%arg0: i32, %arg1: memref<1000x128xf32, #tpu.memory_space<vmem>>, %arg2: memref<1000x128xf32, #tpu.memory_space<vmem>>, %arg3: memref<1000x128xf32, #tpu.memory_space<vmem>>, %arg4: memref<128x384xf32, #tpu.memory_space<vmem>>, %arg5: memref<128x384xf32, #tpu.memory_space<vmem>>, %arg6: memref<128x384xf32, #tpu.memory_space<vmem>>, %arg7: memref<1x384xf32, #tpu.memory_space<vmem>>, %arg8: memref<1x384xf32, #tpu.memory_space<vmem>>, %arg9: memref<128x128xf32, #tpu.memory_space<vmem>>, %arg10: memref<1x128xf32, #tpu.memory_space<vmem>>, %arg11: memref<128x128xf32, #tpu.memory_space<vmem>>, %arg12: memref<128x128xf32, #tpu.memory_space<vmem>>, %arg13: memref<1x128xf32, #tpu.memory_space<vmem>>, %arg14: memref<1000x128xf32, #tpu.memory_space<vmem>>) attributes {dimension_semantics = [#tpu.dimension_semantics<arbitrary>], iteration_bounds = array<i64: 10>, scalar_prefetch = 0 : i64, scratch_operands = 0 : i64, tpu.core_type = #tpu.core_type<tc>, window_params = [{transform_indices = @transform_0, window_bounds = array<i64: 1000, 128>}, {transform_indices = @transform_1, window_bounds = array<i64: 1000, 128>}, {transform_indices = @transform_2, window_bounds = array<i64: 1000, 128>}, {pipeline_mode = #tpu.pipeline_mode<synchronous>, transform_indices = @transform_3, window_bounds = array<i64: 128, 384>}, {pipeline_mode = #tpu.pipeline_mode<synchronous>, transform_indices = @transform_4, window_bounds = array<i64: 128, 384>}, {pipeline_mode = #tpu.pipeline_mode<synchronous>, transform_indices = @transform_5, window_bounds = array<i64: 128, 384>}, {pipeline_mode = #tpu.pipeline_mode<synchronous>, transform_indices = @transform_6, window_bounds = array<i64: 1, 384>}, {pipeline_mode = #tpu.pipeline_mode<synchronous>, transform_indices = @transform_7, window_bounds = array<i64: 1, 384>}, {pipeline_mode = #tpu.pipeline_mode<synchronous>, transform_indices = @transform_8, window_bounds = array<i64: 128, 128>}, {pipeline_mode = #tpu.pipeline_mode<synchronous>, transform_indices = @transform_9, window_bounds = array<i64: 1, 128>}, {pipeline_mode = #tpu.pipeline_mode<synchronous>, transform_indices = @transform_10, window_bounds = array<i64: 128, 128>}, {pipeline_mode = #tpu.pipeline_mode<synchronous>, transform_indices = @transform_11, window_bounds = array<i64: 128, 128>}, {pipeline_mode = #tpu.pipeline_mode<synchronous>, transform_indices = @transform_12, window_bounds = array<i64: 1, 128>}, {transform_indices = @transform_13, window_bounds = array<i64: 1000, 128>}]} {
    %get3A = arith.constant 0 : index
    %get3A_0 = arith.constant 0 : index
    %get3A_1 = vector.load %arg1[%get3A, %get3A_0] : memref<1000x128xf32, #tpu.memory_space<vmem>>, vector<1000x128xf32>
    %get3A_2 = arith.constant 0 : index
    %get3A_3 = arith.constant 0 : index
    %get3A_4 = vector.load %arg2[%get3A_2, %get3A_3] : memref<1000x128xf32, #tpu.memory_space<vmem>>, vector<1000x128xf32>
    %get3A_5 = arith.constant 0 : index
    %get3A_6 = arith.constant 0 : index
    %get3A_7 = vector.load %arg4[%get3A_5, %get3A_6] : memref<128x384xf32, #tpu.memory_space<vmem>>, vector<128x384xf32>
    %dot_general3A = arith.constant dense<0.000000e+00> : vector<1000x384xf32>
    %dot_general3A_8 = tpu.matmul %get3A_1, %get3A_7, %dot_general3A {dimension_numbers = #tpu.dot_dimension_numbers<[1], [0], [0], [1], [0, 0, 1, 1], [], []>, transpose_lhs_hint = false} : vector<1000x128xf32>, vector<128x384xf32>, vector<1000x384xf32> -> vector<1000x384xf32>
    %get3A_9 = arith.constant 0 : index
    %get3A_10 = arith.constant 0 : index
    %get3A_11 = vector.load %arg3[%get3A_9, %get3A_10] : memref<1000x128xf32, #tpu.memory_space<vmem>>, vector<1000x128xf32>
    %get3A_12 = arith.constant 0 : index
    %get3A_13 = arith.constant 0 : index
    %get3A_14 = vector.load %arg6[%get3A_12, %get3A_13] : memref<128x384xf32, #tpu.memory_space<vmem>>, vector<128x384xf32>
    %dot_general3A_15 = arith.constant dense<0.000000e+00> : vector<1000x384xf32>
    %dot_general3A_16 = tpu.matmul %get3A_11, %get3A_14, %dot_general3A_15 {dimension_numbers = #tpu.dot_dimension_numbers<[1], [0], [0], [1], [0, 0, 1, 1], [], []>, transpose_lhs_hint = false} : vector<1000x128xf32>, vector<128x384xf32>, vector<1000x384xf32> -> vector<1000x384xf32>
    %add3A = arith.addf %dot_general3A_8, %dot_general3A_16 : vector<1000x384xf32>
    %get3A_17 = arith.constant 0 : index
    %get3A_18 = arith.constant 0 : index
    %get3A_19 = vector.load %arg7[%get3A_17, %get3A_18] : memref<1x384xf32, #tpu.memory_space<vmem>>, vector<1x384xf32>
    %add3A_20 = vector.broadcast %get3A_19 : vector<1x384xf32> to vector<1000x384xf32>
    %add3A_21 = arith.addf %add3A, %add3A_20 : vector<1000x384xf32>
    %get3A_22 = arith.constant 0 : index
    %get3A_23 = arith.constant 0 : index
    %get3A_24 = vector.load %arg5[%get3A_22, %get3A_23] : memref<128x384xf32, #tpu.memory_space<vmem>>, vector<128x384xf32>
    %dot_general3A_25 = arith.constant dense<0.000000e+00> : vector<1000x384xf32>
    %dot_general3A_26 = tpu.matmul %get3A_4, %get3A_24, %dot_general3A_25 {dimension_numbers = #tpu.dot_dimension_numbers<[1], [0], [0], [1], [0, 0, 1, 1], [], []>, transpose_lhs_hint = false} : vector<1000x128xf32>, vector<128x384xf32>, vector<1000x384xf32> -> vector<1000x384xf32>
    %get3A_27 = arith.constant 0 : index
    %get3A_28 = arith.constant 0 : index
    %get3A_29 = vector.load %arg8[%get3A_27, %get3A_28] : memref<1x384xf32, #tpu.memory_space<vmem>>, vector<1x384xf32>
    %add3A_30 = vector.broadcast %get3A_29 : vector<1x384xf32> to vector<1000x384xf32>
    %add3A_31 = arith.addf %dot_general3A_26, %add3A_30 : vector<1000x384xf32>
    %slice3A = vector.extract_strided_slice %add3A_21 {offsets = [0, 0], sizes = [1000, 128], strides = [1, 1]} : vector<1000x384xf32> to vector<1000x128xf32>
    %slice3A_32 = vector.extract_strided_slice %add3A_21 {offsets = [0, 128], sizes = [1000, 128], strides = [1, 1]} : vector<1000x384xf32> to vector<1000x128xf32>
    %slice3A_33 = vector.extract_strided_slice %add3A_21 {offsets = [0, 256], sizes = [1000, 128], strides = [1, 1]} : vector<1000x384xf32> to vector<1000x128xf32>
    %slice3A_34 = vector.extract_strided_slice %add3A_31 {offsets = [0, 0], sizes = [1000, 128], strides = [1, 1]} : vector<1000x384xf32> to vector<1000x128xf32>
    %slice3A_35 = vector.extract_strided_slice %add3A_31 {offsets = [0, 128], sizes = [1000, 128], strides = [1, 1]} : vector<1000x384xf32> to vector<1000x128xf32>
    %slice3A_36 = vector.extract_strided_slice %add3A_31 {offsets = [0, 256], sizes = [1000, 128], strides = [1, 1]} : vector<1000x384xf32> to vector<1000x128xf32>
    %add3A_37 = arith.addf %slice3A, %slice3A_34 : vector<1000x128xf32>
    %logistic3A = arith.negf %add3A_37 : vector<1000x128xf32>
    %logistic3A_38 = math.exp %logistic3A : vector<1000x128xf32>
    %logistic3A_39 = arith.constant 1.000000e+00 : f32
    %logistic3A_40 = vector.broadcast %logistic3A_39 : f32 to vector<1000x128xf32>
    %logistic3A_41 = arith.addf %logistic3A_40, %logistic3A_38 : vector<1000x128xf32>
    %logistic3A_42 = arith.divf %logistic3A_40, %logistic3A_41 : vector<1000x128xf32>
    %add3A_43 = arith.addf %slice3A_32, %slice3A_35 : vector<1000x128xf32>
    %logistic3A_44 = arith.negf %add3A_43 : vector<1000x128xf32>
    %logistic3A_45 = math.exp %logistic3A_44 : vector<1000x128xf32>
    %logistic3A_46 = arith.constant 1.000000e+00 : f32
    %logistic3A_47 = vector.broadcast %logistic3A_46 : f32 to vector<1000x128xf32>
    %logistic3A_48 = arith.addf %logistic3A_47, %logistic3A_45 : vector<1000x128xf32>
    %logistic3A_49 = arith.divf %logistic3A_47, %logistic3A_48 : vector<1000x128xf32>
    %mul3A = arith.mulf %logistic3A_49, %slice3A_36 : vector<1000x128xf32>
    %add3A_50 = arith.addf %slice3A_33, %mul3A : vector<1000x128xf32>
    %tanh3A = math.tanh %add3A_50 : vector<1000x128xf32>
    %mul3A_51 = arith.mulf %logistic3A_42, %get3A_4 : vector<1000x128xf32>
    %sub3A = arith.constant 1.000000e+00 : f32
    %sub3A_52 = vector.broadcast %sub3A : f32 to vector<1000x128xf32>
    %sub3A_53 = arith.subf %sub3A_52, %logistic3A_42 : vector<1000x128xf32>
    %mul3A_54 = arith.mulf %sub3A_53, %tanh3A : vector<1000x128xf32>
    %add3A_55 = arith.addf %mul3A_51, %mul3A_54 : vector<1000x128xf32>
    %get3A_56 = arith.constant 0 : index
    %get3A_57 = arith.constant 0 : index
    %get3A_58 = vector.load %arg9[%get3A_56, %get3A_57] : memref<128x128xf32, #tpu.memory_space<vmem>>, vector<128x128xf32>
    %dot_general3A_59 = arith.constant dense<0.000000e+00> : vector<1000x128xf32>
    %dot_general3A_60 = tpu.matmul %add3A_55, %get3A_58, %dot_general3A_59 {dimension_numbers = #tpu.dot_dimension_numbers<[1], [0], [0], [1], [0, 0, 1, 1], [], []>, transpose_lhs_hint = false} : vector<1000x128xf32>, vector<128x128xf32>, vector<1000x128xf32> -> vector<1000x128xf32>
    %get3A_61 = arith.constant 0 : index
    %get3A_62 = arith.constant 0 : index
    %get3A_63 = vector.load %arg10[%get3A_61, %get3A_62] : memref<1x128xf32, #tpu.memory_space<vmem>>, vector<1x128xf32>
    %add3A_64 = vector.broadcast %get3A_63 : vector<1x128xf32> to vector<1000x128xf32>
    %add3A_65 = arith.addf %dot_general3A_60, %add3A_64 : vector<1000x128xf32>
    %reduce_max3A = arith.constant dense<0xFF800000> : vector<1000xf32>
    %reduce_max3A_66 = vector.multi_reduction <maximumf>, %add3A_65, %reduce_max3A [1] : vector<1000x128xf32> to vector<1000xf32>
    %broadcast_in_dim3A = vector.shape_cast %reduce_max3A_66 : vector<1000xf32> to vector<1000x1xf32>
    %sub3A_67 = vector.broadcast %broadcast_in_dim3A : vector<1000x1xf32> to vector<1000x128xf32>
    %sub3A_68 = arith.subf %add3A_65, %sub3A_67 : vector<1000x128xf32>
    %exp3A = math.exp %sub3A_68 : vector<1000x128xf32>
    %reduce_sum3A = arith.constant dense<0.000000e+00> : vector<1000xf32>
    %reduce_sum3A_69 = vector.multi_reduction <add>, %exp3A, %reduce_sum3A [1] : vector<1000x128xf32> to vector<1000xf32>
    %broadcast_in_dim3A_70 = vector.shape_cast %reduce_sum3A_69 : vector<1000xf32> to vector<1000x1xf32>
    %div3A = vector.broadcast %broadcast_in_dim3A_70 : vector<1000x1xf32> to vector<1000x128xf32>
    %div3A_71 = arith.divf %exp3A, %div3A : vector<1000x128xf32>
    %swap3A = arith.constant 0 : index
    %swap3A_72 = arith.constant 0 : index
    %swap3A_73 = vector.load %arg14[%swap3A, %swap3A_72] : memref<1000x128xf32, #tpu.memory_space<vmem>>, vector<1000x128xf32>
    tpu.vector_store %arg14[%swap3A, %swap3A_72], %div3A_71 {strides = array<i32>} : memref<1000x128xf32, #tpu.memory_space<vmem>>, vector<1000x128xf32>,
    return
  }
  func.func @transform_0(%arg0: i32) -> (i32, i32) {
    %c0_i32 = arith.constant 0 : i32
    %c0_i32_0 = arith.constant 0 : i32
    return %arg0, %c0_i32 : i32, i32
  }
  func.func @transform_1(%arg0: i32) -> (i32, i32) {
    %c0_i32 = arith.constant 0 : i32
    %c0_i32_0 = arith.constant 0 : i32
    return %arg0, %c0_i32 : i32, i32
  }
  func.func @transform_2(%arg0: i32) -> (i32, i32) {
    %c0_i32 = arith.constant 0 : i32
    %c0_i32_0 = arith.constant 0 : i32
    return %arg0, %c0_i32 : i32, i32
  }
  func.func @transform_3(%arg0: i32) -> (i32, i32) {
    %c0_i32 = arith.constant 0 : i32
    %c0_i32_0 = arith.constant 0 : i32
    %c0_i32_1 = arith.constant 0 : i32
    return %c0_i32, %c0_i32_0 : i32, i32
  }
  func.func @transform_4(%arg0: i32) -> (i32, i32) {
    %c0_i32 = arith.constant 0 : i32
    %c0_i32_0 = arith.constant 0 : i32
    %c0_i32_1 = arith.constant 0 : i32
    return %c0_i32, %c0_i32_0 : i32, i32
  }
  func.func @transform_5(%arg0: i32) -> (i32, i32) {
    %c0_i32 = arith.constant 0 : i32
    %c0_i32_0 = arith.constant 0 : i32
    %c0_i32_1 = arith.constant 0 : i32
    return %c0_i32, %c0_i32_0 : i32, i32
  }
  func.func @transform_6(%arg0: i32) -> (i32, i32) {
    %c0_i32 = arith.constant 0 : i32
    %c0_i32_0 = arith.constant 0 : i32
    %c0_i32_1 = arith.constant 0 : i32
    return %c0_i32, %c0_i32_0 : i32, i32
  }
  func.func @transform_7(%arg0: i32) -> (i32, i32) {
    %c0_i32 = arith.constant 0 : i32
    %c0_i32_0 = arith.constant 0 : i32
    %c0_i32_1 = arith.constant 0 : i32
    return %c0_i32, %c0_i32_0 : i32, i32
  }
  func.func @transform_8(%arg0: i32) -> (i32, i32) {
    %c0_i32 = arith.constant 0 : i32
    %c0_i32_0 = arith.constant 0 : i32
    %c0_i32_1 = arith.constant 0 : i32
    return %c0_i32, %c0_i32_0 : i32, i32
  }
  func.func @transform_9(%arg0: i32) -> (i32, i32) {
    %c0_i32 = arith.constant 0 : i32
    %c0_i32_0 = arith.constant 0 : i32
    %c0_i32_1 = arith.constant 0 : i32
    return %c0_i32, %c0_i32_0 : i32, i32
  }
  func.func @transform_10(%arg0: i32) -> (i32, i32) {
    %c0_i32 = arith.constant 0 : i32
    %c0_i32_0 = arith.constant 0 : i32
    %c0_i32_1 = arith.constant 0 : i32
    return %c0_i32, %c0_i32_0 : i32, i32
  }
  func.func @transform_11(%arg0: i32) -> (i32, i32) {
    %c0_i32 = arith.constant 0 : i32
    %c0_i32_0 = arith.constant 0 : i32
    %c0_i32_1 = arith.constant 0 : i32
    return %c0_i32, %c0_i32_0 : i32, i32
  }
  func.func @transform_12(%arg0: i32) -> (i32, i32) {
    %c0_i32 = arith.constant 0 : i32
    %c0_i32_0 = arith.constant 0 : i32
    %c0_i32_1 = arith.constant 0 : i32
    return %c0_i32, %c0_i32_0 : i32, i32
  }
  func.func @transform_13(%arg0: i32) -> (i32, i32) {
    %c0_i32 = arith.constant 0 : i32
    %c0_i32_0 = arith.constant 0 : i32
    return %arg0, %c0_i32 : i32, i32
  }
}

</mosaic_0001>

<sc_bundles>
// kernel: kernel.12.cloned.1.call-start
scs
__scs_entry_jumppad:
0x0: {  	(pc) =	sbr.rel $0x88, $3  }
0x1: {  	(tag) =	ssettag $0x0;
	lr =	simm.s32 $0x1  }
0x2: {  	[smem:$0x3F92] =	sst lr;
	_ =	strace $0xD0000000  }
0x3: {  	_ = 	snop  }
0x4: {  	_ = 	snop  }
0x5: {  	_ = 	snop  }
0x6: {  	_ = 	snop  }
0x7: {  	_ = 	snop  }
__scs_overlays_trampoline_lowered:
0x8: {  	[smem:$0x3FA1] =	sst s0  }
0x9: {  	[smem:$0x3FA2] =	sst s1  }
0xa: {  	[smem:$0x3FA3] =	sst s2  }
0xb: {  	[smem:$0x3FA4] =	sst s3  }
0xc: {  	[smem:$0x3FA5] =	sst s4  }
0xd: {  	[smem:$0x3FA6] =	sst s5  }
0xe: {  	[smem:$0x3FA7] =	sst s6  }
0xf: {  	[smem:$0x3FA8] =	sst s7  }
0x10: {  	[smem:$0x3FA9] =	sst s8  }
0x11: {  	[smem:$0x3FAA] =	sst s9;
	s0 =	simm.s32 @!p0 $0x0  }
0x12: {  	s1 =	sld [smem:$0x3F90];
	s0 =	simm.s32 @p0 $0x1  }
0x13: {  	[smem:$0x3FAB] =	sst s0;
	s0 =	simm.s32 @!p1 $0x0  }
0x14: {  	s2 =	sld [smem:$0x3F8F];
	s0 =	simm.s32 @p1 $0x1  }
0x15: {  	[smem:$0x3FAC] =	sst s0;
	s0 =	simm.s32 @!p2 $0x0  }
0x16: {  	s3 =	sld [smem:$0x3FDB];
	s0 =	simm.s32 @p2 $0x1  }
0x17: {  	s4 =	simm.s32 $0x1BF5;
	[smem:$0x3FAE] =	sst s0  }
0x18: {  	s0 =	sld [smem:$0x3F91];
	_ =	swait.ge [sflag:s4], $0x0  }
0x19: {  	s7 =	sld [smem:$0x3F92]  }
0x1a: {  	s8 =	sadd.s32 $0xFFFFE003, lr  }
0x1b: {  	s9 =	sadd.s32 $0xFFFFFEF7, lr;
	s5 =	simm.s32 $0xFFFFFFFF;
	p2 =	slt.u32 s8, $0xFFFFF086  }
0x1c: {  	p1 =	slt.u32 s9, $0xF7A;
	s5 =	simm.s32 @!p2 $0x0  }
0x1d: {  	s5 =	simm.s32 @p1 $0x1;
	p0 =	seq.s32 s7, s2  }
0x1e: {  	s7 =	smul.u32 @!p0 $0xF7A, s2;
	p2 =	seq.s32 @!p0 s5, $0x0  }
0x1f: {  	s9 =	smul.u32 $0xF7A, s1;
	s8 =	simm.s32 @!p0 $0x1BF5;
	p2 =	por !p2, p0  }
0x20: {  	[sflag:s8] =	ssyncset.s32 @!p0 $0xFFFFF086;
	s6 =	sadd.s32 @!p0 s3, s7;
	s7 =	simm.s32 @!p0 $0x108  }
0x21: {  	s3 =	sadd.s32 s3, s9;
	s6 =	sadd.s32 @!p0 $0x88, s6;
	s7 =	simm.s32 @p2 $0x1082  }
0x22: {  	[simem:s7], [sflag:s8] =	dma.local @!p0 [hbm:s6], $0xF7A  }
0x23: {  	s9 =	sor.u32 $0xD0000000, s2;
	s6 =	simm.s32 $0x108;
	_ =	swait.ge @!p0 [sflag:s8], $0x0  }
0x24: {  	s3 =	sadd.s32 $0x88, s3;
	s6 =	simm.s32 @!p1 $0x1082;
	[sflag:s4] =	ssyncset.s32 $0xFFFFF086  }
0x25: {  	[simem:s6], [sflag:s4] =	dma.local [hbm:s3], $0xF7A  }
0x26: {  	[smem:$0x3F92] =	sst s1;
	(tag) =	ssettag s2;
	_ =	strace s9  }
0x27: {  	s1 =	sld [smem:$0x3FA2]  }
0x28: {  	s2 =	sld [smem:$0x3FA3]  }
0x29: {  	s4 =	sld [smem:$0x3FA5]  }
0x2a: {  	p0 =	seq.s32 s5, $0x0;
	s5 =	sld [smem:$0x3FA6]  }
0x2b: {  	s6 =	sld [smem:$0x3FA7]  }
0x2c: {  	s7 =	sld [smem:$0x3FA8]  }
0x2d: {  	s3 =	simm.s32 $0x108;
	s8 =	sld [smem:$0x3FA9]  }
0x2e: {  	s3 =	simm.s32 @!p0 $0x1082;
	s9 =	sld [smem:$0x3FAA]  }
0x2f: {  	lr =	sadd.s32 s0, s3;
	s0 =	sld [smem:$0x3FA1]  }
0x30: {  	s3 =	sld [smem:$0x3FA4]  }
0x31: {  	[smem:$0x3FAD] =	sst s10  }
0x32: {  	s10 =	sld [smem:$0x3FAB];
	_ =	sdelay $0x3  }
0x33: {  	p0 =	seq.s32 s10, $0x1;
	s10 =	sld [smem:$0x3FAD];
	_ =	sdelay $0x3  }
0x34: {  	[smem:$0x3FAD] =	sst s10  }
0x35: {  	s10 =	sld [smem:$0x3FAC];
	_ =	sdelay $0x3  }
0x36: {  	p1 =	seq.s32 s10, $0x1;
	s10 =	sld [smem:$0x3FAD];
	_ =	sdelay $0x3  }
0x37: {  	[smem:$0x3FAD] =	sst s10  }
0x38: {  	s10 =	sld [smem:$0x3FAE]  }
0x39: {  	_ = 	snop;
	(pc) =	sbr.ind lr, $3  }
0x3a: {  	_ = 	snop  }
0x3b: {  	_ = 	snop  }
0x3c: {  	p2 =	seq.s32 s10, $0x1;
	s10 =	sld [smem:$0x3FAD]  }
0x3d: {  	_ =	shalt  }
0x3e: {  	_ =	shalt  }
0x3f: {  	_ =	shalt  }
0x40: {  	_ =	shalt  }
0x41: {  	_ =	shalt  }
0x42: {  	_ =	shalt  }
0x43: {  	_ =	shalt  }
0x44: {  	_ =	shalt  }
0x45: {  	_ =	shalt  }
0x46: {  	_ =	shalt  }
0x47: {  	_ =	shalt  }
0x48: {  	_ =	shalt  }
0x49: {  	_ =	shalt  }
0x4a: {  	_ =	shalt  }
0x4b: {  	_ =	shalt  }
0x4c: {  	_ =	shalt  }
0x4d: {  	_ =	shalt  }
0x4e: {  	_ =	shalt  }
0x4f: {  	_ =	shalt  }
0x50: {  	_ =	shalt  }
0x51: {  	_ =	shalt  }
0x52: {  	_ =	shalt  }
0x53: {  	_ =	shalt  }
0x54: {  	_ =	shalt  }
0x55: {  	_ =	shalt  }
0x56: {  	_ =	shalt  }
0x57: {  	_ =	shalt  }
0x58: {  	_ =	shalt  }
0x59: {  	_ =	shalt  }
0x5a: {  	_ =	shalt  }
0x5b: {  	_ =	shalt  }
0x5c: {  	_ =	shalt  }
0x5d: {  	_ =	shalt  }
0x5e: {  	_ =	shalt  }
0x5f: {  	_ =	shalt  }
0x60: {  	_ =	shalt  }
0x61: {  	_ =	shalt  }
0x62: {  	_ =	shalt  }
0x63: {  	_ =	shalt  }
0x64: {  	_ =	shalt  }
0x65: {  	_ =	shalt  }
0x66: {  	_ =	shalt  }
0x67: {  	_ =	shalt  }
0x68: {  	_ =	shalt  }
0x69: {  	_ =	shalt  }
0x6a: {  	_ =	shalt  }
0x6b: {  	_ =	shalt  }
0x6c: {  	_ =	shalt  }
0x6d: {  	_ =	shalt  }
0x6e: {  	_ =	shalt  }
0x6f: {  	_ =	shalt  }
0x70: {  	_ =	shalt  }
0x71: {  	_ =	shalt  }
0x72: {  	_ =	shalt  }
0x73: {  	_ =	shalt  }
0x74: {  	_ =	shalt  }
0x75: {  	_ =	shalt  }
0x76: {  	_ =	shalt  }
0x77: {  	_ =	shalt  }
0x78: {  	_ =	shalt  }
0x79: {  	_ =	shalt  }
0x7a: {  	_ =	shalt  }
0x7b: {  	_ =	shalt  }
0x7c: {  	_ =	shalt  }
0x7d: {  	_ =	shalt  }
0x7e: {  	_ =	shalt  }
0x7f: {  	_ =	shalt  }
0x80: {  	_ =	shalt  }
0x81: {  	_ =	shalt  }
0x82: {  	_ =	shalt  }
0x83: {  	_ =	shalt  }
0x84: {  	_ =	shalt  }
0x85: {  	_ =	shalt  }
0x86: {  	_ =	shalt  }
0x87: {  	_ =	shalt  }
.Lfunc_end0:
.L_simem_size_0:
called_computation_lowered:
.L_overlay_start_0:
0x88: {  	s2 =	sld [smem:$0x3FD9]  }
0x89: {  	s3 =	sld [smem:$0x3FFE];
	_ =	sdelay $0x1  }
0x8a: {  	s1 =	srdreg.scid  }
0x8b: {  	s0 =	sand.u32 $0x1, s1  }
0x8c: {  	s17 =	sshll.u32 s0, $0xA;
	s2 =	sadd.s32 s3, s2  }
0x8d: {  	s2 =	sadd.s32 s2, s17  }
0x8e: {  	[smem:$0x3FB9] =	sst s2  }
0x8f: {  	_ = 	snop  }
0x90: {  	s2 =	sld [smem:$0x3FD0];
	(tm) =	ssettm $0x1  }
0x91: {  	s18 =	sld [smem:$0x3FFB];
	_ =	sdelay $0x3  }
0x92: {  	_ =	strace s18  }
0x93: {  	s3 =	sld [smem:$0x3FFC];
	_ =	sdelay $0x3  }
0x94: {  	_ =	strace s3  }
0x95: {  	s3 =	sld [smem:$0x3FFD];
	_ =	sdelay $0x3  }
0x96: {  	_ =	strace s3  }
0x97: {  	_ =	strace $0x8FFFFFFF  }
0x98: {  	s19 =	sld [smem:$0x3FDB];
	_ =	sdelay $0x1  }
0x99: {  	s4 =	simm.s32 $_scs_section_size  }
0x9a: {  	s5 =	simm.s32 $_size__tile_overlayer_lowered;
	s6 =	simm.s32 $_tile_overlayer_lowered  }
0x9b: {  	s22 =	simm.s32 $0x1BFF;
	s21 =	sshll.u32 s6, $0x1;
	s3 =	sadd.s32 s4, s19  }
0x9c: {  	s7 =	simm.s32 $0x0;
	s20 =	sshll.u32 s5, $0x1;
	s5 =	sadd.s32 s21, s3  }
0x9d: {  	[timem:s7], [sflag:s22] =	dma.local [hbm:s5], s20  }
0x9e: {  	_ =	swait.ge [sflag:s22], s20  }
0x9f: {  	s4 =	ssub.s32 $0x0, s20;
	[sflag:s22] =	ssyncset.done $0x0  }
0xa0: {  	[sflag:s22] =	ssyncadd.s32 s4;
	_ =	sdelay $0x1  }
0xa1: {  	s23 =	simm.s32 $0x1B8B  }
0xa2: {  	_ =	swait.ge [sflag:s23], $0x1  }
0xa3: {  	[sflag:s23] =	ssyncset.done $0x0  }
0xa4: {  	s25 =	simm.s32 $0x1B8E;
	s24 =	sld [smem:$0x3FFE];
	[sflag:s23] =	ssyncadd.s32 $0xFFFFFFFF  }
0xa5: {  	s26 =	simm.s32 $execute0_lowered;
	[smem:$0x3FD2] =	sst s25  }
0xa6: {  	s5 =	sshll.u32 s26, $0x1;
	_ =	strace $0x80000046;
	[dreg:$0x1] =	wrdreg $0xFFFFFFFF  }
0xa7: {  	s28 =	simm.s32 $_size_execute0_lowered;
	s3 =	sadd.s32 s3, s5;
	[dreg:$0x0] =	wrdreg $0x0  }
0xa8: {  	s5 =	sshll.u32 s28, $0x1;
	[dreg:$0x2] =	wrdreg s3  }
0xa9: {  	[dreg:$0x3] =	wrdreg s5  }
0xaa: {  	[dreg:$0x4] =	wrdreg $0xC0  }
0xab: {  	_ =	task [dreg:s7], $0x5FFFF  }
0xac: {  	[dreg:$0x1] =	wrdreg $0xFFFFFFFF  }
0xad: {  	[dreg:$0x0] =	wrdreg $0x60  }
0xae: {  	[dreg:$0x2] =	wrdreg s24  }
0xaf: {  	[dreg:$0x3] =	wrdreg s2  }
0xb0: {  	[dreg:$0x4] =	wrdreg $0x9  }
0xb1: {  	_ =	task.clear_ibuf [dreg:s7], $0x5FFFF;
	_ =	strace $0x90000046  }
0xb2: {  	s29 =	simm.s32 $0x9;
	_ =	strace $0x80000048  }
0xb3: {  	_ =	swait.ge [sflag:s29], $0x1  }
0xb4: {  	[sflag:s29] =	ssyncadd.s32 $0xFFFFFFFF  }
0xb5: {  	_ =	strace $0x90000048  }
0xb6: {  	_ =	sfence  }
0xb7: {  	s30 =	sld [smem:$0x0];
	_ =	sdelay $0x2  }
0xb8: {  	s31 =	sshll.u32 s1, $0xD;
	s1 =	sshrl.u32 s1, $0x2  }
0xb9: {  	s3 =	sand.u32 $0x4000, s31;
	s1 =	sadd.s32 s1, s30  }
0xba: {  	s0 =	sor.u32 s3, s0;
	s1 =	sshll.u32 s1, $0x11  }
0xbb: {  	s0 =	sor.u32 s1, s0  }
0xbc: {  	s0 =	sadd.s32 $0x8F2B, s0  }
0xbd: {  	[sflag:s0] =	ssyncadd.remote.s32 $0x1  }
0xbe: {  	_ =	sfence.sel $0xFFFF  }
0xbf: {  	[dreg:$0x0] =	wrdreg $0xFFFFFFFF;
	(pc) =	sbr.abs _section_cstart, $3  }
0xc0: {  	[dreg:$0x1] =	wrdreg $0xFFFFFFFF  }
0xc1: {  	_ =	task.clear_ibuf [dreg:s7], $0x2FFFF;
	_ =	strace $0x9FFFFFFF  }
0xc2: {  	(tm) =	ssettm $0x7FFFFFFF  }
0xc3: {  	_ =	shalt  }
tec
execute0_lowered:
.L_overlay_start_1:
0x0: {  	(tag) =	ssettag $0x1  }
0x1: {  	s0 =	rddreg [dreg:$0x0]  }
0x2: {  	s9 =	rddreg [dreg:$0x1]  }
0x3: {  	s1 =	simm.s32 $0x0;
	s2 =	srdreg.scid;
	s13 =	stileid.u32  }
0x4: {  	s15 =	simm.s32 $0x80;
	s16 =	simm.s32 $0x2800;
	s17 =	simm.s32 $0x6800  }
0x5: {  	s18 =	simm.s32 $0xA800;
	s19 =	simm.s32 $0xE800;
	s20 =	simm.s32 $0x1  }
0x6: {  	s21 =	simm.s32 $0x2;
	s22 =	simm.s32 $0x5;
	s23 =	simm.s32 $0x3  }
0x7: {  	s24 =	simm.s32 $0x4;
	[smem:$0x7FF] =	sst s1;
	s10 =	sand.u32 $0x1, s2  }
0x8: {  	s4 =	sshll.u32 s13, $0x1;
	s2 =	sadd.s32 $0xC800, s0;
	s3 =	sadd.s32 $0x33A00, s0  }
0x9: {  	s8 =	sadd.s32 $0x7800, s0;
	s5 =	sadd.s32 $0x5AC00, s0;
	p0 =	sne.s32 s13, $0x0  }
0xa: {  	s13 =	simm.s32 $0x7;
	_ =	strace $0x80000047;
	s6 =	sor.u32 s10, s4  }
0xb: {  	s7 =	ssub.s32 $0x2, s10;
	s12 =	sshll.u32 s10, $0x4;
	s4 =	smul.u32 $0x27, s6  }
0xc: {  	s10 =	sshll.u32 s10, $0xB;
	s25 =	sshrl.u32 s7, $0x1;
	s11 =	smul.u32 $0x270, s6  }
0xd: {  	s14 =	smul.u32 $0x9C000, s6;
	s26 =	sor.u32 $0x4E00, s12;
	s30 =	sadd.s32 s10, s5  }
.Ltmp0:
0xe: {  	s0 =	ssub.s32 s7, s25;
	s31 =	sadd.s32 $0x270000, s30;
	(pc) =	sbr.rel .LBB2_1-.Ltmp0, $4  }
0xf: {  	s25 =	simm.s32 $0x6;
	s6 =	sadd.s32 s8, s11;
	s7 =	sadd.s32 s9, s11  }
0x10: {  	s8 =	sadd.s32 s8, s26;
	s28 =	sshrl.u32 s14, $0x3;
	s9 =	sadd.s32 s9, s26  }
0x11: {  	[dreg:$0x3] =	wrdreg s31;
	s12 =	smax.u32 s0, $0x1;
	s29 =	sadd.s32 s5, s28  }
0x12: {  	s14 =	simm.s32 $0x1400;
	s26 =	simm.s32 $0x0;
	s10 =	sadd.s32 $0x13000, s29  }
.LBB2_13:
0x13: {  	s26 =	sadd.s32 $0x1, s26  }
0x14: {  	p1 =	sne.s32 s26, s12  }
.Ltmp1:
0x15: {  	_ = 	snop;
	(pc) =	sbr.rel @!p1 .LBB2_14-.Ltmp1, $4  }
0x16: {  	_ = 	snop  }
0x17: {  	_ =	swait.ge [sflag:s22], $0x4000  }
0x18: {  	[sflag:s22] =	ssyncset.done $0x0  }
0x19: {  	[sflag:s22] =	ssyncadd.s32 $0xFFFFC000  }
.LBB2_1:
0x1a: {  	[tilespmem:s1], [sflag:$0x7] =	stream.linear.gather [hbm4b:s6+s1], $0x1380, $0x38;
	[tilespmem:$0x12800] =	vst v63  }
0x1b: {  	_ =	swait.ge [sflag:s13], $0x1380  }
0x1c: {  	[sflag:s13] =	ssyncset.done $0x0  }
0x1d: {  	[sflag:s13] =	ssyncadd.s32 $0xFFFFEC80  }
0x1e: {  	[tilespmem:s14], [sflag:$0x7] =	stream.linear.gather [hbm4b:s7+s1], $0x1380, $0x38;
	[tilespmem:$0x12800] =	vst v63  }
0x1f: {  	_ =	swait.ge [sflag:s13], $0x1380  }
0x20: {  	[sflag:s13] =	ssyncset.done $0x0  }
0x21: {  	s0 =	simm.s32 @!p0 $0x0;
	s28 =	simm.s32 @!p0 $0x1380;
	[sflag:s13] =	ssyncadd.s32 $0xFFFFEC80  }
0x22: {  	[tilespmem:s28], [sflag:$0x7] =	stream.linear.gather @!p0 [hbm4b:s8+s0], $0x80, $0x38;
	[tilespmem:$0x12800] =	vst v63  }
0x23: {  	s28 =	simm.s32 @!p0 $0x7  }
0x24: {  	_ =	swait.ge @!p0 [sflag:s28], $0x80  }
0x25: {  	[sflag:s28] =	ssyncset.done @!p0 $0x0  }
0x26: {  	s29 =	simm.s32 @!p0 $0x2780;
	[sflag:s28] =	ssyncadd.s32 @!p0 $0xFFFFFF80  }
0x27: {  	[tilespmem:s29], [sflag:$0x7] =	stream.linear.gather @!p0 [hbm4b:s9+s0], $0x80, $0x38;
	[tilespmem:$0x12800] =	vst v63  }
0x28: {  	_ =	swait.ge @!p0 [sflag:s28], $0x80  }
0x29: {  	[sflag:s28] =	ssyncset.done @!p0 $0x0  }
0x2a: {  	[sflag:s28] =	ssyncadd.s32 @!p0 $0xFFFFFF80  }
0x2b: {  	[tilespmem:s16], [sflag:$0x1] =	stream.indirect.gather [hbm4b:s2+s15], $0x80, s1, s15, $0xb8;
	[tilespmem:$0x12800] =	vst v63  }
0x2c: {  	s28 =	simm.s32 $0x0  }
0x2d: {  	[tilespmem:s17], [sflag:$0x2] =	stream.indirect.gather [hbm4b:s3+s15], $0x80, s14, s15, $0xb8;
	[tilespmem:$0x12800] =	vst v63  }
.LBB2_2:
0x2e: {  	p1 =	seq.s32 s28, $0x0  }
0x2f: {  	s0 =	simm.s32 @!p1 $0x6  }
0x30: {  	_ =	swait.ge @!p1 [sflag:s0], $0x4000  }
0x31: {  	s29 =	sshllo.u32 s28, $0x1;
	[sflag:s0] =	ssyncset.done @!p1 $0x0  }
0x32: {  	s11 =	sshll.u32 s29, $0x7;
	[sflag:s0] =	ssyncadd.s32 @!p1 $0xFFFFC000  }
0x33: {  	[tilespmem:s18], [sflag:$0x3] =	stream.indirect.gather [hbm4b:s2+s15], $0x80, s11, s15, $0xb8;
	[tilespmem:$0x12800] =	vst v63  }
0x34: {  	s0 =	sadd.s32 $0x1400, s11  }
0x35: {  	[tilespmem:s19], [sflag:$0x4] =	stream.indirect.gather [hbm4b:s3+s15], $0x80, s0, s15, $0xb8;
	[tilespmem:$0x12800] =	vst v63  }
0x36: {  	_ =	swait.ge [sflag:s20], $0x4000  }
0x37: {  	[sflag:s20] =	ssyncset.done $0x0  }
0x38: {  	[sflag:s20] =	ssyncadd.s32 $0xFFFFC000  }
0x39: {  	_ =	swait.ge [sflag:s21], $0x4000  }
0x3a: {  	[sflag:s21] =	ssyncset.done $0x0  }
0x3b: {  	s30 =	simm.s32 $0x0;
	[sflag:s21] =	ssyncadd.s32 $0xFFFFC000  }
0x3c: {  	v5 =	vld [tilespmem:s30+$0x6800]  }
0x3d: {  	v4 =	vld [tilespmem:s30+$0x6810]  }
0x3e: {  	v3 =	vld [tilespmem:s30+$0x6820]  }
0x3f: {  	v2 =	vld [tilespmem:s30+$0x6830]  }
0x40: {  	v1 =	vld [tilespmem:s30+$0x6840]  }
0x41: {  	v0 =	vld [tilespmem:s30+$0x6850]  }
0x42: {  	v10 =	vld [tilespmem:s30+$0x2800]  }
0x43: {  	v9 =	vld [tilespmem:s30+$0x2810]  }
0x44: {  	v8 =	vld [tilespmem:s30+$0x2820]  }
0x45: {  	v7 =	vld [tilespmem:s30+$0x2830]  }
0x46: {  	s31 =	sshll.u32 s28, $0x1;
	s0 =	simm.s32 $0x200;
	v6 =	vld [tilespmem:s30+$0x2840]  }
.LBB2_3:
0x47: {  	s11 =	sshra.s32 s0, $0x2;
	p1 =	sne.s32 s0, $0xFE00;
	v10 =	vadd.f32 v5, v10;
	v11 =	vld [tilespmem:s30+$0x2850]  }
0x48: {  	v5 =	vld [tilespmem:s11+$0x6800];
	v9 =	vadd.f32 v4, v9  }
0x49: {  	v4 =	vld [tilespmem:s11+$0x6810];
	[tilespmem:s30+$0x2800] =	vst v10;
	v8 =	vadd.f32 v3, v8  }
0x4a: {  	v3 =	vld [tilespmem:s11+$0x6820];
	[tilespmem:s30+$0x2810] =	vst v9;
	v7 =	vadd.f32 v2, v7  }
0x4b: {  	v2 =	vld [tilespmem:s11+$0x6830];
	[tilespmem:s30+$0x2820] =	vst v8;
	v6 =	vadd.f32 v1, v6  }
0x4c: {  	v1 =	vld [tilespmem:s11+$0x6840];
	[tilespmem:s30+$0x2830] =	vst v7;
	v7 =	vadd.f32 v0, v11  }
0x4d: {  	v0 =	vld [tilespmem:s11+$0x6850];
	[tilespmem:s30+$0x2840] =	vst v6  }
.Ltmp2:
0x4e: {  	v10 =	vld [tilespmem:s11+$0x2800];
	[tilespmem:s30+$0x2850] =	vst v7;
	s30 =	smov.u32 s11;
	(pc) =	sbr.rel @p1 .LBB2_3-.Ltmp2, $4  }
0x4f: {  	v9 =	vld [tilespmem:s30+$0x2810]  }
0x50: {  	v8 =	vld [tilespmem:s30+$0x2820]  }
0x51: {  	v7 =	vld [tilespmem:s30+$0x2830]  }
0x52: {  	s0 =	sadd.s32 $0x200, s0;
	v6 =	vld [tilespmem:s30+$0x2840]  }
0x53: {  	v5 =	vadd.f32 v5, v10;
	v10 =	vld [tilespmem:s30+$0x2850]  }
0x54: {  	v4 =	vadd.f32 v4, v9  }
0x55: {  	[tilespmem:s30+$0x2800] =	vst v5;
	v3 =	vadd.f32 v3, v8  }
0x56: {  	[tilespmem:s30+$0x2810] =	vst v4;
	v2 =	vadd.f32 v2, v7  }
0x57: {  	[tilespmem:s30+$0x2820] =	vst v3;
	v1 =	vadd.f32 v1, v6  }
0x58: {  	s0 =	sadd.s32 s4, s31;
	[tilespmem:s30+$0x2830] =	vst v2;
	v0 =	vadd.f32 v0, v10  }
0x59: {  	s0 =	sshll.u32 s0, $0xB;
	[tilespmem:s30+$0x2840] =	vst v1  }
0x5a: {  	s11 =	simm.s32 $0x0;
	s0 =	sadd.s32 s5, s0;
	[tilespmem:s30+$0x2850] =	vst v0  }
0x5b: {  	[hbm4b:s0+s11] =	stream.linear.scatter [tilespmem:s16], [sflag:$0x5], $0x4000, $0x38;
	[tilespmem:$0x12800] =	vst v63  }
0x5c: {  	_ =	swait.ge [sflag:s22], $0x4000  }
0x5d: {  	s0 =	sshll.u32 s28, $0x8;
	[sflag:s22] =	ssyncset.done $0x0  }
0x5e: {  	s31 =	sadd.s32 $0x100, s0;
	[sflag:s22] =	ssyncadd.s32 $0xFFFFC000  }
0x5f: {  	[tilespmem:s16], [sflag:$0x1] =	stream.indirect.gather [hbm4b:s2+s15], $0x80, s31, s15, $0xb8;
	[tilespmem:$0x12800] =	vst v63  }
0x60: {  	s0 =	sadd.s32 $0x1500, s0  }
0x61: {  	[tilespmem:s17], [sflag:$0x2] =	stream.indirect.gather [hbm4b:s3+s15], $0x80, s0, s15, $0xb8;
	[tilespmem:$0x12800] =	vst v63  }
0x62: {  	_ =	swait.ge [sflag:s23], $0x4000  }
0x63: {  	[sflag:s23] =	ssyncset.done $0x0  }
0x64: {  	[sflag:s23] =	ssyncadd.s32 $0xFFFFC000  }
0x65: {  	_ =	swait.ge [sflag:s24], $0x4000  }
0x66: {  	[sflag:s24] =	ssyncset.done $0x0  }
0x67: {  	s30 =	simm.s32 $0x0;
	[sflag:s24] =	ssyncadd.s32 $0xFFFFC000  }
0x68: {  	v5 =	vld [tilespmem:s30+$0xE800]  }
0x69: {  	v4 =	vld [tilespmem:s30+$0xE810]  }
0x6a: {  	v3 =	vld [tilespmem:s30+$0xE820]  }
0x6b: {  	v2 =	vld [tilespmem:s30+$0xE830]  }
0x6c: {  	v1 =	vld [tilespmem:s30+$0xE840]  }
0x6d: {  	v0 =	vld [tilespmem:s30+$0xE850]  }
0x6e: {  	v10 =	vld [tilespmem:s30+$0xA800]  }
0x6f: {  	v9 =	vld [tilespmem:s30+$0xA810]  }
0x70: {  	v8 =	vld [tilespmem:s30+$0xA820]  }
0x71: {  	v7 =	vld [tilespmem:s30+$0xA830]  }
0x72: {  	s0 =	simm.s32 $0x200;
	v6 =	vld [tilespmem:s30+$0xA840]  }
.LBB2_5:
0x73: {  	s11 =	sshra.s32 s0, $0x2;
	p1 =	sne.s32 s0, $0xFE00;
	v10 =	vadd.f32 v5, v10;
	v11 =	vld [tilespmem:s30+$0xA850]  }
0x74: {  	v5 =	vld [tilespmem:s11+$0xE800];
	v9 =	vadd.f32 v4, v9  }
0x75: {  	v4 =	vld [tilespmem:s11+$0xE810];
	[tilespmem:s30+$0xA800] =	vst v10;
	v8 =	vadd.f32 v3, v8  }
0x76: {  	v3 =	vld [tilespmem:s11+$0xE820];
	[tilespmem:s30+$0xA810] =	vst v9;
	v7 =	vadd.f32 v2, v7  }
0x77: {  	v2 =	vld [tilespmem:s11+$0xE830];
	[tilespmem:s30+$0xA820] =	vst v8;
	v6 =	vadd.f32 v1, v6  }
0x78: {  	v1 =	vld [tilespmem:s11+$0xE840];
	[tilespmem:s30+$0xA830] =	vst v7;
	v7 =	vadd.f32 v0, v11  }
0x79: {  	v0 =	vld [tilespmem:s11+$0xE850];
	[tilespmem:s30+$0xA840] =	vst v6  }
.Ltmp3:
0x7a: {  	v10 =	vld [tilespmem:s11+$0xA800];
	[tilespmem:s30+$0xA850] =	vst v7;
	s30 =	smov.u32 s11;
	(pc) =	sbr.rel @p1 .LBB2_5-.Ltmp3, $4  }
0x7b: {  	v9 =	vld [tilespmem:s30+$0xA810]  }
0x7c: {  	v8 =	vld [tilespmem:s30+$0xA820]  }
0x7d: {  	v7 =	vld [tilespmem:s30+$0xA830]  }
0x7e: {  	s0 =	sadd.s32 $0x200, s0;
	v6 =	vld [tilespmem:s30+$0xA840]  }
0x7f: {  	v5 =	vadd.f32 v5, v10;
	v63 =	vld [tilespmem:s30+$0xA850]  }
0x80: {  	v4 =	vadd.f32 v4, v9  }
0x81: {  	s28 =	sadd.s32 $0x1, s28;
	[tilespmem:s30+$0xA800] =	vst v5;
	v3 =	vadd.f32 v3, v8  }
0x82: {  	p1 =	sne.s32 s28, $0x13;
	[tilespmem:s30+$0xA810] =	vst v4;
	v2 =	vadd.f32 v2, v7  }
.Ltmp4:
0x83: {  	s0 =	sadd.s32 s4, s29;
	[tilespmem:s30+$0xA820] =	vst v3;
	v1 =	vadd.f32 v1, v6;
	(pc) =	sbr.rel @p1 .LBB2_2-.Ltmp4, $4  }
0x84: {  	s0 =	sshll.u32 s0, $0xB;
	[tilespmem:s30+$0xA830] =	vst v2;
	v0 =	vadd.f32 v0, v63  }
0x85: {  	s0 =	sand.u32 $0x1FFFF800, s0;
	[tilespmem:s30+$0xA840] =	vst v1  }
0x86: {  	s0 =	sadd.s32 s5, s0;
	[tilespmem:s30+$0xA850] =	vst v0  }
0x87: {  	[hbm4b:s0+s1] =	stream.linear.scatter [tilespmem:s18], [sflag:$0x6], $0x4000, $0x38;
	[tilespmem:$0x12800] =	vst v63  }
0x88: {  	_ =	swait.ge [sflag:s25], $0x4000  }
0x89: {  	s0 =	simm.s32 @!p0 $0x80;
	[sflag:s25] =	ssyncset.done $0x0  }
0x8a: {  	s11 =	simm.s32 @!p0 $0x1380;
	s28 =	simm.s32 @!p0 $0xA800;
	[sflag:s25] =	ssyncadd.s32 $0xFFFFC000  }
0x8b: {  	[tilespmem:s28], [sflag:$0x3] =	stream.indirect.gather @!p0 [hbm4b:s2+s0], $0x80, s11, s0, $0xb8;
	[tilespmem:$0x12800] =	vst v63  }
0x8c: {  	s11 =	simm.s32 @!p0 $0x2780;
	s28 =	simm.s32 @!p0 $0xE800  }
0x8d: {  	[tilespmem:s28], [sflag:$0x4] =	stream.indirect.gather @!p0 [hbm4b:s3+s0], $0x80, s11, s0, $0xb8;
	[tilespmem:$0x12800] =	vst v63  }
0x8e: {  	_ =	swait.ge [sflag:s20], $0x4000  }
0x8f: {  	[sflag:s20] =	ssyncset.done $0x0  }
0x90: {  	[sflag:s20] =	ssyncadd.s32 $0xFFFFC000  }
0x91: {  	_ =	swait.ge [sflag:s21], $0x4000  }
0x92: {  	[sflag:s21] =	ssyncset.done $0x0  }
0x93: {  	s28 =	simm.s32 $0x0;
	[sflag:s21] =	ssyncadd.s32 $0xFFFFC000  }
0x94: {  	v5 =	vld [tilespmem:s28+$0x6800]  }
0x95: {  	v4 =	vld [tilespmem:s28+$0x6810]  }
0x96: {  	v3 =	vld [tilespmem:s28+$0x6820]  }
0x97: {  	v2 =	vld [tilespmem:s28+$0x6830]  }
0x98: {  	v1 =	vld [tilespmem:s28+$0x6840]  }
0x99: {  	v0 =	vld [tilespmem:s28+$0x6850]  }
0x9a: {  	v10 =	vld [tilespmem:s28+$0x2800]  }
0x9b: {  	v9 =	vld [tilespmem:s28+$0x2810]  }
0x9c: {  	v8 =	vld [tilespmem:s28+$0x2820]  }
0x9d: {  	v7 =	vld [tilespmem:s28+$0x2830]  }
0x9e: {  	s0 =	simm.s32 $0x200;
	v6 =	vld [tilespmem:s28+$0x2840]  }
.LBB2_8:
0x9f: {  	s11 =	sshra.s32 s0, $0x2;
	p1 =	sne.s32 s0, $0xFE00;
	v10 =	vadd.f32 v5, v10;
	v11 =	vld [tilespmem:s28+$0x2850]  }
0xa0: {  	v5 =	vld [tilespmem:s11+$0x6800];
	v9 =	vadd.f32 v4, v9  }
0xa1: {  	v4 =	vld [tilespmem:s11+$0x6810];
	[tilespmem:s28+$0x2800] =	vst v10;
	v8 =	vadd.f32 v3, v8  }
0xa2: {  	v3 =	vld [tilespmem:s11+$0x6820];
	[tilespmem:s28+$0x2810] =	vst v9;
	v7 =	vadd.f32 v2, v7  }
0xa3: {  	v2 =	vld [tilespmem:s11+$0x6830];
	[tilespmem:s28+$0x2820] =	vst v8;
	v6 =	vadd.f32 v1, v6  }
0xa4: {  	v1 =	vld [tilespmem:s11+$0x6840];
	[tilespmem:s28+$0x2830] =	vst v7;
	v7 =	vadd.f32 v0, v11  }
0xa5: {  	v0 =	vld [tilespmem:s11+$0x6850];
	[tilespmem:s28+$0x2840] =	vst v6  }
.Ltmp5:
0xa6: {  	v10 =	vld [tilespmem:s11+$0x2800];
	[tilespmem:s28+$0x2850] =	vst v7;
	s28 =	smov.u32 s11;
	(pc) =	sbr.rel @p1 .LBB2_8-.Ltmp5, $4  }
0xa7: {  	v9 =	vld [tilespmem:s28+$0x2810]  }
0xa8: {  	v8 =	vld [tilespmem:s28+$0x2820]  }
0xa9: {  	v7 =	vld [tilespmem:s28+$0x2830]  }
0xaa: {  	s0 =	sadd.s32 $0x200, s0;
	v6 =	vld [tilespmem:s28+$0x2840]  }
0xab: {  	v5 =	vadd.f32 v5, v10;
	v63 =	vld [tilespmem:s28+$0x2850]  }
0xac: {  	v4 =	vadd.f32 v4, v9  }
0xad: {  	[tilespmem:s28+$0x2800] =	vst v5;
	v3 =	vadd.f32 v3, v8  }
0xae: {  	[tilespmem:s28+$0x2810] =	vst v4;
	v2 =	vadd.f32 v2, v7  }
.Ltmp6:
0xaf: {  	[tilespmem:s28+$0x2820] =	vst v3;
	v1 =	vadd.f32 v1, v6;
	(pc) =	sbr.rel @p0 .LBB2_13-.Ltmp6, $4  }
0xb0: {  	[tilespmem:s28+$0x2830] =	vst v2;
	v0 =	vadd.f32 v0, v63  }
0xb1: {  	[tilespmem:s28+$0x2840] =	vst v1  }
0xb2: {  	[tilespmem:s28+$0x2850] =	vst v0  }
0xb3: {  	[hbm4b:s10+s1] =	stream.linear.scatter [tilespmem:s16], [sflag:$0x5], $0x4000, $0x38;
	[tilespmem:$0x12800] =	vst v63  }
0xb4: {  	_ =	swait.ge [sflag:s23], $0x4000  }
0xb5: {  	[sflag:s23] =	ssyncset.done $0x0  }
0xb6: {  	[sflag:s23] =	ssyncadd.s32 $0xFFFFC000  }
0xb7: {  	_ =	swait.ge [sflag:s24], $0x4000  }
0xb8: {  	[sflag:s24] =	ssyncset.done $0x0  }
0xb9: {  	s28 =	simm.s32 $0x0;
	[sflag:s24] =	ssyncadd.s32 $0xFFFFC000  }
0xba: {  	v5 =	vld [tilespmem:s28+$0xE800]  }
0xbb: {  	v4 =	vld [tilespmem:s28+$0xE810]  }
0xbc: {  	v3 =	vld [tilespmem:s28+$0xE820]  }
0xbd: {  	v2 =	vld [tilespmem:s28+$0xE830]  }
0xbe: {  	v1 =	vld [tilespmem:s28+$0xE840]  }
0xbf: {  	v0 =	vld [tilespmem:s28+$0xE850]  }
0xc0: {  	v10 =	vld [tilespmem:s28+$0xA800]  }
0xc1: {  	v9 =	vld [tilespmem:s28+$0xA810]  }
0xc2: {  	v8 =	vld [tilespmem:s28+$0xA820]  }
0xc3: {  	v7 =	vld [tilespmem:s28+$0xA830]  }
0xc4: {  	s0 =	simm.s32 $0x200;
	v6 =	vld [tilespmem:s28+$0xA840]  }
.LBB2_11:
0xc5: {  	s11 =	sshra.s32 s0, $0x2;
	p1 =	sne.s32 s0, $0xFE00;
	v10 =	vadd.f32 v5, v10;
	v11 =	vld [tilespmem:s28+$0xA850]  }
0xc6: {  	v5 =	vld [tilespmem:s11+$0xE800];
	v9 =	vadd.f32 v4, v9  }
0xc7: {  	v4 =	vld [tilespmem:s11+$0xE810];
	[tilespmem:s28+$0xA800] =	vst v10;
	v8 =	vadd.f32 v3, v8  }
0xc8: {  	v3 =	vld [tilespmem:s11+$0xE820];
	[tilespmem:s28+$0xA810] =	vst v9;
	v7 =	vadd.f32 v2, v7  }
0xc9: {  	v2 =	vld [tilespmem:s11+$0xE830];
	[tilespmem:s28+$0xA820] =	vst v8;
	v6 =	vadd.f32 v1, v6  }
0xca: {  	v1 =	vld [tilespmem:s11+$0xE840];
	[tilespmem:s28+$0xA830] =	vst v7;
	v7 =	vadd.f32 v0, v11  }
0xcb: {  	v0 =	vld [tilespmem:s11+$0xE850];
	[tilespmem:s28+$0xA840] =	vst v6  }
.Ltmp7:
0xcc: {  	v10 =	vld [tilespmem:s11+$0xA800];
	[tilespmem:s28+$0xA850] =	vst v7;
	s28 =	smov.u32 s11;
	(pc) =	sbr.rel @p1 .LBB2_11-.Ltmp7, $4  }
0xcd: {  	v9 =	vld [tilespmem:s28+$0xA810]  }
0xce: {  	v8 =	vld [tilespmem:s28+$0xA820]  }
0xcf: {  	v7 =	vld [tilespmem:s28+$0xA830]  }
0xd0: {  	s0 =	sadd.s32 $0x200, s0;
	v6 =	vld [tilespmem:s28+$0xA840]  }
0xd1: {  	v5 =	vadd.f32 v5, v10;
	v63 =	vld [tilespmem:s28+$0xA850]  }
0xd2: {  	v4 =	vadd.f32 v4, v9  }
0xd3: {  	[tilespmem:s28+$0xA800] =	vst v5;
	v3 =	vadd.f32 v3, v8  }
0xd4: {  	[tilespmem:s28+$0xA810] =	vst v4;
	v2 =	vadd.f32 v2, v7  }
0xd5: {  	[tilespmem:s28+$0xA820] =	vst v3;
	v1 =	vadd.f32 v1, v6  }
0xd6: {  	[tilespmem:s28+$0xA830] =	vst v2;
	v0 =	vadd.f32 v0, v63  }
0xd7: {  	[tilespmem:s28+$0xA840] =	vst v1  }
.Ltmp8:
0xd8: {  	s0 =	rddreg [dreg:$0x3];
	[tilespmem:s28+$0xA850] =	vst v0;
	(pc) =	sbr.rel .LBB2_13-.Ltmp8, $4  }
0xd9: {  	[hbm4b:s0+s1] =	stream.linear.scatter [tilespmem:s18], [sflag:$0x7], $0x4000, $0x38;
	[tilespmem:$0x12800] =	vst v63  }
0xda: {  	_ =	swait.ge [sflag:s13], $0x4000  }
0xdb: {  	[sflag:s13] =	ssyncset.done $0x0  }
0xdc: {  	[sflag:s13] =	ssyncadd.s32 $0xFFFFC000  }
.LBB2_14:
0xdd: {  	_ =	sfence.sel $0x180000  }
0xde: {  	[bflag:$0x0] =	sbarrier.arrive $0xFFFF  }
0xdf: {  	_ =	strace $0x90000047  }
0xe0: {  	[bflag:$0x2] =	sbarrier.arrive $0xFFFF  }
0xe1: {  	s0 =	rddreg [dreg:$0x2]  }
0xe2: {  	s0 =	sadd.s32 @!p0 $0x100000, s0  }
0xe3: {  	[sflag:s0] =	ssyncadd.tile.s32 @!p0 $0x1;
	_ =	shalt  }
.Lfunc_end2:
_tile_overlayer_lowered:
.L_overlay_start_2:
0xe4: {  	(tag) =	ssettag $0x2  }
0xe5: {  	s0 =	rddreg [dreg:$0x0];
	s2 =	stileid.u32  }
0xe6: {  	s1 =	rddreg [dreg:$0x1];
	p0 =	sne.s32 s2, $0x0  }
0xe7: {  	s3 =	rddreg [dreg:$0x2];
	[bflag:$0x3] =	sbarrier.arrive $0xFFFF;
	s2 =	simm.s32 @!p0 $0x1C07  }
0xe8: {  	[timem:s3], [sflag:s2] =	dma.local @!p0 [hbm:s0], s1  }
0xe9: {  	s0 =	simm.s32 @!p0 $0x7  }
0xea: {  	_ =	swait.ge @!p0 [sflag:s0], s1  }
0xeb: {  	s1 =	ssub.s32 @!p0 $0x0, s1;
	[sflag:s0] =	ssyncset.done @!p0 $0x0  }
0xec: {  	[sflag:s0] =	ssyncadd.s32 @!p0 s1  }
0xed: {  	[bflag:$0x3] =	sbarrier.arrive $0xFFFF  }
0xee: {  	_ =	shalt  }

// kernel: kernel.15.cloned.1.call-start
scs
__scs_entry_jumppad:
0x0: {  	(pc) =	sbr.rel $0x88, $3  }
0x1: {  	(tag) =	ssettag $0x0;
	lr =	simm.s32 $0x1  }
0x2: {  	[smem:$0x3F92] =	sst lr;
	_ =	strace $0xD0000000  }
0x3: {  	_ = 	snop  }
0x4: {  	_ = 	snop  }
0x5: {  	_ = 	snop  }
0x6: {  	_ = 	snop  }
0x7: {  	_ = 	snop  }
__scs_overlays_trampoline_lowered:
0x8: {  	[smem:$0x3FA1] =	sst s0  }
0x9: {  	[smem:$0x3FA2] =	sst s1  }
0xa: {  	[smem:$0x3FA3] =	sst s2  }
0xb: {  	[smem:$0x3FA4] =	sst s3  }
0xc: {  	[smem:$0x3FA5] =	sst s4  }
0xd: {  	[smem:$0x3FA6] =	sst s5  }
0xe: {  	[smem:$0x3FA7] =	sst s6  }
0xf: {  	[smem:$0x3FA8] =	sst s7  }
0x10: {  	[smem:$0x3FA9] =	sst s8  }
0x11: {  	[smem:$0x3FAA] =	sst s9;
	s0 =	simm.s32 @!p0 $0x0  }
0x12: {  	s1 =	sld [smem:$0x3F90];
	s0 =	simm.s32 @p0 $0x1  }
0x13: {  	[smem:$0x3FAB] =	sst s0;
	s0 =	simm.s32 @!p1 $0x0  }
0x14: {  	s2 =	sld [smem:$0x3F8F];
	s0 =	simm.s32 @p1 $0x1  }
0x15: {  	[smem:$0x3FAC] =	sst s0;
	s0 =	simm.s32 @!p2 $0x0  }
0x16: {  	s3 =	sld [smem:$0x3FDB];
	s0 =	simm.s32 @p2 $0x1  }
0x17: {  	s4 =	simm.s32 $0x1BF5;
	[smem:$0x3FAE] =	sst s0  }
0x18: {  	s0 =	sld [smem:$0x3F91];
	_ =	swait.ge [sflag:s4], $0x0  }
0x19: {  	s7 =	sld [smem:$0x3F92]  }
0x1a: {  	s8 =	sadd.s32 $0xFFFFE003, lr  }
0x1b: {  	s9 =	sadd.s32 $0xFFFFFEF7, lr;
	s5 =	simm.s32 $0xFFFFFFFF;
	p2 =	slt.u32 s8, $0xFFFFF086  }
0x1c: {  	p1 =	slt.u32 s9, $0xF7A;
	s5 =	simm.s32 @!p2 $0x0  }
0x1d: {  	s5 =	simm.s32 @p1 $0x1;
	p0 =	seq.s32 s7, s2  }
0x1e: {  	s7 =	smul.u32 @!p0 $0xF7A, s2;
	p2 =	seq.s32 @!p0 s5, $0x0  }
0x1f: {  	s9 =	smul.u32 $0xF7A, s1;
	s8 =	simm.s32 @!p0 $0x1BF5;
	p2 =	por !p2, p0  }
0x20: {  	[sflag:s8] =	ssyncset.s32 @!p0 $0xFFFFF086;
	s6 =	sadd.s32 @!p0 s3, s7;
	s7 =	simm.s32 @!p0 $0x108  }
0x21: {  	s3 =	sadd.s32 s3, s9;
	s6 =	sadd.s32 @!p0 $0x88, s6;
	s7 =	simm.s32 @p2 $0x1082  }
0x22: {  	[simem:s7], [sflag:s8] =	dma.local @!p0 [hbm:s6], $0xF7A  }
0x23: {  	s9 =	sor.u32 $0xD0000000, s2;
	s6 =	simm.s32 $0x108;
	_ =	swait.ge @!p0 [sflag:s8], $0x0  }
0x24: {  	s3 =	sadd.s32 $0x88, s3;
	s6 =	simm.s32 @!p1 $0x1082;
	[sflag:s4] =	ssyncset.s32 $0xFFFFF086  }
0x25: {  	[simem:s6], [sflag:s4] =	dma.local [hbm:s3], $0xF7A  }
0x26: {  	[smem:$0x3F92] =	sst s1;
	(tag) =	ssettag s2;
	_ =	strace s9  }
0x27: {  	s1 =	sld [smem:$0x3FA2]  }
0x28: {  	s2 =	sld [smem:$0x3FA3]  }
0x29: {  	s4 =	sld [smem:$0x3FA5]  }
0x2a: {  	p0 =	seq.s32 s5, $0x0;
	s5 =	sld [smem:$0x3FA6]  }
0x2b: {  	s6 =	sld [smem:$0x3FA7]  }
0x2c: {  	s7 =	sld [smem:$0x3FA8]  }
0x2d: {  	s3 =	simm.s32 $0x108;
	s8 =	sld [smem:$0x3FA9]  }
0x2e: {  	s3 =	simm.s32 @!p0 $0x1082;
	s9 =	sld [smem:$0x3FAA]  }
0x2f: {  	lr =	sadd.s32 s0, s3;
	s0 =	sld [smem:$0x3FA1]  }
0x30: {  	s3 =	sld [smem:$0x3FA4]  }
0x31: {  	[smem:$0x3FAD] =	sst s10  }
0x32: {  	s10 =	sld [smem:$0x3FAB];
	_ =	sdelay $0x3  }
0x33: {  	p0 =	seq.s32 s10, $0x1;
	s10 =	sld [smem:$0x3FAD];
	_ =	sdelay $0x3  }
0x34: {  	[smem:$0x3FAD] =	sst s10  }
0x35: {  	s10 =	sld [smem:$0x3FAC];
	_ =	sdelay $0x3  }
0x36: {  	p1 =	seq.s32 s10, $0x1;
	s10 =	sld [smem:$0x3FAD];
	_ =	sdelay $0x3  }
0x37: {  	[smem:$0x3FAD] =	sst s10  }
0x38: {  	s10 =	sld [smem:$0x3FAE]  }
0x39: {  	_ = 	snop;
	(pc) =	sbr.ind lr, $3  }
0x3a: {  	_ = 	snop  }
0x3b: {  	_ = 	snop  }
0x3c: {  	p2 =	seq.s32 s10, $0x1;
	s10 =	sld [smem:$0x3FAD]  }
0x3d: {  	_ =	shalt  }
0x3e: {  	_ =	shalt  }
0x3f: {  	_ =	shalt  }
0x40: {  	_ =	shalt  }
0x41: {  	_ =	shalt  }
0x42: {  	_ =	shalt  }
0x43: {  	_ =	shalt  }
0x44: {  	_ =	shalt  }
0x45: {  	_ =	shalt  }
0x46: {  	_ =	shalt  }
0x47: {  	_ =	shalt  }
0x48: {  	_ =	shalt  }
0x49: {  	_ =	shalt  }
0x4a: {  	_ =	shalt  }
0x4b: {  	_ =	shalt  }
0x4c: {  	_ =	shalt  }
0x4d: {  	_ =	shalt  }
0x4e: {  	_ =	shalt  }
0x4f: {  	_ =	shalt  }
0x50: {  	_ =	shalt  }
0x51: {  	_ =	shalt  }
0x52: {  	_ =	shalt  }
0x53: {  	_ =	shalt  }
0x54: {  	_ =	shalt  }
0x55: {  	_ =	shalt  }
0x56: {  	_ =	shalt  }
0x57: {  	_ =	shalt  }
0x58: {  	_ =	shalt  }
0x59: {  	_ =	shalt  }
0x5a: {  	_ =	shalt  }
0x5b: {  	_ =	shalt  }
0x5c: {  	_ =	shalt  }
0x5d: {  	_ =	shalt  }
0x5e: {  	_ =	shalt  }
0x5f: {  	_ =	shalt  }
0x60: {  	_ =	shalt  }
0x61: {  	_ =	shalt  }
0x62: {  	_ =	shalt  }
0x63: {  	_ =	shalt  }
0x64: {  	_ =	shalt  }
0x65: {  	_ =	shalt  }
0x66: {  	_ =	shalt  }
0x67: {  	_ =	shalt  }
0x68: {  	_ =	shalt  }
0x69: {  	_ =	shalt  }
0x6a: {  	_ =	shalt  }
0x6b: {  	_ =	shalt  }
0x6c: {  	_ =	shalt  }
0x6d: {  	_ =	shalt  }
0x6e: {  	_ =	shalt  }
0x6f: {  	_ =	shalt  }
0x70: {  	_ =	shalt  }
0x71: {  	_ =	shalt  }
0x72: {  	_ =	shalt  }
0x73: {  	_ =	shalt  }
0x74: {  	_ =	shalt  }
0x75: {  	_ =	shalt  }
0x76: {  	_ =	shalt  }
0x77: {  	_ =	shalt  }
0x78: {  	_ =	shalt  }
0x79: {  	_ =	shalt  }
0x7a: {  	_ =	shalt  }
0x7b: {  	_ =	shalt  }
0x7c: {  	_ =	shalt  }
0x7d: {  	_ =	shalt  }
0x7e: {  	_ =	shalt  }
0x7f: {  	_ =	shalt  }
0x80: {  	_ =	shalt  }
0x81: {  	_ =	shalt  }
0x82: {  	_ =	shalt  }
0x83: {  	_ =	shalt  }
0x84: {  	_ =	shalt  }
0x85: {  	_ =	shalt  }
0x86: {  	_ =	shalt  }
0x87: {  	_ =	shalt  }
.Lfunc_end0:
.L_simem_size_0:
called_computation.1_lowered:
.L_overlay_start_0:
0x88: {  	s2 =	sld [smem:$0x3FD9]  }
0x89: {  	s3 =	sld [smem:$0x3FFE];
	_ =	sdelay $0x1  }
0x8a: {  	s1 =	srdreg.scid  }
0x8b: {  	s0 =	sand.u32 $0x1, s1  }
0x8c: {  	s17 =	sshll.u32 s0, $0xA;
	s2 =	sadd.s32 s3, s2  }
0x8d: {  	s2 =	sadd.s32 s2, s17  }
0x8e: {  	[smem:$0x3FB9] =	sst s2  }
0x8f: {  	_ = 	snop  }
0x90: {  	s2 =	sld [smem:$0x3FD0];
	(tm) =	ssettm $0x1  }
0x91: {  	s18 =	sld [smem:$0x3FFB];
	_ =	sdelay $0x3  }
0x92: {  	_ =	strace s18  }
0x93: {  	s3 =	sld [smem:$0x3FFC];
	_ =	sdelay $0x3  }
0x94: {  	_ =	strace s3  }
0x95: {  	s3 =	sld [smem:$0x3FFD];
	_ =	sdelay $0x3  }
0x96: {  	_ =	strace s3  }
0x97: {  	_ =	strace $0x8FFFFFFF  }
0x98: {  	s19 =	sld [smem:$0x3FDB];
	_ =	sdelay $0x1  }
0x99: {  	s4 =	simm.s32 $_scs_section_size  }
0x9a: {  	s5 =	simm.s32 $_size__tile_overlayer_lowered;
	s6 =	simm.s32 $_tile_overlayer_lowered  }
0x9b: {  	s22 =	simm.s32 $0x1BFF;
	s21 =	sshll.u32 s6, $0x1;
	s3 =	sadd.s32 s4, s19  }
0x9c: {  	s7 =	simm.s32 $0x0;
	s20 =	sshll.u32 s5, $0x1;
	s5 =	sadd.s32 s21, s3  }
0x9d: {  	[timem:s7], [sflag:s22] =	dma.local [hbm:s5], s20  }
0x9e: {  	_ =	swait.ge [sflag:s22], s20  }
0x9f: {  	s4 =	ssub.s32 $0x0, s20;
	[sflag:s22] =	ssyncset.done $0x0  }
0xa0: {  	[sflag:s22] =	ssyncadd.s32 s4;
	_ =	sdelay $0x1  }
0xa1: {  	s23 =	simm.s32 $0x1B8B  }
0xa2: {  	_ =	swait.ge [sflag:s23], $0x1  }
0xa3: {  	[sflag:s23] =	ssyncset.done $0x0  }
0xa4: {  	s25 =	simm.s32 $0x1B8E;
	s24 =	sld [smem:$0x3FFE];
	[sflag:s23] =	ssyncadd.s32 $0xFFFFFFFF  }
0xa5: {  	s26 =	simm.s32 $execute0_lowered;
	[smem:$0x3FD2] =	sst s25  }
0xa6: {  	s5 =	sshll.u32 s26, $0x1;
	_ =	strace $0x80000049;
	[dreg:$0x1] =	wrdreg $0xFFFFFFFF  }
0xa7: {  	s28 =	simm.s32 $_size_execute0_lowered;
	s3 =	sadd.s32 s3, s5;
	[dreg:$0x0] =	wrdreg $0x0  }
0xa8: {  	s5 =	sshll.u32 s28, $0x1;
	[dreg:$0x2] =	wrdreg s3  }
0xa9: {  	[dreg:$0x3] =	wrdreg s5  }
0xaa: {  	[dreg:$0x4] =	wrdreg $0xC0  }
0xab: {  	_ =	task [dreg:s7], $0x5FFFF  }
0xac: {  	[dreg:$0x1] =	wrdreg $0xFFFFFFFF  }
0xad: {  	[dreg:$0x0] =	wrdreg $0x60  }
0xae: {  	[dreg:$0x2] =	wrdreg s24  }
0xaf: {  	[dreg:$0x3] =	wrdreg s2  }
0xb0: {  	[dreg:$0x4] =	wrdreg $0x103800  }
0xb1: {  	[dreg:$0x5] =	wrdreg $0x9  }
0xb2: {  	_ =	task.clear_ibuf [dreg:s7], $0x6FFFF;
	_ =	strace $0x90000049  }
0xb3: {  	s29 =	simm.s32 $0x9;
	_ =	strace $0x8000004B  }
0xb4: {  	_ =	swait.ge [sflag:s29], $0x1  }
0xb5: {  	[sflag:s29] =	ssyncadd.s32 $0xFFFFFFFF  }
0xb6: {  	_ =	strace $0x9000004B  }
0xb7: {  	_ =	sfence  }
0xb8: {  	s30 =	sld [smem:$0x0];
	_ =	sdelay $0x2  }
0xb9: {  	s31 =	sshll.u32 s1, $0xD;
	s1 =	sshrl.u32 s1, $0x2  }
0xba: {  	s3 =	sand.u32 $0x4000, s31;
	s1 =	sadd.s32 s1, s30  }
0xbb: {  	s0 =	sor.u32 s3, s0;
	s1 =	sshll.u32 s1, $0x11  }
0xbc: {  	s0 =	sor.u32 s1, s0  }
0xbd: {  	s0 =	sadd.s32 $0x8F2B, s0  }
0xbe: {  	[sflag:s0] =	ssyncadd.remote.s32 $0x1  }
0xbf: {  	_ =	sfence.sel $0xFFFF  }
0xc0: {  	[dreg:$0x0] =	wrdreg $0xFFFFFFFF;
	(pc) =	sbr.abs _section_cstart, $3  }
0xc1: {  	[dreg:$0x1] =	wrdreg $0xFFFFFFFF  }
0xc2: {  	_ =	task.clear_ibuf [dreg:s7], $0x2FFFF;
	_ =	strace $0x9FFFFFFF  }
0xc3: {  	(tm) =	ssettm $0x7FFFFFFF  }
tec
execute0_lowered:
.L_overlay_start_1:
0x0: {  	(tag) =	ssettag $0x1  }
0x1: {  	s4 =	rddreg [dreg:$0x0]  }
0x2: {  	s5 =	rddreg [dreg:$0x1]  }
0x3: {  	s2 =	rddreg [dreg:$0x2]  }
0x4: {  	s3 =	simm.s32 $0x0;
	s6 =	srdreg.scid;
	s1 =	stileid.u32  }
0x5: {  	s16 =	simm.s32 $0x3;
	s17 =	simm.s32 $0xCF80;
	s18 =	simm.s32 $0x4F80  }
0x6: {  	s19 =	simm.s32 $0x8F80;
	s20 =	simm.s32 $0x1;
	s25 =	smul.u32 $0x2710, s1  }
0x7: {  	s22 =	simm.s32 $0x2;
	s23 =	simm.s32 $0x4D80;
	s11 =	smul.u32 $0x27000, s1  }
0x8: {  	[smem:$0x7FF] =	sst s3;
	s7 =	sand.u32 $0x1, s6;
	s14 =	smul.u32 $0x138, s1  }
0x9: {  	s10 =	sadd.s32 $0x2CC600, s4;
	s12 =	sadd.s32 $0xC800, s4;
	s28 =	smul.u32 $0x27100, s1  }
0xa: {  	s24 =	sadd.s32 $0x1388, s1;
	s29 =	smul.u32 $0x138800, s1;
	p0 =	sne.s32 s1, $0xF  }
0xb: {  	_ =	strace $0x8000004A;
	s8 =	ssub.s32 $0x2, s7;
	s21 =	smul.u32 $0x1388, s7  }
0xc: {  	s15 =	smul.u32 $0x9C400, s7;
	v1 =	vmov s24;
	s24 =	simm.s32 $0x4E00;
	s9 =	sshrl.u32 s8, $0x1  }
0xd: {  	s26 =	sshrl.u32 s11, $0x2;
	s6 =	sshrl.u32 s25, $0x3;
	s11 =	sshrl.u32 s29, $0x3  }
0xe: {  	s25 =	simm.s32 $0x4E80;
	s13 =	ssub.s32 s8, s9;
	s4 =	sadd.s32 s26, s2  }
0xf: {  	s5 =	sadd.s32 s5, s6;
	s8 =	sadd.s32 $0x9C000, s2;
	s9 =	sadd.s32 s10, s28  }
0x10: {  	s14 =	sadd.s32 s14, s21;
	s15 =	sshrl.u32 s15, $0x3;
	s10 =	sadd.s32 s10, s11  }
0x11: {  	v0 =	vmov s21;
	s21 =	simm.s32 $0x80;
	s26 =	simm.s32 $0x0;
	s6 =	sadd.s32 $0x3400, s4  }
0x12: {  	s7 =	sadd.s32 $0x6800, s4;
	s30 =	sshll.u32 s14, $0x4;
	s31 =	sadd.s32 s12, s15  }
0x13: {  	s10 =	sadd.s32 $0x27000, s10;
	s13 =	smax.u32 s13, $0x1;
	s14 =	sadd.s32 $0x26800, s9  }
0x14: {  	v2 =	vimm.s32 $0x1388;
	v3 =	vimm.f32 $0.0e+00;
	s15 =	sadd.s32 $0x1000, s9;
	s11 =	sadd.s32 s12, s30;
	s12 =	sadd.s32 $0x13800, s31  }
.LBB2_1:
0x15: {  	[tilespmem:s3], [sflag:$0x3] =	stream.linear.gather [hbm4b:s5+s3], $0x2710, $0x38;
	[tilespmem:$0x1A040] =	vst v63  }
0x16: {  	_ =	swait.ge [sflag:s16], $0x2710  }
0x17: {  	s31 =	simm.s32 $0x0;
	s29 =	simm.s32 $0x10;
	[sflag:s16] =	ssyncset.done $0x0  }
0x18: {  	s28 =	simm.s32 $0x0;
	s30 =	simm.s32 $0x0;
	[sflag:s16] =	ssyncadd.s32 $0xFFFFD8F0  }
.LBB2_2:
0x19: {  	p1 =	sne.s32 s29, $0x2700;
	v4 =	vld [tilespmem:s31+$0x0];
	_ =	sdelay $0x3  }
.Ltmp0:
0x1a: {  	(pc) =	sbr.rel @p1 .LBB2_2-.Ltmp0, $4  }
0x1b: {  	s31 =	sand.u32 $0xFE00, s28;
	v4 =	vsub.s32 v4, v0  }
0x1c: {  	s0 =	sand.u32 $0x70, s30;
	s30 =	smov.u32 s29;
	s31 =	sshrl.u32 s31, $0x2;
	vm0 =	vlt.u32 v4, $0x1388  }
0x1d: {  	s28 =	sadd.s32 $0x40, s28;
	s0 =	sor.u32 s0, s31;
	v4 =	vsel vm0, v4, v1  }
0x1e: {  	s29 =	sadd.s32 $0x10, s29;
	s31 =	sshra.s32 s28, $0x2;
	[tilespmem:s0+$0x2780] =	vst v4  }
0x1f: {  	v4 =	vld [tilespmem:s31+$0x0];
	_ =	sdelay $0x4  }
0x20: {  	s0 =	sand.u32 $0xFE00, s28;
	v4 =	vsub.s32 v4, v0  }
0x21: {  	s28 =	sand.u32 $0x70, s30;
	s0 =	sshrl.u32 s0, $0x2;
	vm0 =	vlt.u32 v4, $0x1388  }
0x22: {  	s0 =	sor.u32 s28, s0;
	v4 =	vsel vm0, v4, v1  }
0x23: {  	[tilespmem:s0+$0x2780] =	vst v4  }
0x24: {  	[tilespmem:$0x4E90] =	vst v2  }
0x25: {  	[tilespmem:$0x4EA0] =	vst v2  }
0x26: {  	[tilespmem:$0x4EB0] =	vst v2  }
0x27: {  	s28 =	simm.s32 $0x0;
	[tilespmem:$0x4EC0] =	vst v2  }
0x28: {  	s31 =	sand.u32 $0xFE00, s28;
	[tilespmem:$0x4ED0] =	vst v2  }
0x29: {  	s30 =	sand.u32 $0x70, s28;
	s0 =	sshrl.u32 s31, $0x2;
	[tilespmem:$0x4EE0] =	vst v2  }
0x2a: {  	s29 =	simm.s32 $0x40;
	[tilespmem:$0x4EF0] =	vst v2;
	s30 =	sor.u32 s30, s0  }
.LBB2_4:
0x2b: {  	p1 =	sne.s32 s29, $0xCFC0  }
0x2c: {  	[tilespmem:s30+$0xCF80] =	vst v3;
	s28 =	sadd.s32 $0x10, s28;
	s0 =	smov.u32 s29;
	s29 =	sadd.s32 $0x40, s29  }
.Ltmp1:
0x2d: {  	(pc) =	sbr.rel @p1 .LBB2_4-.Ltmp1, $4  }
0x2e: {  	_ = 	snop  }
0x2f: {  	s0 =	sand.u32 $0xFE00, s0  }
0x30: {  	s30 =	sand.u32 $0x70, s28;
	s0 =	sshrl.u32 s0, $0x2  }
0x31: {  	s30 =	sor.u32 s30, s0  }
0x32: {  	[tilespmem:s30+$0xCF80] =	vst v3  }
0x33: {  	[spmem:s4] =	stream.linear.scatter [tilespmem:s17], [sflag:$0x3], $0x3400, $0x38;
	[tilespmem:$0x1A040] =	vst v63  }
0x34: {  	_ =	swait.ge [sflag:s16], $0x3400  }
0x35: {  	[sflag:s16] =	ssyncset.done $0x0  }
0x36: {  	[sflag:s16] =	ssyncadd.s32 $0xFFFFCC00  }
0x37: {  	[spmem:s6] =	stream.linear.scatter [tilespmem:s17], [sflag:$0x3], $0x3400, $0x38;
	[tilespmem:$0x1A040] =	vst v63  }
0x38: {  	_ =	swait.ge [sflag:s16], $0x3400  }
0x39: {  	[sflag:s16] =	ssyncset.done $0x0  }
0x3a: {  	[sflag:s16] =	ssyncadd.s32 $0xFFFFCC00  }
0x3b: {  	[spmem:s7] =	stream.linear.scatter [tilespmem:s17], [sflag:$0x3], $0x3400, $0x38;
	[tilespmem:$0x1A040] =	vst v63  }
0x3c: {  	_ =	swait.ge [sflag:s16], $0x3400  }
0x3d: {  	[sflag:s16] =	ssyncset.done $0x0  }
0x3e: {  	s0 =	simm.s32 @!p0 $0xCF80;
	[sflag:s16] =	ssyncadd.s32 $0xFFFFCC00  }
0x3f: {  	[spmem:s8] =	stream.linear.scatter @!p0 [tilespmem:s0], [sflag:$0x3], $0xC00, $0x38;
	[tilespmem:$0x1A040] =	vst v63  }
0x40: {  	s0 =	simm.s32 @!p0 $0x3  }
0x41: {  	_ =	swait.ge @!p0 [sflag:s0], $0xC00  }
0x42: {  	[sflag:s0] =	ssyncset.done @!p0 $0x0  }
0x43: {  	[sflag:s0] =	ssyncadd.s32 @!p0 $0xFFFFF400  }
0x44: {  	s31 =	simm.s32 $0x0;
	[bflag:$0x0] =	sbarrier.arrive $0xFFFF  }
0x45: {  	[tilespmem:s18], [sflag:$0x1] =	stream.linear.gather [hbm4b:s9+s31], $0x4000, $0x38;
	[tilespmem:$0x1A040] =	vst v63  }
0x46: {  	s31 =	sadd.s32 $0xFFFFF800, s15  }
0x47: {  	[tilespmem:s19], [sflag:$0x2] =	stream.linear.gather [hbm4b:s31+s3], $0x4000, $0x38;
	[tilespmem:$0x1A040] =	vst v63  }
0x48: {  	_ =	swait.ge [sflag:s20], $0x4000  }
0x49: {  	[sflag:s20] =	ssyncset.done $0x0  }
0x4a: {  	s31 =	simm.s32 $0x2780;
	[sflag:s20] =	ssyncadd.s32 $0xFFFFC000  }
0x4b: {  	[spmem:s2] =	stream.indirect.scatter.add.f32 [tilespmem:s18], [sflag:$0x3], $0x80, s31, s21, $0xb8;
	[tilespmem:$0x1A040] =	vst v63  }
0x4c: {  	_ =	swait.ge [sflag:s16], $0x4000  }
0x4d: {  	[sflag:s16] =	ssyncset.done $0x0  }
0x4e: {  	[sflag:s16] =	ssyncadd.s32 $0xFFFFC000  }
0x4f: {  	[tilespmem:s18], [sflag:$0x1] =	stream.linear.gather [hbm4b:s15+s3], $0x4000, $0x38;
	[tilespmem:$0x1A040] =	vst v63  }
0x50: {  	_ =	swait.ge [sflag:s22], $0x4000  }
0x51: {  	[sflag:s22] =	ssyncset.done $0x0  }
0x52: {  	s31 =	simm.s32 $0x2800;
	[sflag:s22] =	ssyncadd.s32 $0xFFFFC000  }
0x53: {  	[spmem:s2] =	stream.indirect.scatter.add.f32 [tilespmem:s19], [sflag:$0x3], $0x80, s31, s21, $0xb8;
	[tilespmem:$0x1A040] =	vst v63  }
0x54: {  	s29 =	simm.s32 $0x400;
	_ =	swait.ge [sflag:s16], $0x4000  }
0x55: {  	s30 =	simm.s32 $0x800;
	s28 =	sadd.s32 $0x1000, s15;
	[sflag:s16] =	ssyncset.done $0x0  }
.LBB2_6:
0x56: {  	p1 =	sne.s32 s30, $0x9400;
	s0 =	sadd.s32 $0xFFFFF800, s28;
	[sflag:s16] =	ssyncadd.s32 $0xFFFFC000  }
0x57: {  	[tilespmem:s19], [sflag:$0x2] =	stream.linear.gather [hbm4b:s0+s3], $0x4000, $0x38;
	[tilespmem:$0x1A040] =	vst v63  }
0x58: {  	s0 =	smov.u32 s30;
	s30 =	sadd.s32 $0x400, s30;
	_ =	swait.ge [sflag:s20], $0x4000  }
0x59: {  	s31 =	sshra.s32 s29, $0x2;
	s29 =	smov.u32 s0;
	[sflag:s20] =	ssyncset.done $0x0  }
0x5a: {  	s0 =	sadd.s32 $0x2780, s31;
	[sflag:s20] =	ssyncadd.s32 $0xFFFFC000  }
0x5b: {  	[spmem:s2] =	stream.indirect.scatter.add.f32 [tilespmem:s18], [sflag:$0x3], $0x80, s0, s21, $0xb8;
	[tilespmem:$0x1A040] =	vst v63  }
0x5c: {  	_ =	swait.ge [sflag:s16], $0x4000  }
0x5d: {  	[sflag:s16] =	ssyncset.done $0x0  }
0x5e: {  	[sflag:s16] =	ssyncadd.s32 $0xFFFFC000  }
0x5f: {  	[tilespmem:s18], [sflag:$0x1] =	stream.linear.gather [hbm4b:s28+s3], $0x4000, $0x38;
	[tilespmem:$0x1A040] =	vst v63  }
0x60: {  	_ =	swait.ge [sflag:s22], $0x4000  }
.Ltmp2:
0x61: {  	[sflag:s22] =	ssyncset.done $0x0;
	(pc) =	sbr.rel @p1 .LBB2_6-.Ltmp2, $4  }
0x62: {  	s0 =	sadd.s32 $0x2800, s31;
	[sflag:s22] =	ssyncadd.s32 $0xFFFFC000  }
0x63: {  	[spmem:s2] =	stream.indirect.scatter.add.f32 [tilespmem:s19], [sflag:$0x3], $0x80, s0, s21, $0xb8;
	[tilespmem:$0x1A040] =	vst v63  }
0x64: {  	_ =	swait.ge [sflag:s16], $0x4000  }
0x65: {  	s28 =	sadd.s32 $0x1000, s28;
	[sflag:s16] =	ssyncset.done $0x0  }
0x66: {  	s0 =	sadd.s32 $0xFFFFF800, s28;
	[sflag:s16] =	ssyncadd.s32 $0xFFFFC000  }
0x67: {  	[tilespmem:s19], [sflag:$0x2] =	stream.linear.gather [hbm4b:s0+s3], $0x4000, $0x38;
	[tilespmem:$0x1A040] =	vst v63  }
0x68: {  	_ =	swait.ge [sflag:s20], $0x4000  }
0x69: {  	s31 =	sshra.s32 s29, $0x2;
	[sflag:s20] =	ssyncset.done $0x0  }
0x6a: {  	s29 =	sadd.s32 $0x2780, s31;
	[sflag:s20] =	ssyncadd.s32 $0xFFFFC000  }
0x6b: {  	[spmem:s2] =	stream.indirect.scatter.add.f32 [tilespmem:s18], [sflag:$0x3], $0x80, s29, s21, $0xb8;
	[tilespmem:$0x1A040] =	vst v63  }
0x6c: {  	_ =	swait.ge [sflag:s16], $0x4000  }
0x6d: {  	[sflag:s16] =	ssyncset.done $0x0  }
0x6e: {  	[sflag:s16] =	ssyncadd.s32 $0xFFFFC000  }
0x6f: {  	[tilespmem:s18], [sflag:$0x1] =	stream.linear.gather [hbm4b:s28+s3], $0x4000, $0x38;
	[tilespmem:$0x1A040] =	vst v63  }
0x70: {  	_ =	swait.ge [sflag:s22], $0x4000  }
0x71: {  	[sflag:s22] =	ssyncset.done $0x0  }
0x72: {  	s0 =	sadd.s32 $0x2800, s31;
	[sflag:s22] =	ssyncadd.s32 $0xFFFFC000  }
0x73: {  	[spmem:s2] =	stream.indirect.scatter.add.f32 [tilespmem:s19], [sflag:$0x3], $0x80, s0, s21, $0xb8;
	[tilespmem:$0x1A040] =	vst v63  }
0x74: {  	_ =	swait.ge [sflag:s16], $0x4000  }
0x75: {  	[sflag:s16] =	ssyncset.done $0x0  }
0x76: {  	[sflag:s16] =	ssyncadd.s32 $0xFFFFC000  }
0x77: {  	[tilespmem:s19], [sflag:$0x2] =	stream.linear.gather [hbm4b:s14+s3], $0x4000, $0x38;
	[tilespmem:$0x1A040] =	vst v63  }
0x78: {  	_ =	swait.ge [sflag:s20], $0x4000  }
0x79: {  	[sflag:s20] =	ssyncset.done $0x0  }
0x7a: {  	[sflag:s20] =	ssyncadd.s32 $0xFFFFC000  }
0x7b: {  	[spmem:s2] =	stream.indirect.scatter.add.f32 [tilespmem:s18], [sflag:$0x3], $0x80, s23, s21, $0xb8;
	[tilespmem:$0x1A040] =	vst v63  }
0x7c: {  	_ =	swait.ge [sflag:s16], $0x4000  }
0x7d: {  	[sflag:s16] =	ssyncset.done $0x0  }
0x7e: {  	[sflag:s16] =	ssyncadd.s32 $0xFFFFC000  }
0x7f: {  	_ =	swait.ge [sflag:s22], $0x4000  }
0x80: {  	[sflag:s22] =	ssyncset.done $0x0  }
0x81: {  	[sflag:s22] =	ssyncadd.s32 $0xFFFFC000  }
0x82: {  	[spmem:s2] =	stream.indirect.scatter.add.f32 [tilespmem:s19], [sflag:$0x3], $0x80, s24, s21, $0xb8;
	[tilespmem:$0x1A040] =	vst v63  }
0x83: {  	_ =	swait.ge [sflag:s16], $0x4000  }
0x84: {  	[sflag:s16] =	ssyncset.done $0x0  }
0x85: {  	[sflag:s16] =	ssyncadd.s32 $0xFFFFC000  }
0x86: {  	[tilespmem:s18], [sflag:$0x3] =	stream.linear.gather [hbm4b:s10+s3], $0x800, $0x38;
	[tilespmem:$0x1A040] =	vst v63  }
0x87: {  	_ =	swait.ge [sflag:s16], $0x800  }
0x88: {  	[sflag:s16] =	ssyncset.done $0x0  }
0x89: {  	[sflag:s16] =	ssyncadd.s32 $0xFFFFF800  }
0x8a: {  	[spmem:s2] =	stream.indirect.scatter.add.f32 [tilespmem:s18], [sflag:$0x3], $0x80, s25, s21, $0xb8;
	[tilespmem:$0x1A040] =	vst v63  }
0x8b: {  	_ =	swait.ge [sflag:s16], $0x4000  }
0x8c: {  	[sflag:s16] =	ssyncset.done $0x0  }
0x8d: {  	s30 =	sshll.u32 s1, $0x6;
	[sflag:s16] =	ssyncadd.s32 $0xFFFFC000  }
0x8e: {  	s31 =	sshrl.u32 s4, $0x3;
	s0 =	sor.u32 $0x1C03, s30;
	[bflag:$0x0] =	sbarrier.arrive $0xFFFF  }
0x8f: {  	[hbm:s11], [sflag:s0] =	dma.local [spmem:s31], $0x1380  }
0x90: {  	_ =	swait.ge [sflag:s16], $0x1380  }
0x91: {  	s26 =	sadd.s32 $0x1, s26;
	[sflag:s16] =	ssyncset.done $0x0  }
0x92: {  	p1 =	sne.s32 s26, s13;
	s28 =	sshrl.u32 @!p0 s8, $0x3;
	[sflag:s16] =	ssyncadd.s32 $0xFFFFEC80  }
0x93: {  	[hbm:s12], [sflag:s0] =	dma.local @!p0 [spmem:s28], $0x80  }
.Ltmp3:
0x94: {  	_ = 	snop;
	(pc) =	sbr.rel @p1 .LBB2_1-.Ltmp3, $4  }
0x95: {  	s0 =	simm.s32 @!p0 $0x3  }
0x96: {  	_ =	swait.ge @!p0 [sflag:s0], $0x80  }
0x97: {  	[sflag:s0] =	ssyncset.done @!p0 $0x0  }
0x98: {  	[sflag:s0] =	ssyncadd.s32 @!p0 $0xFFFFFF80  }
0x99: {  	_ =	sfence.sel $0x180000  }
0x9a: {  	[bflag:$0x0] =	sbarrier.arrive $0xFFFF  }
0x9b: {  	_ =	strace $0x9000004A  }
0x9c: {  	[bflag:$0x2] =	sbarrier.arrive $0xFFFF  }
0x9d: {  	p0 =	sne.s32 s1, $0x0;
	s0 =	rddreg [dreg:$0x3]  }
0x9e: {  	s0 =	sadd.s32 @!p0 $0x100000, s0  }
0x9f: {  	[sflag:s0] =	ssyncadd.tile.s32 @!p0 $0x1;
	_ =	shalt  }
.Lfunc_end2:
_tile_overlayer_lowered:
.L_overlay_start_2:
0xa0: {  	(tag) =	ssettag $0x2  }
0xa1: {  	s0 =	rddreg [dreg:$0x0];
	s2 =	stileid.u32  }
0xa2: {  	s1 =	rddreg [dreg:$0x1];
	p0 =	sne.s32 s2, $0x0  }
0xa3: {  	s3 =	rddreg [dreg:$0x2];
	[bflag:$0x3] =	sbarrier.arrive $0xFFFF;
	s2 =	simm.s32 @!p0 $0x1C03  }
0xa4: {  	[timem:s3], [sflag:s2] =	dma.local @!p0 [hbm:s0], s1  }
0xa5: {  	s0 =	simm.s32 @!p0 $0x3  }
0xa6: {  	_ =	swait.ge @!p0 [sflag:s0], s1  }
0xa7: {  	s1 =	ssub.s32 @!p0 $0x0, s1;
	[sflag:s0] =	ssyncset.done @!p0 $0x0  }
0xa8: {  	[sflag:s0] =	ssyncadd.s32 @!p0 s1  }
0xa9: {  	[bflag:$0x3] =	sbarrier.arrive $0xFFFF  }
0xaa: {  	_ =	shalt  }

// kernel: kernel.18.cloned.1.call-start
scs
__scs_entry_jumppad:
0x0: {  	(pc) =	sbr.rel $0x88, $3  }
0x1: {  	(tag) =	ssettag $0x0;
	lr =	simm.s32 $0x1  }
0x2: {  	[smem:$0x3F92] =	sst lr;
	_ =	strace $0xD0000000  }
0x3: {  	_ = 	snop  }
0x4: {  	_ = 	snop  }
0x5: {  	_ = 	snop  }
0x6: {  	_ = 	snop  }
0x7: {  	_ = 	snop  }
__scs_overlays_trampoline_lowered:
0x8: {  	[smem:$0x3FA1] =	sst s0  }
0x9: {  	[smem:$0x3FA2] =	sst s1  }
0xa: {  	[smem:$0x3FA3] =	sst s2  }
0xb: {  	[smem:$0x3FA4] =	sst s3  }
0xc: {  	[smem:$0x3FA5] =	sst s4  }
0xd: {  	[smem:$0x3FA6] =	sst s5  }
0xe: {  	[smem:$0x3FA7] =	sst s6  }
0xf: {  	[smem:$0x3FA8] =	sst s7  }
0x10: {  	[smem:$0x3FA9] =	sst s8  }
0x11: {  	[smem:$0x3FAA] =	sst s9;
	s0 =	simm.s32 @!p0 $0x0  }
0x12: {  	s1 =	sld [smem:$0x3F90];
	s0 =	simm.s32 @p0 $0x1  }
0x13: {  	[smem:$0x3FAB] =	sst s0;
	s0 =	simm.s32 @!p1 $0x0  }
0x14: {  	s2 =	sld [smem:$0x3F8F];
	s0 =	simm.s32 @p1 $0x1  }
0x15: {  	[smem:$0x3FAC] =	sst s0;
	s0 =	simm.s32 @!p2 $0x0  }
0x16: {  	s3 =	sld [smem:$0x3FDB];
	s0 =	simm.s32 @p2 $0x1  }
0x17: {  	s4 =	simm.s32 $0x1BF5;
	[smem:$0x3FAE] =	sst s0  }
0x18: {  	s0 =	sld [smem:$0x3F91];
	_ =	swait.ge [sflag:s4], $0x0  }
0x19: {  	s7 =	sld [smem:$0x3F92]  }
0x1a: {  	s8 =	sadd.s32 $0xFFFFE003, lr  }
0x1b: {  	s9 =	sadd.s32 $0xFFFFFEF7, lr;
	s5 =	simm.s32 $0xFFFFFFFF;
	p2 =	slt.u32 s8, $0xFFFFF086  }
0x1c: {  	p1 =	slt.u32 s9, $0xF7A;
	s5 =	simm.s32 @!p2 $0x0  }
0x1d: {  	s5 =	simm.s32 @p1 $0x1;
	p0 =	seq.s32 s7, s2  }
0x1e: {  	s7 =	smul.u32 @!p0 $0xF7A, s2;
	p2 =	seq.s32 @!p0 s5, $0x0  }
0x1f: {  	s9 =	smul.u32 $0xF7A, s1;
	s8 =	simm.s32 @!p0 $0x1BF5;
	p2 =	por !p2, p0  }
0x20: {  	[sflag:s8] =	ssyncset.s32 @!p0 $0xFFFFF086;
	s6 =	sadd.s32 @!p0 s3, s7;
	s7 =	simm.s32 @!p0 $0x108  }
0x21: {  	s3 =	sadd.s32 s3, s9;
	s6 =	sadd.s32 @!p0 $0x88, s6;
	s7 =	simm.s32 @p2 $0x1082  }
0x22: {  	[simem:s7], [sflag:s8] =	dma.local @!p0 [hbm:s6], $0xF7A  }
0x23: {  	s9 =	sor.u32 $0xD0000000, s2;
	s6 =	simm.s32 $0x108;
	_ =	swait.ge @!p0 [sflag:s8], $0x0  }
0x24: {  	s3 =	sadd.s32 $0x88, s3;
	s6 =	simm.s32 @!p1 $0x1082;
	[sflag:s4] =	ssyncset.s32 $0xFFFFF086  }
0x25: {  	[simem:s6], [sflag:s4] =	dma.local [hbm:s3], $0xF7A  }
0x26: {  	[smem:$0x3F92] =	sst s1;
	(tag) =	ssettag s2;
	_ =	strace s9  }
0x27: {  	s1 =	sld [smem:$0x3FA2]  }
0x28: {  	s2 =	sld [smem:$0x3FA3]  }
0x29: {  	s4 =	sld [smem:$0x3FA5]  }
0x2a: {  	p0 =	seq.s32 s5, $0x0;
	s5 =	sld [smem:$0x3FA6]  }
0x2b: {  	s6 =	sld [smem:$0x3FA7]  }
0x2c: {  	s7 =	sld [smem:$0x3FA8]  }
0x2d: {  	s3 =	simm.s32 $0x108;
	s8 =	sld [smem:$0x3FA9]  }
0x2e: {  	s3 =	simm.s32 @!p0 $0x1082;
	s9 =	sld [smem:$0x3FAA]  }
0x2f: {  	lr =	sadd.s32 s0, s3;
	s0 =	sld [smem:$0x3FA1]  }
0x30: {  	s3 =	sld [smem:$0x3FA4]  }
0x31: {  	[smem:$0x3FAD] =	sst s10  }
0x32: {  	s10 =	sld [smem:$0x3FAB];
	_ =	sdelay $0x3  }
0x33: {  	p0 =	seq.s32 s10, $0x1;
	s10 =	sld [smem:$0x3FAD];
	_ =	sdelay $0x3  }
0x34: {  	[smem:$0x3FAD] =	sst s10  }
0x35: {  	s10 =	sld [smem:$0x3FAC];
	_ =	sdelay $0x3  }
0x36: {  	p1 =	seq.s32 s10, $0x1;
	s10 =	sld [smem:$0x3FAD];
	_ =	sdelay $0x3  }
0x37: {  	[smem:$0x3FAD] =	sst s10  }
0x38: {  	s10 =	sld [smem:$0x3FAE]  }
0x39: {  	_ = 	snop;
	(pc) =	sbr.ind lr, $3  }
0x3a: {  	_ = 	snop  }
0x3b: {  	_ = 	snop  }
0x3c: {  	p2 =	seq.s32 s10, $0x1;
	s10 =	sld [smem:$0x3FAD]  }
0x3d: {  	_ =	shalt  }
0x3e: {  	_ =	shalt  }
0x3f: {  	_ =	shalt  }
0x40: {  	_ =	shalt  }
0x41: {  	_ =	shalt  }
0x42: {  	_ =	shalt  }
0x43: {  	_ =	shalt  }
0x44: {  	_ =	shalt  }
0x45: {  	_ =	shalt  }
0x46: {  	_ =	shalt  }
0x47: {  	_ =	shalt  }
0x48: {  	_ =	shalt  }
0x49: {  	_ =	shalt  }
0x4a: {  	_ =	shalt  }
0x4b: {  	_ =	shalt  }
0x4c: {  	_ =	shalt  }
0x4d: {  	_ =	shalt  }
0x4e: {  	_ =	shalt  }
0x4f: {  	_ =	shalt  }
0x50: {  	_ =	shalt  }
0x51: {  	_ =	shalt  }
0x52: {  	_ =	shalt  }
0x53: {  	_ =	shalt  }
0x54: {  	_ =	shalt  }
0x55: {  	_ =	shalt  }
0x56: {  	_ =	shalt  }
0x57: {  	_ =	shalt  }
0x58: {  	_ =	shalt  }
0x59: {  	_ =	shalt  }
0x5a: {  	_ =	shalt  }
0x5b: {  	_ =	shalt  }
0x5c: {  	_ =	shalt  }
0x5d: {  	_ =	shalt  }
0x5e: {  	_ =	shalt  }
0x5f: {  	_ =	shalt  }
0x60: {  	_ =	shalt  }
0x61: {  	_ =	shalt  }
0x62: {  	_ =	shalt  }
0x63: {  	_ =	shalt  }
0x64: {  	_ =	shalt  }
0x65: {  	_ =	shalt  }
0x66: {  	_ =	shalt  }
0x67: {  	_ =	shalt  }
0x68: {  	_ =	shalt  }
0x69: {  	_ =	shalt  }
0x6a: {  	_ =	shalt  }
0x6b: {  	_ =	shalt  }
0x6c: {  	_ =	shalt  }
0x6d: {  	_ =	shalt  }
0x6e: {  	_ =	shalt  }
0x6f: {  	_ =	shalt  }
0x70: {  	_ =	shalt  }
0x71: {  	_ =	shalt  }
0x72: {  	_ =	shalt  }
0x73: {  	_ =	shalt  }
0x74: {  	_ =	shalt  }
0x75: {  	_ =	shalt  }
0x76: {  	_ =	shalt  }
0x77: {  	_ =	shalt  }
0x78: {  	_ =	shalt  }
0x79: {  	_ =	shalt  }
0x7a: {  	_ =	shalt  }
0x7b: {  	_ =	shalt  }
0x7c: {  	_ =	shalt  }
0x7d: {  	_ =	shalt  }
0x7e: {  	_ =	shalt  }
0x7f: {  	_ =	shalt  }
0x80: {  	_ =	shalt  }
0x81: {  	_ =	shalt  }
0x82: {  	_ =	shalt  }
0x83: {  	_ =	shalt  }
0x84: {  	_ =	shalt  }
0x85: {  	_ =	shalt  }
0x86: {  	_ =	shalt  }
0x87: {  	_ =	shalt  }
.Lfunc_end0:
.L_simem_size_0:
called_computation.2_lowered:
.L_overlay_start_0:
0x88: {  	s2 =	sld [smem:$0x3FD9]  }
0x89: {  	s3 =	sld [smem:$0x3FFE];
	_ =	sdelay $0x1  }
0x8a: {  	s1 =	srdreg.scid  }
0x8b: {  	s0 =	sand.u32 $0x1, s1  }
0x8c: {  	s17 =	sshll.u32 s0, $0xA;
	s2 =	sadd.s32 s3, s2  }
0x8d: {  	s2 =	sadd.s32 s2, s17  }
0x8e: {  	[smem:$0x3FB9] =	sst s2  }
0x8f: {  	_ = 	snop  }
0x90: {  	s2 =	sld [smem:$0x3FD0];
	(tm) =	ssettm $0x1  }
0x91: {  	s18 =	sld [smem:$0x3FFB];
	_ =	sdelay $0x3  }
0x92: {  	_ =	strace s18  }
0x93: {  	s3 =	sld [smem:$0x3FFC];
	_ =	sdelay $0x3  }
0x94: {  	_ =	strace s3  }
0x95: {  	s3 =	sld [smem:$0x3FFD];
	_ =	sdelay $0x3  }
0x96: {  	_ =	strace s3  }
0x97: {  	_ =	strace $0x8FFFFFFF  }
0x98: {  	s19 =	sld [smem:$0x3FDB];
	_ =	sdelay $0x1  }
0x99: {  	s4 =	simm.s32 $_scs_section_size  }
0x9a: {  	s5 =	simm.s32 $_size__tile_overlayer_lowered;
	s6 =	simm.s32 $_tile_overlayer_lowered  }
0x9b: {  	s22 =	simm.s32 $0x1BFF;
	s21 =	sshll.u32 s6, $0x1;
	s3 =	sadd.s32 s4, s19  }
0x9c: {  	s7 =	simm.s32 $0x0;
	s20 =	sshll.u32 s5, $0x1;
	s5 =	sadd.s32 s21, s3  }
0x9d: {  	[timem:s7], [sflag:s22] =	dma.local [hbm:s5], s20  }
0x9e: {  	_ =	swait.ge [sflag:s22], s20  }
0x9f: {  	s4 =	ssub.s32 $0x0, s20;
	[sflag:s22] =	ssyncset.done $0x0  }
0xa0: {  	[sflag:s22] =	ssyncadd.s32 s4;
	_ =	sdelay $0x1  }
0xa1: {  	s23 =	simm.s32 $0x1B8B  }
0xa2: {  	_ =	swait.ge [sflag:s23], $0x1  }
0xa3: {  	[sflag:s23] =	ssyncset.done $0x0  }
0xa4: {  	s25 =	simm.s32 $0x1B8E;
	s24 =	sld [smem:$0x3FFE];
	[sflag:s23] =	ssyncadd.s32 $0xFFFFFFFF  }
0xa5: {  	s26 =	simm.s32 $execute0_lowered;
	[smem:$0x3FD2] =	sst s25  }
0xa6: {  	s5 =	sshll.u32 s26, $0x1;
	_ =	strace $0x8000004C;
	[dreg:$0x1] =	wrdreg $0xFFFFFFFF  }
0xa7: {  	s28 =	simm.s32 $_size_execute0_lowered;
	s3 =	sadd.s32 s3, s5;
	[dreg:$0x0] =	wrdreg $0x0  }
0xa8: {  	s5 =	sshll.u32 s28, $0x1;
	[dreg:$0x2] =	wrdreg s3  }
0xa9: {  	[dreg:$0x3] =	wrdreg s5  }
0xaa: {  	[dreg:$0x4] =	wrdreg $0xC0  }
0xab: {  	_ =	task [dreg:s7], $0x5FFFF  }
0xac: {  	[dreg:$0x1] =	wrdreg $0xFFFFFFFF  }
0xad: {  	[dreg:$0x0] =	wrdreg $0x60  }
0xae: {  	[dreg:$0x2] =	wrdreg s24  }
0xaf: {  	[dreg:$0x3] =	wrdreg s2  }
0xb0: {  	[dreg:$0x4] =	wrdreg $0x9  }
0xb1: {  	_ =	task.clear_ibuf [dreg:s7], $0x5FFFF;
	_ =	strace $0x9000004C  }
0xb2: {  	s29 =	simm.s32 $0x9;
	_ =	strace $0x8000004E  }
0xb3: {  	_ =	swait.ge [sflag:s29], $0x1  }
0xb4: {  	[sflag:s29] =	ssyncadd.s32 $0xFFFFFFFF  }
0xb5: {  	_ =	strace $0x9000004E  }
0xb6: {  	_ =	sfence  }
0xb7: {  	s30 =	sld [smem:$0x0];
	_ =	sdelay $0x2  }
0xb8: {  	s31 =	sshll.u32 s1, $0xD;
	s1 =	sshrl.u32 s1, $0x2  }
0xb9: {  	s3 =	sand.u32 $0x4000, s31;
	s1 =	sadd.s32 s1, s30  }
0xba: {  	s0 =	sor.u32 s3, s0;
	s1 =	sshll.u32 s1, $0x11  }
0xbb: {  	s0 =	sor.u32 s1, s0  }
0xbc: {  	s0 =	sadd.s32 $0x8F2B, s0  }
0xbd: {  	[sflag:s0] =	ssyncadd.remote.s32 $0x1  }
0xbe: {  	_ =	sfence.sel $0xFFFF  }
0xbf: {  	[dreg:$0x0] =	wrdreg $0xFFFFFFFF;
	(pc) =	sbr.abs _section_cstart, $3  }
0xc0: {  	[dreg:$0x1] =	wrdreg $0xFFFFFFFF  }
0xc1: {  	_ =	task.clear_ibuf [dreg:s7], $0x2FFFF;
	_ =	strace $0x9FFFFFFF  }
0xc2: {  	(tm) =	ssettm $0x7FFFFFFF  }
0xc3: {  	_ =	shalt  }
tec
execute0_lowered:
.L_overlay_start_1:
0x0: {  	(tag) =	ssettag $0x1  }
0x1: {  	s0 =	rddreg [dreg:$0x0]  }
0x2: {  	s9 =	rddreg [dreg:$0x1]  }
0x3: {  	s1 =	simm.s32 $0x0;
	s2 =	srdreg.scid;
	s13 =	stileid.u32  }
0x4: {  	s15 =	simm.s32 $0x80;
	s16 =	simm.s32 $0x2800;
	s17 =	simm.s32 $0x6800  }
0x5: {  	s18 =	simm.s32 $0xA800;
	s19 =	simm.s32 $0xE800;
	s20 =	simm.s32 $0x1  }
0x6: {  	s21 =	simm.s32 $0x2;
	s22 =	simm.s32 $0x5;
	s23 =	simm.s32 $0x3  }
0x7: {  	s24 =	simm.s32 $0x4;
	[smem:$0x7FF] =	sst s1;
	s10 =	sand.u32 $0x1, s2  }
0x8: {  	s4 =	sshll.u32 s13, $0x1;
	s2 =	sadd.s32 $0xC800, s0;
	s3 =	sadd.s32 $0x5EA00, s0  }
0x9: {  	s8 =	sadd.s32 $0x7800, s0;
	s5 =	sadd.s32 $0x2CC600, s0;
	p0 =	sne.s32 s13, $0x0  }
0xa: {  	s13 =	simm.s32 $0x7;
	_ =	strace $0x8000004D;
	s6 =	sor.u32 s10, s4  }
0xb: {  	s7 =	ssub.s32 $0x2, s10;
	s12 =	sshll.u32 s10, $0x4;
	s4 =	smul.u32 $0x27, s6  }
0xc: {  	s10 =	sshll.u32 s10, $0xB;
	s25 =	sshrl.u32 s7, $0x1;
	s11 =	smul.u32 $0x270, s6  }
0xd: {  	s14 =	smul.u32 $0x9C000, s6;
	s26 =	sor.u32 $0x4E00, s12;
	s30 =	sadd.s32 s10, s5  }
.Ltmp0:
0xe: {  	s0 =	ssub.s32 s7, s25;
	s31 =	sadd.s32 $0x270000, s30;
	(pc) =	sbr.rel .LBB2_1-.Ltmp0, $4  }
0xf: {  	s25 =	simm.s32 $0x6;
	s6 =	sadd.s32 s8, s11;
	s7 =	sadd.s32 s9, s11  }
0x10: {  	s8 =	sadd.s32 s8, s26;
	s28 =	sshrl.u32 s14, $0x3;
	s9 =	sadd.s32 s9, s26  }
0x11: {  	[dreg:$0x3] =	wrdreg s31;
	s12 =	smax.u32 s0, $0x1;
	s29 =	sadd.s32 s5, s28  }
0x12: {  	s14 =	simm.s32 $0x1400;
	s26 =	simm.s32 $0x0;
	s10 =	sadd.s32 $0x13000, s29  }
.LBB2_13:
0x13: {  	s26 =	sadd.s32 $0x1, s26  }
0x14: {  	p1 =	sne.s32 s26, s12  }
.Ltmp1:
0x15: {  	_ = 	snop;
	(pc) =	sbr.rel @!p1 .LBB2_14-.Ltmp1, $4  }
0x16: {  	_ = 	snop  }
0x17: {  	_ =	swait.ge [sflag:s22], $0x4000  }
0x18: {  	[sflag:s22] =	ssyncset.done $0x0  }
0x19: {  	[sflag:s22] =	ssyncadd.s32 $0xFFFFC000  }
.LBB2_1:
0x1a: {  	[tilespmem:s1], [sflag:$0x7] =	stream.linear.gather [hbm4b:s6+s1], $0x1380, $0x38;
	[tilespmem:$0x12800] =	vst v63  }
0x1b: {  	_ =	swait.ge [sflag:s13], $0x1380  }
0x1c: {  	[sflag:s13] =	ssyncset.done $0x0  }
0x1d: {  	[sflag:s13] =	ssyncadd.s32 $0xFFFFEC80  }
0x1e: {  	[tilespmem:s14], [sflag:$0x7] =	stream.linear.gather [hbm4b:s7+s1], $0x1380, $0x38;
	[tilespmem:$0x12800] =	vst v63  }
0x1f: {  	_ =	swait.ge [sflag:s13], $0x1380  }
0x20: {  	[sflag:s13] =	ssyncset.done $0x0  }
0x21: {  	s0 =	simm.s32 @!p0 $0x0;
	s28 =	simm.s32 @!p0 $0x1380;
	[sflag:s13] =	ssyncadd.s32 $0xFFFFEC80  }
0x22: {  	[tilespmem:s28], [sflag:$0x7] =	stream.linear.gather @!p0 [hbm4b:s8+s0], $0x80, $0x38;
	[tilespmem:$0x12800] =	vst v63  }
0x23: {  	s28 =	simm.s32 @!p0 $0x7  }
0x24: {  	_ =	swait.ge @!p0 [sflag:s28], $0x80  }
0x25: {  	[sflag:s28] =	ssyncset.done @!p0 $0x0  }
0x26: {  	s29 =	simm.s32 @!p0 $0x2780;
	[sflag:s28] =	ssyncadd.s32 @!p0 $0xFFFFFF80  }
0x27: {  	[tilespmem:s29], [sflag:$0x7] =	stream.linear.gather @!p0 [hbm4b:s9+s0], $0x80, $0x38;
	[tilespmem:$0x12800] =	vst v63  }
0x28: {  	_ =	swait.ge @!p0 [sflag:s28], $0x80  }
0x29: {  	[sflag:s28] =	ssyncset.done @!p0 $0x0  }
0x2a: {  	[sflag:s28] =	ssyncadd.s32 @!p0 $0xFFFFFF80  }
0x2b: {  	[tilespmem:s16], [sflag:$0x1] =	stream.indirect.gather [hbm4b:s2+s15], $0x80, s1, s15, $0xb8;
	[tilespmem:$0x12800] =	vst v63  }
0x2c: {  	s28 =	simm.s32 $0x0  }
0x2d: {  	[tilespmem:s17], [sflag:$0x2] =	stream.indirect.gather [hbm4b:s3+s15], $0x80, s14, s15, $0xb8;
	[tilespmem:$0x12800] =	vst v63  }
.LBB2_2:
0x2e: {  	p1 =	seq.s32 s28, $0x0  }
0x2f: {  	s0 =	simm.s32 @!p1 $0x6  }
0x30: {  	_ =	swait.ge @!p1 [sflag:s0], $0x4000  }
0x31: {  	s29 =	sshllo.u32 s28, $0x1;
	[sflag:s0] =	ssyncset.done @!p1 $0x0  }
0x32: {  	s11 =	sshll.u32 s29, $0x7;
	[sflag:s0] =	ssyncadd.s32 @!p1 $0xFFFFC000  }
0x33: {  	[tilespmem:s18], [sflag:$0x3] =	stream.indirect.gather [hbm4b:s2+s15], $0x80, s11, s15, $0xb8;
	[tilespmem:$0x12800] =	vst v63  }
0x34: {  	s0 =	sadd.s32 $0x1400, s11  }
0x35: {  	[tilespmem:s19], [sflag:$0x4] =	stream.indirect.gather [hbm4b:s3+s15], $0x80, s0, s15, $0xb8;
	[tilespmem:$0x12800] =	vst v63  }
0x36: {  	_ =	swait.ge [sflag:s20], $0x4000  }
0x37: {  	[sflag:s20] =	ssyncset.done $0x0  }
0x38: {  	[sflag:s20] =	ssyncadd.s32 $0xFFFFC000  }
0x39: {  	_ =	swait.ge [sflag:s21], $0x4000  }
0x3a: {  	[sflag:s21] =	ssyncset.done $0x0  }
0x3b: {  	s30 =	simm.s32 $0x0;
	[sflag:s21] =	ssyncadd.s32 $0xFFFFC000  }
0x3c: {  	v5 =	vld [tilespmem:s30+$0x6800]  }
0x3d: {  	v4 =	vld [tilespmem:s30+$0x6810]  }
0x3e: {  	v3 =	vld [tilespmem:s30+$0x6820]  }
0x3f: {  	v2 =	vld [tilespmem:s30+$0x6830]  }
0x40: {  	v1 =	vld [tilespmem:s30+$0x6840]  }
0x41: {  	v0 =	vld [tilespmem:s30+$0x6850]  }
0x42: {  	v10 =	vld [tilespmem:s30+$0x2800]  }
0x43: {  	v9 =	vld [tilespmem:s30+$0x2810]  }
0x44: {  	v8 =	vld [tilespmem:s30+$0x2820]  }
0x45: {  	v7 =	vld [tilespmem:s30+$0x2830]  }
0x46: {  	s31 =	sshll.u32 s28, $0x1;
	s0 =	simm.s32 $0x200;
	v6 =	vld [tilespmem:s30+$0x2840]  }
.LBB2_3:
0x47: {  	s11 =	sshra.s32 s0, $0x2;
	p1 =	sne.s32 s0, $0xFE00;
	v10 =	vadd.f32 v5, v10;
	v11 =	vld [tilespmem:s30+$0x2850]  }
0x48: {  	v5 =	vld [tilespmem:s11+$0x6800];
	v9 =	vadd.f32 v4, v9  }
0x49: {  	v4 =	vld [tilespmem:s11+$0x6810];
	[tilespmem:s30+$0x2800] =	vst v10;
	v8 =	vadd.f32 v3, v8  }
0x4a: {  	v3 =	vld [tilespmem:s11+$0x6820];
	[tilespmem:s30+$0x2810] =	vst v9;
	v7 =	vadd.f32 v2, v7  }
0x4b: {  	v2 =	vld [tilespmem:s11+$0x6830];
	[tilespmem:s30+$0x2820] =	vst v8;
	v6 =	vadd.f32 v1, v6  }
0x4c: {  	v1 =	vld [tilespmem:s11+$0x6840];
	[tilespmem:s30+$0x2830] =	vst v7;
	v7 =	vadd.f32 v0, v11  }
0x4d: {  	v0 =	vld [tilespmem:s11+$0x6850];
	[tilespmem:s30+$0x2840] =	vst v6  }
.Ltmp2:
0x4e: {  	v10 =	vld [tilespmem:s11+$0x2800];
	[tilespmem:s30+$0x2850] =	vst v7;
	s30 =	smov.u32 s11;
	(pc) =	sbr.rel @p1 .LBB2_3-.Ltmp2, $4  }
0x4f: {  	v9 =	vld [tilespmem:s30+$0x2810]  }
0x50: {  	v8 =	vld [tilespmem:s30+$0x2820]  }
0x51: {  	v7 =	vld [tilespmem:s30+$0x2830]  }
0x52: {  	s0 =	sadd.s32 $0x200, s0;
	v6 =	vld [tilespmem:s30+$0x2840]  }
0x53: {  	v5 =	vadd.f32 v5, v10;
	v10 =	vld [tilespmem:s30+$0x2850]  }
0x54: {  	v4 =	vadd.f32 v4, v9  }
0x55: {  	[tilespmem:s30+$0x2800] =	vst v5;
	v3 =	vadd.f32 v3, v8  }
0x56: {  	[tilespmem:s30+$0x2810] =	vst v4;
	v2 =	vadd.f32 v2, v7  }
0x57: {  	[tilespmem:s30+$0x2820] =	vst v3;
	v1 =	vadd.f32 v1, v6  }
0x58: {  	s0 =	sadd.s32 s4, s31;
	[tilespmem:s30+$0x2830] =	vst v2;
	v0 =	vadd.f32 v0, v10  }
0x59: {  	s0 =	sshll.u32 s0, $0xB;
	[tilespmem:s30+$0x2840] =	vst v1  }
0x5a: {  	s11 =	simm.s32 $0x0;
	s0 =	sadd.s32 s5, s0;
	[tilespmem:s30+$0x2850] =	vst v0  }
0x5b: {  	[hbm4b:s0+s11] =	stream.linear.scatter [tilespmem:s16], [sflag:$0x5], $0x4000, $0x38;
	[tilespmem:$0x12800] =	vst v63  }
0x5c: {  	_ =	swait.ge [sflag:s22], $0x4000  }
0x5d: {  	s0 =	sshll.u32 s28, $0x8;
	[sflag:s22] =	ssyncset.done $0x0  }
0x5e: {  	s31 =	sadd.s32 $0x100, s0;
	[sflag:s22] =	ssyncadd.s32 $0xFFFFC000  }
0x5f: {  	[tilespmem:s16], [sflag:$0x1] =	stream.indirect.gather [hbm4b:s2+s15], $0x80, s31, s15, $0xb8;
	[tilespmem:$0x12800] =	vst v63  }
0x60: {  	s0 =	sadd.s32 $0x1500, s0  }
0x61: {  	[tilespmem:s17], [sflag:$0x2] =	stream.indirect.gather [hbm4b:s3+s15], $0x80, s0, s15, $0xb8;
	[tilespmem:$0x12800] =	vst v63  }
0x62: {  	_ =	swait.ge [sflag:s23], $0x4000  }
0x63: {  	[sflag:s23] =	ssyncset.done $0x0  }
0x64: {  	[sflag:s23] =	ssyncadd.s32 $0xFFFFC000  }
0x65: {  	_ =	swait.ge [sflag:s24], $0x4000  }
0x66: {  	[sflag:s24] =	ssyncset.done $0x0  }
0x67: {  	s30 =	simm.s32 $0x0;
	[sflag:s24] =	ssyncadd.s32 $0xFFFFC000  }
0x68: {  	v5 =	vld [tilespmem:s30+$0xE800]  }
0x69: {  	v4 =	vld [tilespmem:s30+$0xE810]  }
0x6a: {  	v3 =	vld [tilespmem:s30+$0xE820]  }
0x6b: {  	v2 =	vld [tilespmem:s30+$0xE830]  }
0x6c: {  	v1 =	vld [tilespmem:s30+$0xE840]  }
0x6d: {  	v0 =	vld [tilespmem:s30+$0xE850]  }
0x6e: {  	v10 =	vld [tilespmem:s30+$0xA800]  }
0x6f: {  	v9 =	vld [tilespmem:s30+$0xA810]  }
0x70: {  	v8 =	vld [tilespmem:s30+$0xA820]  }
0x71: {  	v7 =	vld [tilespmem:s30+$0xA830]  }
0x72: {  	s0 =	simm.s32 $0x200;
	v6 =	vld [tilespmem:s30+$0xA840]  }
.LBB2_5:
0x73: {  	s11 =	sshra.s32 s0, $0x2;
	p1 =	sne.s32 s0, $0xFE00;
	v10 =	vadd.f32 v5, v10;
	v11 =	vld [tilespmem:s30+$0xA850]  }
0x74: {  	v5 =	vld [tilespmem:s11+$0xE800];
	v9 =	vadd.f32 v4, v9  }
0x75: {  	v4 =	vld [tilespmem:s11+$0xE810];
	[tilespmem:s30+$0xA800] =	vst v10;
	v8 =	vadd.f32 v3, v8  }
0x76: {  	v3 =	vld [tilespmem:s11+$0xE820];
	[tilespmem:s30+$0xA810] =	vst v9;
	v7 =	vadd.f32 v2, v7  }
0x77: {  	v2 =	vld [tilespmem:s11+$0xE830];
	[tilespmem:s30+$0xA820] =	vst v8;
	v6 =	vadd.f32 v1, v6  }
0x78: {  	v1 =	vld [tilespmem:s11+$0xE840];
	[tilespmem:s30+$0xA830] =	vst v7;
	v7 =	vadd.f32 v0, v11  }
0x79: {  	v0 =	vld [tilespmem:s11+$0xE850];
	[tilespmem:s30+$0xA840] =	vst v6  }
.Ltmp3:
0x7a: {  	v10 =	vld [tilespmem:s11+$0xA800];
	[tilespmem:s30+$0xA850] =	vst v7;
	s30 =	smov.u32 s11;
	(pc) =	sbr.rel @p1 .LBB2_5-.Ltmp3, $4  }
0x7b: {  	v9 =	vld [tilespmem:s30+$0xA810]  }
0x7c: {  	v8 =	vld [tilespmem:s30+$0xA820]  }
0x7d: {  	v7 =	vld [tilespmem:s30+$0xA830]  }
0x7e: {  	s0 =	sadd.s32 $0x200, s0;
	v6 =	vld [tilespmem:s30+$0xA840]  }
0x7f: {  	v5 =	vadd.f32 v5, v10;
	v63 =	vld [tilespmem:s30+$0xA850]  }
0x80: {  	v4 =	vadd.f32 v4, v9  }
0x81: {  	s28 =	sadd.s32 $0x1, s28;
	[tilespmem:s30+$0xA800] =	vst v5;
	v3 =	vadd.f32 v3, v8  }
0x82: {  	p1 =	sne.s32 s28, $0x13;
	[tilespmem:s30+$0xA810] =	vst v4;
	v2 =	vadd.f32 v2, v7  }
.Ltmp4:
0x83: {  	s0 =	sadd.s32 s4, s29;
	[tilespmem:s30+$0xA820] =	vst v3;
	v1 =	vadd.f32 v1, v6;
	(pc) =	sbr.rel @p1 .LBB2_2-.Ltmp4, $4  }
0x84: {  	s0 =	sshll.u32 s0, $0xB;
	[tilespmem:s30+$0xA830] =	vst v2;
	v0 =	vadd.f32 v0, v63  }
0x85: {  	s0 =	sand.u32 $0x1FFFF800, s0;
	[tilespmem:s30+$0xA840] =	vst v1  }
0x86: {  	s0 =	sadd.s32 s5, s0;
	[tilespmem:s30+$0xA850] =	vst v0  }
0x87: {  	[hbm4b:s0+s1] =	stream.linear.scatter [tilespmem:s18], [sflag:$0x6], $0x4000, $0x38;
	[tilespmem:$0x12800] =	vst v63  }
0x88: {  	_ =	swait.ge [sflag:s25], $0x4000  }
0x89: {  	s0 =	simm.s32 @!p0 $0x80;
	[sflag:s25] =	ssyncset.done $0x0  }
0x8a: {  	s11 =	simm.s32 @!p0 $0x1380;
	s28 =	simm.s32 @!p0 $0xA800;
	[sflag:s25] =	ssyncadd.s32 $0xFFFFC000  }
0x8b: {  	[tilespmem:s28], [sflag:$0x3] =	stream.indirect.gather @!p0 [hbm4b:s2+s0], $0x80, s11, s0, $0xb8;
	[tilespmem:$0x12800] =	vst v63  }
0x8c: {  	s11 =	simm.s32 @!p0 $0x2780;
	s28 =	simm.s32 @!p0 $0xE800  }
0x8d: {  	[tilespmem:s28], [sflag:$0x4] =	stream.indirect.gather @!p0 [hbm4b:s3+s0], $0x80, s11, s0, $0xb8;
	[tilespmem:$0x12800] =	vst v63  }
0x8e: {  	_ =	swait.ge [sflag:s20], $0x4000  }
0x8f: {  	[sflag:s20] =	ssyncset.done $0x0  }
0x90: {  	[sflag:s20] =	ssyncadd.s32 $0xFFFFC000  }
0x91: {  	_ =	swait.ge [sflag:s21], $0x4000  }
0x92: {  	[sflag:s21] =	ssyncset.done $0x0  }
0x93: {  	s28 =	simm.s32 $0x0;
	[sflag:s21] =	ssyncadd.s32 $0xFFFFC000  }
0x94: {  	v5 =	vld [tilespmem:s28+$0x6800]  }
0x95: {  	v4 =	vld [tilespmem:s28+$0x6810]  }
0x96: {  	v3 =	vld [tilespmem:s28+$0x6820]  }
0x97: {  	v2 =	vld [tilespmem:s28+$0x6830]  }
0x98: {  	v1 =	vld [tilespmem:s28+$0x6840]  }
0x99: {  	v0 =	vld [tilespmem:s28+$0x6850]  }
0x9a: {  	v10 =	vld [tilespmem:s28+$0x2800]  }
0x9b: {  	v9 =	vld [tilespmem:s28+$0x2810]  }
0x9c: {  	v8 =	vld [tilespmem:s28+$0x2820]  }
0x9d: {  	v7 =	vld [tilespmem:s28+$0x2830]  }
0x9e: {  	s0 =	simm.s32 $0x200;
	v6 =	vld [tilespmem:s28+$0x2840]  }
.LBB2_8:
0x9f: {  	s11 =	sshra.s32 s0, $0x2;
	p1 =	sne.s32 s0, $0xFE00;
	v10 =	vadd.f32 v5, v10;
	v11 =	vld [tilespmem:s28+$0x2850]  }
0xa0: {  	v5 =	vld [tilespmem:s11+$0x6800];
	v9 =	vadd.f32 v4, v9  }
0xa1: {  	v4 =	vld [tilespmem:s11+$0x6810];
	[tilespmem:s28+$0x2800] =	vst v10;
	v8 =	vadd.f32 v3, v8  }
0xa2: {  	v3 =	vld [tilespmem:s11+$0x6820];
	[tilespmem:s28+$0x2810] =	vst v9;
	v7 =	vadd.f32 v2, v7  }
0xa3: {  	v2 =	vld [tilespmem:s11+$0x6830];
	[tilespmem:s28+$0x2820] =	vst v8;
	v6 =	vadd.f32 v1, v6  }
0xa4: {  	v1 =	vld [tilespmem:s11+$0x6840];
	[tilespmem:s28+$0x2830] =	vst v7;
	v7 =	vadd.f32 v0, v11  }
0xa5: {  	v0 =	vld [tilespmem:s11+$0x6850];
	[tilespmem:s28+$0x2840] =	vst v6  }
.Ltmp5:
0xa6: {  	v10 =	vld [tilespmem:s11+$0x2800];
	[tilespmem:s28+$0x2850] =	vst v7;
	s28 =	smov.u32 s11;
	(pc) =	sbr.rel @p1 .LBB2_8-.Ltmp5, $4  }
0xa7: {  	v9 =	vld [tilespmem:s28+$0x2810]  }
0xa8: {  	v8 =	vld [tilespmem:s28+$0x2820]  }
0xa9: {  	v7 =	vld [tilespmem:s28+$0x2830]  }
0xaa: {  	s0 =	sadd.s32 $0x200, s0;
	v6 =	vld [tilespmem:s28+$0x2840]  }
0xab: {  	v5 =	vadd.f32 v5, v10;
	v63 =	vld [tilespmem:s28+$0x2850]  }
0xac: {  	v4 =	vadd.f32 v4, v9  }
0xad: {  	[tilespmem:s28+$0x2800] =	vst v5;
	v3 =	vadd.f32 v3, v8  }
0xae: {  	[tilespmem:s28+$0x2810] =	vst v4;
	v2 =	vadd.f32 v2, v7  }
.Ltmp6:
0xaf: {  	[tilespmem:s28+$0x2820] =	vst v3;
	v1 =	vadd.f32 v1, v6;
	(pc) =	sbr.rel @p0 .LBB2_13-.Ltmp6, $4  }
0xb0: {  	[tilespmem:s28+$0x2830] =	vst v2;
	v0 =	vadd.f32 v0, v63  }
0xb1: {  	[tilespmem:s28+$0x2840] =	vst v1  }
0xb2: {  	[tilespmem:s28+$0x2850] =	vst v0  }
0xb3: {  	[hbm4b:s10+s1] =	stream.linear.scatter [tilespmem:s16], [sflag:$0x5], $0x4000, $0x38;
	[tilespmem:$0x12800] =	vst v63  }
0xb4: {  	_ =	swait.ge [sflag:s23], $0x4000  }
0xb5: {  	[sflag:s23] =	ssyncset.done $0x0  }
0xb6: {  	[sflag:s23] =	ssyncadd.s32 $0xFFFFC000  }
0xb7: {  	_ =	swait.ge [sflag:s24], $0x4000  }
0xb8: {  	[sflag:s24] =	ssyncset.done $0x0  }
0xb9: {  	s28 =	simm.s32 $0x0;
	[sflag:s24] =	ssyncadd.s32 $0xFFFFC000  }
0xba: {  	v5 =	vld [tilespmem:s28+$0xE800]  }
0xbb: {  	v4 =	vld [tilespmem:s28+$0xE810]  }
0xbc: {  	v3 =	vld [tilespmem:s28+$0xE820]  }
0xbd: {  	v2 =	vld [tilespmem:s28+$0xE830]  }
0xbe: {  	v1 =	vld [tilespmem:s28+$0xE840]  }
0xbf: {  	v0 =	vld [tilespmem:s28+$0xE850]  }
0xc0: {  	v10 =	vld [tilespmem:s28+$0xA800]  }
0xc1: {  	v9 =	vld [tilespmem:s28+$0xA810]  }
0xc2: {  	v8 =	vld [tilespmem:s28+$0xA820]  }
0xc3: {  	v7 =	vld [tilespmem:s28+$0xA830]  }
0xc4: {  	s0 =	simm.s32 $0x200;
	v6 =	vld [tilespmem:s28+$0xA840]  }
.LBB2_11:
0xc5: {  	s11 =	sshra.s32 s0, $0x2;
	p1 =	sne.s32 s0, $0xFE00;
	v10 =	vadd.f32 v5, v10;
	v11 =	vld [tilespmem:s28+$0xA850]  }
0xc6: {  	v5 =	vld [tilespmem:s11+$0xE800];
	v9 =	vadd.f32 v4, v9  }
0xc7: {  	v4 =	vld [tilespmem:s11+$0xE810];
	[tilespmem:s28+$0xA800] =	vst v10;
	v8 =	vadd.f32 v3, v8  }
0xc8: {  	v3 =	vld [tilespmem:s11+$0xE820];
	[tilespmem:s28+$0xA810] =	vst v9;
	v7 =	vadd.f32 v2, v7  }
0xc9: {  	v2 =	vld [tilespmem:s11+$0xE830];
	[tilespmem:s28+$0xA820] =	vst v8;
	v6 =	vadd.f32 v1, v6  }
0xca: {  	v1 =	vld [tilespmem:s11+$0xE840];
	[tilespmem:s28+$0xA830] =	vst v7;
	v7 =	vadd.f32 v0, v11  }
0xcb: {  	v0 =	vld [tilespmem:s11+$0xE850];
	[tilespmem:s28+$0xA840] =	vst v6  }
.Ltmp7:
0xcc: {  	v10 =	vld [tilespmem:s11+$0xA800];
	[tilespmem:s28+$0xA850] =	vst v7;
	s28 =	smov.u32 s11;
	(pc) =	sbr.rel @p1 .LBB2_11-.Ltmp7, $4  }
0xcd: {  	v9 =	vld [tilespmem:s28+$0xA810]  }
0xce: {  	v8 =	vld [tilespmem:s28+$0xA820]  }
0xcf: {  	v7 =	vld [tilespmem:s28+$0xA830]  }
0xd0: {  	s0 =	sadd.s32 $0x200, s0;
	v6 =	vld [tilespmem:s28+$0xA840]  }
0xd1: {  	v5 =	vadd.f32 v5, v10;
	v63 =	vld [tilespmem:s28+$0xA850]  }
0xd2: {  	v4 =	vadd.f32 v4, v9  }
0xd3: {  	[tilespmem:s28+$0xA800] =	vst v5;
	v3 =	vadd.f32 v3, v8  }
0xd4: {  	[tilespmem:s28+$0xA810] =	vst v4;
	v2 =	vadd.f32 v2, v7  }
0xd5: {  	[tilespmem:s28+$0xA820] =	vst v3;
	v1 =	vadd.f32 v1, v6  }
0xd6: {  	[tilespmem:s28+$0xA830] =	vst v2;
	v0 =	vadd.f32 v0, v63  }
0xd7: {  	[tilespmem:s28+$0xA840] =	vst v1  }
.Ltmp8:
0xd8: {  	s0 =	rddreg [dreg:$0x3];
	[tilespmem:s28+$0xA850] =	vst v0;
	(pc) =	sbr.rel .LBB2_13-.Ltmp8, $4  }
0xd9: {  	[hbm4b:s0+s1] =	stream.linear.scatter [tilespmem:s18], [sflag:$0x7], $0x4000, $0x38;
	[tilespmem:$0x12800] =	vst v63  }
0xda: {  	_ =	swait.ge [sflag:s13], $0x4000  }
0xdb: {  	[sflag:s13] =	ssyncset.done $0x0  }
0xdc: {  	[sflag:s13] =	ssyncadd.s32 $0xFFFFC000  }
.LBB2_14:
0xdd: {  	_ =	sfence.sel $0x180000  }
0xde: {  	[bflag:$0x0] =	sbarrier.arrive $0xFFFF  }
0xdf: {  	_ =	strace $0x9000004D  }
0xe0: {  	[bflag:$0x2] =	sbarrier.arrive $0xFFFF  }
0xe1: {  	s0 =	rddreg [dreg:$0x2]  }
0xe2: {  	s0 =	sadd.s32 @!p0 $0x100000, s0  }
0xe3: {  	[sflag:s0] =	ssyncadd.tile.s32 @!p0 $0x1;
	_ =	shalt  }
.Lfunc_end2:
_tile_overlayer_lowered:
.L_overlay_start_2:
0xe4: {  	(tag) =	ssettag $0x2  }
0xe5: {  	s0 =	rddreg [dreg:$0x0];
	s2 =	stileid.u32  }
0xe6: {  	s1 =	rddreg [dreg:$0x1];
	p0 =	sne.s32 s2, $0x0  }
0xe7: {  	s3 =	rddreg [dreg:$0x2];
	[bflag:$0x3] =	sbarrier.arrive $0xFFFF;
	s2 =	simm.s32 @!p0 $0x1C07  }
0xe8: {  	[timem:s3], [sflag:s2] =	dma.local @!p0 [hbm:s0], s1  }
0xe9: {  	s0 =	simm.s32 @!p0 $0x7  }
0xea: {  	_ =	swait.ge @!p0 [sflag:s0], s1  }
0xeb: {  	s1 =	ssub.s32 @!p0 $0x0, s1;
	[sflag:s0] =	ssyncset.done @!p0 $0x0  }
0xec: {  	[sflag:s0] =	ssyncadd.s32 @!p0 s1  }
0xed: {  	[bflag:$0x3] =	sbarrier.arrive $0xFFFF  }
0xee: {  	_ =	shalt  }

// kernel: kernel.21.cloned.1.call-start
scs
__scs_entry_jumppad:
0x0: {  	(pc) =	sbr.rel $0x88, $3  }
0x1: {  	(tag) =	ssettag $0x0;
	lr =	simm.s32 $0x1  }
0x2: {  	[smem:$0x3F92] =	sst lr;
	_ =	strace $0xD0000000  }
0x3: {  	_ = 	snop  }
0x4: {  	_ = 	snop  }
0x5: {  	_ = 	snop  }
0x6: {  	_ = 	snop  }
0x7: {  	_ = 	snop  }
__scs_overlays_trampoline_lowered:
0x8: {  	[smem:$0x3FA1] =	sst s0  }
0x9: {  	[smem:$0x3FA2] =	sst s1  }
0xa: {  	[smem:$0x3FA3] =	sst s2  }
0xb: {  	[smem:$0x3FA4] =	sst s3  }
0xc: {  	[smem:$0x3FA5] =	sst s4  }
0xd: {  	[smem:$0x3FA6] =	sst s5  }
0xe: {  	[smem:$0x3FA7] =	sst s6  }
0xf: {  	[smem:$0x3FA8] =	sst s7  }
0x10: {  	[smem:$0x3FA9] =	sst s8  }
0x11: {  	[smem:$0x3FAA] =	sst s9;
	s0 =	simm.s32 @!p0 $0x0  }
0x12: {  	s1 =	sld [smem:$0x3F90];
	s0 =	simm.s32 @p0 $0x1  }
0x13: {  	[smem:$0x3FAB] =	sst s0;
	s0 =	simm.s32 @!p1 $0x0  }
0x14: {  	s2 =	sld [smem:$0x3F8F];
	s0 =	simm.s32 @p1 $0x1  }
0x15: {  	[smem:$0x3FAC] =	sst s0;
	s0 =	simm.s32 @!p2 $0x0  }
0x16: {  	s3 =	sld [smem:$0x3FDB];
	s0 =	simm.s32 @p2 $0x1  }
0x17: {  	s4 =	simm.s32 $0x1BF5;
	[smem:$0x3FAE] =	sst s0  }
0x18: {  	s0 =	sld [smem:$0x3F91];
	_ =	swait.ge [sflag:s4], $0x0  }
0x19: {  	s7 =	sld [smem:$0x3F92]  }
0x1a: {  	s8 =	sadd.s32 $0xFFFFE003, lr  }
0x1b: {  	s9 =	sadd.s32 $0xFFFFFEF7, lr;
	s5 =	simm.s32 $0xFFFFFFFF;
	p2 =	slt.u32 s8, $0xFFFFF086  }
0x1c: {  	p1 =	slt.u32 s9, $0xF7A;
	s5 =	simm.s32 @!p2 $0x0  }
0x1d: {  	s5 =	simm.s32 @p1 $0x1;
	p0 =	seq.s32 s7, s2  }
0x1e: {  	s7 =	smul.u32 @!p0 $0xF7A, s2;
	p2 =	seq.s32 @!p0 s5, $0x0  }
0x1f: {  	s9 =	smul.u32 $0xF7A, s1;
	s8 =	simm.s32 @!p0 $0x1BF5;
	p2 =	por !p2, p0  }
0x20: {  	[sflag:s8] =	ssyncset.s32 @!p0 $0xFFFFF086;
	s6 =	sadd.s32 @!p0 s3, s7;
	s7 =	simm.s32 @!p0 $0x108  }
0x21: {  	s3 =	sadd.s32 s3, s9;
	s6 =	sadd.s32 @!p0 $0x88, s6;
	s7 =	simm.s32 @p2 $0x1082  }
0x22: {  	[simem:s7], [sflag:s8] =	dma.local @!p0 [hbm:s6], $0xF7A  }
0x23: {  	s9 =	sor.u32 $0xD0000000, s2;
	s6 =	simm.s32 $0x108;
	_ =	swait.ge @!p0 [sflag:s8], $0x0  }
0x24: {  	s3 =	sadd.s32 $0x88, s3;
	s6 =	simm.s32 @!p1 $0x1082;
	[sflag:s4] =	ssyncset.s32 $0xFFFFF086  }
0x25: {  	[simem:s6], [sflag:s4] =	dma.local [hbm:s3], $0xF7A  }
0x26: {  	[smem:$0x3F92] =	sst s1;
	(tag) =	ssettag s2;
	_ =	strace s9  }
0x27: {  	s1 =	sld [smem:$0x3FA2]  }
0x28: {  	s2 =	sld [smem:$0x3FA3]  }
0x29: {  	s4 =	sld [smem:$0x3FA5]  }
0x2a: {  	p0 =	seq.s32 s5, $0x0;
	s5 =	sld [smem:$0x3FA6]  }
0x2b: {  	s6 =	sld [smem:$0x3FA7]  }
0x2c: {  	s7 =	sld [smem:$0x3FA8]  }
0x2d: {  	s3 =	simm.s32 $0x108;
	s8 =	sld [smem:$0x3FA9]  }
0x2e: {  	s3 =	simm.s32 @!p0 $0x1082;
	s9 =	sld [smem:$0x3FAA]  }
0x2f: {  	lr =	sadd.s32 s0, s3;
	s0 =	sld [smem:$0x3FA1]  }
0x30: {  	s3 =	sld [smem:$0x3FA4]  }
0x31: {  	[smem:$0x3FAD] =	sst s10  }
0x32: {  	s10 =	sld [smem:$0x3FAB];
	_ =	sdelay $0x3  }
0x33: {  	p0 =	seq.s32 s10, $0x1;
	s10 =	sld [smem:$0x3FAD];
	_ =	sdelay $0x3  }
0x34: {  	[smem:$0x3FAD] =	sst s10  }
0x35: {  	s10 =	sld [smem:$0x3FAC];
	_ =	sdelay $0x3  }
0x36: {  	p1 =	seq.s32 s10, $0x1;
	s10 =	sld [smem:$0x3FAD];
	_ =	sdelay $0x3  }
0x37: {  	[smem:$0x3FAD] =	sst s10  }
0x38: {  	s10 =	sld [smem:$0x3FAE]  }
0x39: {  	_ = 	snop;
	(pc) =	sbr.ind lr, $3  }
0x3a: {  	_ = 	snop  }
0x3b: {  	_ = 	snop  }
0x3c: {  	p2 =	seq.s32 s10, $0x1;
	s10 =	sld [smem:$0x3FAD]  }
0x3d: {  	_ =	shalt  }
0x3e: {  	_ =	shalt  }
0x3f: {  	_ =	shalt  }
0x40: {  	_ =	shalt  }
0x41: {  	_ =	shalt  }
0x42: {  	_ =	shalt  }
0x43: {  	_ =	shalt  }
0x44: {  	_ =	shalt  }
0x45: {  	_ =	shalt  }
0x46: {  	_ =	shalt  }
0x47: {  	_ =	shalt  }
0x48: {  	_ =	shalt  }
0x49: {  	_ =	shalt  }
0x4a: {  	_ =	shalt  }
0x4b: {  	_ =	shalt  }
0x4c: {  	_ =	shalt  }
0x4d: {  	_ =	shalt  }
0x4e: {  	_ =	shalt  }
0x4f: {  	_ =	shalt  }
0x50: {  	_ =	shalt  }
0x51: {  	_ =	shalt  }
0x52: {  	_ =	shalt  }
0x53: {  	_ =	shalt  }
0x54: {  	_ =	shalt  }
0x55: {  	_ =	shalt  }
0x56: {  	_ =	shalt  }
0x57: {  	_ =	shalt  }
0x58: {  	_ =	shalt  }
0x59: {  	_ =	shalt  }
0x5a: {  	_ =	shalt  }
0x5b: {  	_ =	shalt  }
0x5c: {  	_ =	shalt  }
0x5d: {  	_ =	shalt  }
0x5e: {  	_ =	shalt  }
0x5f: {  	_ =	shalt  }
0x60: {  	_ =	shalt  }
0x61: {  	_ =	shalt  }
0x62: {  	_ =	shalt  }
0x63: {  	_ =	shalt  }
0x64: {  	_ =	shalt  }
0x65: {  	_ =	shalt  }
0x66: {  	_ =	shalt  }
0x67: {  	_ =	shalt  }
0x68: {  	_ =	shalt  }
0x69: {  	_ =	shalt  }
0x6a: {  	_ =	shalt  }
0x6b: {  	_ =	shalt  }
0x6c: {  	_ =	shalt  }
0x6d: {  	_ =	shalt  }
0x6e: {  	_ =	shalt  }
0x6f: {  	_ =	shalt  }
0x70: {  	_ =	shalt  }
0x71: {  	_ =	shalt  }
0x72: {  	_ =	shalt  }
0x73: {  	_ =	shalt  }
0x74: {  	_ =	shalt  }
0x75: {  	_ =	shalt  }
0x76: {  	_ =	shalt  }
0x77: {  	_ =	shalt  }
0x78: {  	_ =	shalt  }
0x79: {  	_ =	shalt  }
0x7a: {  	_ =	shalt  }
0x7b: {  	_ =	shalt  }
0x7c: {  	_ =	shalt  }
0x7d: {  	_ =	shalt  }
0x7e: {  	_ =	shalt  }
0x7f: {  	_ =	shalt  }
0x80: {  	_ =	shalt  }
0x81: {  	_ =	shalt  }
0x82: {  	_ =	shalt  }
0x83: {  	_ =	shalt  }
0x84: {  	_ =	shalt  }
0x85: {  	_ =	shalt  }
0x86: {  	_ =	shalt  }
0x87: {  	_ =	shalt  }
.Lfunc_end0:
.L_simem_size_0:
called_computation.3_lowered:
.L_overlay_start_0:
0x88: {  	s2 =	sld [smem:$0x3FD9]  }
0x89: {  	s3 =	sld [smem:$0x3FFE];
	_ =	sdelay $0x1  }
0x8a: {  	s1 =	srdreg.scid  }
0x8b: {  	s0 =	sand.u32 $0x1, s1  }
0x8c: {  	s17 =	sshll.u32 s0, $0xA;
	s2 =	sadd.s32 s3, s2  }
0x8d: {  	s2 =	sadd.s32 s2, s17  }
0x8e: {  	[smem:$0x3FB9] =	sst s2  }
0x8f: {  	_ = 	snop  }
0x90: {  	s2 =	sld [smem:$0x3FD0];
	(tm) =	ssettm $0x1  }
0x91: {  	s18 =	sld [smem:$0x3FFB];
	_ =	sdelay $0x3  }
0x92: {  	_ =	strace s18  }
0x93: {  	s3 =	sld [smem:$0x3FFC];
	_ =	sdelay $0x3  }
0x94: {  	_ =	strace s3  }
0x95: {  	s3 =	sld [smem:$0x3FFD];
	_ =	sdelay $0x3  }
0x96: {  	_ =	strace s3  }
0x97: {  	_ =	strace $0x8FFFFFFF  }
0x98: {  	s19 =	sld [smem:$0x3FDB];
	_ =	sdelay $0x1  }
0x99: {  	s4 =	simm.s32 $_scs_section_size  }
0x9a: {  	s5 =	simm.s32 $_size__tile_overlayer_lowered;
	s6 =	simm.s32 $_tile_overlayer_lowered  }
0x9b: {  	s22 =	simm.s32 $0x1BFF;
	s21 =	sshll.u32 s6, $0x1;
	s3 =	sadd.s32 s4, s19  }
0x9c: {  	s7 =	simm.s32 $0x0;
	s20 =	sshll.u32 s5, $0x1;
	s5 =	sadd.s32 s21, s3  }
0x9d: {  	[timem:s7], [sflag:s22] =	dma.local [hbm:s5], s20  }
0x9e: {  	_ =	swait.ge [sflag:s22], s20  }
0x9f: {  	s4 =	ssub.s32 $0x0, s20;
	[sflag:s22] =	ssyncset.done $0x0  }
0xa0: {  	[sflag:s22] =	ssyncadd.s32 s4;
	_ =	sdelay $0x1  }
0xa1: {  	s23 =	simm.s32 $0x1B8B  }
0xa2: {  	_ =	swait.ge [sflag:s23], $0x1  }
0xa3: {  	[sflag:s23] =	ssyncset.done $0x0  }
0xa4: {  	s25 =	simm.s32 $0x1B8E;
	s24 =	sld [smem:$0x3FFE];
	[sflag:s23] =	ssyncadd.s32 $0xFFFFFFFF  }
0xa5: {  	s26 =	simm.s32 $execute0_lowered;
	[smem:$0x3FD2] =	sst s25  }
0xa6: {  	s5 =	sshll.u32 s26, $0x1;
	_ =	strace $0x8000004F;
	[dreg:$0x1] =	wrdreg $0xFFFFFFFF  }
0xa7: {  	s28 =	simm.s32 $_size_execute0_lowered;
	s3 =	sadd.s32 s3, s5;
	[dreg:$0x0] =	wrdreg $0x0  }
0xa8: {  	s5 =	sshll.u32 s28, $0x1;
	[dreg:$0x2] =	wrdreg s3  }
0xa9: {  	[dreg:$0x3] =	wrdreg s5  }
0xaa: {  	[dreg:$0x4] =	wrdreg $0xC0  }
0xab: {  	_ =	task [dreg:s7], $0x5FFFF  }
0xac: {  	[dreg:$0x1] =	wrdreg $0xFFFFFFFF  }
0xad: {  	[dreg:$0x0] =	wrdreg $0x60  }
0xae: {  	[dreg:$0x2] =	wrdreg s24  }
0xaf: {  	[dreg:$0x3] =	wrdreg s2  }
0xb0: {  	[dreg:$0x4] =	wrdreg $0x103800  }
0xb1: {  	[dreg:$0x5] =	wrdreg $0x9  }
0xb2: {  	_ =	task.clear_ibuf [dreg:s7], $0x6FFFF;
	_ =	strace $0x9000004F  }
0xb3: {  	s29 =	simm.s32 $0x9;
	_ =	strace $0x80000051  }
0xb4: {  	_ =	swait.ge [sflag:s29], $0x1  }
0xb5: {  	[sflag:s29] =	ssyncadd.s32 $0xFFFFFFFF  }
0xb6: {  	_ =	strace $0x90000051  }
0xb7: {  	_ =	sfence  }
0xb8: {  	s30 =	sld [smem:$0x0];
	_ =	sdelay $0x2  }
0xb9: {  	s31 =	sshll.u32 s1, $0xD;
	s1 =	sshrl.u32 s1, $0x2  }
0xba: {  	s3 =	sand.u32 $0x4000, s31;
	s1 =	sadd.s32 s1, s30  }
0xbb: {  	s0 =	sor.u32 s3, s0;
	s1 =	sshll.u32 s1, $0x11  }
0xbc: {  	s0 =	sor.u32 s1, s0  }
0xbd: {  	s0 =	sadd.s32 $0x8F2B, s0  }
0xbe: {  	[sflag:s0] =	ssyncadd.remote.s32 $0x1  }
0xbf: {  	_ =	sfence.sel $0xFFFF  }
0xc0: {  	[dreg:$0x0] =	wrdreg $0xFFFFFFFF;
	(pc) =	sbr.abs _section_cstart, $3  }
0xc1: {  	[dreg:$0x1] =	wrdreg $0xFFFFFFFF  }
0xc2: {  	_ =	task.clear_ibuf [dreg:s7], $0x2FFFF;
	_ =	strace $0x9FFFFFFF  }
0xc3: {  	(tm) =	ssettm $0x7FFFFFFF  }
tec
execute0_lowered:
.L_overlay_start_1:
0x0: {  	(tag) =	ssettag $0x1  }
0x1: {  	s4 =	rddreg [dreg:$0x0]  }
0x2: {  	s5 =	rddreg [dreg:$0x1]  }
0x3: {  	s2 =	rddreg [dreg:$0x2]  }
0x4: {  	s3 =	simm.s32 $0x0;
	s6 =	srdreg.scid;
	s1 =	stileid.u32  }
0x5: {  	s16 =	simm.s32 $0x3;
	s17 =	simm.s32 $0xCF80;
	s18 =	simm.s32 $0x4F80  }
0x6: {  	s19 =	simm.s32 $0x8F80;
	s20 =	simm.s32 $0x1;
	s25 =	smul.u32 $0x2710, s1  }
0x7: {  	s22 =	simm.s32 $0x2;
	s23 =	simm.s32 $0x4D80;
	s11 =	smul.u32 $0x27000, s1  }
0x8: {  	[smem:$0x7FF] =	sst s3;
	s7 =	sand.u32 $0x1, s6;
	s14 =	smul.u32 $0x138, s1  }
0x9: {  	s10 =	sadd.s32 $0x53D600, s4;
	s12 =	sadd.s32 $0x5EA00, s4;
	s28 =	smul.u32 $0x27100, s1  }
0xa: {  	s24 =	sadd.s32 $0x1388, s1;
	s29 =	smul.u32 $0x138800, s1;
	p0 =	sne.s32 s1, $0xF  }
0xb: {  	_ =	strace $0x80000050;
	s8 =	ssub.s32 $0x2, s7;
	s21 =	smul.u32 $0x1388, s7  }
0xc: {  	s15 =	smul.u32 $0x9C400, s7;
	v1 =	vmov s24;
	s24 =	simm.s32 $0x4E00;
	s9 =	sshrl.u32 s8, $0x1  }
0xd: {  	s26 =	sshrl.u32 s11, $0x2;
	s6 =	sshrl.u32 s25, $0x3;
	s11 =	sshrl.u32 s29, $0x3  }
0xe: {  	s25 =	simm.s32 $0x4E80;
	s13 =	ssub.s32 s8, s9;
	s4 =	sadd.s32 s26, s2  }
0xf: {  	s5 =	sadd.s32 s5, s6;
	s8 =	sadd.s32 $0x9C000, s2;
	s9 =	sadd.s32 s10, s28  }
0x10: {  	s14 =	sadd.s32 s14, s21;
	s15 =	sshrl.u32 s15, $0x3;
	s10 =	sadd.s32 s10, s11  }
0x11: {  	v0 =	vmov s21;
	s21 =	simm.s32 $0x80;
	s26 =	simm.s32 $0x0;
	s6 =	sadd.s32 $0x3400, s4  }
0x12: {  	s7 =	sadd.s32 $0x6800, s4;
	s30 =	sshll.u32 s14, $0x4;
	s31 =	sadd.s32 s12, s15  }
0x13: {  	s10 =	sadd.s32 $0x27000, s10;
	s13 =	smax.u32 s13, $0x1;
	s14 =	sadd.s32 $0x26800, s9  }
0x14: {  	v2 =	vimm.s32 $0x1388;
	v3 =	vimm.f32 $0.0e+00;
	s15 =	sadd.s32 $0x1000, s9;
	s11 =	sadd.s32 s12, s30;
	s12 =	sadd.s32 $0x13800, s31  }
.LBB2_1:
0x15: {  	[tilespmem:s3], [sflag:$0x3] =	stream.linear.gather [hbm4b:s5+s3], $0x2710, $0x38;
	[tilespmem:$0x1A040] =	vst v63  }
0x16: {  	_ =	swait.ge [sflag:s16], $0x2710  }
0x17: {  	s31 =	simm.s32 $0x0;
	s29 =	simm.s32 $0x10;
	[sflag:s16] =	ssyncset.done $0x0  }
0x18: {  	s28 =	simm.s32 $0x0;
	s30 =	simm.s32 $0x0;
	[sflag:s16] =	ssyncadd.s32 $0xFFFFD8F0  }
.LBB2_2:
0x19: {  	p1 =	sne.s32 s29, $0x2700;
	v4 =	vld [tilespmem:s31+$0x0];
	_ =	sdelay $0x3  }
.Ltmp0:
0x1a: {  	(pc) =	sbr.rel @p1 .LBB2_2-.Ltmp0, $4  }
0x1b: {  	s31 =	sand.u32 $0xFE00, s28;
	v4 =	vsub.s32 v4, v0  }
0x1c: {  	s0 =	sand.u32 $0x70, s30;
	s30 =	smov.u32 s29;
	s31 =	sshrl.u32 s31, $0x2;
	vm0 =	vlt.u32 v4, $0x1388  }
0x1d: {  	s28 =	sadd.s32 $0x40, s28;
	s0 =	sor.u32 s0, s31;
	v4 =	vsel vm0, v4, v1  }
0x1e: {  	s29 =	sadd.s32 $0x10, s29;
	s31 =	sshra.s32 s28, $0x2;
	[tilespmem:s0+$0x2780] =	vst v4  }
0x1f: {  	v4 =	vld [tilespmem:s31+$0x0];
	_ =	sdelay $0x4  }
0x20: {  	s0 =	sand.u32 $0xFE00, s28;
	v4 =	vsub.s32 v4, v0  }
0x21: {  	s28 =	sand.u32 $0x70, s30;
	s0 =	sshrl.u32 s0, $0x2;
	vm0 =	vlt.u32 v4, $0x1388  }
0x22: {  	s0 =	sor.u32 s28, s0;
	v4 =	vsel vm0, v4, v1  }
0x23: {  	[tilespmem:s0+$0x2780] =	vst v4  }
0x24: {  	[tilespmem:$0x4E90] =	vst v2  }
0x25: {  	[tilespmem:$0x4EA0] =	vst v2  }
0x26: {  	[tilespmem:$0x4EB0] =	vst v2  }
0x27: {  	s28 =	simm.s32 $0x0;
	[tilespmem:$0x4EC0] =	vst v2  }
0x28: {  	s31 =	sand.u32 $0xFE00, s28;
	[tilespmem:$0x4ED0] =	vst v2  }
0x29: {  	s30 =	sand.u32 $0x70, s28;
	s0 =	sshrl.u32 s31, $0x2;
	[tilespmem:$0x4EE0] =	vst v2  }
0x2a: {  	s29 =	simm.s32 $0x40;
	[tilespmem:$0x4EF0] =	vst v2;
	s30 =	sor.u32 s30, s0  }
.LBB2_4:
0x2b: {  	p1 =	sne.s32 s29, $0xCFC0  }
0x2c: {  	[tilespmem:s30+$0xCF80] =	vst v3;
	s28 =	sadd.s32 $0x10, s28;
	s0 =	smov.u32 s29;
	s29 =	sadd.s32 $0x40, s29  }
.Ltmp1:
0x2d: {  	(pc) =	sbr.rel @p1 .LBB2_4-.Ltmp1, $4  }
0x2e: {  	_ = 	snop  }
0x2f: {  	s0 =	sand.u32 $0xFE00, s0  }
0x30: {  	s30 =	sand.u32 $0x70, s28;
	s0 =	sshrl.u32 s0, $0x2  }
0x31: {  	s30 =	sor.u32 s30, s0  }
0x32: {  	[tilespmem:s30+$0xCF80] =	vst v3  }
0x33: {  	[spmem:s4] =	stream.linear.scatter [tilespmem:s17], [sflag:$0x3], $0x3400, $0x38;
	[tilespmem:$0x1A040] =	vst v63  }
0x34: {  	_ =	swait.ge [sflag:s16], $0x3400  }
0x35: {  	[sflag:s16] =	ssyncset.done $0x0  }
0x36: {  	[sflag:s16] =	ssyncadd.s32 $0xFFFFCC00  }
0x37: {  	[spmem:s6] =	stream.linear.scatter [tilespmem:s17], [sflag:$0x3], $0x3400, $0x38;
	[tilespmem:$0x1A040] =	vst v63  }
0x38: {  	_ =	swait.ge [sflag:s16], $0x3400  }
0x39: {  	[sflag:s16] =	ssyncset.done $0x0  }
0x3a: {  	[sflag:s16] =	ssyncadd.s32 $0xFFFFCC00  }
0x3b: {  	[spmem:s7] =	stream.linear.scatter [tilespmem:s17], [sflag:$0x3], $0x3400, $0x38;
	[tilespmem:$0x1A040] =	vst v63  }
0x3c: {  	_ =	swait.ge [sflag:s16], $0x3400  }
0x3d: {  	[sflag:s16] =	ssyncset.done $0x0  }
0x3e: {  	s0 =	simm.s32 @!p0 $0xCF80;
	[sflag:s16] =	ssyncadd.s32 $0xFFFFCC00  }
0x3f: {  	[spmem:s8] =	stream.linear.scatter @!p0 [tilespmem:s0], [sflag:$0x3], $0xC00, $0x38;
	[tilespmem:$0x1A040] =	vst v63  }
0x40: {  	s0 =	simm.s32 @!p0 $0x3  }
0x41: {  	_ =	swait.ge @!p0 [sflag:s0], $0xC00  }
0x42: {  	[sflag:s0] =	ssyncset.done @!p0 $0x0  }
0x43: {  	[sflag:s0] =	ssyncadd.s32 @!p0 $0xFFFFF400  }
0x44: {  	s31 =	simm.s32 $0x0;
	[bflag:$0x0] =	sbarrier.arrive $0xFFFF  }
0x45: {  	[tilespmem:s18], [sflag:$0x1] =	stream.linear.gather [hbm4b:s9+s31], $0x4000, $0x38;
	[tilespmem:$0x1A040] =	vst v63  }
0x46: {  	s31 =	sadd.s32 $0xFFFFF800, s15  }
0x47: {  	[tilespmem:s19], [sflag:$0x2] =	stream.linear.gather [hbm4b:s31+s3], $0x4000, $0x38;
	[tilespmem:$0x1A040] =	vst v63  }
0x48: {  	_ =	swait.ge [sflag:s20], $0x4000  }
0x49: {  	[sflag:s20] =	ssyncset.done $0x0  }
0x4a: {  	s31 =	simm.s32 $0x2780;
	[sflag:s20] =	ssyncadd.s32 $0xFFFFC000  }
0x4b: {  	[spmem:s2] =	stream.indirect.scatter.add.f32 [tilespmem:s18], [sflag:$0x3], $0x80, s31, s21, $0xb8;
	[tilespmem:$0x1A040] =	vst v63  }
0x4c: {  	_ =	swait.ge [sflag:s16], $0x4000  }
0x4d: {  	[sflag:s16] =	ssyncset.done $0x0  }
0x4e: {  	[sflag:s16] =	ssyncadd.s32 $0xFFFFC000  }
0x4f: {  	[tilespmem:s18], [sflag:$0x1] =	stream.linear.gather [hbm4b:s15+s3], $0x4000, $0x38;
	[tilespmem:$0x1A040] =	vst v63  }
0x50: {  	_ =	swait.ge [sflag:s22], $0x4000  }
0x51: {  	[sflag:s22] =	ssyncset.done $0x0  }
0x52: {  	s31 =	simm.s32 $0x2800;
	[sflag:s22] =	ssyncadd.s32 $0xFFFFC000  }
0x53: {  	[spmem:s2] =	stream.indirect.scatter.add.f32 [tilespmem:s19], [sflag:$0x3], $0x80, s31, s21, $0xb8;
	[tilespmem:$0x1A040] =	vst v63  }
0x54: {  	s29 =	simm.s32 $0x400;
	_ =	swait.ge [sflag:s16], $0x4000  }
0x55: {  	s30 =	simm.s32 $0x800;
	s28 =	sadd.s32 $0x1000, s15;
	[sflag:s16] =	ssyncset.done $0x0  }
.LBB2_6:
0x56: {  	p1 =	sne.s32 s30, $0x9400;
	s0 =	sadd.s32 $0xFFFFF800, s28;
	[sflag:s16] =	ssyncadd.s32 $0xFFFFC000  }
0x57: {  	[tilespmem:s19], [sflag:$0x2] =	stream.linear.gather [hbm4b:s0+s3], $0x4000, $0x38;
	[tilespmem:$0x1A040] =	vst v63  }
0x58: {  	s0 =	smov.u32 s30;
	s30 =	sadd.s32 $0x400, s30;
	_ =	swait.ge [sflag:s20], $0x4000  }
0x59: {  	s31 =	sshra.s32 s29, $0x2;
	s29 =	smov.u32 s0;
	[sflag:s20] =	ssyncset.done $0x0  }
0x5a: {  	s0 =	sadd.s32 $0x2780, s31;
	[sflag:s20] =	ssyncadd.s32 $0xFFFFC000  }
0x5b: {  	[spmem:s2] =	stream.indirect.scatter.add.f32 [tilespmem:s18], [sflag:$0x3], $0x80, s0, s21, $0xb8;
	[tilespmem:$0x1A040] =	vst v63  }
0x5c: {  	_ =	swait.ge [sflag:s16], $0x4000  }
0x5d: {  	[sflag:s16] =	ssyncset.done $0x0  }
0x5e: {  	[sflag:s16] =	ssyncadd.s32 $0xFFFFC000  }
0x5f: {  	[tilespmem:s18], [sflag:$0x1] =	stream.linear.gather [hbm4b:s28+s3], $0x4000, $0x38;
	[tilespmem:$0x1A040] =	vst v63  }
0x60: {  	_ =	swait.ge [sflag:s22], $0x4000  }
.Ltmp2:
0x61: {  	[sflag:s22] =	ssyncset.done $0x0;
	(pc) =	sbr.rel @p1 .LBB2_6-.Ltmp2, $4  }
0x62: {  	s0 =	sadd.s32 $0x2800, s31;
	[sflag:s22] =	ssyncadd.s32 $0xFFFFC000  }
0x63: {  	[spmem:s2] =	stream.indirect.scatter.add.f32 [tilespmem:s19], [sflag:$0x3], $0x80, s0, s21, $0xb8;
	[tilespmem:$0x1A040] =	vst v63  }
0x64: {  	_ =	swait.ge [sflag:s16], $0x4000  }
0x65: {  	s28 =	sadd.s32 $0x1000, s28;
	[sflag:s16] =	ssyncset.done $0x0  }
0x66: {  	s0 =	sadd.s32 $0xFFFFF800, s28;
	[sflag:s16] =	ssyncadd.s32 $0xFFFFC000  }
0x67: {  	[tilespmem:s19], [sflag:$0x2] =	stream.linear.gather [hbm4b:s0+s3], $0x4000, $0x38;
	[tilespmem:$0x1A040] =	vst v63  }
0x68: {  	_ =	swait.ge [sflag:s20], $0x4000  }
0x69: {  	s31 =	sshra.s32 s29, $0x2;
	[sflag:s20] =	ssyncset.done $0x0  }
0x6a: {  	s29 =	sadd.s32 $0x2780, s31;
	[sflag:s20] =	ssyncadd.s32 $0xFFFFC000  }
0x6b: {  	[spmem:s2] =	stream.indirect.scatter.add.f32 [tilespmem:s18], [sflag:$0x3], $0x80, s29, s21, $0xb8;
	[tilespmem:$0x1A040] =	vst v63  }
0x6c: {  	_ =	swait.ge [sflag:s16], $0x4000  }
0x6d: {  	[sflag:s16] =	ssyncset.done $0x0  }
0x6e: {  	[sflag:s16] =	ssyncadd.s32 $0xFFFFC000  }
0x6f: {  	[tilespmem:s18], [sflag:$0x1] =	stream.linear.gather [hbm4b:s28+s3], $0x4000, $0x38;
	[tilespmem:$0x1A040] =	vst v63  }
0x70: {  	_ =	swait.ge [sflag:s22], $0x4000  }
0x71: {  	[sflag:s22] =	ssyncset.done $0x0  }
0x72: {  	s0 =	sadd.s32 $0x2800, s31;
	[sflag:s22] =	ssyncadd.s32 $0xFFFFC000  }
0x73: {  	[spmem:s2] =	stream.indirect.scatter.add.f32 [tilespmem:s19], [sflag:$0x3], $0x80, s0, s21, $0xb8;
	[tilespmem:$0x1A040] =	vst v63  }
0x74: {  	_ =	swait.ge [sflag:s16], $0x4000  }
0x75: {  	[sflag:s16] =	ssyncset.done $0x0  }
0x76: {  	[sflag:s16] =	ssyncadd.s32 $0xFFFFC000  }
0x77: {  	[tilespmem:s19], [sflag:$0x2] =	stream.linear.gather [hbm4b:s14+s3], $0x4000, $0x38;
	[tilespmem:$0x1A040] =	vst v63  }
0x78: {  	_ =	swait.ge [sflag:s20], $0x4000  }
0x79: {  	[sflag:s20] =	ssyncset.done $0x0  }
0x7a: {  	[sflag:s20] =	ssyncadd.s32 $0xFFFFC000  }
0x7b: {  	[spmem:s2] =	stream.indirect.scatter.add.f32 [tilespmem:s18], [sflag:$0x3], $0x80, s23, s21, $0xb8;
	[tilespmem:$0x1A040] =	vst v63  }
0x7c: {  	_ =	swait.ge [sflag:s16], $0x4000  }
0x7d: {  	[sflag:s16] =	ssyncset.done $0x0  }
0x7e: {  	[sflag:s16] =	ssyncadd.s32 $0xFFFFC000  }
0x7f: {  	_ =	swait.ge [sflag:s22], $0x4000  }
0x80: {  	[sflag:s22] =	ssyncset.done $0x0  }
0x81: {  	[sflag:s22] =	ssyncadd.s32 $0xFFFFC000  }
0x82: {  	[spmem:s2] =	stream.indirect.scatter.add.f32 [tilespmem:s19], [sflag:$0x3], $0x80, s24, s21, $0xb8;
	[tilespmem:$0x1A040] =	vst v63  }
0x83: {  	_ =	swait.ge [sflag:s16], $0x4000  }
0x84: {  	[sflag:s16] =	ssyncset.done $0x0  }
0x85: {  	[sflag:s16] =	ssyncadd.s32 $0xFFFFC000  }
0x86: {  	[tilespmem:s18], [sflag:$0x3] =	stream.linear.gather [hbm4b:s10+s3], $0x800, $0x38;
	[tilespmem:$0x1A040] =	vst v63  }
0x87: {  	_ =	swait.ge [sflag:s16], $0x800  }
0x88: {  	[sflag:s16] =	ssyncset.done $0x0  }
0x89: {  	[sflag:s16] =	ssyncadd.s32 $0xFFFFF800  }
0x8a: {  	[spmem:s2] =	stream.indirect.scatter.add.f32 [tilespmem:s18], [sflag:$0x3], $0x80, s25, s21, $0xb8;
	[tilespmem:$0x1A040] =	vst v63  }
0x8b: {  	_ =	swait.ge [sflag:s16], $0x4000  }
0x8c: {  	[sflag:s16] =	ssyncset.done $0x0  }
0x8d: {  	s30 =	sshll.u32 s1, $0x6;
	[sflag:s16] =	ssyncadd.s32 $0xFFFFC000  }
0x8e: {  	s31 =	sshrl.u32 s4, $0x3;
	s0 =	sor.u32 $0x1C03, s30;
	[bflag:$0x0] =	sbarrier.arrive $0xFFFF  }
0x8f: {  	[hbm:s11], [sflag:s0] =	dma.local [spmem:s31], $0x1380  }
0x90: {  	_ =	swait.ge [sflag:s16], $0x1380  }
0x91: {  	s26 =	sadd.s32 $0x1, s26;
	[sflag:s16] =	ssyncset.done $0x0  }
0x92: {  	p1 =	sne.s32 s26, s13;
	s28 =	sshrl.u32 @!p0 s8, $0x3;
	[sflag:s16] =	ssyncadd.s32 $0xFFFFEC80  }
0x93: {  	[hbm:s12], [sflag:s0] =	dma.local @!p0 [spmem:s28], $0x80  }
.Ltmp3:
0x94: {  	_ = 	snop;
	(pc) =	sbr.rel @p1 .LBB2_1-.Ltmp3, $4  }
0x95: {  	s0 =	simm.s32 @!p0 $0x3  }
0x96: {  	_ =	swait.ge @!p0 [sflag:s0], $0x80  }
0x97: {  	[sflag:s0] =	ssyncset.done @!p0 $0x0  }
0x98: {  	[sflag:s0] =	ssyncadd.s32 @!p0 $0xFFFFFF80  }
0x99: {  	_ =	sfence.sel $0x180000  }
0x9a: {  	[bflag:$0x0] =	sbarrier.arrive $0xFFFF  }
0x9b: {  	_ =	strace $0x90000050  }
0x9c: {  	[bflag:$0x2] =	sbarrier.arrive $0xFFFF  }
0x9d: {  	p0 =	sne.s32 s1, $0x0;
	s0 =	rddreg [dreg:$0x3]  }
0x9e: {  	s0 =	sadd.s32 @!p0 $0x100000, s0  }
0x9f: {  	[sflag:s0] =	ssyncadd.tile.s32 @!p0 $0x1;
	_ =	shalt  }
.Lfunc_end2:
_tile_overlayer_lowered:
.L_overlay_start_2:
0xa0: {  	(tag) =	ssettag $0x2  }
0xa1: {  	s0 =	rddreg [dreg:$0x0];
	s2 =	stileid.u32  }
0xa2: {  	s1 =	rddreg [dreg:$0x1];
	p0 =	sne.s32 s2, $0x0  }
0xa3: {  	s3 =	rddreg [dreg:$0x2];
	[bflag:$0x3] =	sbarrier.arrive $0xFFFF;
	s2 =	simm.s32 @!p0 $0x1C03  }
0xa4: {  	[timem:s3], [sflag:s2] =	dma.local @!p0 [hbm:s0], s1  }
0xa5: {  	s0 =	simm.s32 @!p0 $0x3  }
0xa6: {  	_ =	swait.ge @!p0 [sflag:s0], s1  }
0xa7: {  	s1 =	ssub.s32 @!p0 $0x0, s1;
	[sflag:s0] =	ssyncset.done @!p0 $0x0  }
0xa8: {  	[sflag:s0] =	ssyncadd.s32 @!p0 s1  }
0xa9: {  	[bflag:$0x3] =	sbarrier.arrive $0xFFFF  }
0xaa: {  	_ =	shalt  }

</sc_bundles>
